<compile_context>
chip_gen: v7x
topology: tpu7x:2x2x1
jax: 0.10.2.dev20260603
libtpu: 0.0.44.dev20260713+nightly
codegen_flags: <defaults>
</compile_context>

<pallas_src>
import functools

import jax
import jax.numpy as jnp
from jax import lax
from jax.experimental import pallas as pl
from jax.experimental.pallas import tpu as pltpu
from jax.experimental.pallas import tpu_sc as plsc

VOCAB = 1000000
SEQ_LEN = 200
D_MODEL = 64
BATCH = 4096
NGB = 2
NOB = 2
DUNROLL = 4


def _sc_call(idxT, table, pos_enc):
    info = plsc.get_sparse_core_info()
    nc, ns = info.num_cores, info.num_subcores
    nw = nc * ns
    bcol = BATCH // nw
    ncc = bcol // 16

    mesh = plsc.VectorSubcoreMesh(core_axis_name="c", subcore_axis_name="s")

    scratch = (
        [pltpu.VMEM((SEQ_LEN, bcol), jnp.int32)]
        + [pltpu.VMEM((bcol,), jnp.int32) for _ in range(NGB)]
        + [pltpu.VMEM((bcol, D_MODEL), jnp.float32) for _ in range(NGB)]
        + [pltpu.VMEM((D_MODEL, bcol), jnp.float32) for _ in range(NOB)]
        + [pltpu.VMEM((SEQ_LEN, D_MODEL), jnp.float32)]
        + [pltpu.SemaphoreType.DMA for _ in range(NGB + NOB)]
    )

    @functools.partial(
        pl.kernel,
        out_type=jax.ShapeDtypeStruct((SEQ_LEN, D_MODEL, BATCH), jnp.float32),
        mesh=mesh,
        scratch_types=scratch,
        compiler_params=pltpu.CompilerParams(
            use_tc_tiling_on_sc=False, needs_layout_passes=False),
    )
    def k(idxT_hbm, table_hbm, pos_hbm, out_hbm, idx_v, *rest):
        grp = rest[:NGB]
        gath = rest[NGB:2 * NGB]
        outt = rest[2 * NGB:2 * NGB + NOB]
        pos_v = rest[2 * NGB + NOB]
        gsem = rest[2 * NGB + NOB + 1:2 * NGB + NOB + 1 + NGB]
        osem = rest[2 * NGB + NOB + 1 + NGB:]

        wid = lax.axis_index("s") * nc + lax.axis_index("c")
        b0 = pl.multiple_of(wid * bcol, bcol)

        pltpu.sync_copy(idxT_hbm.at[:, pl.ds(b0, bcol)], idx_v)
        pltpu.sync_copy(pos_hbm, pos_v)

        def issue_gather(s, p):
            for cc in range(ncc):
                grp[p][pl.ds(cc * 16, 16)] = idx_v[s, pl.ds(cc * 16, 16)]
            pltpu.async_copy(table_hbm.at[grp[p]], gath[p], gsem[p])

        def wait_gather(p):
            pltpu.make_async_copy(table_hbm.at[grp[p]], gath[p],
                                  gsem[p]).wait()

        def issue_out(s, q):
            pltpu.async_copy(outt[q], out_hbm.at[s, :, pl.ds(b0, bcol)],
                             osem[q])

        def wait_out(s, q):
            pltpu.make_async_copy(outt[q],
                                  out_hbm.at[s, :, pl.ds(b0, bcol)],
                                  osem[q]).wait()

        def compute(s, p, q):
            kvecs = [lax.iota(jnp.int32, 16) + cc * 16 for cc in range(ncc)]
            sbc = lax.broadcast(s, (16,))

            def dbody(t, carry):
                kvecs_c = carry
                d0 = t * DUNROLL
                pvs = [
                    plsc.load_gather(
                        pos_v, [sbc, lax.broadcast(d0 + u, (16,))])
                    for u in range(DUNROLL)
                ]
                for cc in range(ncc):
                    for u in range(DUNROLL):
                        vals = plsc.load_gather(
                            gath[p],
                            [kvecs_c[cc], lax.broadcast(d0 + u, (16,))])
                        outt[q][d0 + u, pl.ds(cc * 16, 16)] = vals + pvs[u]
                return carry
            lax.fori_loop(0, D_MODEL // DUNROLL, dbody, tuple(kvecs))

        def step(s, p, q, wait_o, issue_g):
            wait_gather(p)
            if wait_o:
                wait_out(s - NOB, q)
            compute(s, p, q)
            if issue_g:
                issue_gather(s + NGB, p)
            issue_out(s, q)

        for p in range(NGB):
            issue_gather(p, p)
        for s in range(NGB):
            step(s, s % NGB, s % NOB, wait_o=(s >= NOB), issue_g=True)

        def sbody(blk, carry):
            s0 = blk * NGB
            for j in range(NGB):
                step(s0 + j, j, j % NOB, wait_o=True, issue_g=True)
            return carry
        lax.fori_loop(1, SEQ_LEN // NGB - 1, sbody, 0)

        for j in range(NGB):
            s = SEQ_LEN - NGB + j
            step(s, s % NGB, s % NOB, wait_o=True, issue_g=False)
        for s in range(SEQ_LEN - NOB, SEQ_LEN):
            wait_out(s, s % NOB)

    return k(idxT, table, pos_enc)


def kernel(indices, table, pos_enc):
    idxT = indices.T.astype(jnp.int32)
    out = _sc_call(idxT, table, pos_enc)
    return out.transpose(2, 0, 1)

# --- scband reference (transcript-rebuilt; emitter-appended) ---
"""Pipeline reference for scband-transformer-1657857377037 (READ-ONLY COPY).

The authoritative reference and input builder live on the scoring server;
editing this copy changes nothing except your own understanding.
"""

import jax, jax.numpy as jnp
import numpy as np

VOCAB = 1000000
SEQ_LEN = 200
D_MODEL = 64
BATCH = 4096

def _positional_encoding(seq_len, d_model):
    k = np.arange(seq_len, dtype=np.float32)[:, None]
    j = np.arange(d_model, dtype=np.float32)[None, :]
    angle = k / np.power(10000.0, 2.0 * j / d_model)
    pe = np.where((np.arange(d_model)[None, :] % 2) == 0, np.sin(angle), np.cos(angle))
    return jnp.asarray(pe, dtype=jnp.float32)

def setup_inputs(seed: int = 0) -> dict:
    key = jax.random.key(seed)
    k1, k2 = jax.random.split(key)
    indices = jax.random.randint(k1, (BATCH, SEQ_LEN), 0, VOCAB, dtype=jnp.int64 if jax.config.read('jax_enable_x64') else jnp.int32)
    table = jax.random.normal(k2, (VOCAB, D_MODEL), dtype=jnp.float32) * 0.02
    pos_enc = _positional_encoding(SEQ_LEN, D_MODEL)
    return {"indices": indices, "table": table, "pos_enc": pos_enc}

def reference(indices, table, pos_enc):
    # Embedding lookup (gather) + additive positional encoding
    emb = jnp.take(table, indices, axis=0)            # [B, S, d_model]
    out = emb + pos_enc[None, :, :]                   # broadcast over batch
    return out

if __name__ == "__main__":
    import jax
    _d = setup_inputs()
    print(jax.jit(kernel)(*tuple(_d.values())))

</pallas_src>

<mosaic_0001>
#map = affine_map<(d0, d1) -> (0, 0)>
#map1 = affine_map<(d0, d1) -> (0, 0, 0)>
module attributes {stable_mosaic.version = 14 : i64} {
  func.func @k(%arg0: i32, %arg1: i32, %arg2: memref<200x4096xi32, #tpu.memory_space<hbm>>, %arg3: memref<1000000x64xf32, #tpu.memory_space<hbm>>, %arg4: memref<200x64xf32, #tpu.memory_space<hbm>>, %arg5: memref<200x64x4096xf32, #tpu.memory_space<hbm>>, %arg6: memref<200x128xi32, #tpu.memory_space<vmem>>, %arg7: memref<128xi32, #tpu.memory_space<vmem>>, %arg8: memref<128xi32, #tpu.memory_space<vmem>>, %arg9: memref<128x64xf32, #tpu.memory_space<vmem>>, %arg10: memref<128x64xf32, #tpu.memory_space<vmem>>, %arg11: memref<64x128xf32, #tpu.memory_space<vmem>>, %arg12: memref<64x128xf32, #tpu.memory_space<vmem>>, %arg13: memref<200x64xf32, #tpu.memory_space<vmem>>, %arg14: memref<!tpu.dma_semaphore, #tpu.memory_space<semaphore_mem>>, %arg15: memref<!tpu.dma_semaphore, #tpu.memory_space<semaphore_mem>>, %arg16: memref<!tpu.dma_semaphore, #tpu.memory_space<semaphore_mem>>, %arg17: memref<!tpu.dma_semaphore, #tpu.memory_space<semaphore_mem>>) attributes {dimension_semantics = [#tpu.dimension_semantics<core_parallel>, #tpu.dimension_semantics<subcore_parallel>], iteration_bounds = array<i64: 2, 16>, scalar_prefetch = 0 : i64, scratch_operands = 12 : i64, tpu.core_type = #tpu.core_type<sc_vector_subcore>, window_params = [{transform_indices = #map}, {transform_indices = #map}, {transform_indices = #map}, {transform_indices = #map1}]} {
    %mul3A = arith.constant 2 : i32
    %mul3A_0 = arith.muli %arg1, %mul3A : i32
    %add3A = arith.addi %mul3A_0, %arg0 : i32
    %mul3A_1 = arith.constant 128 : i32
    %mul3A_2 = arith.muli %add3A, %mul3A_1 : i32
    %multiple_of3A = tpu.assume_multiple %mul3A_2, 128 : i32
    "tpu.region"() ({
      %run_scoped3A = tpu.sem_alloc : memref<!tpu.dma_semaphore, #tpu.memory_space<semaphore_mem>>
      %dma_start3A_430 = arith.constant 0 : i32
      %dma_start3A_431 = tpu.memref_slice %arg2[%dma_start3A_430, %multiple_of3A] : memref<200x4096xi32, #tpu.memory_space<hbm>> -> memref<200x128xi32, #tpu.memory_space<hbm>>
      %dma_start3A_432 = arith.constant 0 : i32
      %dma_start3A_433 = tpu.memref_slice %arg2[%dma_start3A_432, %multiple_of3A] : memref<200x4096xi32, #tpu.memory_space<hbm>> -> memref<200x128xi32, #tpu.memory_space<hbm>>
      tpu.enqueue_dma source(%dma_start3A_433 : memref<200x128xi32, #tpu.memory_space<hbm>>) target(%arg6 : memref<200x128xi32, #tpu.memory_space<vmem>>) target_semaphore(%run_scoped3A : memref<!tpu.dma_semaphore, #tpu.memory_space<semaphore_mem>>)
      %dma_wait3A_434 = arith.constant 0 : i32
      %dma_wait3A_435 = tpu.memref_slice %arg2[%dma_wait3A_434, %multiple_of3A] : memref<200x4096xi32, #tpu.memory_space<hbm>> -> memref<200x128xi32, #tpu.memory_space<hbm>>
      %dma_wait3A_436 = arith.constant 0 : i32
      %dma_wait3A_437 = tpu.memref_slice %arg2[%dma_wait3A_436, %multiple_of3A] : memref<200x4096xi32, #tpu.memory_space<hbm>> -> memref<200x128xi32, #tpu.memory_space<hbm>>
      tpu.wait_dma2 semaphore(%run_scoped3A : memref<!tpu.dma_semaphore, #tpu.memory_space<semaphore_mem>>) src(%dma_wait3A_437 : memref<200x128xi32, #tpu.memory_space<hbm>>) dst(%arg6 : memref<200x128xi32, #tpu.memory_space<vmem>>)
      tpu.yield
    }) : () -> ()
    "tpu.region"() ({
      %run_scoped3A = tpu.sem_alloc : memref<!tpu.dma_semaphore, #tpu.memory_space<semaphore_mem>>
      tpu.enqueue_dma source(%arg4 : memref<200x64xf32, #tpu.memory_space<hbm>>) target(%arg13 : memref<200x64xf32, #tpu.memory_space<vmem>>) target_semaphore(%run_scoped3A : memref<!tpu.dma_semaphore, #tpu.memory_space<semaphore_mem>>)
      tpu.wait_dma2 semaphore(%run_scoped3A : memref<!tpu.dma_semaphore, #tpu.memory_space<semaphore_mem>>) src(%arg4 : memref<200x64xf32, #tpu.memory_space<hbm>>) dst(%arg13 : memref<200x64xf32, #tpu.memory_space<vmem>>)
      tpu.yield
    }) : () -> ()
    %get3A = arith.constant 0 : i32
    %get3A_3 = arith.index_cast %get3A : i32 to index
    %get3A_4 = arith.constant 0 : index
    %get3A_5 = tpu.vector_load %arg6[%get3A_3, %get3A_4] {strides = array<i32>} : memref<200x128xi32, #tpu.memory_space<vmem>>, vector<16xi32>,
    %swap3A = arith.constant 0 : index
    %swap3A_6 = tpu.vector_load %arg7[%swap3A] {strides = array<i32>} : memref<128xi32, #tpu.memory_space<vmem>>, vector<16xi32>,
    tpu.vector_store %arg7[%swap3A], %get3A_5 {strides = array<i32>} : memref<128xi32, #tpu.memory_space<vmem>>, vector<16xi32>,
    %get3A_7 = arith.constant 0 : i32
    %get3A_8 = arith.index_cast %get3A_7 : i32 to index
    %get3A_9 = arith.constant 16 : index
    %get3A_10 = tpu.vector_load %arg6[%get3A_8, %get3A_9] {strides = array<i32>} : memref<200x128xi32, #tpu.memory_space<vmem>>, vector<16xi32>,
    %swap3A_11 = arith.constant 16 : index
    %swap3A_12 = tpu.vector_load %arg7[%swap3A_11] {strides = array<i32>} : memref<128xi32, #tpu.memory_space<vmem>>, vector<16xi32>,
    tpu.vector_store %arg7[%swap3A_11], %get3A_10 {strides = array<i32>} : memref<128xi32, #tpu.memory_space<vmem>>, vector<16xi32>,
    %get3A_13 = arith.constant 0 : i32
    %get3A_14 = arith.index_cast %get3A_13 : i32 to index
    %get3A_15 = arith.constant 32 : index
    %get3A_16 = tpu.vector_load %arg6[%get3A_14, %get3A_15] {strides = array<i32>} : memref<200x128xi32, #tpu.memory_space<vmem>>, vector<16xi32>,
    %swap3A_17 = arith.constant 32 : index
    %swap3A_18 = tpu.vector_load %arg7[%swap3A_17] {strides = array<i32>} : memref<128xi32, #tpu.memory_space<vmem>>, vector<16xi32>,
    tpu.vector_store %arg7[%swap3A_17], %get3A_16 {strides = array<i32>} : memref<128xi32, #tpu.memory_space<vmem>>, vector<16xi32>,
    %get3A_19 = arith.constant 0 : i32
    %get3A_20 = arith.index_cast %get3A_19 : i32 to index
    %get3A_21 = arith.constant 48 : index
    %get3A_22 = tpu.vector_load %arg6[%get3A_20, %get3A_21] {strides = array<i32>} : memref<200x128xi32, #tpu.memory_space<vmem>>, vector<16xi32>,
    %swap3A_23 = arith.constant 48 : index
    %swap3A_24 = tpu.vector_load %arg7[%swap3A_23] {strides = array<i32>} : memref<128xi32, #tpu.memory_space<vmem>>, vector<16xi32>,
    tpu.vector_store %arg7[%swap3A_23], %get3A_22 {strides = array<i32>} : memref<128xi32, #tpu.memory_space<vmem>>, vector<16xi32>,
    %get3A_25 = arith.constant 0 : i32
    %get3A_26 = arith.index_cast %get3A_25 : i32 to index
    %get3A_27 = arith.constant 64 : index
    %get3A_28 = tpu.vector_load %arg6[%get3A_26, %get3A_27] {strides = array<i32>} : memref<200x128xi32, #tpu.memory_space<vmem>>, vector<16xi32>,
    %swap3A_29 = arith.constant 64 : index
    %swap3A_30 = tpu.vector_load %arg7[%swap3A_29] {strides = array<i32>} : memref<128xi32, #tpu.memory_space<vmem>>, vector<16xi32>,
    tpu.vector_store %arg7[%swap3A_29], %get3A_28 {strides = array<i32>} : memref<128xi32, #tpu.memory_space<vmem>>, vector<16xi32>,
    %get3A_31 = arith.constant 0 : i32
    %get3A_32 = arith.index_cast %get3A_31 : i32 to index
    %get3A_33 = arith.constant 80 : index
    %get3A_34 = tpu.vector_load %arg6[%get3A_32, %get3A_33] {strides = array<i32>} : memref<200x128xi32, #tpu.memory_space<vmem>>, vector<16xi32>,
    %swap3A_35 = arith.constant 80 : index
    %swap3A_36 = tpu.vector_load %arg7[%swap3A_35] {strides = array<i32>} : memref<128xi32, #tpu.memory_space<vmem>>, vector<16xi32>,
    tpu.vector_store %arg7[%swap3A_35], %get3A_34 {strides = array<i32>} : memref<128xi32, #tpu.memory_space<vmem>>, vector<16xi32>,
    %get3A_37 = arith.constant 0 : i32
    %get3A_38 = arith.index_cast %get3A_37 : i32 to index
    %get3A_39 = arith.constant 96 : index
    %get3A_40 = tpu.vector_load %arg6[%get3A_38, %get3A_39] {strides = array<i32>} : memref<200x128xi32, #tpu.memory_space<vmem>>, vector<16xi32>,
    %swap3A_41 = arith.constant 96 : index
    %swap3A_42 = tpu.vector_load %arg7[%swap3A_41] {strides = array<i32>} : memref<128xi32, #tpu.memory_space<vmem>>, vector<16xi32>,
    tpu.vector_store %arg7[%swap3A_41], %get3A_40 {strides = array<i32>} : memref<128xi32, #tpu.memory_space<vmem>>, vector<16xi32>,
    %get3A_43 = arith.constant 0 : i32
    %get3A_44 = arith.index_cast %get3A_43 : i32 to index
    %get3A_45 = arith.constant 112 : index
    %get3A_46 = tpu.vector_load %arg6[%get3A_44, %get3A_45] {strides = array<i32>} : memref<200x128xi32, #tpu.memory_space<vmem>>, vector<16xi32>,
    %swap3A_47 = arith.constant 112 : index
    %swap3A_48 = tpu.vector_load %arg7[%swap3A_47] {strides = array<i32>} : memref<128xi32, #tpu.memory_space<vmem>>, vector<16xi32>,
    tpu.vector_store %arg7[%swap3A_47], %get3A_46 {strides = array<i32>} : memref<128xi32, #tpu.memory_space<vmem>>, vector<16xi32>,
    %dma_start3A = arith.constant 0 : i32
    %dma_start3A_49 = arith.constant 0 : i32
    %dma_start3A_50 = tpu.memref_slice %arg3[%dma_start3A, %dma_start3A_49] : memref<1000000x64xf32, #tpu.memory_space<hbm>> -> memref<1000000x64xf32, #tpu.memory_space<hbm>>
    tpu.enqueue_indirect_dma source(%dma_start3A_50 : memref<1000000x64xf32, #tpu.memory_space<hbm>>) target(%arg9 : memref<128x64xf32, #tpu.memory_space<vmem>>) offsets(%arg7 : memref<128xi32, #tpu.memory_space<vmem>>) semaphore(%arg14 : memref<!tpu.dma_semaphore, #tpu.memory_space<semaphore_mem>>)
    %get3A_51 = arith.constant 1 : i32
    %get3A_52 = arith.index_cast %get3A_51 : i32 to index
    %get3A_53 = arith.constant 0 : index
    %get3A_54 = tpu.vector_load %arg6[%get3A_52, %get3A_53] {strides = array<i32>} : memref<200x128xi32, #tpu.memory_space<vmem>>, vector<16xi32>,
    %swap3A_55 = arith.constant 0 : index
    %swap3A_56 = tpu.vector_load %arg8[%swap3A_55] {strides = array<i32>} : memref<128xi32, #tpu.memory_space<vmem>>, vector<16xi32>,
    tpu.vector_store %arg8[%swap3A_55], %get3A_54 {strides = array<i32>} : memref<128xi32, #tpu.memory_space<vmem>>, vector<16xi32>,
    %get3A_57 = arith.constant 1 : i32
    %get3A_58 = arith.index_cast %get3A_57 : i32 to index
    %get3A_59 = arith.constant 16 : index
    %get3A_60 = tpu.vector_load %arg6[%get3A_58, %get3A_59] {strides = array<i32>} : memref<200x128xi32, #tpu.memory_space<vmem>>, vector<16xi32>,
    %swap3A_61 = arith.constant 16 : index
    %swap3A_62 = tpu.vector_load %arg8[%swap3A_61] {strides = array<i32>} : memref<128xi32, #tpu.memory_space<vmem>>, vector<16xi32>,
    tpu.vector_store %arg8[%swap3A_61], %get3A_60 {strides = array<i32>} : memref<128xi32, #tpu.memory_space<vmem>>, vector<16xi32>,
    %get3A_63 = arith.constant 1 : i32
    %get3A_64 = arith.index_cast %get3A_63 : i32 to index
    %get3A_65 = arith.constant 32 : index
    %get3A_66 = tpu.vector_load %arg6[%get3A_64, %get3A_65] {strides = array<i32>} : memref<200x128xi32, #tpu.memory_space<vmem>>, vector<16xi32>,
    %swap3A_67 = arith.constant 32 : index
    %swap3A_68 = tpu.vector_load %arg8[%swap3A_67] {strides = array<i32>} : memref<128xi32, #tpu.memory_space<vmem>>, vector<16xi32>,
    tpu.vector_store %arg8[%swap3A_67], %get3A_66 {strides = array<i32>} : memref<128xi32, #tpu.memory_space<vmem>>, vector<16xi32>,
    %get3A_69 = arith.constant 1 : i32
    %get3A_70 = arith.index_cast %get3A_69 : i32 to index
    %get3A_71 = arith.constant 48 : index
    %get3A_72 = tpu.vector_load %arg6[%get3A_70, %get3A_71] {strides = array<i32>} : memref<200x128xi32, #tpu.memory_space<vmem>>, vector<16xi32>,
    %swap3A_73 = arith.constant 48 : index
    %swap3A_74 = tpu.vector_load %arg8[%swap3A_73] {strides = array<i32>} : memref<128xi32, #tpu.memory_space<vmem>>, vector<16xi32>,
    tpu.vector_store %arg8[%swap3A_73], %get3A_72 {strides = array<i32>} : memref<128xi32, #tpu.memory_space<vmem>>, vector<16xi32>,
    %get3A_75 = arith.constant 1 : i32
    %get3A_76 = arith.index_cast %get3A_75 : i32 to index
    %get3A_77 = arith.constant 64 : index
    %get3A_78 = tpu.vector_load %arg6[%get3A_76, %get3A_77] {strides = array<i32>} : memref<200x128xi32, #tpu.memory_space<vmem>>, vector<16xi32>,
    %swap3A_79 = arith.constant 64 : index
    %swap3A_80 = tpu.vector_load %arg8[%swap3A_79] {strides = array<i32>} : memref<128xi32, #tpu.memory_space<vmem>>, vector<16xi32>,
    tpu.vector_store %arg8[%swap3A_79], %get3A_78 {strides = array<i32>} : memref<128xi32, #tpu.memory_space<vmem>>, vector<16xi32>,
    %get3A_81 = arith.constant 1 : i32
    %get3A_82 = arith.index_cast %get3A_81 : i32 to index
    %get3A_83 = arith.constant 80 : index
    %get3A_84 = tpu.vector_load %arg6[%get3A_82, %get3A_83] {strides = array<i32>} : memref<200x128xi32, #tpu.memory_space<vmem>>, vector<16xi32>,
    %swap3A_85 = arith.constant 80 : index
    %swap3A_86 = tpu.vector_load %arg8[%swap3A_85] {strides = array<i32>} : memref<128xi32, #tpu.memory_space<vmem>>, vector<16xi32>,
    tpu.vector_store %arg8[%swap3A_85], %get3A_84 {strides = array<i32>} : memref<128xi32, #tpu.memory_space<vmem>>, vector<16xi32>,
    %get3A_87 = arith.constant 1 : i32
    %get3A_88 = arith.index_cast %get3A_87 : i32 to index
    %get3A_89 = arith.constant 96 : index
    %get3A_90 = tpu.vector_load %arg6[%get3A_88, %get3A_89] {strides = array<i32>} : memref<200x128xi32, #tpu.memory_space<vmem>>, vector<16xi32>,
    %swap3A_91 = arith.constant 96 : index
    %swap3A_92 = tpu.vector_load %arg8[%swap3A_91] {strides = array<i32>} : memref<128xi32, #tpu.memory_space<vmem>>, vector<16xi32>,
    tpu.vector_store %arg8[%swap3A_91], %get3A_90 {strides = array<i32>} : memref<128xi32, #tpu.memory_space<vmem>>, vector<16xi32>,
    %get3A_93 = arith.constant 1 : i32
    %get3A_94 = arith.index_cast %get3A_93 : i32 to index
    %get3A_95 = arith.constant 112 : index
    %get3A_96 = tpu.vector_load %arg6[%get3A_94, %get3A_95] {strides = array<i32>} : memref<200x128xi32, #tpu.memory_space<vmem>>, vector<16xi32>,
    %swap3A_97 = arith.constant 112 : index
    %swap3A_98 = tpu.vector_load %arg8[%swap3A_97] {strides = array<i32>} : memref<128xi32, #tpu.memory_space<vmem>>, vector<16xi32>,
    tpu.vector_store %arg8[%swap3A_97], %get3A_96 {strides = array<i32>} : memref<128xi32, #tpu.memory_space<vmem>>, vector<16xi32>,
    %dma_start3A_99 = arith.constant 0 : i32
    %dma_start3A_100 = arith.constant 0 : i32
    %dma_start3A_101 = tpu.memref_slice %arg3[%dma_start3A_99, %dma_start3A_100] : memref<1000000x64xf32, #tpu.memory_space<hbm>> -> memref<1000000x64xf32, #tpu.memory_space<hbm>>
    tpu.enqueue_indirect_dma source(%dma_start3A_101 : memref<1000000x64xf32, #tpu.memory_space<hbm>>) target(%arg10 : memref<128x64xf32, #tpu.memory_space<vmem>>) offsets(%arg8 : memref<128xi32, #tpu.memory_space<vmem>>) semaphore(%arg15 : memref<!tpu.dma_semaphore, #tpu.memory_space<semaphore_mem>>)
    %dma_wait3A = arith.constant 0 : i32
    %dma_wait3A_102 = arith.constant 0 : i32
    %dma_wait3A_103 = tpu.memref_slice %arg3[%dma_wait3A, %dma_wait3A_102] : memref<1000000x64xf32, #tpu.memory_space<hbm>> -> memref<1000000x64xf32, #tpu.memory_space<hbm>>
    tpu.wait_indirect_dma semaphore(%arg14 : memref<!tpu.dma_semaphore, #tpu.memory_space<semaphore_mem>>) src(%dma_wait3A_103 : memref<1000000x64xf32, #tpu.memory_space<hbm>>) dst(%arg9 : memref<128x64xf32, #tpu.memory_space<vmem>>)
    %iota3A = tpu.iota {dimensions = array<i32: 0>} : vector<16xi32>
    %add3A_104 = arith.constant 0 : i32
    %add3A_105 = vector.broadcast %add3A_104 : i32 to vector<16xi32>
    %add3A_106 = arith.addi %iota3A, %add3A_105 : vector<16xi32>
    %iota3A_107 = tpu.iota {dimensions = array<i32: 0>} : vector<16xi32>
    %add3A_108 = arith.constant 16 : i32
    %add3A_109 = vector.broadcast %add3A_108 : i32 to vector<16xi32>
    %add3A_110 = arith.addi %iota3A_107, %add3A_109 : vector<16xi32>
    %iota3A_111 = tpu.iota {dimensions = array<i32: 0>} : vector<16xi32>
    %add3A_112 = arith.constant 32 : i32
    %add3A_113 = vector.broadcast %add3A_112 : i32 to vector<16xi32>
    %add3A_114 = arith.addi %iota3A_111, %add3A_113 : vector<16xi32>
    %iota3A_115 = tpu.iota {dimensions = array<i32: 0>} : vector<16xi32>
    %add3A_116 = arith.constant 48 : i32
    %add3A_117 = vector.broadcast %add3A_116 : i32 to vector<16xi32>
    %add3A_118 = arith.addi %iota3A_115, %add3A_117 : vector<16xi32>
    %iota3A_119 = tpu.iota {dimensions = array<i32: 0>} : vector<16xi32>
    %add3A_120 = arith.constant 64 : i32
    %add3A_121 = vector.broadcast %add3A_120 : i32 to vector<16xi32>
    %add3A_122 = arith.addi %iota3A_119, %add3A_121 : vector<16xi32>
    %iota3A_123 = tpu.iota {dimensions = array<i32: 0>} : vector<16xi32>
    %add3A_124 = arith.constant 80 : i32
    %add3A_125 = vector.broadcast %add3A_124 : i32 to vector<16xi32>
    %add3A_126 = arith.addi %iota3A_123, %add3A_125 : vector<16xi32>
    %iota3A_127 = tpu.iota {dimensions = array<i32: 0>} : vector<16xi32>
    %add3A_128 = arith.constant 96 : i32
    %add3A_129 = vector.broadcast %add3A_128 : i32 to vector<16xi32>
    %add3A_130 = arith.addi %iota3A_127, %add3A_129 : vector<16xi32>
    %iota3A_131 = tpu.iota {dimensions = array<i32: 0>} : vector<16xi32>
    %add3A_132 = arith.constant 112 : i32
    %add3A_133 = vector.broadcast %add3A_132 : i32 to vector<16xi32>
    %add3A_134 = arith.addi %iota3A_131, %add3A_133 : vector<16xi32>
    %broadcast_in_dim3A = arith.constant 0 : i32
    %broadcast_in_dim3A_135 = vector.broadcast %broadcast_in_dim3A : i32 to vector<16xi32>
    %scan3A = arith.constant 0 : i32
    %scan3A_136 = arith.constant 16 : i32
    %scan3A_137 = arith.addi %scan3A, %scan3A_136 : i32
    %scan3A_138 = arith.constant 1 : i32
    scf.for %scan3A_430 = %scan3A to %scan3A_137 step %scan3A_138  : i32 {
      %mul3A_431 = arith.constant 4 : i32
      %mul3A_432 = arith.muli %scan3A_430, %mul3A_431 : i32
      %add3A_433 = arith.constant 0 : i32
      %add3A_434 = arith.addi %mul3A_432, %add3A_433 : i32
      %broadcast_in_dim3A_435 = vector.broadcast %add3A_434 : i32 to vector<16xi32>
      %gather3A = tpu.vector_load_idx %arg13[%broadcast_in_dim3A_135, %broadcast_in_dim3A_435] : memref<200x64xf32, #tpu.memory_space<vmem>>[vector<16xi32>, vector<16xi32>], vector<16xf32>,
      %add3A_436 = arith.constant 1 : i32
      %add3A_437 = arith.addi %mul3A_432, %add3A_436 : i32
      %broadcast_in_dim3A_438 = vector.broadcast %add3A_437 : i32 to vector<16xi32>
      %gather3A_439 = tpu.vector_load_idx %arg13[%broadcast_in_dim3A_135, %broadcast_in_dim3A_438] : memref<200x64xf32, #tpu.memory_space<vmem>>[vector<16xi32>, vector<16xi32>], vector<16xf32>,
      %add3A_440 = arith.constant 2 : i32
      %add3A_441 = arith.addi %mul3A_432, %add3A_440 : i32
      %broadcast_in_dim3A_442 = vector.broadcast %add3A_441 : i32 to vector<16xi32>
      %gather3A_443 = tpu.vector_load_idx %arg13[%broadcast_in_dim3A_135, %broadcast_in_dim3A_442] : memref<200x64xf32, #tpu.memory_space<vmem>>[vector<16xi32>, vector<16xi32>], vector<16xf32>,
      %add3A_444 = arith.constant 3 : i32
      %add3A_445 = arith.addi %mul3A_432, %add3A_444 : i32
      %broadcast_in_dim3A_446 = vector.broadcast %add3A_445 : i32 to vector<16xi32>
      %gather3A_447 = tpu.vector_load_idx %arg13[%broadcast_in_dim3A_135, %broadcast_in_dim3A_446] : memref<200x64xf32, #tpu.memory_space<vmem>>[vector<16xi32>, vector<16xi32>], vector<16xf32>,
      %add3A_448 = arith.constant 0 : i32
      %add3A_449 = arith.addi %mul3A_432, %add3A_448 : i32
      %broadcast_in_dim3A_450 = vector.broadcast %add3A_449 : i32 to vector<16xi32>
      %gather3A_451 = tpu.vector_load_idx %arg9[%add3A_106, %broadcast_in_dim3A_450] : memref<128x64xf32, #tpu.memory_space<vmem>>[vector<16xi32>, vector<16xi32>], vector<16xf32>,
      %add3A_452 = arith.addf %gather3A_451, %gather3A : vector<16xf32>
      %add3A_453 = arith.constant 0 : i32
      %add3A_454 = arith.addi %mul3A_432, %add3A_453 : i32
      %swap3A_455 = arith.index_cast %add3A_454 : i32 to index
      %swap3A_456 = arith.constant 0 : index
      %swap3A_457 = tpu.vector_load %arg11[%swap3A_455, %swap3A_456] {strides = array<i32>} : memref<64x128xf32, #tpu.memory_space<vmem>>, vector<16xf32>,
      tpu.vector_store %arg11[%swap3A_455, %swap3A_456], %add3A_452 {strides = array<i32>} : memref<64x128xf32, #tpu.memory_space<vmem>>, vector<16xf32>,
      %add3A_458 = arith.constant 1 : i32
      %add3A_459 = arith.addi %mul3A_432, %add3A_458 : i32
      %broadcast_in_dim3A_460 = vector.broadcast %add3A_459 : i32 to vector<16xi32>
      %gather3A_461 = tpu.vector_load_idx %arg9[%add3A_106, %broadcast_in_dim3A_460] : memref<128x64xf32, #tpu.memory_space<vmem>>[vector<16xi32>, vector<16xi32>], vector<16xf32>,
      %add3A_462 = arith.addf %gather3A_461, %gather3A_439 : vector<16xf32>
      %add3A_463 = arith.constant 1 : i32
      %add3A_464 = arith.addi %mul3A_432, %add3A_463 : i32
      %swap3A_465 = arith.index_cast %add3A_464 : i32 to index
      %swap3A_466 = arith.constant 0 : index
      %swap3A_467 = tpu.vector_load %arg11[%swap3A_465, %swap3A_466] {strides = array<i32>} : memref<64x128xf32, #tpu.memory_space<vmem>>, vector<16xf32>,
      tpu.vector_store %arg11[%swap3A_465, %swap3A_466], %add3A_462 {strides = array<i32>} : memref<64x128xf32, #tpu.memory_space<vmem>>, vector<16xf32>,
      %add3A_468 = arith.constant 2 : i32
      %add3A_469 = arith.addi %mul3A_432, %add3A_468 : i32
      %broadcast_in_dim3A_470 = vector.broadcast %add3A_469 : i32 to vector<16xi32>
      %gather3A_471 = tpu.vector_load_idx %arg9[%add3A_106, %broadcast_in_dim3A_470] : memref<128x64xf32, #tpu.memory_space<vmem>>[vector<16xi32>, vector<16xi32>], vector<16xf32>,
      %add3A_472 = arith.addf %gather3A_471, %gather3A_443 : vector<16xf32>
      %add3A_473 = arith.constant 2 : i32
      %add3A_474 = arith.addi %mul3A_432, %add3A_473 : i32
      %swap3A_475 = arith.index_cast %add3A_474 : i32 to index
      %swap3A_476 = arith.constant 0 : index
      %swap3A_477 = tpu.vector_load %arg11[%swap3A_475, %swap3A_476] {strides = array<i32>} : memref<64x128xf32, #tpu.memory_space<vmem>>, vector<16xf32>,
      tpu.vector_store %arg11[%swap3A_475, %swap3A_476], %add3A_472 {strides = array<i32>} : memref<64x128xf32, #tpu.memory_space<vmem>>, vector<16xf32>,
      %add3A_478 = arith.constant 3 : i32
      %add3A_479 = arith.addi %mul3A_432, %add3A_478 : i32
      %broadcast_in_dim3A_480 = vector.broadcast %add3A_479 : i32 to vector<16xi32>
      %gather3A_481 = tpu.vector_load_idx %arg9[%add3A_106, %broadcast_in_dim3A_480] : memref<128x64xf32, #tpu.memory_space<vmem>>[vector<16xi32>, vector<16xi32>], vector<16xf32>,
      %add3A_482 = arith.addf %gather3A_481, %gather3A_447 : vector<16xf32>
      %add3A_483 = arith.constant 3 : i32
      %add3A_484 = arith.addi %mul3A_432, %add3A_483 : i32
      %swap3A_485 = arith.index_cast %add3A_484 : i32 to index
      %swap3A_486 = arith.constant 0 : index
      %swap3A_487 = tpu.vector_load %arg11[%swap3A_485, %swap3A_486] {strides = array<i32>} : memref<64x128xf32, #tpu.memory_space<vmem>>, vector<16xf32>,
      tpu.vector_store %arg11[%swap3A_485, %swap3A_486], %add3A_482 {strides = array<i32>} : memref<64x128xf32, #tpu.memory_space<vmem>>, vector<16xf32>,
      %add3A_488 = arith.constant 0 : i32
      %add3A_489 = arith.addi %mul3A_432, %add3A_488 : i32
      %broadcast_in_dim3A_490 = vector.broadcast %add3A_489 : i32 to vector<16xi32>
      %gather3A_491 = tpu.vector_load_idx %arg9[%add3A_110, %broadcast_in_dim3A_490] : memref<128x64xf32, #tpu.memory_space<vmem>>[vector<16xi32>, vector<16xi32>], vector<16xf32>,
      %add3A_492 = arith.addf %gather3A_491, %gather3A : vector<16xf32>
      %add3A_493 = arith.constant 0 : i32
      %add3A_494 = arith.addi %mul3A_432, %add3A_493 : i32
      %swap3A_495 = arith.index_cast %add3A_494 : i32 to index
      %swap3A_496 = arith.constant 16 : index
      %swap3A_497 = tpu.vector_load %arg11[%swap3A_495, %swap3A_496] {strides = array<i32>} : memref<64x128xf32, #tpu.memory_space<vmem>>, vector<16xf32>,
      tpu.vector_store %arg11[%swap3A_495, %swap3A_496], %add3A_492 {strides = array<i32>} : memref<64x128xf32, #tpu.memory_space<vmem>>, vector<16xf32>,
      %add3A_498 = arith.constant 1 : i32
      %add3A_499 = arith.addi %mul3A_432, %add3A_498 : i32
      %broadcast_in_dim3A_500 = vector.broadcast %add3A_499 : i32 to vector<16xi32>
      %gather3A_501 = tpu.vector_load_idx %arg9[%add3A_110, %broadcast_in_dim3A_500] : memref<128x64xf32, #tpu.memory_space<vmem>>[vector<16xi32>, vector<16xi32>], vector<16xf32>,
      %add3A_502 = arith.addf %gather3A_501, %gather3A_439 : vector<16xf32>
      %add3A_503 = arith.constant 1 : i32
      %add3A_504 = arith.addi %mul3A_432, %add3A_503 : i32
      %swap3A_505 = arith.index_cast %add3A_504 : i32 to index
      %swap3A_506 = arith.constant 16 : index
      %swap3A_507 = tpu.vector_load %arg11[%swap3A_505, %swap3A_506] {strides = array<i32>} : memref<64x128xf32, #tpu.memory_space<vmem>>, vector<16xf32>,
      tpu.vector_store %arg11[%swap3A_505, %swap3A_506], %add3A_502 {strides = array<i32>} : memref<64x128xf32, #tpu.memory_space<vmem>>, vector<16xf32>,
      %add3A_508 = arith.constant 2 : i32
      %add3A_509 = arith.addi %mul3A_432, %add3A_508 : i32
      %broadcast_in_dim3A_510 = vector.broadcast %add3A_509 : i32 to vector<16xi32>
      %gather3A_511 = tpu.vector_load_idx %arg9[%add3A_110, %broadcast_in_dim3A_510] : memref<128x64xf32, #tpu.memory_space<vmem>>[vector<16xi32>, vector<16xi32>], vector<16xf32>,
      %add3A_512 = arith.addf %gather3A_511, %gather3A_443 : vector<16xf32>
      %add3A_513 = arith.constant 2 : i32
      %add3A_514 = arith.addi %mul3A_432, %add3A_513 : i32
      %swap3A_515 = arith.index_cast %add3A_514 : i32 to index
      %swap3A_516 = arith.constant 16 : index
      %swap3A_517 = tpu.vector_load %arg11[%swap3A_515, %swap3A_516] {strides = array<i32>} : memref<64x128xf32, #tpu.memory_space<vmem>>, vector<16xf32>,
      tpu.vector_store %arg11[%swap3A_515, %swap3A_516], %add3A_512 {strides = array<i32>} : memref<64x128xf32, #tpu.memory_space<vmem>>, vector<16xf32>,
      %add3A_518 = arith.constant 3 : i32
      %add3A_519 = arith.addi %mul3A_432, %add3A_518 : i32
      %broadcast_in_dim3A_520 = vector.broadcast %add3A_519 : i32 to vector<16xi32>
      %gather3A_521 = tpu.vector_load_idx %arg9[%add3A_110, %broadcast_in_dim3A_520] : memref<128x64xf32, #tpu.memory_space<vmem>>[vector<16xi32>, vector<16xi32>], vector<16xf32>,
      %add3A_522 = arith.addf %gather3A_521, %gather3A_447 : vector<16xf32>
      %add3A_523 = arith.constant 3 : i32
      %add3A_524 = arith.addi %mul3A_432, %add3A_523 : i32
      %swap3A_525 = arith.index_cast %add3A_524 : i32 to index
      %swap3A_526 = arith.constant 16 : index
      %swap3A_527 = tpu.vector_load %arg11[%swap3A_525, %swap3A_526] {strides = array<i32>} : memref<64x128xf32, #tpu.memory_space<vmem>>, vector<16xf32>,
      tpu.vector_store %arg11[%swap3A_525, %swap3A_526], %add3A_522 {strides = array<i32>} : memref<64x128xf32, #tpu.memory_space<vmem>>, vector<16xf32>,
      %add3A_528 = arith.constant 0 : i32
      %add3A_529 = arith.addi %mul3A_432, %add3A_528 : i32
      %broadcast_in_dim3A_530 = vector.broadcast %add3A_529 : i32 to vector<16xi32>
      %gather3A_531 = tpu.vector_load_idx %arg9[%add3A_114, %broadcast_in_dim3A_530] : memref<128x64xf32, #tpu.memory_space<vmem>>[vector<16xi32>, vector<16xi32>], vector<16xf32>,
      %add3A_532 = arith.addf %gather3A_531, %gather3A : vector<16xf32>
      %add3A_533 = arith.constant 0 : i32
      %add3A_534 = arith.addi %mul3A_432, %add3A_533 : i32
      %swap3A_535 = arith.index_cast %add3A_534 : i32 to index
      %swap3A_536 = arith.constant 32 : index
      %swap3A_537 = tpu.vector_load %arg11[%swap3A_535, %swap3A_536] {strides = array<i32>} : memref<64x128xf32, #tpu.memory_space<vmem>>, vector<16xf32>,
      tpu.vector_store %arg11[%swap3A_535, %swap3A_536], %add3A_532 {strides = array<i32>} : memref<64x128xf32, #tpu.memory_space<vmem>>, vector<16xf32>,
      %add3A_538 = arith.constant 1 : i32
      %add3A_539 = arith.addi %mul3A_432, %add3A_538 : i32
      %broadcast_in_dim3A_540 = vector.broadcast %add3A_539 : i32 to vector<16xi32>
      %gather3A_541 = tpu.vector_load_idx %arg9[%add3A_114, %broadcast_in_dim3A_540] : memref<128x64xf32, #tpu.memory_space<vmem>>[vector<16xi32>, vector<16xi32>], vector<16xf32>,
      %add3A_542 = arith.addf %gather3A_541, %gather3A_439 : vector<16xf32>
      %add3A_543 = arith.constant 1 : i32
      %add3A_544 = arith.addi %mul3A_432, %add3A_543 : i32
      %swap3A_545 = arith.index_cast %add3A_544 : i32 to index
      %swap3A_546 = arith.constant 32 : index
      %swap3A_547 = tpu.vector_load %arg11[%swap3A_545, %swap3A_546] {strides = array<i32>} : memref<64x128xf32, #tpu.memory_space<vmem>>, vector<16xf32>,
      tpu.vector_store %arg11[%swap3A_545, %swap3A_546], %add3A_542 {strides = array<i32>} : memref<64x128xf32, #tpu.memory_space<vmem>>, vector<16xf32>,
      %add3A_548 = arith.constant 2 : i32
      %add3A_549 = arith.addi %mul3A_432, %add3A_548 : i32
      %broadcast_in_dim3A_550 = vector.broadcast %add3A_549 : i32 to vector<16xi32>
      %gather3A_551 = tpu.vector_load_idx %arg9[%add3A_114, %broadcast_in_dim3A_550] : memref<128x64xf32, #tpu.memory_space<vmem>>[vector<16xi32>, vector<16xi32>], vector<16xf32>,
      %add3A_552 = arith.addf %gather3A_551, %gather3A_443 : vector<16xf32>
      %add3A_553 = arith.constant 2 : i32
      %add3A_554 = arith.addi %mul3A_432, %add3A_553 : i32
      %swap3A_555 = arith.index_cast %add3A_554 : i32 to index
      %swap3A_556 = arith.constant 32 : index
      %swap3A_557 = tpu.vector_load %arg11[%swap3A_555, %swap3A_556] {strides = array<i32>} : memref<64x128xf32, #tpu.memory_space<vmem>>, vector<16xf32>,
      tpu.vector_store %arg11[%swap3A_555, %swap3A_556], %add3A_552 {strides = array<i32>} : memref<64x128xf32, #tpu.memory_space<vmem>>, vector<16xf32>,
      %add3A_558 = arith.constant 3 : i32
      %add3A_559 = arith.addi %mul3A_432, %add3A_558 : i32
      %broadcast_in_dim3A_560 = vector.broadcast %add3A_559 : i32 to vector<16xi32>
      %gather3A_561 = tpu.vector_load_idx %arg9[%add3A_114, %broadcast_in_dim3A_560] : memref<128x64xf32, #tpu.memory_space<vmem>>[vector<16xi32>, vector<16xi32>], vector<16xf32>,
      %add3A_562 = arith.addf %gather3A_561, %gather3A_447 : vector<16xf32>
      %add3A_563 = arith.constant 3 : i32
      %add3A_564 = arith.addi %mul3A_432, %add3A_563 : i32
      %swap3A_565 = arith.index_cast %add3A_564 : i32 to index
      %swap3A_566 = arith.constant 32 : index
      %swap3A_567 = tpu.vector_load %arg11[%swap3A_565, %swap3A_566] {strides = array<i32>} : memref<64x128xf32, #tpu.memory_space<vmem>>, vector<16xf32>,
      tpu.vector_store %arg11[%swap3A_565, %swap3A_566], %add3A_562 {strides = array<i32>} : memref<64x128xf32, #tpu.memory_space<vmem>>, vector<16xf32>,
      %add3A_568 = arith.constant 0 : i32
      %add3A_569 = arith.addi %mul3A_432, %add3A_568 : i32
      %broadcast_in_dim3A_570 = vector.broadcast %add3A_569 : i32 to vector<16xi32>
      %gather3A_571 = tpu.vector_load_idx %arg9[%add3A_118, %broadcast_in_dim3A_570] : memref<128x64xf32, #tpu.memory_space<vmem>>[vector<16xi32>, vector<16xi32>], vector<16xf32>,
      %add3A_572 = arith.addf %gather3A_571, %gather3A : vector<16xf32>
      %add3A_573 = arith.constant 0 : i32
      %add3A_574 = arith.addi %mul3A_432, %add3A_573 : i32
      %swap3A_575 = arith.index_cast %add3A_574 : i32 to index
      %swap3A_576 = arith.constant 48 : index
      %swap3A_577 = tpu.vector_load %arg11[%swap3A_575, %swap3A_576] {strides = array<i32>} : memref<64x128xf32, #tpu.memory_space<vmem>>, vector<16xf32>,
      tpu.vector_store %arg11[%swap3A_575, %swap3A_576], %add3A_572 {strides = array<i32>} : memref<64x128xf32, #tpu.memory_space<vmem>>, vector<16xf32>,
      %add3A_578 = arith.constant 1 : i32
      %add3A_579 = arith.addi %mul3A_432, %add3A_578 : i32
      %broadcast_in_dim3A_580 = vector.broadcast %add3A_579 : i32 to vector<16xi32>
      %gather3A_581 = tpu.vector_load_idx %arg9[%add3A_118, %broadcast_in_dim3A_580] : memref<128x64xf32, #tpu.memory_space<vmem>>[vector<16xi32>, vector<16xi32>], vector<16xf32>,
      %add3A_582 = arith.addf %gather3A_581, %gather3A_439 : vector<16xf32>
      %add3A_583 = arith.constant 1 : i32
      %add3A_584 = arith.addi %mul3A_432, %add3A_583 : i32
      %swap3A_585 = arith.index_cast %add3A_584 : i32 to index
      %swap3A_586 = arith.constant 48 : index
      %swap3A_587 = tpu.vector_load %arg11[%swap3A_585, %swap3A_586] {strides = array<i32>} : memref<64x128xf32, #tpu.memory_space<vmem>>, vector<16xf32>,
      tpu.vector_store %arg11[%swap3A_585, %swap3A_586], %add3A_582 {strides = array<i32>} : memref<64x128xf32, #tpu.memory_space<vmem>>, vector<16xf32>,
      %add3A_588 = arith.constant 2 : i32
      %add3A_589 = arith.addi %mul3A_432, %add3A_588 : i32
      %broadcast_in_dim3A_590 = vector.broadcast %add3A_589 : i32 to vector<16xi32>
      %gather3A_591 = tpu.vector_load_idx %arg9[%add3A_118, %broadcast_in_dim3A_590] : memref<128x64xf32, #tpu.memory_space<vmem>>[vector<16xi32>, vector<16xi32>], vector<16xf32>,
      %add3A_592 = arith.addf %gather3A_591, %gather3A_443 : vector<16xf32>
      %add3A_593 = arith.constant 2 : i32
      %add3A_594 = arith.addi %mul3A_432, %add3A_593 : i32
      %swap3A_595 = arith.index_cast %add3A_594 : i32 to index
      %swap3A_596 = arith.constant 48 : index
      %swap3A_597 = tpu.vector_load %arg11[%swap3A_595, %swap3A_596] {strides = array<i32>} : memref<64x128xf32, #tpu.memory_space<vmem>>, vector<16xf32>,
      tpu.vector_store %arg11[%swap3A_595, %swap3A_596], %add3A_592 {strides = array<i32>} : memref<64x128xf32, #tpu.memory_space<vmem>>, vector<16xf32>,
      %add3A_598 = arith.constant 3 : i32
      %add3A_599 = arith.addi %mul3A_432, %add3A_598 : i32
      %broadcast_in_dim3A_600 = vector.broadcast %add3A_599 : i32 to vector<16xi32>
      %gather3A_601 = tpu.vector_load_idx %arg9[%add3A_118, %broadcast_in_dim3A_600] : memref<128x64xf32, #tpu.memory_space<vmem>>[vector<16xi32>, vector<16xi32>], vector<16xf32>,
      %add3A_602 = arith.addf %gather3A_601, %gather3A_447 : vector<16xf32>
      %add3A_603 = arith.constant 3 : i32
      %add3A_604 = arith.addi %mul3A_432, %add3A_603 : i32
      %swap3A_605 = arith.index_cast %add3A_604 : i32 to index
      %swap3A_606 = arith.constant 48 : index
      %swap3A_607 = tpu.vector_load %arg11[%swap3A_605, %swap3A_606] {strides = array<i32>} : memref<64x128xf32, #tpu.memory_space<vmem>>, vector<16xf32>,
      tpu.vector_store %arg11[%swap3A_605, %swap3A_606], %add3A_602 {strides = array<i32>} : memref<64x128xf32, #tpu.memory_space<vmem>>, vector<16xf32>,
      %add3A_608 = arith.constant 0 : i32
      %add3A_609 = arith.addi %mul3A_432, %add3A_608 : i32
      %broadcast_in_dim3A_610 = vector.broadcast %add3A_609 : i32 to vector<16xi32>
      %gather3A_611 = tpu.vector_load_idx %arg9[%add3A_122, %broadcast_in_dim3A_610] : memref<128x64xf32, #tpu.memory_space<vmem>>[vector<16xi32>, vector<16xi32>], vector<16xf32>,
      %add3A_612 = arith.addf %gather3A_611, %gather3A : vector<16xf32>
      %add3A_613 = arith.constant 0 : i32
      %add3A_614 = arith.addi %mul3A_432, %add3A_613 : i32
      %swap3A_615 = arith.index_cast %add3A_614 : i32 to index
      %swap3A_616 = arith.constant 64 : index
      %swap3A_617 = tpu.vector_load %arg11[%swap3A_615, %swap3A_616] {strides = array<i32>} : memref<64x128xf32, #tpu.memory_space<vmem>>, vector<16xf32>,
      tpu.vector_store %arg11[%swap3A_615, %swap3A_616], %add3A_612 {strides = array<i32>} : memref<64x128xf32, #tpu.memory_space<vmem>>, vector<16xf32>,
      %add3A_618 = arith.constant 1 : i32
      %add3A_619 = arith.addi %mul3A_432, %add3A_618 : i32
      %broadcast_in_dim3A_620 = vector.broadcast %add3A_619 : i32 to vector<16xi32>
      %gather3A_621 = tpu.vector_load_idx %arg9[%add3A_122, %broadcast_in_dim3A_620] : memref<128x64xf32, #tpu.memory_space<vmem>>[vector<16xi32>, vector<16xi32>], vector<16xf32>,
      %add3A_622 = arith.addf %gather3A_621, %gather3A_439 : vector<16xf32>
      %add3A_623 = arith.constant 1 : i32
      %add3A_624 = arith.addi %mul3A_432, %add3A_623 : i32
      %swap3A_625 = arith.index_cast %add3A_624 : i32 to index
      %swap3A_626 = arith.constant 64 : index
      %swap3A_627 = tpu.vector_load %arg11[%swap3A_625, %swap3A_626] {strides = array<i32>} : memref<64x128xf32, #tpu.memory_space<vmem>>, vector<16xf32>,
      tpu.vector_store %arg11[%swap3A_625, %swap3A_626], %add3A_622 {strides = array<i32>} : memref<64x128xf32, #tpu.memory_space<vmem>>, vector<16xf32>,
      %add3A_628 = arith.constant 2 : i32
      %add3A_629 = arith.addi %mul3A_432, %add3A_628 : i32
      %broadcast_in_dim3A_630 = vector.broadcast %add3A_629 : i32 to vector<16xi32>
      %gather3A_631 = tpu.vector_load_idx %arg9[%add3A_122, %broadcast_in_dim3A_630] : memref<128x64xf32, #tpu.memory_space<vmem>>[vector<16xi32>, vector<16xi32>], vector<16xf32>,
      %add3A_632 = arith.addf %gather3A_631, %gather3A_443 : vector<16xf32>
      %add3A_633 = arith.constant 2 : i32
      %add3A_634 = arith.addi %mul3A_432, %add3A_633 : i32
      %swap3A_635 = arith.index_cast %add3A_634 : i32 to index
      %swap3A_636 = arith.constant 64 : index
      %swap3A_637 = tpu.vector_load %arg11[%swap3A_635, %swap3A_636] {strides = array<i32>} : memref<64x128xf32, #tpu.memory_space<vmem>>, vector<16xf32>,
      tpu.vector_store %arg11[%swap3A_635, %swap3A_636], %add3A_632 {strides = array<i32>} : memref<64x128xf32, #tpu.memory_space<vmem>>, vector<16xf32>,
      %add3A_638 = arith.constant 3 : i32
      %add3A_639 = arith.addi %mul3A_432, %add3A_638 : i32
      %broadcast_in_dim3A_640 = vector.broadcast %add3A_639 : i32 to vector<16xi32>
      %gather3A_641 = tpu.vector_load_idx %arg9[%add3A_122, %broadcast_in_dim3A_640] : memref<128x64xf32, #tpu.memory_space<vmem>>[vector<16xi32>, vector<16xi32>], vector<16xf32>,
      %add3A_642 = arith.addf %gather3A_641, %gather3A_447 : vector<16xf32>
      %add3A_643 = arith.constant 3 : i32
      %add3A_644 = arith.addi %mul3A_432, %add3A_643 : i32
      %swap3A_645 = arith.index_cast %add3A_644 : i32 to index
      %swap3A_646 = arith.constant 64 : index
      %swap3A_647 = tpu.vector_load %arg11[%swap3A_645, %swap3A_646] {strides = array<i32>} : memref<64x128xf32, #tpu.memory_space<vmem>>, vector<16xf32>,
      tpu.vector_store %arg11[%swap3A_645, %swap3A_646], %add3A_642 {strides = array<i32>} : memref<64x128xf32, #tpu.memory_space<vmem>>, vector<16xf32>,
      %add3A_648 = arith.constant 0 : i32
      %add3A_649 = arith.addi %mul3A_432, %add3A_648 : i32
      %broadcast_in_dim3A_650 = vector.broadcast %add3A_649 : i32 to vector<16xi32>
      %gather3A_651 = tpu.vector_load_idx %arg9[%add3A_126, %broadcast_in_dim3A_650] : memref<128x64xf32, #tpu.memory_space<vmem>>[vector<16xi32>, vector<16xi32>], vector<16xf32>,
      %add3A_652 = arith.addf %gather3A_651, %gather3A : vector<16xf32>
      %add3A_653 = arith.constant 0 : i32
      %add3A_654 = arith.addi %mul3A_432, %add3A_653 : i32
      %swap3A_655 = arith.index_cast %add3A_654 : i32 to index
      %swap3A_656 = arith.constant 80 : index
      %swap3A_657 = tpu.vector_load %arg11[%swap3A_655, %swap3A_656] {strides = array<i32>} : memref<64x128xf32, #tpu.memory_space<vmem>>, vector<16xf32>,
      tpu.vector_store %arg11[%swap3A_655, %swap3A_656], %add3A_652 {strides = array<i32>} : memref<64x128xf32, #tpu.memory_space<vmem>>, vector<16xf32>,
      %add3A_658 = arith.constant 1 : i32
      %add3A_659 = arith.addi %mul3A_432, %add3A_658 : i32
      %broadcast_in_dim3A_660 = vector.broadcast %add3A_659 : i32 to vector<16xi32>
      %gather3A_661 = tpu.vector_load_idx %arg9[%add3A_126, %broadcast_in_dim3A_660] : memref<128x64xf32, #tpu.memory_space<vmem>>[vector<16xi32>, vector<16xi32>], vector<16xf32>,
      %add3A_662 = arith.addf %gather3A_661, %gather3A_439 : vector<16xf32>
      %add3A_663 = arith.constant 1 : i32
      %add3A_664 = arith.addi %mul3A_432, %add3A_663 : i32
      %swap3A_665 = arith.index_cast %add3A_664 : i32 to index
      %swap3A_666 = arith.constant 80 : index
      %swap3A_667 = tpu.vector_load %arg11[%swap3A_665, %swap3A_666] {strides = array<i32>} : memref<64x128xf32, #tpu.memory_space<vmem>>, vector<16xf32>,
      tpu.vector_store %arg11[%swap3A_665, %swap3A_666], %add3A_662 {strides = array<i32>} : memref<64x128xf32, #tpu.memory_space<vmem>>, vector<16xf32>,
      %add3A_668 = arith.constant 2 : i32
      %add3A_669 = arith.addi %mul3A_432, %add3A_668 : i32
      %broadcast_in_dim3A_670 = vector.broadcast %add3A_669 : i32 to vector<16xi32>
      %gather3A_671 = tpu.vector_load_idx %arg9[%add3A_126, %broadcast_in_dim3A_670] : memref<128x64xf32, #tpu.memory_space<vmem>>[vector<16xi32>, vector<16xi32>], vector<16xf32>,
      %add3A_672 = arith.addf %gather3A_671, %gather3A_443 : vector<16xf32>
      %add3A_673 = arith.constant 2 : i32
      %add3A_674 = arith.addi %mul3A_432, %add3A_673 : i32
      %swap3A_675 = arith.index_cast %add3A_674 : i32 to index
      %swap3A_676 = arith.constant 80 : index
      %swap3A_677 = tpu.vector_load %arg11[%swap3A_675, %swap3A_676] {strides = array<i32>} : memref<64x128xf32, #tpu.memory_space<vmem>>, vector<16xf32>,
      tpu.vector_store %arg11[%swap3A_675, %swap3A_676], %add3A_672 {strides = array<i32>} : memref<64x128xf32, #tpu.memory_space<vmem>>, vector<16xf32>,
      %add3A_678 = arith.constant 3 : i32
      %add3A_679 = arith.addi %mul3A_432, %add3A_678 : i32
      %broadcast_in_dim3A_680 = vector.broadcast %add3A_679 : i32 to vector<16xi32>
      %gather3A_681 = tpu.vector_load_idx %arg9[%add3A_126, %broadcast_in_dim3A_680] : memref<128x64xf32, #tpu.memory_space<vmem>>[vector<16xi32>, vector<16xi32>], vector<16xf32>,
      %add3A_682 = arith.addf %gather3A_681, %gather3A_447 : vector<16xf32>
      %add3A_683 = arith.constant 3 : i32
      %add3A_684 = arith.addi %mul3A_432, %add3A_683 : i32
      %swap3A_685 = arith.index_cast %add3A_684 : i32 to index
      %swap3A_686 = arith.constant 80 : index
      %swap3A_687 = tpu.vector_load %arg11[%swap3A_685, %swap3A_686] {strides = array<i32>} : memref<64x128xf32, #tpu.memory_space<vmem>>, vector<16xf32>,
      tpu.vector_store %arg11[%swap3A_685, %swap3A_686], %add3A_682 {strides = array<i32>} : memref<64x128xf32, #tpu.memory_space<vmem>>, vector<16xf32>,
      %add3A_688 = arith.constant 0 : i32
      %add3A_689 = arith.addi %mul3A_432, %add3A_688 : i32
      %broadcast_in_dim3A_690 = vector.broadcast %add3A_689 : i32 to vector<16xi32>
      %gather3A_691 = tpu.vector_load_idx %arg9[%add3A_130, %broadcast_in_dim3A_690] : memref<128x64xf32, #tpu.memory_space<vmem>>[vector<16xi32>, vector<16xi32>], vector<16xf32>,
      %add3A_692 = arith.addf %gather3A_691, %gather3A : vector<16xf32>
      %add3A_693 = arith.constant 0 : i32
      %add3A_694 = arith.addi %mul3A_432, %add3A_693 : i32
      %swap3A_695 = arith.index_cast %add3A_694 : i32 to index
      %swap3A_696 = arith.constant 96 : index
      %swap3A_697 = tpu.vector_load %arg11[%swap3A_695, %swap3A_696] {strides = array<i32>} : memref<64x128xf32, #tpu.memory_space<vmem>>, vector<16xf32>,
      tpu.vector_store %arg11[%swap3A_695, %swap3A_696], %add3A_692 {strides = array<i32>} : memref<64x128xf32, #tpu.memory_space<vmem>>, vector<16xf32>,
      %add3A_698 = arith.constant 1 : i32
      %add3A_699 = arith.addi %mul3A_432, %add3A_698 : i32
      %broadcast_in_dim3A_700 = vector.broadcast %add3A_699 : i32 to vector<16xi32>
      %gather3A_701 = tpu.vector_load_idx %arg9[%add3A_130, %broadcast_in_dim3A_700] : memref<128x64xf32, #tpu.memory_space<vmem>>[vector<16xi32>, vector<16xi32>], vector<16xf32>,
      %add3A_702 = arith.addf %gather3A_701, %gather3A_439 : vector<16xf32>
      %add3A_703 = arith.constant 1 : i32
      %add3A_704 = arith.addi %mul3A_432, %add3A_703 : i32
      %swap3A_705 = arith.index_cast %add3A_704 : i32 to index
      %swap3A_706 = arith.constant 96 : index
      %swap3A_707 = tpu.vector_load %arg11[%swap3A_705, %swap3A_706] {strides = array<i32>} : memref<64x128xf32, #tpu.memory_space<vmem>>, vector<16xf32>,
      tpu.vector_store %arg11[%swap3A_705, %swap3A_706], %add3A_702 {strides = array<i32>} : memref<64x128xf32, #tpu.memory_space<vmem>>, vector<16xf32>,
      %add3A_708 = arith.constant 2 : i32
      %add3A_709 = arith.addi %mul3A_432, %add3A_708 : i32
      %broadcast_in_dim3A_710 = vector.broadcast %add3A_709 : i32 to vector<16xi32>
      %gather3A_711 = tpu.vector_load_idx %arg9[%add3A_130, %broadcast_in_dim3A_710] : memref<128x64xf32, #tpu.memory_space<vmem>>[vector<16xi32>, vector<16xi32>], vector<16xf32>,
      %add3A_712 = arith.addf %gather3A_711, %gather3A_443 : vector<16xf32>
      %add3A_713 = arith.constant 2 : i32
      %add3A_714 = arith.addi %mul3A_432, %add3A_713 : i32
      %swap3A_715 = arith.index_cast %add3A_714 : i32 to index
      %swap3A_716 = arith.constant 96 : index
      %swap3A_717 = tpu.vector_load %arg11[%swap3A_715, %swap3A_716] {strides = array<i32>} : memref<64x128xf32, #tpu.memory_space<vmem>>, vector<16xf32>,
      tpu.vector_store %arg11[%swap3A_715, %swap3A_716], %add3A_712 {strides = array<i32>} : memref<64x128xf32, #tpu.memory_space<vmem>>, vector<16xf32>,
      %add3A_718 = arith.constant 3 : i32
      %add3A_719 = arith.addi %mul3A_432, %add3A_718 : i32
      %broadcast_in_dim3A_720 = vector.broadcast %add3A_719 : i32 to vector<16xi32>
      %gather3A_721 = tpu.vector_load_idx %arg9[%add3A_130, %broadcast_in_dim3A_720] : memref<128x64xf32, #tpu.memory_space<vmem>>[vector<16xi32>, vector<16xi32>], vector<16xf32>,
      %add3A_722 = arith.addf %gather3A_721, %gather3A_447 : vector<16xf32>
      %add3A_723 = arith.constant 3 : i32
      %add3A_724 = arith.addi %mul3A_432, %add3A_723 : i32
      %swap3A_725 = arith.index_cast %add3A_724 : i32 to index
      %swap3A_726 = arith.constant 96 : index
      %swap3A_727 = tpu.vector_load %arg11[%swap3A_725, %swap3A_726] {strides = array<i32>} : memref<64x128xf32, #tpu.memory_space<vmem>>, vector<16xf32>,
      tpu.vector_store %arg11[%swap3A_725, %swap3A_726], %add3A_722 {strides = array<i32>} : memref<64x128xf32, #tpu.memory_space<vmem>>, vector<16xf32>,
      %add3A_728 = arith.constant 0 : i32
      %add3A_729 = arith.addi %mul3A_432, %add3A_728 : i32
      %broadcast_in_dim3A_730 = vector.broadcast %add3A_729 : i32 to vector<16xi32>
      %gather3A_731 = tpu.vector_load_idx %arg9[%add3A_134, %broadcast_in_dim3A_730] : memref<128x64xf32, #tpu.memory_space<vmem>>[vector<16xi32>, vector<16xi32>], vector<16xf32>,
      %add3A_732 = arith.addf %gather3A_731, %gather3A : vector<16xf32>
      %add3A_733 = arith.constant 0 : i32
      %add3A_734 = arith.addi %mul3A_432, %add3A_733 : i32
      %swap3A_735 = arith.index_cast %add3A_734 : i32 to index
      %swap3A_736 = arith.constant 112 : index
      %swap3A_737 = tpu.vector_load %arg11[%swap3A_735, %swap3A_736] {strides = array<i32>} : memref<64x128xf32, #tpu.memory_space<vmem>>, vector<16xf32>,
      tpu.vector_store %arg11[%swap3A_735, %swap3A_736], %add3A_732 {strides = array<i32>} : memref<64x128xf32, #tpu.memory_space<vmem>>, vector<16xf32>,
      %add3A_738 = arith.constant 1 : i32
      %add3A_739 = arith.addi %mul3A_432, %add3A_738 : i32
      %broadcast_in_dim3A_740 = vector.broadcast %add3A_739 : i32 to vector<16xi32>
      %gather3A_741 = tpu.vector_load_idx %arg9[%add3A_134, %broadcast_in_dim3A_740] : memref<128x64xf32, #tpu.memory_space<vmem>>[vector<16xi32>, vector<16xi32>], vector<16xf32>,
      %add3A_742 = arith.addf %gather3A_741, %gather3A_439 : vector<16xf32>
      %add3A_743 = arith.constant 1 : i32
      %add3A_744 = arith.addi %mul3A_432, %add3A_743 : i32
      %swap3A_745 = arith.index_cast %add3A_744 : i32 to index
      %swap3A_746 = arith.constant 112 : index
      %swap3A_747 = tpu.vector_load %arg11[%swap3A_745, %swap3A_746] {strides = array<i32>} : memref<64x128xf32, #tpu.memory_space<vmem>>, vector<16xf32>,
      tpu.vector_store %arg11[%swap3A_745, %swap3A_746], %add3A_742 {strides = array<i32>} : memref<64x128xf32, #tpu.memory_space<vmem>>, vector<16xf32>,
      %add3A_748 = arith.constant 2 : i32
      %add3A_749 = arith.addi %mul3A_432, %add3A_748 : i32
      %broadcast_in_dim3A_750 = vector.broadcast %add3A_749 : i32 to vector<16xi32>
      %gather3A_751 = tpu.vector_load_idx %arg9[%add3A_134, %broadcast_in_dim3A_750] : memref<128x64xf32, #tpu.memory_space<vmem>>[vector<16xi32>, vector<16xi32>], vector<16xf32>,
      %add3A_752 = arith.addf %gather3A_751, %gather3A_443 : vector<16xf32>
      %add3A_753 = arith.constant 2 : i32
      %add3A_754 = arith.addi %mul3A_432, %add3A_753 : i32
      %swap3A_755 = arith.index_cast %add3A_754 : i32 to index
      %swap3A_756 = arith.constant 112 : index
      %swap3A_757 = tpu.vector_load %arg11[%swap3A_755, %swap3A_756] {strides = array<i32>} : memref<64x128xf32, #tpu.memory_space<vmem>>, vector<16xf32>,
      tpu.vector_store %arg11[%swap3A_755, %swap3A_756], %add3A_752 {strides = array<i32>} : memref<64x128xf32, #tpu.memory_space<vmem>>, vector<16xf32>,
      %add3A_758 = arith.constant 3 : i32
      %add3A_759 = arith.addi %mul3A_432, %add3A_758 : i32
      %broadcast_in_dim3A_760 = vector.broadcast %add3A_759 : i32 to vector<16xi32>
      %gather3A_761 = tpu.vector_load_idx %arg9[%add3A_134, %broadcast_in_dim3A_760] : memref<128x64xf32, #tpu.memory_space<vmem>>[vector<16xi32>, vector<16xi32>], vector<16xf32>,
      %add3A_762 = arith.addf %gather3A_761, %gather3A_447 : vector<16xf32>
      %add3A_763 = arith.constant 3 : i32
      %add3A_764 = arith.addi %mul3A_432, %add3A_763 : i32
      %swap3A_765 = arith.index_cast %add3A_764 : i32 to index
      %swap3A_766 = arith.constant 112 : index
      %swap3A_767 = tpu.vector_load %arg11[%swap3A_765, %swap3A_766] {strides = array<i32>} : memref<64x128xf32, #tpu.memory_space<vmem>>, vector<16xf32>,
      tpu.vector_store %arg11[%swap3A_765, %swap3A_766], %add3A_762 {strides = array<i32>} : memref<64x128xf32, #tpu.memory_space<vmem>>, vector<16xf32>,
    }
    %scan3A_139 = arith.constant 16 : i32
    %get3A_140 = arith.constant 2 : i32
    %get3A_141 = arith.index_cast %get3A_140 : i32 to index
    %get3A_142 = arith.constant 0 : index
    %get3A_143 = tpu.vector_load %arg6[%get3A_141, %get3A_142] {strides = array<i32>} : memref<200x128xi32, #tpu.memory_space<vmem>>, vector<16xi32>,
    %swap3A_144 = arith.constant 0 : index
    %swap3A_145 = tpu.vector_load %arg7[%swap3A_144] {strides = array<i32>} : memref<128xi32, #tpu.memory_space<vmem>>, vector<16xi32>,
    tpu.vector_store %arg7[%swap3A_144], %get3A_143 {strides = array<i32>} : memref<128xi32, #tpu.memory_space<vmem>>, vector<16xi32>,
    %get3A_146 = arith.constant 2 : i32
    %get3A_147 = arith.index_cast %get3A_146 : i32 to index
    %get3A_148 = arith.constant 16 : index
    %get3A_149 = tpu.vector_load %arg6[%get3A_147, %get3A_148] {strides = array<i32>} : memref<200x128xi32, #tpu.memory_space<vmem>>, vector<16xi32>,
    %swap3A_150 = arith.constant 16 : index
    %swap3A_151 = tpu.vector_load %arg7[%swap3A_150] {strides = array<i32>} : memref<128xi32, #tpu.memory_space<vmem>>, vector<16xi32>,
    tpu.vector_store %arg7[%swap3A_150], %get3A_149 {strides = array<i32>} : memref<128xi32, #tpu.memory_space<vmem>>, vector<16xi32>,
    %get3A_152 = arith.constant 2 : i32
    %get3A_153 = arith.index_cast %get3A_152 : i32 to index
    %get3A_154 = arith.constant 32 : index
    %get3A_155 = tpu.vector_load %arg6[%get3A_153, %get3A_154] {strides = array<i32>} : memref<200x128xi32, #tpu.memory_space<vmem>>, vector<16xi32>,
    %swap3A_156 = arith.constant 32 : index
    %swap3A_157 = tpu.vector_load %arg7[%swap3A_156] {strides = array<i32>} : memref<128xi32, #tpu.memory_space<vmem>>, vector<16xi32>,
    tpu.vector_store %arg7[%swap3A_156], %get3A_155 {strides = array<i32>} : memref<128xi32, #tpu.memory_space<vmem>>, vector<16xi32>,
    %get3A_158 = arith.constant 2 : i32
    %get3A_159 = arith.index_cast %get3A_158 : i32 to index
    %get3A_160 = arith.constant 48 : index
    %get3A_161 = tpu.vector_load %arg6[%get3A_159, %get3A_160] {strides = array<i32>} : memref<200x128xi32, #tpu.memory_space<vmem>>, vector<16xi32>,
    %swap3A_162 = arith.constant 48 : index
    %swap3A_163 = tpu.vector_load %arg7[%swap3A_162] {strides = array<i32>} : memref<128xi32, #tpu.memory_space<vmem>>, vector<16xi32>,
    tpu.vector_store %arg7[%swap3A_162], %get3A_161 {strides = array<i32>} : memref<128xi32, #tpu.memory_space<vmem>>, vector<16xi32>,
    %get3A_164 = arith.constant 2 : i32
    %get3A_165 = arith.index_cast %get3A_164 : i32 to index
    %get3A_166 = arith.constant 64 : index
    %get3A_167 = tpu.vector_load %arg6[%get3A_165, %get3A_166] {strides = array<i32>} : memref<200x128xi32, #tpu.memory_space<vmem>>, vector<16xi32>,
    %swap3A_168 = arith.constant 64 : index
    %swap3A_169 = tpu.vector_load %arg7[%swap3A_168] {strides = array<i32>} : memref<128xi32, #tpu.memory_space<vmem>>, vector<16xi32>,
    tpu.vector_store %arg7[%swap3A_168], %get3A_167 {strides = array<i32>} : memref<128xi32, #tpu.memory_space<vmem>>, vector<16xi32>,
    %get3A_170 = arith.constant 2 : i32
    %get3A_171 = arith.index_cast %get3A_170 : i32 to index
    %get3A_172 = arith.constant 80 : index
    %get3A_173 = tpu.vector_load %arg6[%get3A_171, %get3A_172] {strides = array<i32>} : memref<200x128xi32, #tpu.memory_space<vmem>>, vector<16xi32>,
    %swap3A_174 = arith.constant 80 : index
    %swap3A_175 = tpu.vector_load %arg7[%swap3A_174] {strides = array<i32>} : memref<128xi32, #tpu.memory_space<vmem>>, vector<16xi32>,
    tpu.vector_store %arg7[%swap3A_174], %get3A_173 {strides = array<i32>} : memref<128xi32, #tpu.memory_space<vmem>>, vector<16xi32>,
    %get3A_176 = arith.constant 2 : i32
    %get3A_177 = arith.index_cast %get3A_176 : i32 to index
    %get3A_178 = arith.constant 96 : index
    %get3A_179 = tpu.vector_load %arg6[%get3A_177, %get3A_178] {strides = array<i32>} : memref<200x128xi32, #tpu.memory_space<vmem>>, vector<16xi32>,
    %swap3A_180 = arith.constant 96 : index
    %swap3A_181 = tpu.vector_load %arg7[%swap3A_180] {strides = array<i32>} : memref<128xi32, #tpu.memory_space<vmem>>, vector<16xi32>,
    tpu.vector_store %arg7[%swap3A_180], %get3A_179 {strides = array<i32>} : memref<128xi32, #tpu.memory_space<vmem>>, vector<16xi32>,
    %get3A_182 = arith.constant 2 : i32
    %get3A_183 = arith.index_cast %get3A_182 : i32 to index
    %get3A_184 = arith.constant 112 : index
    %get3A_185 = tpu.vector_load %arg6[%get3A_183, %get3A_184] {strides = array<i32>} : memref<200x128xi32, #tpu.memory_space<vmem>>, vector<16xi32>,
    %swap3A_186 = arith.constant 112 : index
    %swap3A_187 = tpu.vector_load %arg7[%swap3A_186] {strides = array<i32>} : memref<128xi32, #tpu.memory_space<vmem>>, vector<16xi32>,
    tpu.vector_store %arg7[%swap3A_186], %get3A_185 {strides = array<i32>} : memref<128xi32, #tpu.memory_space<vmem>>, vector<16xi32>,
    %dma_start3A_188 = arith.constant 0 : i32
    %dma_start3A_189 = arith.constant 0 : i32
    %dma_start3A_190 = tpu.memref_slice %arg3[%dma_start3A_188, %dma_start3A_189] : memref<1000000x64xf32, #tpu.memory_space<hbm>> -> memref<1000000x64xf32, #tpu.memory_space<hbm>>
    tpu.enqueue_indirect_dma source(%dma_start3A_190 : memref<1000000x64xf32, #tpu.memory_space<hbm>>) target(%arg9 : memref<128x64xf32, #tpu.memory_space<vmem>>) offsets(%arg7 : memref<128xi32, #tpu.memory_space<vmem>>) semaphore(%arg14 : memref<!tpu.dma_semaphore, #tpu.memory_space<semaphore_mem>>)
    %dma_start3A_191 = arith.constant 0 : i32
    %dma_start3A_192 = arith.constant 0 : i32
    %dma_start3A_193 = tpu.memref_slice %arg5[%dma_start3A_191, %dma_start3A_192, %multiple_of3A] : memref<200x64x4096xf32, #tpu.memory_space<hbm>> -> memref<1x64x128xf32, #tpu.memory_space<hbm>>
    %dma_start3A_194 = tpu.memref_squeeze %dma_start3A_193 : memref<1x64x128xf32, #tpu.memory_space<hbm>> -> memref<64x128xf32, #tpu.memory_space<hbm>>
    %dma_start3A_195 = arith.constant 0 : i32
    %dma_start3A_196 = tpu.memref_slice %arg5[%dma_start3A_191, %dma_start3A_195, %multiple_of3A] : memref<200x64x4096xf32, #tpu.memory_space<hbm>> -> memref<1x64x128xf32, #tpu.memory_space<hbm>>
    %dma_start3A_197 = tpu.memref_squeeze %dma_start3A_196 : memref<1x64x128xf32, #tpu.memory_space<hbm>> -> memref<64x128xf32, #tpu.memory_space<hbm>>
    tpu.enqueue_dma source(%arg11 : memref<64x128xf32, #tpu.memory_space<vmem>>) target(%dma_start3A_197 : memref<64x128xf32, #tpu.memory_space<hbm>>) target_semaphore(%arg16 : memref<!tpu.dma_semaphore, #tpu.memory_space<semaphore_mem>>)
    %dma_wait3A_198 = arith.constant 0 : i32
    %dma_wait3A_199 = arith.constant 0 : i32
    %dma_wait3A_200 = tpu.memref_slice %arg3[%dma_wait3A_198, %dma_wait3A_199] : memref<1000000x64xf32, #tpu.memory_space<hbm>> -> memref<1000000x64xf32, #tpu.memory_space<hbm>>
    tpu.wait_indirect_dma semaphore(%arg15 : memref<!tpu.dma_semaphore, #tpu.memory_space<semaphore_mem>>) src(%dma_wait3A_200 : memref<1000000x64xf32, #tpu.memory_space<hbm>>) dst(%arg10 : memref<128x64xf32, #tpu.memory_space<vmem>>)
    %iota3A_201 = tpu.iota {dimensions = array<i32: 0>} : vector<16xi32>
    %add3A_202 = arith.constant 0 : i32
    %add3A_203 = vector.broadcast %add3A_202 : i32 to vector<16xi32>
    %add3A_204 = arith.addi %iota3A_201, %add3A_203 : vector<16xi32>
    %iota3A_205 = tpu.iota {dimensions = array<i32: 0>} : vector<16xi32>
    %add3A_206 = arith.constant 16 : i32
    %add3A_207 = vector.broadcast %add3A_206 : i32 to vector<16xi32>
    %add3A_208 = arith.addi %iota3A_205, %add3A_207 : vector<16xi32>
    %iota3A_209 = tpu.iota {dimensions = array<i32: 0>} : vector<16xi32>
    %add3A_210 = arith.constant 32 : i32
    %add3A_211 = vector.broadcast %add3A_210 : i32 to vector<16xi32>
    %add3A_212 = arith.addi %iota3A_209, %add3A_211 : vector<16xi32>
    %iota3A_213 = tpu.iota {dimensions = array<i32: 0>} : vector<16xi32>
    %add3A_214 = arith.constant 48 : i32
    %add3A_215 = vector.broadcast %add3A_214 : i32 to vector<16xi32>
    %add3A_216 = arith.addi %iota3A_213, %add3A_215 : vector<16xi32>
    %iota3A_217 = tpu.iota {dimensions = array<i32: 0>} : vector<16xi32>
    %add3A_218 = arith.constant 64 : i32
    %add3A_219 = vector.broadcast %add3A_218 : i32 to vector<16xi32>
    %add3A_220 = arith.addi %iota3A_217, %add3A_219 : vector<16xi32>
    %iota3A_221 = tpu.iota {dimensions = array<i32: 0>} : vector<16xi32>
    %add3A_222 = arith.constant 80 : i32
    %add3A_223 = vector.broadcast %add3A_222 : i32 to vector<16xi32>
    %add3A_224 = arith.addi %iota3A_221, %add3A_223 : vector<16xi32>
    %iota3A_225 = tpu.iota {dimensions = array<i32: 0>} : vector<16xi32>
    %add3A_226 = arith.constant 96 : i32
    %add3A_227 = vector.broadcast %add3A_226 : i32 to vector<16xi32>
    %add3A_228 = arith.addi %iota3A_225, %add3A_227 : vector<16xi32>
    %iota3A_229 = tpu.iota {dimensions = array<i32: 0>} : vector<16xi32>
    %add3A_230 = arith.constant 112 : i32
    %add3A_231 = vector.broadcast %add3A_230 : i32 to vector<16xi32>
    %add3A_232 = arith.addi %iota3A_229, %add3A_231 : vector<16xi32>
    %broadcast_in_dim3A_233 = arith.constant 1 : i32
    %broadcast_in_dim3A_234 = vector.broadcast %broadcast_in_dim3A_233 : i32 to vector<16xi32>
    %scan3A_235 = arith.constant 0 : i32
    %scan3A_236 = arith.constant 16 : i32
    %scan3A_237 = arith.addi %scan3A_235, %scan3A_236 : i32
    %scan3A_238 = arith.constant 1 : i32
    scf.for %scan3A_430 = %scan3A_235 to %scan3A_237 step %scan3A_238  : i32 {
      %mul3A_431 = arith.constant 4 : i32
      %mul3A_432 = arith.muli %scan3A_430, %mul3A_431 : i32
      %add3A_433 = arith.constant 0 : i32
      %add3A_434 = arith.addi %mul3A_432, %add3A_433 : i32
      %broadcast_in_dim3A_435 = vector.broadcast %add3A_434 : i32 to vector<16xi32>
      %gather3A = tpu.vector_load_idx %arg13[%broadcast_in_dim3A_234, %broadcast_in_dim3A_435] : memref<200x64xf32, #tpu.memory_space<vmem>>[vector<16xi32>, vector<16xi32>], vector<16xf32>,
      %add3A_436 = arith.constant 1 : i32
      %add3A_437 = arith.addi %mul3A_432, %add3A_436 : i32
      %broadcast_in_dim3A_438 = vector.broadcast %add3A_437 : i32 to vector<16xi32>
      %gather3A_439 = tpu.vector_load_idx %arg13[%broadcast_in_dim3A_234, %broadcast_in_dim3A_438] : memref<200x64xf32, #tpu.memory_space<vmem>>[vector<16xi32>, vector<16xi32>], vector<16xf32>,
      %add3A_440 = arith.constant 2 : i32
      %add3A_441 = arith.addi %mul3A_432, %add3A_440 : i32
      %broadcast_in_dim3A_442 = vector.broadcast %add3A_441 : i32 to vector<16xi32>
      %gather3A_443 = tpu.vector_load_idx %arg13[%broadcast_in_dim3A_234, %broadcast_in_dim3A_442] : memref<200x64xf32, #tpu.memory_space<vmem>>[vector<16xi32>, vector<16xi32>], vector<16xf32>,
      %add3A_444 = arith.constant 3 : i32
      %add3A_445 = arith.addi %mul3A_432, %add3A_444 : i32
      %broadcast_in_dim3A_446 = vector.broadcast %add3A_445 : i32 to vector<16xi32>
      %gather3A_447 = tpu.vector_load_idx %arg13[%broadcast_in_dim3A_234, %broadcast_in_dim3A_446] : memref<200x64xf32, #tpu.memory_space<vmem>>[vector<16xi32>, vector<16xi32>], vector<16xf32>,
      %add3A_448 = arith.constant 0 : i32
      %add3A_449 = arith.addi %mul3A_432, %add3A_448 : i32
      %broadcast_in_dim3A_450 = vector.broadcast %add3A_449 : i32 to vector<16xi32>
      %gather3A_451 = tpu.vector_load_idx %arg10[%add3A_204, %broadcast_in_dim3A_450] : memref<128x64xf32, #tpu.memory_space<vmem>>[vector<16xi32>, vector<16xi32>], vector<16xf32>,
      %add3A_452 = arith.addf %gather3A_451, %gather3A : vector<16xf32>
      %add3A_453 = arith.constant 0 : i32
      %add3A_454 = arith.addi %mul3A_432, %add3A_453 : i32
      %swap3A_455 = arith.index_cast %add3A_454 : i32 to index
      %swap3A_456 = arith.constant 0 : index
      %swap3A_457 = tpu.vector_load %arg12[%swap3A_455, %swap3A_456] {strides = array<i32>} : memref<64x128xf32, #tpu.memory_space<vmem>>, vector<16xf32>,
      tpu.vector_store %arg12[%swap3A_455, %swap3A_456], %add3A_452 {strides = array<i32>} : memref<64x128xf32, #tpu.memory_space<vmem>>, vector<16xf32>,
      %add3A_458 = arith.constant 1 : i32
      %add3A_459 = arith.addi %mul3A_432, %add3A_458 : i32
      %broadcast_in_dim3A_460 = vector.broadcast %add3A_459 : i32 to vector<16xi32>
      %gather3A_461 = tpu.vector_load_idx %arg10[%add3A_204, %broadcast_in_dim3A_460] : memref<128x64xf32, #tpu.memory_space<vmem>>[vector<16xi32>, vector<16xi32>], vector<16xf32>,
      %add3A_462 = arith.addf %gather3A_461, %gather3A_439 : vector<16xf32>
      %add3A_463 = arith.constant 1 : i32
      %add3A_464 = arith.addi %mul3A_432, %add3A_463 : i32
      %swap3A_465 = arith.index_cast %add3A_464 : i32 to index
      %swap3A_466 = arith.constant 0 : index
      %swap3A_467 = tpu.vector_load %arg12[%swap3A_465, %swap3A_466] {strides = array<i32>} : memref<64x128xf32, #tpu.memory_space<vmem>>, vector<16xf32>,
      tpu.vector_store %arg12[%swap3A_465, %swap3A_466], %add3A_462 {strides = array<i32>} : memref<64x128xf32, #tpu.memory_space<vmem>>, vector<16xf32>,
      %add3A_468 = arith.constant 2 : i32
      %add3A_469 = arith.addi %mul3A_432, %add3A_468 : i32
      %broadcast_in_dim3A_470 = vector.broadcast %add3A_469 : i32 to vector<16xi32>
      %gather3A_471 = tpu.vector_load_idx %arg10[%add3A_204, %broadcast_in_dim3A_470] : memref<128x64xf32, #tpu.memory_space<vmem>>[vector<16xi32>, vector<16xi32>], vector<16xf32>,
      %add3A_472 = arith.addf %gather3A_471, %gather3A_443 : vector<16xf32>
      %add3A_473 = arith.constant 2 : i32
      %add3A_474 = arith.addi %mul3A_432, %add3A_473 : i32
      %swap3A_475 = arith.index_cast %add3A_474 : i32 to index
      %swap3A_476 = arith.constant 0 : index
      %swap3A_477 = tpu.vector_load %arg12[%swap3A_475, %swap3A_476] {strides = array<i32>} : memref<64x128xf32, #tpu.memory_space<vmem>>, vector<16xf32>,
      tpu.vector_store %arg12[%swap3A_475, %swap3A_476], %add3A_472 {strides = array<i32>} : memref<64x128xf32, #tpu.memory_space<vmem>>, vector<16xf32>,
      %add3A_478 = arith.constant 3 : i32
      %add3A_479 = arith.addi %mul3A_432, %add3A_478 : i32
      %broadcast_in_dim3A_480 = vector.broadcast %add3A_479 : i32 to vector<16xi32>
      %gather3A_481 = tpu.vector_load_idx %arg10[%add3A_204, %broadcast_in_dim3A_480] : memref<128x64xf32, #tpu.memory_space<vmem>>[vector<16xi32>, vector<16xi32>], vector<16xf32>,
      %add3A_482 = arith.addf %gather3A_481, %gather3A_447 : vector<16xf32>
      %add3A_483 = arith.constant 3 : i32
      %add3A_484 = arith.addi %mul3A_432, %add3A_483 : i32
      %swap3A_485 = arith.index_cast %add3A_484 : i32 to index
      %swap3A_486 = arith.constant 0 : index
      %swap3A_487 = tpu.vector_load %arg12[%swap3A_485, %swap3A_486] {strides = array<i32>} : memref<64x128xf32, #tpu.memory_space<vmem>>, vector<16xf32>,
      tpu.vector_store %arg12[%swap3A_485, %swap3A_486], %add3A_482 {strides = array<i32>} : memref<64x128xf32, #tpu.memory_space<vmem>>, vector<16xf32>,
      %add3A_488 = arith.constant 0 : i32
      %add3A_489 = arith.addi %mul3A_432, %add3A_488 : i32
      %broadcast_in_dim3A_490 = vector.broadcast %add3A_489 : i32 to vector<16xi32>
      %gather3A_491 = tpu.vector_load_idx %arg10[%add3A_208, %broadcast_in_dim3A_490] : memref<128x64xf32, #tpu.memory_space<vmem>>[vector<16xi32>, vector<16xi32>], vector<16xf32>,
      %add3A_492 = arith.addf %gather3A_491, %gather3A : vector<16xf32>
      %add3A_493 = arith.constant 0 : i32
      %add3A_494 = arith.addi %mul3A_432, %add3A_493 : i32
      %swap3A_495 = arith.index_cast %add3A_494 : i32 to index
      %swap3A_496 = arith.constant 16 : index
      %swap3A_497 = tpu.vector_load %arg12[%swap3A_495, %swap3A_496] {strides = array<i32>} : memref<64x128xf32, #tpu.memory_space<vmem>>, vector<16xf32>,
      tpu.vector_store %arg12[%swap3A_495, %swap3A_496], %add3A_492 {strides = array<i32>} : memref<64x128xf32, #tpu.memory_space<vmem>>, vector<16xf32>,
      %add3A_498 = arith.constant 1 : i32
      %add3A_499 = arith.addi %mul3A_432, %add3A_498 : i32
      %broadcast_in_dim3A_500 = vector.broadcast %add3A_499 : i32 to vector<16xi32>
      %gather3A_501 = tpu.vector_load_idx %arg10[%add3A_208, %broadcast_in_dim3A_500] : memref<128x64xf32, #tpu.memory_space<vmem>>[vector<16xi32>, vector<16xi32>], vector<16xf32>,
      %add3A_502 = arith.addf %gather3A_501, %gather3A_439 : vector<16xf32>
      %add3A_503 = arith.constant 1 : i32
      %add3A_504 = arith.addi %mul3A_432, %add3A_503 : i32
      %swap3A_505 = arith.index_cast %add3A_504 : i32 to index
      %swap3A_506 = arith.constant 16 : index
      %swap3A_507 = tpu.vector_load %arg12[%swap3A_505, %swap3A_506] {strides = array<i32>} : memref<64x128xf32, #tpu.memory_space<vmem>>, vector<16xf32>,
      tpu.vector_store %arg12[%swap3A_505, %swap3A_506], %add3A_502 {strides = array<i32>} : memref<64x128xf32, #tpu.memory_space<vmem>>, vector<16xf32>,
      %add3A_508 = arith.constant 2 : i32
      %add3A_509 = arith.addi %mul3A_432, %add3A_508 : i32
      %broadcast_in_dim3A_510 = vector.broadcast %add3A_509 : i32 to vector<16xi32>
      %gather3A_511 = tpu.vector_load_idx %arg10[%add3A_208, %broadcast_in_dim3A_510] : memref<128x64xf32, #tpu.memory_space<vmem>>[vector<16xi32>, vector<16xi32>], vector<16xf32>,
      %add3A_512 = arith.addf %gather3A_511, %gather3A_443 : vector<16xf32>
      %add3A_513 = arith.constant 2 : i32
      %add3A_514 = arith.addi %mul3A_432, %add3A_513 : i32
      %swap3A_515 = arith.index_cast %add3A_514 : i32 to index
      %swap3A_516 = arith.constant 16 : index
      %swap3A_517 = tpu.vector_load %arg12[%swap3A_515, %swap3A_516] {strides = array<i32>} : memref<64x128xf32, #tpu.memory_space<vmem>>, vector<16xf32>,
      tpu.vector_store %arg12[%swap3A_515, %swap3A_516], %add3A_512 {strides = array<i32>} : memref<64x128xf32, #tpu.memory_space<vmem>>, vector<16xf32>,
      %add3A_518 = arith.constant 3 : i32
      %add3A_519 = arith.addi %mul3A_432, %add3A_518 : i32
      %broadcast_in_dim3A_520 = vector.broadcast %add3A_519 : i32 to vector<16xi32>
      %gather3A_521 = tpu.vector_load_idx %arg10[%add3A_208, %broadcast_in_dim3A_520] : memref<128x64xf32, #tpu.memory_space<vmem>>[vector<16xi32>, vector<16xi32>], vector<16xf32>,
      %add3A_522 = arith.addf %gather3A_521, %gather3A_447 : vector<16xf32>
      %add3A_523 = arith.constant 3 : i32
      %add3A_524 = arith.addi %mul3A_432, %add3A_523 : i32
      %swap3A_525 = arith.index_cast %add3A_524 : i32 to index
      %swap3A_526 = arith.constant 16 : index
      %swap3A_527 = tpu.vector_load %arg12[%swap3A_525, %swap3A_526] {strides = array<i32>} : memref<64x128xf32, #tpu.memory_space<vmem>>, vector<16xf32>,
      tpu.vector_store %arg12[%swap3A_525, %swap3A_526], %add3A_522 {strides = array<i32>} : memref<64x128xf32, #tpu.memory_space<vmem>>, vector<16xf32>,
      %add3A_528 = arith.constant 0 : i32
      %add3A_529 = arith.addi %mul3A_432, %add3A_528 : i32
      %broadcast_in_dim3A_530 = vector.broadcast %add3A_529 : i32 to vector<16xi32>
      %gather3A_531 = tpu.vector_load_idx %arg10[%add3A_212, %broadcast_in_dim3A_530] : memref<128x64xf32, #tpu.memory_space<vmem>>[vector<16xi32>, vector<16xi32>], vector<16xf32>,
      %add3A_532 = arith.addf %gather3A_531, %gather3A : vector<16xf32>
      %add3A_533 = arith.constant 0 : i32
      %add3A_534 = arith.addi %mul3A_432, %add3A_533 : i32
      %swap3A_535 = arith.index_cast %add3A_534 : i32 to index
      %swap3A_536 = arith.constant 32 : index
      %swap3A_537 = tpu.vector_load %arg12[%swap3A_535, %swap3A_536] {strides = array<i32>} : memref<64x128xf32, #tpu.memory_space<vmem>>, vector<16xf32>,
      tpu.vector_store %arg12[%swap3A_535, %swap3A_536], %add3A_532 {strides = array<i32>} : memref<64x128xf32, #tpu.memory_space<vmem>>, vector<16xf32>,
      %add3A_538 = arith.constant 1 : i32
      %add3A_539 = arith.addi %mul3A_432, %add3A_538 : i32
      %broadcast_in_dim3A_540 = vector.broadcast %add3A_539 : i32 to vector<16xi32>
      %gather3A_541 = tpu.vector_load_idx %arg10[%add3A_212, %broadcast_in_dim3A_540] : memref<128x64xf32, #tpu.memory_space<vmem>>[vector<16xi32>, vector<16xi32>], vector<16xf32>,
      %add3A_542 = arith.addf %gather3A_541, %gather3A_439 : vector<16xf32>
      %add3A_543 = arith.constant 1 : i32
      %add3A_544 = arith.addi %mul3A_432, %add3A_543 : i32
      %swap3A_545 = arith.index_cast %add3A_544 : i32 to index
      %swap3A_546 = arith.constant 32 : index
      %swap3A_547 = tpu.vector_load %arg12[%swap3A_545, %swap3A_546] {strides = array<i32>} : memref<64x128xf32, #tpu.memory_space<vmem>>, vector<16xf32>,
      tpu.vector_store %arg12[%swap3A_545, %swap3A_546], %add3A_542 {strides = array<i32>} : memref<64x128xf32, #tpu.memory_space<vmem>>, vector<16xf32>,
      %add3A_548 = arith.constant 2 : i32
      %add3A_549 = arith.addi %mul3A_432, %add3A_548 : i32
      %broadcast_in_dim3A_550 = vector.broadcast %add3A_549 : i32 to vector<16xi32>
      %gather3A_551 = tpu.vector_load_idx %arg10[%add3A_212, %broadcast_in_dim3A_550] : memref<128x64xf32, #tpu.memory_space<vmem>>[vector<16xi32>, vector<16xi32>], vector<16xf32>,
      %add3A_552 = arith.addf %gather3A_551, %gather3A_443 : vector<16xf32>
      %add3A_553 = arith.constant 2 : i32
      %add3A_554 = arith.addi %mul3A_432, %add3A_553 : i32
      %swap3A_555 = arith.index_cast %add3A_554 : i32 to index
      %swap3A_556 = arith.constant 32 : index
      %swap3A_557 = tpu.vector_load %arg12[%swap3A_555, %swap3A_556] {strides = array<i32>} : memref<64x128xf32, #tpu.memory_space<vmem>>, vector<16xf32>,
      tpu.vector_store %arg12[%swap3A_555, %swap3A_556], %add3A_552 {strides = array<i32>} : memref<64x128xf32, #tpu.memory_space<vmem>>, vector<16xf32>,
      %add3A_558 = arith.constant 3 : i32
      %add3A_559 = arith.addi %mul3A_432, %add3A_558 : i32
      %broadcast_in_dim3A_560 = vector.broadcast %add3A_559 : i32 to vector<16xi32>
      %gather3A_561 = tpu.vector_load_idx %arg10[%add3A_212, %broadcast_in_dim3A_560] : memref<128x64xf32, #tpu.memory_space<vmem>>[vector<16xi32>, vector<16xi32>], vector<16xf32>,
      %add3A_562 = arith.addf %gather3A_561, %gather3A_447 : vector<16xf32>
      %add3A_563 = arith.constant 3 : i32
      %add3A_564 = arith.addi %mul3A_432, %add3A_563 : i32
      %swap3A_565 = arith.index_cast %add3A_564 : i32 to index
      %swap3A_566 = arith.constant 32 : index
      %swap3A_567 = tpu.vector_load %arg12[%swap3A_565, %swap3A_566] {strides = array<i32>} : memref<64x128xf32, #tpu.memory_space<vmem>>, vector<16xf32>,
      tpu.vector_store %arg12[%swap3A_565, %swap3A_566], %add3A_562 {strides = array<i32>} : memref<64x128xf32, #tpu.memory_space<vmem>>, vector<16xf32>,
      %add3A_568 = arith.constant 0 : i32
      %add3A_569 = arith.addi %mul3A_432, %add3A_568 : i32
      %broadcast_in_dim3A_570 = vector.broadcast %add3A_569 : i32 to vector<16xi32>
      %gather3A_571 = tpu.vector_load_idx %arg10[%add3A_216, %broadcast_in_dim3A_570] : memref<128x64xf32, #tpu.memory_space<vmem>>[vector<16xi32>, vector<16xi32>], vector<16xf32>,
      %add3A_572 = arith.addf %gather3A_571, %gather3A : vector<16xf32>
      %add3A_573 = arith.constant 0 : i32
      %add3A_574 = arith.addi %mul3A_432, %add3A_573 : i32
      %swap3A_575 = arith.index_cast %add3A_574 : i32 to index
      %swap3A_576 = arith.constant 48 : index
      %swap3A_577 = tpu.vector_load %arg12[%swap3A_575, %swap3A_576] {strides = array<i32>} : memref<64x128xf32, #tpu.memory_space<vmem>>, vector<16xf32>,
      tpu.vector_store %arg12[%swap3A_575, %swap3A_576], %add3A_572 {strides = array<i32>} : memref<64x128xf32, #tpu.memory_space<vmem>>, vector<16xf32>,
      %add3A_578 = arith.constant 1 : i32
      %add3A_579 = arith.addi %mul3A_432, %add3A_578 : i32
      %broadcast_in_dim3A_580 = vector.broadcast %add3A_579 : i32 to vector<16xi32>
      %gather3A_581 = tpu.vector_load_idx %arg10[%add3A_216, %broadcast_in_dim3A_580] : memref<128x64xf32, #tpu.memory_space<vmem>>[vector<16xi32>, vector<16xi32>], vector<16xf32>,
      %add3A_582 = arith.addf %gather3A_581, %gather3A_439 : vector<16xf32>
      %add3A_583 = arith.constant 1 : i32
      %add3A_584 = arith.addi %mul3A_432, %add3A_583 : i32
      %swap3A_585 = arith.index_cast %add3A_584 : i32 to index
      %swap3A_586 = arith.constant 48 : index
      %swap3A_587 = tpu.vector_load %arg12[%swap3A_585, %swap3A_586] {strides = array<i32>} : memref<64x128xf32, #tpu.memory_space<vmem>>, vector<16xf32>,
      tpu.vector_store %arg12[%swap3A_585, %swap3A_586], %add3A_582 {strides = array<i32>} : memref<64x128xf32, #tpu.memory_space<vmem>>, vector<16xf32>,
      %add3A_588 = arith.constant 2 : i32
      %add3A_589 = arith.addi %mul3A_432, %add3A_588 : i32
      %broadcast_in_dim3A_590 = vector.broadcast %add3A_589 : i32 to vector<16xi32>
      %gather3A_591 = tpu.vector_load_idx %arg10[%add3A_216, %broadcast_in_dim3A_590] : memref<128x64xf32, #tpu.memory_space<vmem>>[vector<16xi32>, vector<16xi32>], vector<16xf32>,
      %add3A_592 = arith.addf %gather3A_591, %gather3A_443 : vector<16xf32>
      %add3A_593 = arith.constant 2 : i32
      %add3A_594 = arith.addi %mul3A_432, %add3A_593 : i32
      %swap3A_595 = arith.index_cast %add3A_594 : i32 to index
      %swap3A_596 = arith.constant 48 : index
      %swap3A_597 = tpu.vector_load %arg12[%swap3A_595, %swap3A_596] {strides = array<i32>} : memref<64x128xf32, #tpu.memory_space<vmem>>, vector<16xf32>,
      tpu.vector_store %arg12[%swap3A_595, %swap3A_596], %add3A_592 {strides = array<i32>} : memref<64x128xf32, #tpu.memory_space<vmem>>, vector<16xf32>,
      %add3A_598 = arith.constant 3 : i32
      %add3A_599 = arith.addi %mul3A_432, %add3A_598 : i32
      %broadcast_in_dim3A_600 = vector.broadcast %add3A_599 : i32 to vector<16xi32>
      %gather3A_601 = tpu.vector_load_idx %arg10[%add3A_216, %broadcast_in_dim3A_600] : memref<128x64xf32, #tpu.memory_space<vmem>>[vector<16xi32>, vector<16xi32>], vector<16xf32>,
      %add3A_602 = arith.addf %gather3A_601, %gather3A_447 : vector<16xf32>
      %add3A_603 = arith.constant 3 : i32
      %add3A_604 = arith.addi %mul3A_432, %add3A_603 : i32
      %swap3A_605 = arith.index_cast %add3A_604 : i32 to index
      %swap3A_606 = arith.constant 48 : index
      %swap3A_607 = tpu.vector_load %arg12[%swap3A_605, %swap3A_606] {strides = array<i32>} : memref<64x128xf32, #tpu.memory_space<vmem>>, vector<16xf32>,
      tpu.vector_store %arg12[%swap3A_605, %swap3A_606], %add3A_602 {strides = array<i32>} : memref<64x128xf32, #tpu.memory_space<vmem>>, vector<16xf32>,
      %add3A_608 = arith.constant 0 : i32
      %add3A_609 = arith.addi %mul3A_432, %add3A_608 : i32
      %broadcast_in_dim3A_610 = vector.broadcast %add3A_609 : i32 to vector<16xi32>
      %gather3A_611 = tpu.vector_load_idx %arg10[%add3A_220, %broadcast_in_dim3A_610] : memref<128x64xf32, #tpu.memory_space<vmem>>[vector<16xi32>, vector<16xi32>], vector<16xf32>,
      %add3A_612 = arith.addf %gather3A_611, %gather3A : vector<16xf32>
      %add3A_613 = arith.constant 0 : i32
      %add3A_614 = arith.addi %mul3A_432, %add3A_613 : i32
      %swap3A_615 = arith.index_cast %add3A_614 : i32 to index
      %swap3A_616 = arith.constant 64 : index
      %swap3A_617 = tpu.vector_load %arg12[%swap3A_615, %swap3A_616] {strides = array<i32>} : memref<64x128xf32, #tpu.memory_space<vmem>>, vector<16xf32>,
      tpu.vector_store %arg12[%swap3A_615, %swap3A_616], %add3A_612 {strides = array<i32>} : memref<64x128xf32, #tpu.memory_space<vmem>>, vector<16xf32>,
      %add3A_618 = arith.constant 1 : i32
      %add3A_619 = arith.addi %mul3A_432, %add3A_618 : i32
      %broadcast_in_dim3A_620 = vector.broadcast %add3A_619 : i32 to vector<16xi32>
      %gather3A_621 = tpu.vector_load_idx %arg10[%add3A_220, %broadcast_in_dim3A_620] : memref<128x64xf32, #tpu.memory_space<vmem>>[vector<16xi32>, vector<16xi32>], vector<16xf32>,
      %add3A_622 = arith.addf %gather3A_621, %gather3A_439 : vector<16xf32>
      %add3A_623 = arith.constant 1 : i32
      %add3A_624 = arith.addi %mul3A_432, %add3A_623 : i32
      %swap3A_625 = arith.index_cast %add3A_624 : i32 to index
      %swap3A_626 = arith.constant 64 : index
      %swap3A_627 = tpu.vector_load %arg12[%swap3A_625, %swap3A_626] {strides = array<i32>} : memref<64x128xf32, #tpu.memory_space<vmem>>, vector<16xf32>,
      tpu.vector_store %arg12[%swap3A_625, %swap3A_626], %add3A_622 {strides = array<i32>} : memref<64x128xf32, #tpu.memory_space<vmem>>, vector<16xf32>,
      %add3A_628 = arith.constant 2 : i32
      %add3A_629 = arith.addi %mul3A_432, %add3A_628 : i32
      %broadcast_in_dim3A_630 = vector.broadcast %add3A_629 : i32 to vector<16xi32>
      %gather3A_631 = tpu.vector_load_idx %arg10[%add3A_220, %broadcast_in_dim3A_630] : memref<128x64xf32, #tpu.memory_space<vmem>>[vector<16xi32>, vector<16xi32>], vector<16xf32>,
      %add3A_632 = arith.addf %gather3A_631, %gather3A_443 : vector<16xf32>
      %add3A_633 = arith.constant 2 : i32
      %add3A_634 = arith.addi %mul3A_432, %add3A_633 : i32
      %swap3A_635 = arith.index_cast %add3A_634 : i32 to index
      %swap3A_636 = arith.constant 64 : index
      %swap3A_637 = tpu.vector_load %arg12[%swap3A_635, %swap3A_636] {strides = array<i32>} : memref<64x128xf32, #tpu.memory_space<vmem>>, vector<16xf32>,
      tpu.vector_store %arg12[%swap3A_635, %swap3A_636], %add3A_632 {strides = array<i32>} : memref<64x128xf32, #tpu.memory_space<vmem>>, vector<16xf32>,
      %add3A_638 = arith.constant 3 : i32
      %add3A_639 = arith.addi %mul3A_432, %add3A_638 : i32
      %broadcast_in_dim3A_640 = vector.broadcast %add3A_639 : i32 to vector<16xi32>
      %gather3A_641 = tpu.vector_load_idx %arg10[%add3A_220, %broadcast_in_dim3A_640] : memref<128x64xf32, #tpu.memory_space<vmem>>[vector<16xi32>, vector<16xi32>], vector<16xf32>,
      %add3A_642 = arith.addf %gather3A_641, %gather3A_447 : vector<16xf32>
      %add3A_643 = arith.constant 3 : i32
      %add3A_644 = arith.addi %mul3A_432, %add3A_643 : i32
      %swap3A_645 = arith.index_cast %add3A_644 : i32 to index
      %swap3A_646 = arith.constant 64 : index
      %swap3A_647 = tpu.vector_load %arg12[%swap3A_645, %swap3A_646] {strides = array<i32>} : memref<64x128xf32, #tpu.memory_space<vmem>>, vector<16xf32>,
      tpu.vector_store %arg12[%swap3A_645, %swap3A_646], %add3A_642 {strides = array<i32>} : memref<64x128xf32, #tpu.memory_space<vmem>>, vector<16xf32>,
      %add3A_648 = arith.constant 0 : i32
      %add3A_649 = arith.addi %mul3A_432, %add3A_648 : i32
      %broadcast_in_dim3A_650 = vector.broadcast %add3A_649 : i32 to vector<16xi32>
      %gather3A_651 = tpu.vector_load_idx %arg10[%add3A_224, %broadcast_in_dim3A_650] : memref<128x64xf32, #tpu.memory_space<vmem>>[vector<16xi32>, vector<16xi32>], vector<16xf32>,
      %add3A_652 = arith.addf %gather3A_651, %gather3A : vector<16xf32>
      %add3A_653 = arith.constant 0 : i32
      %add3A_654 = arith.addi %mul3A_432, %add3A_653 : i32
      %swap3A_655 = arith.index_cast %add3A_654 : i32 to index
      %swap3A_656 = arith.constant 80 : index
      %swap3A_657 = tpu.vector_load %arg12[%swap3A_655, %swap3A_656] {strides = array<i32>} : memref<64x128xf32, #tpu.memory_space<vmem>>, vector<16xf32>,
      tpu.vector_store %arg12[%swap3A_655, %swap3A_656], %add3A_652 {strides = array<i32>} : memref<64x128xf32, #tpu.memory_space<vmem>>, vector<16xf32>,
      %add3A_658 = arith.constant 1 : i32
      %add3A_659 = arith.addi %mul3A_432, %add3A_658 : i32
      %broadcast_in_dim3A_660 = vector.broadcast %add3A_659 : i32 to vector<16xi32>
      %gather3A_661 = tpu.vector_load_idx %arg10[%add3A_224, %broadcast_in_dim3A_660] : memref<128x64xf32, #tpu.memory_space<vmem>>[vector<16xi32>, vector<16xi32>], vector<16xf32>,
      %add3A_662 = arith.addf %gather3A_661, %gather3A_439 : vector<16xf32>
      %add3A_663 = arith.constant 1 : i32
      %add3A_664 = arith.addi %mul3A_432, %add3A_663 : i32
      %swap3A_665 = arith.index_cast %add3A_664 : i32 to index
      %swap3A_666 = arith.constant 80 : index
      %swap3A_667 = tpu.vector_load %arg12[%swap3A_665, %swap3A_666] {strides = array<i32>} : memref<64x128xf32, #tpu.memory_space<vmem>>, vector<16xf32>,
      tpu.vector_store %arg12[%swap3A_665, %swap3A_666], %add3A_662 {strides = array<i32>} : memref<64x128xf32, #tpu.memory_space<vmem>>, vector<16xf32>,
      %add3A_668 = arith.constant 2 : i32
      %add3A_669 = arith.addi %mul3A_432, %add3A_668 : i32
      %broadcast_in_dim3A_670 = vector.broadcast %add3A_669 : i32 to vector<16xi32>
      %gather3A_671 = tpu.vector_load_idx %arg10[%add3A_224, %broadcast_in_dim3A_670] : memref<128x64xf32, #tpu.memory_space<vmem>>[vector<16xi32>, vector<16xi32>], vector<16xf32>,
      %add3A_672 = arith.addf %gather3A_671, %gather3A_443 : vector<16xf32>
      %add3A_673 = arith.constant 2 : i32
      %add3A_674 = arith.addi %mul3A_432, %add3A_673 : i32
      %swap3A_675 = arith.index_cast %add3A_674 : i32 to index
      %swap3A_676 = arith.constant 80 : index
      %swap3A_677 = tpu.vector_load %arg12[%swap3A_675, %swap3A_676] {strides = array<i32>} : memref<64x128xf32, #tpu.memory_space<vmem>>, vector<16xf32>,
      tpu.vector_store %arg12[%swap3A_675, %swap3A_676], %add3A_672 {strides = array<i32>} : memref<64x128xf32, #tpu.memory_space<vmem>>, vector<16xf32>,
      %add3A_678 = arith.constant 3 : i32
      %add3A_679 = arith.addi %mul3A_432, %add3A_678 : i32
      %broadcast_in_dim3A_680 = vector.broadcast %add3A_679 : i32 to vector<16xi32>
      %gather3A_681 = tpu.vector_load_idx %arg10[%add3A_224, %broadcast_in_dim3A_680] : memref<128x64xf32, #tpu.memory_space<vmem>>[vector<16xi32>, vector<16xi32>], vector<16xf32>,
      %add3A_682 = arith.addf %gather3A_681, %gather3A_447 : vector<16xf32>
      %add3A_683 = arith.constant 3 : i32
      %add3A_684 = arith.addi %mul3A_432, %add3A_683 : i32
      %swap3A_685 = arith.index_cast %add3A_684 : i32 to index
      %swap3A_686 = arith.constant 80 : index
      %swap3A_687 = tpu.vector_load %arg12[%swap3A_685, %swap3A_686] {strides = array<i32>} : memref<64x128xf32, #tpu.memory_space<vmem>>, vector<16xf32>,
      tpu.vector_store %arg12[%swap3A_685, %swap3A_686], %add3A_682 {strides = array<i32>} : memref<64x128xf32, #tpu.memory_space<vmem>>, vector<16xf32>,
      %add3A_688 = arith.constant 0 : i32
      %add3A_689 = arith.addi %mul3A_432, %add3A_688 : i32
      %broadcast_in_dim3A_690 = vector.broadcast %add3A_689 : i32 to vector<16xi32>
      %gather3A_691 = tpu.vector_load_idx %arg10[%add3A_228, %broadcast_in_dim3A_690] : memref<128x64xf32, #tpu.memory_space<vmem>>[vector<16xi32>, vector<16xi32>], vector<16xf32>,
      %add3A_692 = arith.addf %gather3A_691, %gather3A : vector<16xf32>
      %add3A_693 = arith.constant 0 : i32
      %add3A_694 = arith.addi %mul3A_432, %add3A_693 : i32
      %swap3A_695 = arith.index_cast %add3A_694 : i32 to index
      %swap3A_696 = arith.constant 96 : index
      %swap3A_697 = tpu.vector_load %arg12[%swap3A_695, %swap3A_696] {strides = array<i32>} : memref<64x128xf32, #tpu.memory_space<vmem>>, vector<16xf32>,
      tpu.vector_store %arg12[%swap3A_695, %swap3A_696], %add3A_692 {strides = array<i32>} : memref<64x128xf32, #tpu.memory_space<vmem>>, vector<16xf32>,
      %add3A_698 = arith.constant 1 : i32
      %add3A_699 = arith.addi %mul3A_432, %add3A_698 : i32
      %broadcast_in_dim3A_700 = vector.broadcast %add3A_699 : i32 to vector<16xi32>
      %gather3A_701 = tpu.vector_load_idx %arg10[%add3A_228, %broadcast_in_dim3A_700] : memref<128x64xf32, #tpu.memory_space<vmem>>[vector<16xi32>, vector<16xi32>], vector<16xf32>,
      %add3A_702 = arith.addf %gather3A_701, %gather3A_439 : vector<16xf32>
      %add3A_703 = arith.constant 1 : i32
      %add3A_704 = arith.addi %mul3A_432, %add3A_703 : i32
      %swap3A_705 = arith.index_cast %add3A_704 : i32 to index
      %swap3A_706 = arith.constant 96 : index
      %swap3A_707 = tpu.vector_load %arg12[%swap3A_705, %swap3A_706] {strides = array<i32>} : memref<64x128xf32, #tpu.memory_space<vmem>>, vector<16xf32>,
      tpu.vector_store %arg12[%swap3A_705, %swap3A_706], %add3A_702 {strides = array<i32>} : memref<64x128xf32, #tpu.memory_space<vmem>>, vector<16xf32>,
      %add3A_708 = arith.constant 2 : i32
      %add3A_709 = arith.addi %mul3A_432, %add3A_708 : i32
      %broadcast_in_dim3A_710 = vector.broadcast %add3A_709 : i32 to vector<16xi32>
      %gather3A_711 = tpu.vector_load_idx %arg10[%add3A_228, %broadcast_in_dim3A_710] : memref<128x64xf32, #tpu.memory_space<vmem>>[vector<16xi32>, vector<16xi32>], vector<16xf32>,
      %add3A_712 = arith.addf %gather3A_711, %gather3A_443 : vector<16xf32>
      %add3A_713 = arith.constant 2 : i32
      %add3A_714 = arith.addi %mul3A_432, %add3A_713 : i32
      %swap3A_715 = arith.index_cast %add3A_714 : i32 to index
      %swap3A_716 = arith.constant 96 : index
      %swap3A_717 = tpu.vector_load %arg12[%swap3A_715, %swap3A_716] {strides = array<i32>} : memref<64x128xf32, #tpu.memory_space<vmem>>, vector<16xf32>,
      tpu.vector_store %arg12[%swap3A_715, %swap3A_716], %add3A_712 {strides = array<i32>} : memref<64x128xf32, #tpu.memory_space<vmem>>, vector<16xf32>,
      %add3A_718 = arith.constant 3 : i32
      %add3A_719 = arith.addi %mul3A_432, %add3A_718 : i32
      %broadcast_in_dim3A_720 = vector.broadcast %add3A_719 : i32 to vector<16xi32>
      %gather3A_721 = tpu.vector_load_idx %arg10[%add3A_228, %broadcast_in_dim3A_720] : memref<128x64xf32, #tpu.memory_space<vmem>>[vector<16xi32>, vector<16xi32>], vector<16xf32>,
      %add3A_722 = arith.addf %gather3A_721, %gather3A_447 : vector<16xf32>
      %add3A_723 = arith.constant 3 : i32
      %add3A_724 = arith.addi %mul3A_432, %add3A_723 : i32
      %swap3A_725 = arith.index_cast %add3A_724 : i32 to index
      %swap3A_726 = arith.constant 96 : index
      %swap3A_727 = tpu.vector_load %arg12[%swap3A_725, %swap3A_726] {strides = array<i32>} : memref<64x128xf32, #tpu.memory_space<vmem>>, vector<16xf32>,
      tpu.vector_store %arg12[%swap3A_725, %swap3A_726], %add3A_722 {strides = array<i32>} : memref<64x128xf32, #tpu.memory_space<vmem>>, vector<16xf32>,
      %add3A_728 = arith.constant 0 : i32
      %add3A_729 = arith.addi %mul3A_432, %add3A_728 : i32
      %broadcast_in_dim3A_730 = vector.broadcast %add3A_729 : i32 to vector<16xi32>
      %gather3A_731 = tpu.vector_load_idx %arg10[%add3A_232, %broadcast_in_dim3A_730] : memref<128x64xf32, #tpu.memory_space<vmem>>[vector<16xi32>, vector<16xi32>], vector<16xf32>,
      %add3A_732 = arith.addf %gather3A_731, %gather3A : vector<16xf32>
      %add3A_733 = arith.constant 0 : i32
      %add3A_734 = arith.addi %mul3A_432, %add3A_733 : i32
      %swap3A_735 = arith.index_cast %add3A_734 : i32 to index
      %swap3A_736 = arith.constant 112 : index
      %swap3A_737 = tpu.vector_load %arg12[%swap3A_735, %swap3A_736] {strides = array<i32>} : memref<64x128xf32, #tpu.memory_space<vmem>>, vector<16xf32>,
      tpu.vector_store %arg12[%swap3A_735, %swap3A_736], %add3A_732 {strides = array<i32>} : memref<64x128xf32, #tpu.memory_space<vmem>>, vector<16xf32>,
      %add3A_738 = arith.constant 1 : i32
      %add3A_739 = arith.addi %mul3A_432, %add3A_738 : i32
      %broadcast_in_dim3A_740 = vector.broadcast %add3A_739 : i32 to vector<16xi32>
      %gather3A_741 = tpu.vector_load_idx %arg10[%add3A_232, %broadcast_in_dim3A_740] : memref<128x64xf32, #tpu.memory_space<vmem>>[vector<16xi32>, vector<16xi32>], vector<16xf32>,
      %add3A_742 = arith.addf %gather3A_741, %gather3A_439 : vector<16xf32>
      %add3A_743 = arith.constant 1 : i32
      %add3A_744 = arith.addi %mul3A_432, %add3A_743 : i32
      %swap3A_745 = arith.index_cast %add3A_744 : i32 to index
      %swap3A_746 = arith.constant 112 : index
      %swap3A_747 = tpu.vector_load %arg12[%swap3A_745, %swap3A_746] {strides = array<i32>} : memref<64x128xf32, #tpu.memory_space<vmem>>, vector<16xf32>,
      tpu.vector_store %arg12[%swap3A_745, %swap3A_746], %add3A_742 {strides = array<i32>} : memref<64x128xf32, #tpu.memory_space<vmem>>, vector<16xf32>,
      %add3A_748 = arith.constant 2 : i32
      %add3A_749 = arith.addi %mul3A_432, %add3A_748 : i32
      %broadcast_in_dim3A_750 = vector.broadcast %add3A_749 : i32 to vector<16xi32>
      %gather3A_751 = tpu.vector_load_idx %arg10[%add3A_232, %broadcast_in_dim3A_750] : memref<128x64xf32, #tpu.memory_space<vmem>>[vector<16xi32>, vector<16xi32>], vector<16xf32>,
      %add3A_752 = arith.addf %gather3A_751, %gather3A_443 : vector<16xf32>
      %add3A_753 = arith.constant 2 : i32
      %add3A_754 = arith.addi %mul3A_432, %add3A_753 : i32
      %swap3A_755 = arith.index_cast %add3A_754 : i32 to index
      %swap3A_756 = arith.constant 112 : index
      %swap3A_757 = tpu.vector_load %arg12[%swap3A_755, %swap3A_756] {strides = array<i32>} : memref<64x128xf32, #tpu.memory_space<vmem>>, vector<16xf32>,
      tpu.vector_store %arg12[%swap3A_755, %swap3A_756], %add3A_752 {strides = array<i32>} : memref<64x128xf32, #tpu.memory_space<vmem>>, vector<16xf32>,
      %add3A_758 = arith.constant 3 : i32
      %add3A_759 = arith.addi %mul3A_432, %add3A_758 : i32
      %broadcast_in_dim3A_760 = vector.broadcast %add3A_759 : i32 to vector<16xi32>
      %gather3A_761 = tpu.vector_load_idx %arg10[%add3A_232, %broadcast_in_dim3A_760] : memref<128x64xf32, #tpu.memory_space<vmem>>[vector<16xi32>, vector<16xi32>], vector<16xf32>,
      %add3A_762 = arith.addf %gather3A_761, %gather3A_447 : vector<16xf32>
      %add3A_763 = arith.constant 3 : i32
      %add3A_764 = arith.addi %mul3A_432, %add3A_763 : i32
      %swap3A_765 = arith.index_cast %add3A_764 : i32 to index
      %swap3A_766 = arith.constant 112 : index
      %swap3A_767 = tpu.vector_load %arg12[%swap3A_765, %swap3A_766] {strides = array<i32>} : memref<64x128xf32, #tpu.memory_space<vmem>>, vector<16xf32>,
      tpu.vector_store %arg12[%swap3A_765, %swap3A_766], %add3A_762 {strides = array<i32>} : memref<64x128xf32, #tpu.memory_space<vmem>>, vector<16xf32>,
    }
    %scan3A_239 = arith.constant 16 : i32
    %get3A_240 = arith.constant 3 : i32
    %get3A_241 = arith.index_cast %get3A_240 : i32 to index
    %get3A_242 = arith.constant 0 : index
    %get3A_243 = tpu.vector_load %arg6[%get3A_241, %get3A_242] {strides = array<i32>} : memref<200x128xi32, #tpu.memory_space<vmem>>, vector<16xi32>,
    %swap3A_244 = arith.constant 0 : index
    %swap3A_245 = tpu.vector_load %arg8[%swap3A_244] {strides = array<i32>} : memref<128xi32, #tpu.memory_space<vmem>>, vector<16xi32>,
    tpu.vector_store %arg8[%swap3A_244], %get3A_243 {strides = array<i32>} : memref<128xi32, #tpu.memory_space<vmem>>, vector<16xi32>,
    %get3A_246 = arith.constant 3 : i32
    %get3A_247 = arith.index_cast %get3A_246 : i32 to index
    %get3A_248 = arith.constant 16 : index
    %get3A_249 = tpu.vector_load %arg6[%get3A_247, %get3A_248] {strides = array<i32>} : memref<200x128xi32, #tpu.memory_space<vmem>>, vector<16xi32>,
    %swap3A_250 = arith.constant 16 : index
    %swap3A_251 = tpu.vector_load %arg8[%swap3A_250] {strides = array<i32>} : memref<128xi32, #tpu.memory_space<vmem>>, vector<16xi32>,
    tpu.vector_store %arg8[%swap3A_250], %get3A_249 {strides = array<i32>} : memref<128xi32, #tpu.memory_space<vmem>>, vector<16xi32>,
    %get3A_252 = arith.constant 3 : i32
    %get3A_253 = arith.index_cast %get3A_252 : i32 to index
    %get3A_254 = arith.constant 32 : index
    %get3A_255 = tpu.vector_load %arg6[%get3A_253, %get3A_254] {strides = array<i32>} : memref<200x128xi32, #tpu.memory_space<vmem>>, vector<16xi32>,
    %swap3A_256 = arith.constant 32 : index
    %swap3A_257 = tpu.vector_load %arg8[%swap3A_256] {strides = array<i32>} : memref<128xi32, #tpu.memory_space<vmem>>, vector<16xi32>,
    tpu.vector_store %arg8[%swap3A_256], %get3A_255 {strides = array<i32>} : memref<128xi32, #tpu.memory_space<vmem>>, vector<16xi32>,
    %get3A_258 = arith.constant 3 : i32
    %get3A_259 = arith.index_cast %get3A_258 : i32 to index
    %get3A_260 = arith.constant 48 : index
    %get3A_261 = tpu.vector_load %arg6[%get3A_259, %get3A_260] {strides = array<i32>} : memref<200x128xi32, #tpu.memory_space<vmem>>, vector<16xi32>,
    %swap3A_262 = arith.constant 48 : index
    %swap3A_263 = tpu.vector_load %arg8[%swap3A_262] {strides = array<i32>} : memref<128xi32, #tpu.memory_space<vmem>>, vector<16xi32>,
    tpu.vector_store %arg8[%swap3A_262], %get3A_261 {strides = array<i32>} : memref<128xi32, #tpu.memory_space<vmem>>, vector<16xi32>,
    %get3A_264 = arith.constant 3 : i32
    %get3A_265 = arith.index_cast %get3A_264 : i32 to index
    %get3A_266 = arith.constant 64 : index
    %get3A_267 = tpu.vector_load %arg6[%get3A_265, %get3A_266] {strides = array<i32>} : memref<200x128xi32, #tpu.memory_space<vmem>>, vector<16xi32>,
    %swap3A_268 = arith.constant 64 : index
    %swap3A_269 = tpu.vector_load %arg8[%swap3A_268] {strides = array<i32>} : memref<128xi32, #tpu.memory_space<vmem>>, vector<16xi32>,
    tpu.vector_store %arg8[%swap3A_268], %get3A_267 {strides = array<i32>} : memref<128xi32, #tpu.memory_space<vmem>>, vector<16xi32>,
    %get3A_270 = arith.constant 3 : i32
    %get3A_271 = arith.index_cast %get3A_270 : i32 to index
    %get3A_272 = arith.constant 80 : index
    %get3A_273 = tpu.vector_load %arg6[%get3A_271, %get3A_272] {strides = array<i32>} : memref<200x128xi32, #tpu.memory_space<vmem>>, vector<16xi32>,
    %swap3A_274 = arith.constant 80 : index
    %swap3A_275 = tpu.vector_load %arg8[%swap3A_274] {strides = array<i32>} : memref<128xi32, #tpu.memory_space<vmem>>, vector<16xi32>,
    tpu.vector_store %arg8[%swap3A_274], %get3A_273 {strides = array<i32>} : memref<128xi32, #tpu.memory_space<vmem>>, vector<16xi32>,
    %get3A_276 = arith.constant 3 : i32
    %get3A_277 = arith.index_cast %get3A_276 : i32 to index
    %get3A_278 = arith.constant 96 : index
    %get3A_279 = tpu.vector_load %arg6[%get3A_277, %get3A_278] {strides = array<i32>} : memref<200x128xi32, #tpu.memory_space<vmem>>, vector<16xi32>,
    %swap3A_280 = arith.constant 96 : index
    %swap3A_281 = tpu.vector_load %arg8[%swap3A_280] {strides = array<i32>} : memref<128xi32, #tpu.memory_space<vmem>>, vector<16xi32>,
    tpu.vector_store %arg8[%swap3A_280], %get3A_279 {strides = array<i32>} : memref<128xi32, #tpu.memory_space<vmem>>, vector<16xi32>,
    %get3A_282 = arith.constant 3 : i32
    %get3A_283 = arith.index_cast %get3A_282 : i32 to index
    %get3A_284 = arith.constant 112 : index
    %get3A_285 = tpu.vector_load %arg6[%get3A_283, %get3A_284] {strides = array<i32>} : memref<200x128xi32, #tpu.memory_space<vmem>>, vector<16xi32>,
    %swap3A_286 = arith.constant 112 : index
    %swap3A_287 = tpu.vector_load %arg8[%swap3A_286] {strides = array<i32>} : memref<128xi32, #tpu.memory_space<vmem>>, vector<16xi32>,
    tpu.vector_store %arg8[%swap3A_286], %get3A_285 {strides = array<i32>} : memref<128xi32, #tpu.memory_space<vmem>>, vector<16xi32>,
    %dma_start3A_288 = arith.constant 0 : i32
    %dma_start3A_289 = arith.constant 0 : i32
    %dma_start3A_290 = tpu.memref_slice %arg3[%dma_start3A_288, %dma_start3A_289] : memref<1000000x64xf32, #tpu.memory_space<hbm>> -> memref<1000000x64xf32, #tpu.memory_space<hbm>>
    tpu.enqueue_indirect_dma source(%dma_start3A_290 : memref<1000000x64xf32, #tpu.memory_space<hbm>>) target(%arg10 : memref<128x64xf32, #tpu.memory_space<vmem>>) offsets(%arg8 : memref<128xi32, #tpu.memory_space<vmem>>) semaphore(%arg15 : memref<!tpu.dma_semaphore, #tpu.memory_space<semaphore_mem>>)
    %dma_start3A_291 = arith.constant 1 : i32
    %dma_start3A_292 = arith.constant 0 : i32
    %dma_start3A_293 = tpu.memref_slice %arg5[%dma_start3A_291, %dma_start3A_292, %multiple_of3A] : memref<200x64x4096xf32, #tpu.memory_space<hbm>> -> memref<1x64x128xf32, #tpu.memory_space<hbm>>
    %dma_start3A_294 = tpu.memref_squeeze %dma_start3A_293 : memref<1x64x128xf32, #tpu.memory_space<hbm>> -> memref<64x128xf32, #tpu.memory_space<hbm>>
    %dma_start3A_295 = arith.constant 0 : i32
    %dma_start3A_296 = tpu.memref_slice %arg5[%dma_start3A_291, %dma_start3A_295, %multiple_of3A] : memref<200x64x4096xf32, #tpu.memory_space<hbm>> -> memref<1x64x128xf32, #tpu.memory_space<hbm>>
    %dma_start3A_297 = tpu.memref_squeeze %dma_start3A_296 : memref<1x64x128xf32, #tpu.memory_space<hbm>> -> memref<64x128xf32, #tpu.memory_space<hbm>>
    tpu.enqueue_dma source(%arg12 : memref<64x128xf32, #tpu.memory_space<vmem>>) target(%dma_start3A_297 : memref<64x128xf32, #tpu.memory_space<hbm>>) target_semaphore(%arg17 : memref<!tpu.dma_semaphore, #tpu.memory_space<semaphore_mem>>)
    %scan3A_298 = arith.constant 0 : i32
    %scan3A_299 = arith.constant 1 : i32
    %scan3A_300 = arith.constant 98 : i32
    %scan3A_301 = arith.addi %scan3A_299, %scan3A_300 : i32
    %scan3A_302 = arith.constant 1 : i32
    scf.for %scan3A_430 = %scan3A_299 to %scan3A_301 step %scan3A_302  : i32 {
      %mul3A_431 = arith.constant 2 : i32
      %mul3A_432 = arith.muli %scan3A_430, %mul3A_431 : i32
      %add3A_433 = arith.constant 0 : i32
      %add3A_434 = arith.addi %mul3A_432, %add3A_433 : i32
      %dma_wait3A_435 = arith.constant 0 : i32
      %dma_wait3A_436 = arith.constant 0 : i32
      %dma_wait3A_437 = tpu.memref_slice %arg3[%dma_wait3A_435, %dma_wait3A_436] : memref<1000000x64xf32, #tpu.memory_space<hbm>> -> memref<1000000x64xf32, #tpu.memory_space<hbm>>
      tpu.wait_indirect_dma semaphore(%arg14 : memref<!tpu.dma_semaphore, #tpu.memory_space<semaphore_mem>>) src(%dma_wait3A_437 : memref<1000000x64xf32, #tpu.memory_space<hbm>>) dst(%arg9 : memref<128x64xf32, #tpu.memory_space<vmem>>)
      %sub3A = arith.constant 2 : i32
      %sub3A_438 = arith.subi %add3A_434, %sub3A : i32
      %dma_wait3A_439 = arith.constant 0 : i32
      %dma_wait3A_440 = tpu.memref_slice %arg5[%sub3A_438, %dma_wait3A_439, %multiple_of3A] : memref<200x64x4096xf32, #tpu.memory_space<hbm>> -> memref<1x64x128xf32, #tpu.memory_space<hbm>>
      %dma_wait3A_441 = tpu.memref_squeeze %dma_wait3A_440 : memref<1x64x128xf32, #tpu.memory_space<hbm>> -> memref<64x128xf32, #tpu.memory_space<hbm>>
      %dma_wait3A_442 = arith.constant 0 : i32
      %dma_wait3A_443 = tpu.memref_slice %arg5[%sub3A_438, %dma_wait3A_442, %multiple_of3A] : memref<200x64x4096xf32, #tpu.memory_space<hbm>> -> memref<1x64x128xf32, #tpu.memory_space<hbm>>
      %dma_wait3A_444 = tpu.memref_squeeze %dma_wait3A_443 : memref<1x64x128xf32, #tpu.memory_space<hbm>> -> memref<64x128xf32, #tpu.memory_space<hbm>>
      tpu.wait_dma2 semaphore(%arg16 : memref<!tpu.dma_semaphore, #tpu.memory_space<semaphore_mem>>) src(%arg11 : memref<64x128xf32, #tpu.memory_space<vmem>>) dst(%dma_wait3A_444 : memref<64x128xf32, #tpu.memory_space<hbm>>)
      %iota3A_445 = tpu.iota {dimensions = array<i32: 0>} : vector<16xi32>
      %add3A_446 = arith.constant 0 : i32
      %add3A_447 = vector.broadcast %add3A_446 : i32 to vector<16xi32>
      %add3A_448 = arith.addi %iota3A_445, %add3A_447 : vector<16xi32>
      %iota3A_449 = tpu.iota {dimensions = array<i32: 0>} : vector<16xi32>
      %add3A_450 = arith.constant 16 : i32
      %add3A_451 = vector.broadcast %add3A_450 : i32 to vector<16xi32>
      %add3A_452 = arith.addi %iota3A_449, %add3A_451 : vector<16xi32>
      %iota3A_453 = tpu.iota {dimensions = array<i32: 0>} : vector<16xi32>
      %add3A_454 = arith.constant 32 : i32
      %add3A_455 = vector.broadcast %add3A_454 : i32 to vector<16xi32>
      %add3A_456 = arith.addi %iota3A_453, %add3A_455 : vector<16xi32>
      %iota3A_457 = tpu.iota {dimensions = array<i32: 0>} : vector<16xi32>
      %add3A_458 = arith.constant 48 : i32
      %add3A_459 = vector.broadcast %add3A_458 : i32 to vector<16xi32>
      %add3A_460 = arith.addi %iota3A_457, %add3A_459 : vector<16xi32>
      %iota3A_461 = tpu.iota {dimensions = array<i32: 0>} : vector<16xi32>
      %add3A_462 = arith.constant 64 : i32
      %add3A_463 = vector.broadcast %add3A_462 : i32 to vector<16xi32>
      %add3A_464 = arith.addi %iota3A_461, %add3A_463 : vector<16xi32>
      %iota3A_465 = tpu.iota {dimensions = array<i32: 0>} : vector<16xi32>
      %add3A_466 = arith.constant 80 : i32
      %add3A_467 = vector.broadcast %add3A_466 : i32 to vector<16xi32>
      %add3A_468 = arith.addi %iota3A_465, %add3A_467 : vector<16xi32>
      %iota3A_469 = tpu.iota {dimensions = array<i32: 0>} : vector<16xi32>
      %add3A_470 = arith.constant 96 : i32
      %add3A_471 = vector.broadcast %add3A_470 : i32 to vector<16xi32>
      %add3A_472 = arith.addi %iota3A_469, %add3A_471 : vector<16xi32>
      %iota3A_473 = tpu.iota {dimensions = array<i32: 0>} : vector<16xi32>
      %add3A_474 = arith.constant 112 : i32
      %add3A_475 = vector.broadcast %add3A_474 : i32 to vector<16xi32>
      %add3A_476 = arith.addi %iota3A_473, %add3A_475 : vector<16xi32>
      %broadcast_in_dim3A_477 = vector.broadcast %add3A_434 : i32 to vector<16xi32>
      %scan3A_478 = arith.constant 0 : i32
      %scan3A_479 = arith.constant 16 : i32
      %scan3A_480 = arith.addi %scan3A_478, %scan3A_479 : i32
      %scan3A_481 = arith.constant 1 : i32
      scf.for %scan3A_636 = %scan3A_478 to %scan3A_480 step %scan3A_481  : i32 {
        %mul3A_637 = arith.constant 4 : i32
        %mul3A_638 = arith.muli %scan3A_636, %mul3A_637 : i32
        %add3A_639 = arith.constant 0 : i32
        %add3A_640 = arith.addi %mul3A_638, %add3A_639 : i32
        %broadcast_in_dim3A_641 = vector.broadcast %add3A_640 : i32 to vector<16xi32>
        %gather3A = tpu.vector_load_idx %arg13[%broadcast_in_dim3A_477, %broadcast_in_dim3A_641] : memref<200x64xf32, #tpu.memory_space<vmem>>[vector<16xi32>, vector<16xi32>], vector<16xf32>,
        %add3A_642 = arith.constant 1 : i32
        %add3A_643 = arith.addi %mul3A_638, %add3A_642 : i32
        %broadcast_in_dim3A_644 = vector.broadcast %add3A_643 : i32 to vector<16xi32>
        %gather3A_645 = tpu.vector_load_idx %arg13[%broadcast_in_dim3A_477, %broadcast_in_dim3A_644] : memref<200x64xf32, #tpu.memory_space<vmem>>[vector<16xi32>, vector<16xi32>], vector<16xf32>,
        %add3A_646 = arith.constant 2 : i32
        %add3A_647 = arith.addi %mul3A_638, %add3A_646 : i32
        %broadcast_in_dim3A_648 = vector.broadcast %add3A_647 : i32 to vector<16xi32>
        %gather3A_649 = tpu.vector_load_idx %arg13[%broadcast_in_dim3A_477, %broadcast_in_dim3A_648] : memref<200x64xf32, #tpu.memory_space<vmem>>[vector<16xi32>, vector<16xi32>], vector<16xf32>,
        %add3A_650 = arith.constant 3 : i32
        %add3A_651 = arith.addi %mul3A_638, %add3A_650 : i32
        %broadcast_in_dim3A_652 = vector.broadcast %add3A_651 : i32 to vector<16xi32>
        %gather3A_653 = tpu.vector_load_idx %arg13[%broadcast_in_dim3A_477, %broadcast_in_dim3A_652] : memref<200x64xf32, #tpu.memory_space<vmem>>[vector<16xi32>, vector<16xi32>], vector<16xf32>,
        %add3A_654 = arith.constant 0 : i32
        %add3A_655 = arith.addi %mul3A_638, %add3A_654 : i32
        %broadcast_in_dim3A_656 = vector.broadcast %add3A_655 : i32 to vector<16xi32>
        %gather3A_657 = tpu.vector_load_idx %arg9[%add3A_448, %broadcast_in_dim3A_656] : memref<128x64xf32, #tpu.memory_space<vmem>>[vector<16xi32>, vector<16xi32>], vector<16xf32>,
        %add3A_658 = arith.addf %gather3A_657, %gather3A : vector<16xf32>
        %add3A_659 = arith.constant 0 : i32
        %add3A_660 = arith.addi %mul3A_638, %add3A_659 : i32
        %swap3A_661 = arith.index_cast %add3A_660 : i32 to index
        %swap3A_662 = arith.constant 0 : index
        %swap3A_663 = tpu.vector_load %arg11[%swap3A_661, %swap3A_662] {strides = array<i32>} : memref<64x128xf32, #tpu.memory_space<vmem>>, vector<16xf32>,
        tpu.vector_store %arg11[%swap3A_661, %swap3A_662], %add3A_658 {strides = array<i32>} : memref<64x128xf32, #tpu.memory_space<vmem>>, vector<16xf32>,
        %add3A_664 = arith.constant 1 : i32
        %add3A_665 = arith.addi %mul3A_638, %add3A_664 : i32
        %broadcast_in_dim3A_666 = vector.broadcast %add3A_665 : i32 to vector<16xi32>
        %gather3A_667 = tpu.vector_load_idx %arg9[%add3A_448, %broadcast_in_dim3A_666] : memref<128x64xf32, #tpu.memory_space<vmem>>[vector<16xi32>, vector<16xi32>], vector<16xf32>,
        %add3A_668 = arith.addf %gather3A_667, %gather3A_645 : vector<16xf32>
        %add3A_669 = arith.constant 1 : i32
        %add3A_670 = arith.addi %mul3A_638, %add3A_669 : i32
        %swap3A_671 = arith.index_cast %add3A_670 : i32 to index
        %swap3A_672 = arith.constant 0 : index
        %swap3A_673 = tpu.vector_load %arg11[%swap3A_671, %swap3A_672] {strides = array<i32>} : memref<64x128xf32, #tpu.memory_space<vmem>>, vector<16xf32>,
        tpu.vector_store %arg11[%swap3A_671, %swap3A_672], %add3A_668 {strides = array<i32>} : memref<64x128xf32, #tpu.memory_space<vmem>>, vector<16xf32>,
        %add3A_674 = arith.constant 2 : i32
        %add3A_675 = arith.addi %mul3A_638, %add3A_674 : i32
        %broadcast_in_dim3A_676 = vector.broadcast %add3A_675 : i32 to vector<16xi32>
        %gather3A_677 = tpu.vector_load_idx %arg9[%add3A_448, %broadcast_in_dim3A_676] : memref<128x64xf32, #tpu.memory_space<vmem>>[vector<16xi32>, vector<16xi32>], vector<16xf32>,
        %add3A_678 = arith.addf %gather3A_677, %gather3A_649 : vector<16xf32>
        %add3A_679 = arith.constant 2 : i32
        %add3A_680 = arith.addi %mul3A_638, %add3A_679 : i32
        %swap3A_681 = arith.index_cast %add3A_680 : i32 to index
        %swap3A_682 = arith.constant 0 : index
        %swap3A_683 = tpu.vector_load %arg11[%swap3A_681, %swap3A_682] {strides = array<i32>} : memref<64x128xf32, #tpu.memory_space<vmem>>, vector<16xf32>,
        tpu.vector_store %arg11[%swap3A_681, %swap3A_682], %add3A_678 {strides = array<i32>} : memref<64x128xf32, #tpu.memory_space<vmem>>, vector<16xf32>,
        %add3A_684 = arith.constant 3 : i32
        %add3A_685 = arith.addi %mul3A_638, %add3A_684 : i32
        %broadcast_in_dim3A_686 = vector.broadcast %add3A_685 : i32 to vector<16xi32>
        %gather3A_687 = tpu.vector_load_idx %arg9[%add3A_448, %broadcast_in_dim3A_686] : memref<128x64xf32, #tpu.memory_space<vmem>>[vector<16xi32>, vector<16xi32>], vector<16xf32>,
        %add3A_688 = arith.addf %gather3A_687, %gather3A_653 : vector<16xf32>
        %add3A_689 = arith.constant 3 : i32
        %add3A_690 = arith.addi %mul3A_638, %add3A_689 : i32
        %swap3A_691 = arith.index_cast %add3A_690 : i32 to index
        %swap3A_692 = arith.constant 0 : index
        %swap3A_693 = tpu.vector_load %arg11[%swap3A_691, %swap3A_692] {strides = array<i32>} : memref<64x128xf32, #tpu.memory_space<vmem>>, vector<16xf32>,
        tpu.vector_store %arg11[%swap3A_691, %swap3A_692], %add3A_688 {strides = array<i32>} : memref<64x128xf32, #tpu.memory_space<vmem>>, vector<16xf32>,
        %add3A_694 = arith.constant 0 : i32
        %add3A_695 = arith.addi %mul3A_638, %add3A_694 : i32
        %broadcast_in_dim3A_696 = vector.broadcast %add3A_695 : i32 to vector<16xi32>
        %gather3A_697 = tpu.vector_load_idx %arg9[%add3A_452, %broadcast_in_dim3A_696] : memref<128x64xf32, #tpu.memory_space<vmem>>[vector<16xi32>, vector<16xi32>], vector<16xf32>,
        %add3A_698 = arith.addf %gather3A_697, %gather3A : vector<16xf32>
        %add3A_699 = arith.constant 0 : i32
        %add3A_700 = arith.addi %mul3A_638, %add3A_699 : i32
        %swap3A_701 = arith.index_cast %add3A_700 : i32 to index
        %swap3A_702 = arith.constant 16 : index
        %swap3A_703 = tpu.vector_load %arg11[%swap3A_701, %swap3A_702] {strides = array<i32>} : memref<64x128xf32, #tpu.memory_space<vmem>>, vector<16xf32>,
        tpu.vector_store %arg11[%swap3A_701, %swap3A_702], %add3A_698 {strides = array<i32>} : memref<64x128xf32, #tpu.memory_space<vmem>>, vector<16xf32>,
        %add3A_704 = arith.constant 1 : i32
        %add3A_705 = arith.addi %mul3A_638, %add3A_704 : i32
        %broadcast_in_dim3A_706 = vector.broadcast %add3A_705 : i32 to vector<16xi32>
        %gather3A_707 = tpu.vector_load_idx %arg9[%add3A_452, %broadcast_in_dim3A_706] : memref<128x64xf32, #tpu.memory_space<vmem>>[vector<16xi32>, vector<16xi32>], vector<16xf32>,
        %add3A_708 = arith.addf %gather3A_707, %gather3A_645 : vector<16xf32>
        %add3A_709 = arith.constant 1 : i32
        %add3A_710 = arith.addi %mul3A_638, %add3A_709 : i32
        %swap3A_711 = arith.index_cast %add3A_710 : i32 to index
        %swap3A_712 = arith.constant 16 : index
        %swap3A_713 = tpu.vector_load %arg11[%swap3A_711, %swap3A_712] {strides = array<i32>} : memref<64x128xf32, #tpu.memory_space<vmem>>, vector<16xf32>,
        tpu.vector_store %arg11[%swap3A_711, %swap3A_712], %add3A_708 {strides = array<i32>} : memref<64x128xf32, #tpu.memory_space<vmem>>, vector<16xf32>,
        %add3A_714 = arith.constant 2 : i32
        %add3A_715 = arith.addi %mul3A_638, %add3A_714 : i32
        %broadcast_in_dim3A_716 = vector.broadcast %add3A_715 : i32 to vector<16xi32>
        %gather3A_717 = tpu.vector_load_idx %arg9[%add3A_452, %broadcast_in_dim3A_716] : memref<128x64xf32, #tpu.memory_space<vmem>>[vector<16xi32>, vector<16xi32>], vector<16xf32>,
        %add3A_718 = arith.addf %gather3A_717, %gather3A_649 : vector<16xf32>
        %add3A_719 = arith.constant 2 : i32
        %add3A_720 = arith.addi %mul3A_638, %add3A_719 : i32
        %swap3A_721 = arith.index_cast %add3A_720 : i32 to index
        %swap3A_722 = arith.constant 16 : index
        %swap3A_723 = tpu.vector_load %arg11[%swap3A_721, %swap3A_722] {strides = array<i32>} : memref<64x128xf32, #tpu.memory_space<vmem>>, vector<16xf32>,
        tpu.vector_store %arg11[%swap3A_721, %swap3A_722], %add3A_718 {strides = array<i32>} : memref<64x128xf32, #tpu.memory_space<vmem>>, vector<16xf32>,
        %add3A_724 = arith.constant 3 : i32
        %add3A_725 = arith.addi %mul3A_638, %add3A_724 : i32
        %broadcast_in_dim3A_726 = vector.broadcast %add3A_725 : i32 to vector<16xi32>
        %gather3A_727 = tpu.vector_load_idx %arg9[%add3A_452, %broadcast_in_dim3A_726] : memref<128x64xf32, #tpu.memory_space<vmem>>[vector<16xi32>, vector<16xi32>], vector<16xf32>,
        %add3A_728 = arith.addf %gather3A_727, %gather3A_653 : vector<16xf32>
        %add3A_729 = arith.constant 3 : i32
        %add3A_730 = arith.addi %mul3A_638, %add3A_729 : i32
        %swap3A_731 = arith.index_cast %add3A_730 : i32 to index
        %swap3A_732 = arith.constant 16 : index
        %swap3A_733 = tpu.vector_load %arg11[%swap3A_731, %swap3A_732] {strides = array<i32>} : memref<64x128xf32, #tpu.memory_space<vmem>>, vector<16xf32>,
        tpu.vector_store %arg11[%swap3A_731, %swap3A_732], %add3A_728 {strides = array<i32>} : memref<64x128xf32, #tpu.memory_space<vmem>>, vector<16xf32>,
        %add3A_734 = arith.constant 0 : i32
        %add3A_735 = arith.addi %mul3A_638, %add3A_734 : i32
        %broadcast_in_dim3A_736 = vector.broadcast %add3A_735 : i32 to vector<16xi32>
        %gather3A_737 = tpu.vector_load_idx %arg9[%add3A_456, %broadcast_in_dim3A_736] : memref<128x64xf32, #tpu.memory_space<vmem>>[vector<16xi32>, vector<16xi32>], vector<16xf32>,
        %add3A_738 = arith.addf %gather3A_737, %gather3A : vector<16xf32>
        %add3A_739 = arith.constant 0 : i32
        %add3A_740 = arith.addi %mul3A_638, %add3A_739 : i32
        %swap3A_741 = arith.index_cast %add3A_740 : i32 to index
        %swap3A_742 = arith.constant 32 : index
        %swap3A_743 = tpu.vector_load %arg11[%swap3A_741, %swap3A_742] {strides = array<i32>} : memref<64x128xf32, #tpu.memory_space<vmem>>, vector<16xf32>,
        tpu.vector_store %arg11[%swap3A_741, %swap3A_742], %add3A_738 {strides = array<i32>} : memref<64x128xf32, #tpu.memory_space<vmem>>, vector<16xf32>,
        %add3A_744 = arith.constant 1 : i32
        %add3A_745 = arith.addi %mul3A_638, %add3A_744 : i32
        %broadcast_in_dim3A_746 = vector.broadcast %add3A_745 : i32 to vector<16xi32>
        %gather3A_747 = tpu.vector_load_idx %arg9[%add3A_456, %broadcast_in_dim3A_746] : memref<128x64xf32, #tpu.memory_space<vmem>>[vector<16xi32>, vector<16xi32>], vector<16xf32>,
        %add3A_748 = arith.addf %gather3A_747, %gather3A_645 : vector<16xf32>
        %add3A_749 = arith.constant 1 : i32
        %add3A_750 = arith.addi %mul3A_638, %add3A_749 : i32
        %swap3A_751 = arith.index_cast %add3A_750 : i32 to index
        %swap3A_752 = arith.constant 32 : index
        %swap3A_753 = tpu.vector_load %arg11[%swap3A_751, %swap3A_752] {strides = array<i32>} : memref<64x128xf32, #tpu.memory_space<vmem>>, vector<16xf32>,
        tpu.vector_store %arg11[%swap3A_751, %swap3A_752], %add3A_748 {strides = array<i32>} : memref<64x128xf32, #tpu.memory_space<vmem>>, vector<16xf32>,
        %add3A_754 = arith.constant 2 : i32
        %add3A_755 = arith.addi %mul3A_638, %add3A_754 : i32
        %broadcast_in_dim3A_756 = vector.broadcast %add3A_755 : i32 to vector<16xi32>
        %gather3A_757 = tpu.vector_load_idx %arg9[%add3A_456, %broadcast_in_dim3A_756] : memref<128x64xf32, #tpu.memory_space<vmem>>[vector<16xi32>, vector<16xi32>], vector<16xf32>,
        %add3A_758 = arith.addf %gather3A_757, %gather3A_649 : vector<16xf32>
        %add3A_759 = arith.constant 2 : i32
        %add3A_760 = arith.addi %mul3A_638, %add3A_759 : i32
        %swap3A_761 = arith.index_cast %add3A_760 : i32 to index
        %swap3A_762 = arith.constant 32 : index
        %swap3A_763 = tpu.vector_load %arg11[%swap3A_761, %swap3A_762] {strides = array<i32>} : memref<64x128xf32, #tpu.memory_space<vmem>>, vector<16xf32>,
        tpu.vector_store %arg11[%swap3A_761, %swap3A_762], %add3A_758 {strides = array<i32>} : memref<64x128xf32, #tpu.memory_space<vmem>>, vector<16xf32>,
        %add3A_764 = arith.constant 3 : i32
        %add3A_765 = arith.addi %mul3A_638, %add3A_764 : i32
        %broadcast_in_dim3A_766 = vector.broadcast %add3A_765 : i32 to vector<16xi32>
        %gather3A_767 = tpu.vector_load_idx %arg9[%add3A_456, %broadcast_in_dim3A_766] : memref<128x64xf32, #tpu.memory_space<vmem>>[vector<16xi32>, vector<16xi32>], vector<16xf32>,
        %add3A_768 = arith.addf %gather3A_767, %gather3A_653 : vector<16xf32>
        %add3A_769 = arith.constant 3 : i32
        %add3A_770 = arith.addi %mul3A_638, %add3A_769 : i32
        %swap3A_771 = arith.index_cast %add3A_770 : i32 to index
        %swap3A_772 = arith.constant 32 : index
        %swap3A_773 = tpu.vector_load %arg11[%swap3A_771, %swap3A_772] {strides = array<i32>} : memref<64x128xf32, #tpu.memory_space<vmem>>, vector<16xf32>,
        tpu.vector_store %arg11[%swap3A_771, %swap3A_772], %add3A_768 {strides = array<i32>} : memref<64x128xf32, #tpu.memory_space<vmem>>, vector<16xf32>,
        %add3A_774 = arith.constant 0 : i32
        %add3A_775 = arith.addi %mul3A_638, %add3A_774 : i32
        %broadcast_in_dim3A_776 = vector.broadcast %add3A_775 : i32 to vector<16xi32>
        %gather3A_777 = tpu.vector_load_idx %arg9[%add3A_460, %broadcast_in_dim3A_776] : memref<128x64xf32, #tpu.memory_space<vmem>>[vector<16xi32>, vector<16xi32>], vector<16xf32>,
        %add3A_778 = arith.addf %gather3A_777, %gather3A : vector<16xf32>
        %add3A_779 = arith.constant 0 : i32
        %add3A_780 = arith.addi %mul3A_638, %add3A_779 : i32
        %swap3A_781 = arith.index_cast %add3A_780 : i32 to index
        %swap3A_782 = arith.constant 48 : index
        %swap3A_783 = tpu.vector_load %arg11[%swap3A_781, %swap3A_782] {strides = array<i32>} : memref<64x128xf32, #tpu.memory_space<vmem>>, vector<16xf32>,
        tpu.vector_store %arg11[%swap3A_781, %swap3A_782], %add3A_778 {strides = array<i32>} : memref<64x128xf32, #tpu.memory_space<vmem>>, vector<16xf32>,
        %add3A_784 = arith.constant 1 : i32
        %add3A_785 = arith.addi %mul3A_638, %add3A_784 : i32
        %broadcast_in_dim3A_786 = vector.broadcast %add3A_785 : i32 to vector<16xi32>
        %gather3A_787 = tpu.vector_load_idx %arg9[%add3A_460, %broadcast_in_dim3A_786] : memref<128x64xf32, #tpu.memory_space<vmem>>[vector<16xi32>, vector<16xi32>], vector<16xf32>,
        %add3A_788 = arith.addf %gather3A_787, %gather3A_645 : vector<16xf32>
        %add3A_789 = arith.constant 1 : i32
        %add3A_790 = arith.addi %mul3A_638, %add3A_789 : i32
        %swap3A_791 = arith.index_cast %add3A_790 : i32 to index
        %swap3A_792 = arith.constant 48 : index
        %swap3A_793 = tpu.vector_load %arg11[%swap3A_791, %swap3A_792] {strides = array<i32>} : memref<64x128xf32, #tpu.memory_space<vmem>>, vector<16xf32>,
        tpu.vector_store %arg11[%swap3A_791, %swap3A_792], %add3A_788 {strides = array<i32>} : memref<64x128xf32, #tpu.memory_space<vmem>>, vector<16xf32>,
        %add3A_794 = arith.constant 2 : i32
        %add3A_795 = arith.addi %mul3A_638, %add3A_794 : i32
        %broadcast_in_dim3A_796 = vector.broadcast %add3A_795 : i32 to vector<16xi32>
        %gather3A_797 = tpu.vector_load_idx %arg9[%add3A_460, %broadcast_in_dim3A_796] : memref<128x64xf32, #tpu.memory_space<vmem>>[vector<16xi32>, vector<16xi32>], vector<16xf32>,
        %add3A_798 = arith.addf %gather3A_797, %gather3A_649 : vector<16xf32>
        %add3A_799 = arith.constant 2 : i32
        %add3A_800 = arith.addi %mul3A_638, %add3A_799 : i32
        %swap3A_801 = arith.index_cast %add3A_800 : i32 to index
        %swap3A_802 = arith.constant 48 : index
        %swap3A_803 = tpu.vector_load %arg11[%swap3A_801, %swap3A_802] {strides = array<i32>} : memref<64x128xf32, #tpu.memory_space<vmem>>, vector<16xf32>,
        tpu.vector_store %arg11[%swap3A_801, %swap3A_802], %add3A_798 {strides = array<i32>} : memref<64x128xf32, #tpu.memory_space<vmem>>, vector<16xf32>,
        %add3A_804 = arith.constant 3 : i32
        %add3A_805 = arith.addi %mul3A_638, %add3A_804 : i32
        %broadcast_in_dim3A_806 = vector.broadcast %add3A_805 : i32 to vector<16xi32>
        %gather3A_807 = tpu.vector_load_idx %arg9[%add3A_460, %broadcast_in_dim3A_806] : memref<128x64xf32, #tpu.memory_space<vmem>>[vector<16xi32>, vector<16xi32>], vector<16xf32>,
        %add3A_808 = arith.addf %gather3A_807, %gather3A_653 : vector<16xf32>
        %add3A_809 = arith.constant 3 : i32
        %add3A_810 = arith.addi %mul3A_638, %add3A_809 : i32
        %swap3A_811 = arith.index_cast %add3A_810 : i32 to index
        %swap3A_812 = arith.constant 48 : index
        %swap3A_813 = tpu.vector_load %arg11[%swap3A_811, %swap3A_812] {strides = array<i32>} : memref<64x128xf32, #tpu.memory_space<vmem>>, vector<16xf32>,
        tpu.vector_store %arg11[%swap3A_811, %swap3A_812], %add3A_808 {strides = array<i32>} : memref<64x128xf32, #tpu.memory_space<vmem>>, vector<16xf32>,
        %add3A_814 = arith.constant 0 : i32
        %add3A_815 = arith.addi %mul3A_638, %add3A_814 : i32
        %broadcast_in_dim3A_816 = vector.broadcast %add3A_815 : i32 to vector<16xi32>
        %gather3A_817 = tpu.vector_load_idx %arg9[%add3A_464, %broadcast_in_dim3A_816] : memref<128x64xf32, #tpu.memory_space<vmem>>[vector<16xi32>, vector<16xi32>], vector<16xf32>,
        %add3A_818 = arith.addf %gather3A_817, %gather3A : vector<16xf32>
        %add3A_819 = arith.constant 0 : i32
        %add3A_820 = arith.addi %mul3A_638, %add3A_819 : i32
        %swap3A_821 = arith.index_cast %add3A_820 : i32 to index
        %swap3A_822 = arith.constant 64 : index
        %swap3A_823 = tpu.vector_load %arg11[%swap3A_821, %swap3A_822] {strides = array<i32>} : memref<64x128xf32, #tpu.memory_space<vmem>>, vector<16xf32>,
        tpu.vector_store %arg11[%swap3A_821, %swap3A_822], %add3A_818 {strides = array<i32>} : memref<64x128xf32, #tpu.memory_space<vmem>>, vector<16xf32>,
        %add3A_824 = arith.constant 1 : i32
        %add3A_825 = arith.addi %mul3A_638, %add3A_824 : i32
        %broadcast_in_dim3A_826 = vector.broadcast %add3A_825 : i32 to vector<16xi32>
        %gather3A_827 = tpu.vector_load_idx %arg9[%add3A_464, %broadcast_in_dim3A_826] : memref<128x64xf32, #tpu.memory_space<vmem>>[vector<16xi32>, vector<16xi32>], vector<16xf32>,
        %add3A_828 = arith.addf %gather3A_827, %gather3A_645 : vector<16xf32>
        %add3A_829 = arith.constant 1 : i32
        %add3A_830 = arith.addi %mul3A_638, %add3A_829 : i32
        %swap3A_831 = arith.index_cast %add3A_830 : i32 to index
        %swap3A_832 = arith.constant 64 : index
        %swap3A_833 = tpu.vector_load %arg11[%swap3A_831, %swap3A_832] {strides = array<i32>} : memref<64x128xf32, #tpu.memory_space<vmem>>, vector<16xf32>,
        tpu.vector_store %arg11[%swap3A_831, %swap3A_832], %add3A_828 {strides = array<i32>} : memref<64x128xf32, #tpu.memory_space<vmem>>, vector<16xf32>,
        %add3A_834 = arith.constant 2 : i32
        %add3A_835 = arith.addi %mul3A_638, %add3A_834 : i32
        %broadcast_in_dim3A_836 = vector.broadcast %add3A_835 : i32 to vector<16xi32>
        %gather3A_837 = tpu.vector_load_idx %arg9[%add3A_464, %broadcast_in_dim3A_836] : memref<128x64xf32, #tpu.memory_space<vmem>>[vector<16xi32>, vector<16xi32>], vector<16xf32>,
        %add3A_838 = arith.addf %gather3A_837, %gather3A_649 : vector<16xf32>
        %add3A_839 = arith.constant 2 : i32
        %add3A_840 = arith.addi %mul3A_638, %add3A_839 : i32
        %swap3A_841 = arith.index_cast %add3A_840 : i32 to index
        %swap3A_842 = arith.constant 64 : index
        %swap3A_843 = tpu.vector_load %arg11[%swap3A_841, %swap3A_842] {strides = array<i32>} : memref<64x128xf32, #tpu.memory_space<vmem>>, vector<16xf32>,
        tpu.vector_store %arg11[%swap3A_841, %swap3A_842], %add3A_838 {strides = array<i32>} : memref<64x128xf32, #tpu.memory_space<vmem>>, vector<16xf32>,
        %add3A_844 = arith.constant 3 : i32
        %add3A_845 = arith.addi %mul3A_638, %add3A_844 : i32
        %broadcast_in_dim3A_846 = vector.broadcast %add3A_845 : i32 to vector<16xi32>
        %gather3A_847 = tpu.vector_load_idx %arg9[%add3A_464, %broadcast_in_dim3A_846] : memref<128x64xf32, #tpu.memory_space<vmem>>[vector<16xi32>, vector<16xi32>], vector<16xf32>,
        %add3A_848 = arith.addf %gather3A_847, %gather3A_653 : vector<16xf32>
        %add3A_849 = arith.constant 3 : i32
        %add3A_850 = arith.addi %mul3A_638, %add3A_849 : i32
        %swap3A_851 = arith.index_cast %add3A_850 : i32 to index
        %swap3A_852 = arith.constant 64 : index
        %swap3A_853 = tpu.vector_load %arg11[%swap3A_851, %swap3A_852] {strides = array<i32>} : memref<64x128xf32, #tpu.memory_space<vmem>>, vector<16xf32>,
        tpu.vector_store %arg11[%swap3A_851, %swap3A_852], %add3A_848 {strides = array<i32>} : memref<64x128xf32, #tpu.memory_space<vmem>>, vector<16xf32>,
        %add3A_854 = arith.constant 0 : i32
        %add3A_855 = arith.addi %mul3A_638, %add3A_854 : i32
        %broadcast_in_dim3A_856 = vector.broadcast %add3A_855 : i32 to vector<16xi32>
        %gather3A_857 = tpu.vector_load_idx %arg9[%add3A_468, %broadcast_in_dim3A_856] : memref<128x64xf32, #tpu.memory_space<vmem>>[vector<16xi32>, vector<16xi32>], vector<16xf32>,
        %add3A_858 = arith.addf %gather3A_857, %gather3A : vector<16xf32>
        %add3A_859 = arith.constant 0 : i32
        %add3A_860 = arith.addi %mul3A_638, %add3A_859 : i32
        %swap3A_861 = arith.index_cast %add3A_860 : i32 to index
        %swap3A_862 = arith.constant 80 : index
        %swap3A_863 = tpu.vector_load %arg11[%swap3A_861, %swap3A_862] {strides = array<i32>} : memref<64x128xf32, #tpu.memory_space<vmem>>, vector<16xf32>,
        tpu.vector_store %arg11[%swap3A_861, %swap3A_862], %add3A_858 {strides = array<i32>} : memref<64x128xf32, #tpu.memory_space<vmem>>, vector<16xf32>,
        %add3A_864 = arith.constant 1 : i32
        %add3A_865 = arith.addi %mul3A_638, %add3A_864 : i32
        %broadcast_in_dim3A_866 = vector.broadcast %add3A_865 : i32 to vector<16xi32>
        %gather3A_867 = tpu.vector_load_idx %arg9[%add3A_468, %broadcast_in_dim3A_866] : memref<128x64xf32, #tpu.memory_space<vmem>>[vector<16xi32>, vector<16xi32>], vector<16xf32>,
        %add3A_868 = arith.addf %gather3A_867, %gather3A_645 : vector<16xf32>
        %add3A_869 = arith.constant 1 : i32
        %add3A_870 = arith.addi %mul3A_638, %add3A_869 : i32
        %swap3A_871 = arith.index_cast %add3A_870 : i32 to index
        %swap3A_872 = arith.constant 80 : index
        %swap3A_873 = tpu.vector_load %arg11[%swap3A_871, %swap3A_872] {strides = array<i32>} : memref<64x128xf32, #tpu.memory_space<vmem>>, vector<16xf32>,
        tpu.vector_store %arg11[%swap3A_871, %swap3A_872], %add3A_868 {strides = array<i32>} : memref<64x128xf32, #tpu.memory_space<vmem>>, vector<16xf32>,
        %add3A_874 = arith.constant 2 : i32
        %add3A_875 = arith.addi %mul3A_638, %add3A_874 : i32
        %broadcast_in_dim3A_876 = vector.broadcast %add3A_875 : i32 to vector<16xi32>
        %gather3A_877 = tpu.vector_load_idx %arg9[%add3A_468, %broadcast_in_dim3A_876] : memref<128x64xf32, #tpu.memory_space<vmem>>[vector<16xi32>, vector<16xi32>], vector<16xf32>,
        %add3A_878 = arith.addf %gather3A_877, %gather3A_649 : vector<16xf32>
        %add3A_879 = arith.constant 2 : i32
        %add3A_880 = arith.addi %mul3A_638, %add3A_879 : i32
        %swap3A_881 = arith.index_cast %add3A_880 : i32 to index
        %swap3A_882 = arith.constant 80 : index
        %swap3A_883 = tpu.vector_load %arg11[%swap3A_881, %swap3A_882] {strides = array<i32>} : memref<64x128xf32, #tpu.memory_space<vmem>>, vector<16xf32>,
        tpu.vector_store %arg11[%swap3A_881, %swap3A_882], %add3A_878 {strides = array<i32>} : memref<64x128xf32, #tpu.memory_space<vmem>>, vector<16xf32>,
        %add3A_884 = arith.constant 3 : i32
        %add3A_885 = arith.addi %mul3A_638, %add3A_884 : i32
        %broadcast_in_dim3A_886 = vector.broadcast %add3A_885 : i32 to vector<16xi32>
        %gather3A_887 = tpu.vector_load_idx %arg9[%add3A_468, %broadcast_in_dim3A_886] : memref<128x64xf32, #tpu.memory_space<vmem>>[vector<16xi32>, vector<16xi32>], vector<16xf32>,
        %add3A_888 = arith.addf %gather3A_887, %gather3A_653 : vector<16xf32>
        %add3A_889 = arith.constant 3 : i32
        %add3A_890 = arith.addi %mul3A_638, %add3A_889 : i32
        %swap3A_891 = arith.index_cast %add3A_890 : i32 to index
        %swap3A_892 = arith.constant 80 : index
        %swap3A_893 = tpu.vector_load %arg11[%swap3A_891, %swap3A_892] {strides = array<i32>} : memref<64x128xf32, #tpu.memory_space<vmem>>, vector<16xf32>,
        tpu.vector_store %arg11[%swap3A_891, %swap3A_892], %add3A_888 {strides = array<i32>} : memref<64x128xf32, #tpu.memory_space<vmem>>, vector<16xf32>,
        %add3A_894 = arith.constant 0 : i32
        %add3A_895 = arith.addi %mul3A_638, %add3A_894 : i32
        %broadcast_in_dim3A_896 = vector.broadcast %add3A_895 : i32 to vector<16xi32>
        %gather3A_897 = tpu.vector_load_idx %arg9[%add3A_472, %broadcast_in_dim3A_896] : memref<128x64xf32, #tpu.memory_space<vmem>>[vector<16xi32>, vector<16xi32>], vector<16xf32>,
        %add3A_898 = arith.addf %gather3A_897, %gather3A : vector<16xf32>
        %add3A_899 = arith.constant 0 : i32
        %add3A_900 = arith.addi %mul3A_638, %add3A_899 : i32
        %swap3A_901 = arith.index_cast %add3A_900 : i32 to index
        %swap3A_902 = arith.constant 96 : index
        %swap3A_903 = tpu.vector_load %arg11[%swap3A_901, %swap3A_902] {strides = array<i32>} : memref<64x128xf32, #tpu.memory_space<vmem>>, vector<16xf32>,
        tpu.vector_store %arg11[%swap3A_901, %swap3A_902], %add3A_898 {strides = array<i32>} : memref<64x128xf32, #tpu.memory_space<vmem>>, vector<16xf32>,
        %add3A_904 = arith.constant 1 : i32
        %add3A_905 = arith.addi %mul3A_638, %add3A_904 : i32
        %broadcast_in_dim3A_906 = vector.broadcast %add3A_905 : i32 to vector<16xi32>
        %gather3A_907 = tpu.vector_load_idx %arg9[%add3A_472, %broadcast_in_dim3A_906] : memref<128x64xf32, #tpu.memory_space<vmem>>[vector<16xi32>, vector<16xi32>], vector<16xf32>,
        %add3A_908 = arith.addf %gather3A_907, %gather3A_645 : vector<16xf32>
        %add3A_909 = arith.constant 1 : i32
        %add3A_910 = arith.addi %mul3A_638, %add3A_909 : i32
        %swap3A_911 = arith.index_cast %add3A_910 : i32 to index
        %swap3A_912 = arith.constant 96 : index
        %swap3A_913 = tpu.vector_load %arg11[%swap3A_911, %swap3A_912] {strides = array<i32>} : memref<64x128xf32, #tpu.memory_space<vmem>>, vector<16xf32>,
        tpu.vector_store %arg11[%swap3A_911, %swap3A_912], %add3A_908 {strides = array<i32>} : memref<64x128xf32, #tpu.memory_space<vmem>>, vector<16xf32>,
        %add3A_914 = arith.constant 2 : i32
        %add3A_915 = arith.addi %mul3A_638, %add3A_914 : i32
        %broadcast_in_dim3A_916 = vector.broadcast %add3A_915 : i32 to vector<16xi32>
        %gather3A_917 = tpu.vector_load_idx %arg9[%add3A_472, %broadcast_in_dim3A_916] : memref<128x64xf32, #tpu.memory_space<vmem>>[vector<16xi32>, vector<16xi32>], vector<16xf32>,
        %add3A_918 = arith.addf %gather3A_917, %gather3A_649 : vector<16xf32>
        %add3A_919 = arith.constant 2 : i32
        %add3A_920 = arith.addi %mul3A_638, %add3A_919 : i32
        %swap3A_921 = arith.index_cast %add3A_920 : i32 to index
        %swap3A_922 = arith.constant 96 : index
        %swap3A_923 = tpu.vector_load %arg11[%swap3A_921, %swap3A_922] {strides = array<i32>} : memref<64x128xf32, #tpu.memory_space<vmem>>, vector<16xf32>,
        tpu.vector_store %arg11[%swap3A_921, %swap3A_922], %add3A_918 {strides = array<i32>} : memref<64x128xf32, #tpu.memory_space<vmem>>, vector<16xf32>,
        %add3A_924 = arith.constant 3 : i32
        %add3A_925 = arith.addi %mul3A_638, %add3A_924 : i32
        %broadcast_in_dim3A_926 = vector.broadcast %add3A_925 : i32 to vector<16xi32>
        %gather3A_927 = tpu.vector_load_idx %arg9[%add3A_472, %broadcast_in_dim3A_926] : memref<128x64xf32, #tpu.memory_space<vmem>>[vector<16xi32>, vector<16xi32>], vector<16xf32>,
        %add3A_928 = arith.addf %gather3A_927, %gather3A_653 : vector<16xf32>
        %add3A_929 = arith.constant 3 : i32
        %add3A_930 = arith.addi %mul3A_638, %add3A_929 : i32
        %swap3A_931 = arith.index_cast %add3A_930 : i32 to index
        %swap3A_932 = arith.constant 96 : index
        %swap3A_933 = tpu.vector_load %arg11[%swap3A_931, %swap3A_932] {strides = array<i32>} : memref<64x128xf32, #tpu.memory_space<vmem>>, vector<16xf32>,
        tpu.vector_store %arg11[%swap3A_931, %swap3A_932], %add3A_928 {strides = array<i32>} : memref<64x128xf32, #tpu.memory_space<vmem>>, vector<16xf32>,
        %add3A_934 = arith.constant 0 : i32
        %add3A_935 = arith.addi %mul3A_638, %add3A_934 : i32
        %broadcast_in_dim3A_936 = vector.broadcast %add3A_935 : i32 to vector<16xi32>
        %gather3A_937 = tpu.vector_load_idx %arg9[%add3A_476, %broadcast_in_dim3A_936] : memref<128x64xf32, #tpu.memory_space<vmem>>[vector<16xi32>, vector<16xi32>], vector<16xf32>,
        %add3A_938 = arith.addf %gather3A_937, %gather3A : vector<16xf32>
        %add3A_939 = arith.constant 0 : i32
        %add3A_940 = arith.addi %mul3A_638, %add3A_939 : i32
        %swap3A_941 = arith.index_cast %add3A_940 : i32 to index
        %swap3A_942 = arith.constant 112 : index
        %swap3A_943 = tpu.vector_load %arg11[%swap3A_941, %swap3A_942] {strides = array<i32>} : memref<64x128xf32, #tpu.memory_space<vmem>>, vector<16xf32>,
        tpu.vector_store %arg11[%swap3A_941, %swap3A_942], %add3A_938 {strides = array<i32>} : memref<64x128xf32, #tpu.memory_space<vmem>>, vector<16xf32>,
        %add3A_944 = arith.constant 1 : i32
        %add3A_945 = arith.addi %mul3A_638, %add3A_944 : i32
        %broadcast_in_dim3A_946 = vector.broadcast %add3A_945 : i32 to vector<16xi32>
        %gather3A_947 = tpu.vector_load_idx %arg9[%add3A_476, %broadcast_in_dim3A_946] : memref<128x64xf32, #tpu.memory_space<vmem>>[vector<16xi32>, vector<16xi32>], vector<16xf32>,
        %add3A_948 = arith.addf %gather3A_947, %gather3A_645 : vector<16xf32>
        %add3A_949 = arith.constant 1 : i32
        %add3A_950 = arith.addi %mul3A_638, %add3A_949 : i32
        %swap3A_951 = arith.index_cast %add3A_950 : i32 to index
        %swap3A_952 = arith.constant 112 : index
        %swap3A_953 = tpu.vector_load %arg11[%swap3A_951, %swap3A_952] {strides = array<i32>} : memref<64x128xf32, #tpu.memory_space<vmem>>, vector<16xf32>,
        tpu.vector_store %arg11[%swap3A_951, %swap3A_952], %add3A_948 {strides = array<i32>} : memref<64x128xf32, #tpu.memory_space<vmem>>, vector<16xf32>,
        %add3A_954 = arith.constant 2 : i32
        %add3A_955 = arith.addi %mul3A_638, %add3A_954 : i32
        %broadcast_in_dim3A_956 = vector.broadcast %add3A_955 : i32 to vector<16xi32>
        %gather3A_957 = tpu.vector_load_idx %arg9[%add3A_476, %broadcast_in_dim3A_956] : memref<128x64xf32, #tpu.memory_space<vmem>>[vector<16xi32>, vector<16xi32>], vector<16xf32>,
        %add3A_958 = arith.addf %gather3A_957, %gather3A_649 : vector<16xf32>
        %add3A_959 = arith.constant 2 : i32
        %add3A_960 = arith.addi %mul3A_638, %add3A_959 : i32
        %swap3A_961 = arith.index_cast %add3A_960 : i32 to index
        %swap3A_962 = arith.constant 112 : index
        %swap3A_963 = tpu.vector_load %arg11[%swap3A_961, %swap3A_962] {strides = array<i32>} : memref<64x128xf32, #tpu.memory_space<vmem>>, vector<16xf32>,
        tpu.vector_store %arg11[%swap3A_961, %swap3A_962], %add3A_958 {strides = array<i32>} : memref<64x128xf32, #tpu.memory_space<vmem>>, vector<16xf32>,
        %add3A_964 = arith.constant 3 : i32
        %add3A_965 = arith.addi %mul3A_638, %add3A_964 : i32
        %broadcast_in_dim3A_966 = vector.broadcast %add3A_965 : i32 to vector<16xi32>
        %gather3A_967 = tpu.vector_load_idx %arg9[%add3A_476, %broadcast_in_dim3A_966] : memref<128x64xf32, #tpu.memory_space<vmem>>[vector<16xi32>, vector<16xi32>], vector<16xf32>,
        %add3A_968 = arith.addf %gather3A_967, %gather3A_653 : vector<16xf32>
        %add3A_969 = arith.constant 3 : i32
        %add3A_970 = arith.addi %mul3A_638, %add3A_969 : i32
        %swap3A_971 = arith.index_cast %add3A_970 : i32 to index
        %swap3A_972 = arith.constant 112 : index
        %swap3A_973 = tpu.vector_load %arg11[%swap3A_971, %swap3A_972] {strides = array<i32>} : memref<64x128xf32, #tpu.memory_space<vmem>>, vector<16xf32>,
        tpu.vector_store %arg11[%swap3A_971, %swap3A_972], %add3A_968 {strides = array<i32>} : memref<64x128xf32, #tpu.memory_space<vmem>>, vector<16xf32>,
      }
      %scan3A_482 = arith.constant 16 : i32
      %add3A_483 = arith.constant 2 : i32
      %add3A_484 = arith.addi %add3A_434, %add3A_483 : i32
      %get3A_485 = arith.index_cast %add3A_484 : i32 to index
      %get3A_486 = arith.constant 0 : index
      %get3A_487 = tpu.vector_load %arg6[%get3A_485, %get3A_486] {strides = array<i32>} : memref<200x128xi32, #tpu.memory_space<vmem>>, vector<16xi32>,
      %swap3A_488 = arith.constant 0 : index
      %swap3A_489 = tpu.vector_load %arg7[%swap3A_488] {strides = array<i32>} : memref<128xi32, #tpu.memory_space<vmem>>, vector<16xi32>,
      tpu.vector_store %arg7[%swap3A_488], %get3A_487 {strides = array<i32>} : memref<128xi32, #tpu.memory_space<vmem>>, vector<16xi32>,
      %get3A_490 = arith.index_cast %add3A_484 : i32 to index
      %get3A_491 = arith.constant 16 : index
      %get3A_492 = tpu.vector_load %arg6[%get3A_490, %get3A_491] {strides = array<i32>} : memref<200x128xi32, #tpu.memory_space<vmem>>, vector<16xi32>,
      %swap3A_493 = arith.constant 16 : index
      %swap3A_494 = tpu.vector_load %arg7[%swap3A_493] {strides = array<i32>} : memref<128xi32, #tpu.memory_space<vmem>>, vector<16xi32>,
      tpu.vector_store %arg7[%swap3A_493], %get3A_492 {strides = array<i32>} : memref<128xi32, #tpu.memory_space<vmem>>, vector<16xi32>,
      %get3A_495 = arith.index_cast %add3A_484 : i32 to index
      %get3A_496 = arith.constant 32 : index
      %get3A_497 = tpu.vector_load %arg6[%get3A_495, %get3A_496] {strides = array<i32>} : memref<200x128xi32, #tpu.memory_space<vmem>>, vector<16xi32>,
      %swap3A_498 = arith.constant 32 : index
      %swap3A_499 = tpu.vector_load %arg7[%swap3A_498] {strides = array<i32>} : memref<128xi32, #tpu.memory_space<vmem>>, vector<16xi32>,
      tpu.vector_store %arg7[%swap3A_498], %get3A_497 {strides = array<i32>} : memref<128xi32, #tpu.memory_space<vmem>>, vector<16xi32>,
      %get3A_500 = arith.index_cast %add3A_484 : i32 to index
      %get3A_501 = arith.constant 48 : index
      %get3A_502 = tpu.vector_load %arg6[%get3A_500, %get3A_501] {strides = array<i32>} : memref<200x128xi32, #tpu.memory_space<vmem>>, vector<16xi32>,
      %swap3A_503 = arith.constant 48 : index
      %swap3A_504 = tpu.vector_load %arg7[%swap3A_503] {strides = array<i32>} : memref<128xi32, #tpu.memory_space<vmem>>, vector<16xi32>,
      tpu.vector_store %arg7[%swap3A_503], %get3A_502 {strides = array<i32>} : memref<128xi32, #tpu.memory_space<vmem>>, vector<16xi32>,
      %get3A_505 = arith.index_cast %add3A_484 : i32 to index
      %get3A_506 = arith.constant 64 : index
      %get3A_507 = tpu.vector_load %arg6[%get3A_505, %get3A_506] {strides = array<i32>} : memref<200x128xi32, #tpu.memory_space<vmem>>, vector<16xi32>,
      %swap3A_508 = arith.constant 64 : index
      %swap3A_509 = tpu.vector_load %arg7[%swap3A_508] {strides = array<i32>} : memref<128xi32, #tpu.memory_space<vmem>>, vector<16xi32>,
      tpu.vector_store %arg7[%swap3A_508], %get3A_507 {strides = array<i32>} : memref<128xi32, #tpu.memory_space<vmem>>, vector<16xi32>,
      %get3A_510 = arith.index_cast %add3A_484 : i32 to index
      %get3A_511 = arith.constant 80 : index
      %get3A_512 = tpu.vector_load %arg6[%get3A_510, %get3A_511] {strides = array<i32>} : memref<200x128xi32, #tpu.memory_space<vmem>>, vector<16xi32>,
      %swap3A_513 = arith.constant 80 : index
      %swap3A_514 = tpu.vector_load %arg7[%swap3A_513] {strides = array<i32>} : memref<128xi32, #tpu.memory_space<vmem>>, vector<16xi32>,
      tpu.vector_store %arg7[%swap3A_513], %get3A_512 {strides = array<i32>} : memref<128xi32, #tpu.memory_space<vmem>>, vector<16xi32>,
      %get3A_515 = arith.index_cast %add3A_484 : i32 to index
      %get3A_516 = arith.constant 96 : index
      %get3A_517 = tpu.vector_load %arg6[%get3A_515, %get3A_516] {strides = array<i32>} : memref<200x128xi32, #tpu.memory_space<vmem>>, vector<16xi32>,
      %swap3A_518 = arith.constant 96 : index
      %swap3A_519 = tpu.vector_load %arg7[%swap3A_518] {strides = array<i32>} : memref<128xi32, #tpu.memory_space<vmem>>, vector<16xi32>,
      tpu.vector_store %arg7[%swap3A_518], %get3A_517 {strides = array<i32>} : memref<128xi32, #tpu.memory_space<vmem>>, vector<16xi32>,
      %get3A_520 = arith.index_cast %add3A_484 : i32 to index
      %get3A_521 = arith.constant 112 : index
      %get3A_522 = tpu.vector_load %arg6[%get3A_520, %get3A_521] {strides = array<i32>} : memref<200x128xi32, #tpu.memory_space<vmem>>, vector<16xi32>,
      %swap3A_523 = arith.constant 112 : index
      %swap3A_524 = tpu.vector_load %arg7[%swap3A_523] {strides = array<i32>} : memref<128xi32, #tpu.memory_space<vmem>>, vector<16xi32>,
      tpu.vector_store %arg7[%swap3A_523], %get3A_522 {strides = array<i32>} : memref<128xi32, #tpu.memory_space<vmem>>, vector<16xi32>,
      %dma_start3A_525 = arith.constant 0 : i32
      %dma_start3A_526 = arith.constant 0 : i32
      %dma_start3A_527 = tpu.memref_slice %arg3[%dma_start3A_525, %dma_start3A_526] : memref<1000000x64xf32, #tpu.memory_space<hbm>> -> memref<1000000x64xf32, #tpu.memory_space<hbm>>
      tpu.enqueue_indirect_dma source(%dma_start3A_527 : memref<1000000x64xf32, #tpu.memory_space<hbm>>) target(%arg9 : memref<128x64xf32, #tpu.memory_space<vmem>>) offsets(%arg7 : memref<128xi32, #tpu.memory_space<vmem>>) semaphore(%arg14 : memref<!tpu.dma_semaphore, #tpu.memory_space<semaphore_mem>>)
      %dma_start3A_528 = arith.constant 0 : i32
      %dma_start3A_529 = tpu.memref_slice %arg5[%add3A_434, %dma_start3A_528, %multiple_of3A] : memref<200x64x4096xf32, #tpu.memory_space<hbm>> -> memref<1x64x128xf32, #tpu.memory_space<hbm>>
      %dma_start3A_530 = tpu.memref_squeeze %dma_start3A_529 : memref<1x64x128xf32, #tpu.memory_space<hbm>> -> memref<64x128xf32, #tpu.memory_space<hbm>>
      %dma_start3A_531 = arith.constant 0 : i32
      %dma_start3A_532 = tpu.memref_slice %arg5[%add3A_434, %dma_start3A_531, %multiple_of3A] : memref<200x64x4096xf32, #tpu.memory_space<hbm>> -> memref<1x64x128xf32, #tpu.memory_space<hbm>>
      %dma_start3A_533 = tpu.memref_squeeze %dma_start3A_532 : memref<1x64x128xf32, #tpu.memory_space<hbm>> -> memref<64x128xf32, #tpu.memory_space<hbm>>
      tpu.enqueue_dma source(%arg11 : memref<64x128xf32, #tpu.memory_space<vmem>>) target(%dma_start3A_533 : memref<64x128xf32, #tpu.memory_space<hbm>>) target_semaphore(%arg16 : memref<!tpu.dma_semaphore, #tpu.memory_space<semaphore_mem>>)
      %add3A_534 = arith.constant 1 : i32
      %add3A_535 = arith.addi %mul3A_432, %add3A_534 : i32
      %dma_wait3A_536 = arith.constant 0 : i32
      %dma_wait3A_537 = arith.constant 0 : i32
      %dma_wait3A_538 = tpu.memref_slice %arg3[%dma_wait3A_536, %dma_wait3A_537] : memref<1000000x64xf32, #tpu.memory_space<hbm>> -> memref<1000000x64xf32, #tpu.memory_space<hbm>>
      tpu.wait_indirect_dma semaphore(%arg15 : memref<!tpu.dma_semaphore, #tpu.memory_space<semaphore_mem>>) src(%dma_wait3A_538 : memref<1000000x64xf32, #tpu.memory_space<hbm>>) dst(%arg10 : memref<128x64xf32, #tpu.memory_space<vmem>>)
      %sub3A_539 = arith.constant 2 : i32
      %sub3A_540 = arith.subi %add3A_535, %sub3A_539 : i32
      %dma_wait3A_541 = arith.constant 0 : i32
      %dma_wait3A_542 = tpu.memref_slice %arg5[%sub3A_540, %dma_wait3A_541, %multiple_of3A] : memref<200x64x4096xf32, #tpu.memory_space<hbm>> -> memref<1x64x128xf32, #tpu.memory_space<hbm>>
      %dma_wait3A_543 = tpu.memref_squeeze %dma_wait3A_542 : memref<1x64x128xf32, #tpu.memory_space<hbm>> -> memref<64x128xf32, #tpu.memory_space<hbm>>
      %dma_wait3A_544 = arith.constant 0 : i32
      %dma_wait3A_545 = tpu.memref_slice %arg5[%sub3A_540, %dma_wait3A_544, %multiple_of3A] : memref<200x64x4096xf32, #tpu.memory_space<hbm>> -> memref<1x64x128xf32, #tpu.memory_space<hbm>>
      %dma_wait3A_546 = tpu.memref_squeeze %dma_wait3A_545 : memref<1x64x128xf32, #tpu.memory_space<hbm>> -> memref<64x128xf32, #tpu.memory_space<hbm>>
      tpu.wait_dma2 semaphore(%arg17 : memref<!tpu.dma_semaphore, #tpu.memory_space<semaphore_mem>>) src(%arg12 : memref<64x128xf32, #tpu.memory_space<vmem>>) dst(%dma_wait3A_546 : memref<64x128xf32, #tpu.memory_space<hbm>>)
      %iota3A_547 = tpu.iota {dimensions = array<i32: 0>} : vector<16xi32>
      %add3A_548 = arith.constant 0 : i32
      %add3A_549 = vector.broadcast %add3A_548 : i32 to vector<16xi32>
      %add3A_550 = arith.addi %iota3A_547, %add3A_549 : vector<16xi32>
      %iota3A_551 = tpu.iota {dimensions = array<i32: 0>} : vector<16xi32>
      %add3A_552 = arith.constant 16 : i32
      %add3A_553 = vector.broadcast %add3A_552 : i32 to vector<16xi32>
      %add3A_554 = arith.addi %iota3A_551, %add3A_553 : vector<16xi32>
      %iota3A_555 = tpu.iota {dimensions = array<i32: 0>} : vector<16xi32>
      %add3A_556 = arith.constant 32 : i32
      %add3A_557 = vector.broadcast %add3A_556 : i32 to vector<16xi32>
      %add3A_558 = arith.addi %iota3A_555, %add3A_557 : vector<16xi32>
      %iota3A_559 = tpu.iota {dimensions = array<i32: 0>} : vector<16xi32>
      %add3A_560 = arith.constant 48 : i32
      %add3A_561 = vector.broadcast %add3A_560 : i32 to vector<16xi32>
      %add3A_562 = arith.addi %iota3A_559, %add3A_561 : vector<16xi32>
      %iota3A_563 = tpu.iota {dimensions = array<i32: 0>} : vector<16xi32>
      %add3A_564 = arith.constant 64 : i32
      %add3A_565 = vector.broadcast %add3A_564 : i32 to vector<16xi32>
      %add3A_566 = arith.addi %iota3A_563, %add3A_565 : vector<16xi32>
      %iota3A_567 = tpu.iota {dimensions = array<i32: 0>} : vector<16xi32>
      %add3A_568 = arith.constant 80 : i32
      %add3A_569 = vector.broadcast %add3A_568 : i32 to vector<16xi32>
      %add3A_570 = arith.addi %iota3A_567, %add3A_569 : vector<16xi32>
      %iota3A_571 = tpu.iota {dimensions = array<i32: 0>} : vector<16xi32>
      %add3A_572 = arith.constant 96 : i32
      %add3A_573 = vector.broadcast %add3A_572 : i32 to vector<16xi32>
      %add3A_574 = arith.addi %iota3A_571, %add3A_573 : vector<16xi32>
      %iota3A_575 = tpu.iota {dimensions = array<i32: 0>} : vector<16xi32>
      %add3A_576 = arith.constant 112 : i32
      %add3A_577 = vector.broadcast %add3A_576 : i32 to vector<16xi32>
      %add3A_578 = arith.addi %iota3A_575, %add3A_577 : vector<16xi32>
      %broadcast_in_dim3A_579 = vector.broadcast %add3A_535 : i32 to vector<16xi32>
      %scan3A_580 = arith.constant 0 : i32
      %scan3A_581 = arith.constant 16 : i32
      %scan3A_582 = arith.addi %scan3A_580, %scan3A_581 : i32
      %scan3A_583 = arith.constant 1 : i32
      scf.for %scan3A_636 = %scan3A_580 to %scan3A_582 step %scan3A_583  : i32 {
        %mul3A_637 = arith.constant 4 : i32
        %mul3A_638 = arith.muli %scan3A_636, %mul3A_637 : i32
        %add3A_639 = arith.constant 0 : i32
        %add3A_640 = arith.addi %mul3A_638, %add3A_639 : i32
        %broadcast_in_dim3A_641 = vector.broadcast %add3A_640 : i32 to vector<16xi32>
        %gather3A = tpu.vector_load_idx %arg13[%broadcast_in_dim3A_579, %broadcast_in_dim3A_641] : memref<200x64xf32, #tpu.memory_space<vmem>>[vector<16xi32>, vector<16xi32>], vector<16xf32>,
        %add3A_642 = arith.constant 1 : i32
        %add3A_643 = arith.addi %mul3A_638, %add3A_642 : i32
        %broadcast_in_dim3A_644 = vector.broadcast %add3A_643 : i32 to vector<16xi32>
        %gather3A_645 = tpu.vector_load_idx %arg13[%broadcast_in_dim3A_579, %broadcast_in_dim3A_644] : memref<200x64xf32, #tpu.memory_space<vmem>>[vector<16xi32>, vector<16xi32>], vector<16xf32>,
        %add3A_646 = arith.constant 2 : i32
        %add3A_647 = arith.addi %mul3A_638, %add3A_646 : i32
        %broadcast_in_dim3A_648 = vector.broadcast %add3A_647 : i32 to vector<16xi32>
        %gather3A_649 = tpu.vector_load_idx %arg13[%broadcast_in_dim3A_579, %broadcast_in_dim3A_648] : memref<200x64xf32, #tpu.memory_space<vmem>>[vector<16xi32>, vector<16xi32>], vector<16xf32>,
        %add3A_650 = arith.constant 3 : i32
        %add3A_651 = arith.addi %mul3A_638, %add3A_650 : i32
        %broadcast_in_dim3A_652 = vector.broadcast %add3A_651 : i32 to vector<16xi32>
        %gather3A_653 = tpu.vector_load_idx %arg13[%broadcast_in_dim3A_579, %broadcast_in_dim3A_652] : memref<200x64xf32, #tpu.memory_space<vmem>>[vector<16xi32>, vector<16xi32>], vector<16xf32>,
        %add3A_654 = arith.constant 0 : i32
        %add3A_655 = arith.addi %mul3A_638, %add3A_654 : i32
        %broadcast_in_dim3A_656 = vector.broadcast %add3A_655 : i32 to vector<16xi32>
        %gather3A_657 = tpu.vector_load_idx %arg10[%add3A_550, %broadcast_in_dim3A_656] : memref<128x64xf32, #tpu.memory_space<vmem>>[vector<16xi32>, vector<16xi32>], vector<16xf32>,
        %add3A_658 = arith.addf %gather3A_657, %gather3A : vector<16xf32>
        %add3A_659 = arith.constant 0 : i32
        %add3A_660 = arith.addi %mul3A_638, %add3A_659 : i32
        %swap3A_661 = arith.index_cast %add3A_660 : i32 to index
        %swap3A_662 = arith.constant 0 : index
        %swap3A_663 = tpu.vector_load %arg12[%swap3A_661, %swap3A_662] {strides = array<i32>} : memref<64x128xf32, #tpu.memory_space<vmem>>, vector<16xf32>,
        tpu.vector_store %arg12[%swap3A_661, %swap3A_662], %add3A_658 {strides = array<i32>} : memref<64x128xf32, #tpu.memory_space<vmem>>, vector<16xf32>,
        %add3A_664 = arith.constant 1 : i32
        %add3A_665 = arith.addi %mul3A_638, %add3A_664 : i32
        %broadcast_in_dim3A_666 = vector.broadcast %add3A_665 : i32 to vector<16xi32>
        %gather3A_667 = tpu.vector_load_idx %arg10[%add3A_550, %broadcast_in_dim3A_666] : memref<128x64xf32, #tpu.memory_space<vmem>>[vector<16xi32>, vector<16xi32>], vector<16xf32>,
        %add3A_668 = arith.addf %gather3A_667, %gather3A_645 : vector<16xf32>
        %add3A_669 = arith.constant 1 : i32
        %add3A_670 = arith.addi %mul3A_638, %add3A_669 : i32
        %swap3A_671 = arith.index_cast %add3A_670 : i32 to index
        %swap3A_672 = arith.constant 0 : index
        %swap3A_673 = tpu.vector_load %arg12[%swap3A_671, %swap3A_672] {strides = array<i32>} : memref<64x128xf32, #tpu.memory_space<vmem>>, vector<16xf32>,
        tpu.vector_store %arg12[%swap3A_671, %swap3A_672], %add3A_668 {strides = array<i32>} : memref<64x128xf32, #tpu.memory_space<vmem>>, vector<16xf32>,
        %add3A_674 = arith.constant 2 : i32
        %add3A_675 = arith.addi %mul3A_638, %add3A_674 : i32
        %broadcast_in_dim3A_676 = vector.broadcast %add3A_675 : i32 to vector<16xi32>
        %gather3A_677 = tpu.vector_load_idx %arg10[%add3A_550, %broadcast_in_dim3A_676] : memref<128x64xf32, #tpu.memory_space<vmem>>[vector<16xi32>, vector<16xi32>], vector<16xf32>,
        %add3A_678 = arith.addf %gather3A_677, %gather3A_649 : vector<16xf32>
        %add3A_679 = arith.constant 2 : i32
        %add3A_680 = arith.addi %mul3A_638, %add3A_679 : i32
        %swap3A_681 = arith.index_cast %add3A_680 : i32 to index
        %swap3A_682 = arith.constant 0 : index
        %swap3A_683 = tpu.vector_load %arg12[%swap3A_681, %swap3A_682] {strides = array<i32>} : memref<64x128xf32, #tpu.memory_space<vmem>>, vector<16xf32>,
        tpu.vector_store %arg12[%swap3A_681, %swap3A_682], %add3A_678 {strides = array<i32>} : memref<64x128xf32, #tpu.memory_space<vmem>>, vector<16xf32>,
        %add3A_684 = arith.constant 3 : i32
        %add3A_685 = arith.addi %mul3A_638, %add3A_684 : i32
        %broadcast_in_dim3A_686 = vector.broadcast %add3A_685 : i32 to vector<16xi32>
        %gather3A_687 = tpu.vector_load_idx %arg10[%add3A_550, %broadcast_in_dim3A_686] : memref<128x64xf32, #tpu.memory_space<vmem>>[vector<16xi32>, vector<16xi32>], vector<16xf32>,
        %add3A_688 = arith.addf %gather3A_687, %gather3A_653 : vector<16xf32>
        %add3A_689 = arith.constant 3 : i32
        %add3A_690 = arith.addi %mul3A_638, %add3A_689 : i32
        %swap3A_691 = arith.index_cast %add3A_690 : i32 to index
        %swap3A_692 = arith.constant 0 : index
        %swap3A_693 = tpu.vector_load %arg12[%swap3A_691, %swap3A_692] {strides = array<i32>} : memref<64x128xf32, #tpu.memory_space<vmem>>, vector<16xf32>,
        tpu.vector_store %arg12[%swap3A_691, %swap3A_692], %add3A_688 {strides = array<i32>} : memref<64x128xf32, #tpu.memory_space<vmem>>, vector<16xf32>,
        %add3A_694 = arith.constant 0 : i32
        %add3A_695 = arith.addi %mul3A_638, %add3A_694 : i32
        %broadcast_in_dim3A_696 = vector.broadcast %add3A_695 : i32 to vector<16xi32>
        %gather3A_697 = tpu.vector_load_idx %arg10[%add3A_554, %broadcast_in_dim3A_696] : memref<128x64xf32, #tpu.memory_space<vmem>>[vector<16xi32>, vector<16xi32>], vector<16xf32>,
        %add3A_698 = arith.addf %gather3A_697, %gather3A : vector<16xf32>
        %add3A_699 = arith.constant 0 : i32
        %add3A_700 = arith.addi %mul3A_638, %add3A_699 : i32
        %swap3A_701 = arith.index_cast %add3A_700 : i32 to index
        %swap3A_702 = arith.constant 16 : index
        %swap3A_703 = tpu.vector_load %arg12[%swap3A_701, %swap3A_702] {strides = array<i32>} : memref<64x128xf32, #tpu.memory_space<vmem>>, vector<16xf32>,
        tpu.vector_store %arg12[%swap3A_701, %swap3A_702], %add3A_698 {strides = array<i32>} : memref<64x128xf32, #tpu.memory_space<vmem>>, vector<16xf32>,
        %add3A_704 = arith.constant 1 : i32
        %add3A_705 = arith.addi %mul3A_638, %add3A_704 : i32
        %broadcast_in_dim3A_706 = vector.broadcast %add3A_705 : i32 to vector<16xi32>
        %gather3A_707 = tpu.vector_load_idx %arg10[%add3A_554, %broadcast_in_dim3A_706] : memref<128x64xf32, #tpu.memory_space<vmem>>[vector<16xi32>, vector<16xi32>], vector<16xf32>,
        %add3A_708 = arith.addf %gather3A_707, %gather3A_645 : vector<16xf32>
        %add3A_709 = arith.constant 1 : i32
        %add3A_710 = arith.addi %mul3A_638, %add3A_709 : i32
        %swap3A_711 = arith.index_cast %add3A_710 : i32 to index
        %swap3A_712 = arith.constant 16 : index
        %swap3A_713 = tpu.vector_load %arg12[%swap3A_711, %swap3A_712] {strides = array<i32>} : memref<64x128xf32, #tpu.memory_space<vmem>>, vector<16xf32>,
        tpu.vector_store %arg12[%swap3A_711, %swap3A_712], %add3A_708 {strides = array<i32>} : memref<64x128xf32, #tpu.memory_space<vmem>>, vector<16xf32>,
        %add3A_714 = arith.constant 2 : i32
        %add3A_715 = arith.addi %mul3A_638, %add3A_714 : i32
        %broadcast_in_dim3A_716 = vector.broadcast %add3A_715 : i32 to vector<16xi32>
        %gather3A_717 = tpu.vector_load_idx %arg10[%add3A_554, %broadcast_in_dim3A_716] : memref<128x64xf32, #tpu.memory_space<vmem>>[vector<16xi32>, vector<16xi32>], vector<16xf32>,
        %add3A_718 = arith.addf %gather3A_717, %gather3A_649 : vector<16xf32>
        %add3A_719 = arith.constant 2 : i32
        %add3A_720 = arith.addi %mul3A_638, %add3A_719 : i32
        %swap3A_721 = arith.index_cast %add3A_720 : i32 to index
        %swap3A_722 = arith.constant 16 : index
        %swap3A_723 = tpu.vector_load %arg12[%swap3A_721, %swap3A_722] {strides = array<i32>} : memref<64x128xf32, #tpu.memory_space<vmem>>, vector<16xf32>,
        tpu.vector_store %arg12[%swap3A_721, %swap3A_722], %add3A_718 {strides = array<i32>} : memref<64x128xf32, #tpu.memory_space<vmem>>, vector<16xf32>,
        %add3A_724 = arith.constant 3 : i32
        %add3A_725 = arith.addi %mul3A_638, %add3A_724 : i32
        %broadcast_in_dim3A_726 = vector.broadcast %add3A_725 : i32 to vector<16xi32>
        %gather3A_727 = tpu.vector_load_idx %arg10[%add3A_554, %broadcast_in_dim3A_726] : memref<128x64xf32, #tpu.memory_space<vmem>>[vector<16xi32>, vector<16xi32>], vector<16xf32>,
        %add3A_728 = arith.addf %gather3A_727, %gather3A_653 : vector<16xf32>
        %add3A_729 = arith.constant 3 : i32
        %add3A_730 = arith.addi %mul3A_638, %add3A_729 : i32
        %swap3A_731 = arith.index_cast %add3A_730 : i32 to index
        %swap3A_732 = arith.constant 16 : index
        %swap3A_733 = tpu.vector_load %arg12[%swap3A_731, %swap3A_732] {strides = array<i32>} : memref<64x128xf32, #tpu.memory_space<vmem>>, vector<16xf32>,
        tpu.vector_store %arg12[%swap3A_731, %swap3A_732], %add3A_728 {strides = array<i32>} : memref<64x128xf32, #tpu.memory_space<vmem>>, vector<16xf32>,
        %add3A_734 = arith.constant 0 : i32
        %add3A_735 = arith.addi %mul3A_638, %add3A_734 : i32
        %broadcast_in_dim3A_736 = vector.broadcast %add3A_735 : i32 to vector<16xi32>
        %gather3A_737 = tpu.vector_load_idx %arg10[%add3A_558, %broadcast_in_dim3A_736] : memref<128x64xf32, #tpu.memory_space<vmem>>[vector<16xi32>, vector<16xi32>], vector<16xf32>,
        %add3A_738 = arith.addf %gather3A_737, %gather3A : vector<16xf32>
        %add3A_739 = arith.constant 0 : i32
        %add3A_740 = arith.addi %mul3A_638, %add3A_739 : i32
        %swap3A_741 = arith.index_cast %add3A_740 : i32 to index
        %swap3A_742 = arith.constant 32 : index
        %swap3A_743 = tpu.vector_load %arg12[%swap3A_741, %swap3A_742] {strides = array<i32>} : memref<64x128xf32, #tpu.memory_space<vmem>>, vector<16xf32>,
        tpu.vector_store %arg12[%swap3A_741, %swap3A_742], %add3A_738 {strides = array<i32>} : memref<64x128xf32, #tpu.memory_space<vmem>>, vector<16xf32>,
        %add3A_744 = arith.constant 1 : i32
        %add3A_745 = arith.addi %mul3A_638, %add3A_744 : i32
        %broadcast_in_dim3A_746 = vector.broadcast %add3A_745 : i32 to vector<16xi32>
        %gather3A_747 = tpu.vector_load_idx %arg10[%add3A_558, %broadcast_in_dim3A_746] : memref<128x64xf32, #tpu.memory_space<vmem>>[vector<16xi32>, vector<16xi32>], vector<16xf32>,
        %add3A_748 = arith.addf %gather3A_747, %gather3A_645 : vector<16xf32>
        %add3A_749 = arith.constant 1 : i32
        %add3A_750 = arith.addi %mul3A_638, %add3A_749 : i32
        %swap3A_751 = arith.index_cast %add3A_750 : i32 to index
        %swap3A_752 = arith.constant 32 : index
        %swap3A_753 = tpu.vector_load %arg12[%swap3A_751, %swap3A_752] {strides = array<i32>} : memref<64x128xf32, #tpu.memory_space<vmem>>, vector<16xf32>,
        tpu.vector_store %arg12[%swap3A_751, %swap3A_752], %add3A_748 {strides = array<i32>} : memref<64x128xf32, #tpu.memory_space<vmem>>, vector<16xf32>,
        %add3A_754 = arith.constant 2 : i32
        %add3A_755 = arith.addi %mul3A_638, %add3A_754 : i32
        %broadcast_in_dim3A_756 = vector.broadcast %add3A_755 : i32 to vector<16xi32>
        %gather3A_757 = tpu.vector_load_idx %arg10[%add3A_558, %broadcast_in_dim3A_756] : memref<128x64xf32, #tpu.memory_space<vmem>>[vector<16xi32>, vector<16xi32>], vector<16xf32>,
        %add3A_758 = arith.addf %gather3A_757, %gather3A_649 : vector<16xf32>
        %add3A_759 = arith.constant 2 : i32
        %add3A_760 = arith.addi %mul3A_638, %add3A_759 : i32
        %swap3A_761 = arith.index_cast %add3A_760 : i32 to index
        %swap3A_762 = arith.constant 32 : index
        %swap3A_763 = tpu.vector_load %arg12[%swap3A_761, %swap3A_762] {strides = array<i32>} : memref<64x128xf32, #tpu.memory_space<vmem>>, vector<16xf32>,
        tpu.vector_store %arg12[%swap3A_761, %swap3A_762], %add3A_758 {strides = array<i32>} : memref<64x128xf32, #tpu.memory_space<vmem>>, vector<16xf32>,
        %add3A_764 = arith.constant 3 : i32
        %add3A_765 = arith.addi %mul3A_638, %add3A_764 : i32
        %broadcast_in_dim3A_766 = vector.broadcast %add3A_765 : i32 to vector<16xi32>
        %gather3A_767 = tpu.vector_load_idx %arg10[%add3A_558, %broadcast_in_dim3A_766] : memref<128x64xf32, #tpu.memory_space<vmem>>[vector<16xi32>, vector<16xi32>], vector<16xf32>,
        %add3A_768 = arith.addf %gather3A_767, %gather3A_653 : vector<16xf32>
        %add3A_769 = arith.constant 3 : i32
        %add3A_770 = arith.addi %mul3A_638, %add3A_769 : i32
        %swap3A_771 = arith.index_cast %add3A_770 : i32 to index
        %swap3A_772 = arith.constant 32 : index
        %swap3A_773 = tpu.vector_load %arg12[%swap3A_771, %swap3A_772] {strides = array<i32>} : memref<64x128xf32, #tpu.memory_space<vmem>>, vector<16xf32>,
        tpu.vector_store %arg12[%swap3A_771, %swap3A_772], %add3A_768 {strides = array<i32>} : memref<64x128xf32, #tpu.memory_space<vmem>>, vector<16xf32>,
        %add3A_774 = arith.constant 0 : i32
        %add3A_775 = arith.addi %mul3A_638, %add3A_774 : i32
        %broadcast_in_dim3A_776 = vector.broadcast %add3A_775 : i32 to vector<16xi32>
        %gather3A_777 = tpu.vector_load_idx %arg10[%add3A_562, %broadcast_in_dim3A_776] : memref<128x64xf32, #tpu.memory_space<vmem>>[vector<16xi32>, vector<16xi32>], vector<16xf32>,
        %add3A_778 = arith.addf %gather3A_777, %gather3A : vector<16xf32>
        %add3A_779 = arith.constant 0 : i32
        %add3A_780 = arith.addi %mul3A_638, %add3A_779 : i32
        %swap3A_781 = arith.index_cast %add3A_780 : i32 to index
        %swap3A_782 = arith.constant 48 : index
        %swap3A_783 = tpu.vector_load %arg12[%swap3A_781, %swap3A_782] {strides = array<i32>} : memref<64x128xf32, #tpu.memory_space<vmem>>, vector<16xf32>,
        tpu.vector_store %arg12[%swap3A_781, %swap3A_782], %add3A_778 {strides = array<i32>} : memref<64x128xf32, #tpu.memory_space<vmem>>, vector<16xf32>,
        %add3A_784 = arith.constant 1 : i32
        %add3A_785 = arith.addi %mul3A_638, %add3A_784 : i32
        %broadcast_in_dim3A_786 = vector.broadcast %add3A_785 : i32 to vector<16xi32>
        %gather3A_787 = tpu.vector_load_idx %arg10[%add3A_562, %broadcast_in_dim3A_786] : memref<128x64xf32, #tpu.memory_space<vmem>>[vector<16xi32>, vector<16xi32>], vector<16xf32>,
        %add3A_788 = arith.addf %gather3A_787, %gather3A_645 : vector<16xf32>
        %add3A_789 = arith.constant 1 : i32
        %add3A_790 = arith.addi %mul3A_638, %add3A_789 : i32
        %swap3A_791 = arith.index_cast %add3A_790 : i32 to index
        %swap3A_792 = arith.constant 48 : index
        %swap3A_793 = tpu.vector_load %arg12[%swap3A_791, %swap3A_792] {strides = array<i32>} : memref<64x128xf32, #tpu.memory_space<vmem>>, vector<16xf32>,
        tpu.vector_store %arg12[%swap3A_791, %swap3A_792], %add3A_788 {strides = array<i32>} : memref<64x128xf32, #tpu.memory_space<vmem>>, vector<16xf32>,
        %add3A_794 = arith.constant 2 : i32
        %add3A_795 = arith.addi %mul3A_638, %add3A_794 : i32
        %broadcast_in_dim3A_796 = vector.broadcast %add3A_795 : i32 to vector<16xi32>
        %gather3A_797 = tpu.vector_load_idx %arg10[%add3A_562, %broadcast_in_dim3A_796] : memref<128x64xf32, #tpu.memory_space<vmem>>[vector<16xi32>, vector<16xi32>], vector<16xf32>,
        %add3A_798 = arith.addf %gather3A_797, %gather3A_649 : vector<16xf32>
        %add3A_799 = arith.constant 2 : i32
        %add3A_800 = arith.addi %mul3A_638, %add3A_799 : i32
        %swap3A_801 = arith.index_cast %add3A_800 : i32 to index
        %swap3A_802 = arith.constant 48 : index
        %swap3A_803 = tpu.vector_load %arg12[%swap3A_801, %swap3A_802] {strides = array<i32>} : memref<64x128xf32, #tpu.memory_space<vmem>>, vector<16xf32>,
        tpu.vector_store %arg12[%swap3A_801, %swap3A_802], %add3A_798 {strides = array<i32>} : memref<64x128xf32, #tpu.memory_space<vmem>>, vector<16xf32>,
        %add3A_804 = arith.constant 3 : i32
        %add3A_805 = arith.addi %mul3A_638, %add3A_804 : i32
        %broadcast_in_dim3A_806 = vector.broadcast %add3A_805 : i32 to vector<16xi32>
        %gather3A_807 = tpu.vector_load_idx %arg10[%add3A_562, %broadcast_in_dim3A_806] : memref<128x64xf32, #tpu.memory_space<vmem>>[vector<16xi32>, vector<16xi32>], vector<16xf32>,
        %add3A_808 = arith.addf %gather3A_807, %gather3A_653 : vector<16xf32>
        %add3A_809 = arith.constant 3 : i32
        %add3A_810 = arith.addi %mul3A_638, %add3A_809 : i32
        %swap3A_811 = arith.index_cast %add3A_810 : i32 to index
        %swap3A_812 = arith.constant 48 : index
        %swap3A_813 = tpu.vector_load %arg12[%swap3A_811, %swap3A_812] {strides = array<i32>} : memref<64x128xf32, #tpu.memory_space<vmem>>, vector<16xf32>,
        tpu.vector_store %arg12[%swap3A_811, %swap3A_812], %add3A_808 {strides = array<i32>} : memref<64x128xf32, #tpu.memory_space<vmem>>, vector<16xf32>,
        %add3A_814 = arith.constant 0 : i32
        %add3A_815 = arith.addi %mul3A_638, %add3A_814 : i32
        %broadcast_in_dim3A_816 = vector.broadcast %add3A_815 : i32 to vector<16xi32>
        %gather3A_817 = tpu.vector_load_idx %arg10[%add3A_566, %broadcast_in_dim3A_816] : memref<128x64xf32, #tpu.memory_space<vmem>>[vector<16xi32>, vector<16xi32>], vector<16xf32>,
        %add3A_818 = arith.addf %gather3A_817, %gather3A : vector<16xf32>
        %add3A_819 = arith.constant 0 : i32
        %add3A_820 = arith.addi %mul3A_638, %add3A_819 : i32
        %swap3A_821 = arith.index_cast %add3A_820 : i32 to index
        %swap3A_822 = arith.constant 64 : index
        %swap3A_823 = tpu.vector_load %arg12[%swap3A_821, %swap3A_822] {strides = array<i32>} : memref<64x128xf32, #tpu.memory_space<vmem>>, vector<16xf32>,
        tpu.vector_store %arg12[%swap3A_821, %swap3A_822], %add3A_818 {strides = array<i32>} : memref<64x128xf32, #tpu.memory_space<vmem>>, vector<16xf32>,
        %add3A_824 = arith.constant 1 : i32
        %add3A_825 = arith.addi %mul3A_638, %add3A_824 : i32
        %broadcast_in_dim3A_826 = vector.broadcast %add3A_825 : i32 to vector<16xi32>
        %gather3A_827 = tpu.vector_load_idx %arg10[%add3A_566, %broadcast_in_dim3A_826] : memref<128x64xf32, #tpu.memory_space<vmem>>[vector<16xi32>, vector<16xi32>], vector<16xf32>,
        %add3A_828 = arith.addf %gather3A_827, %gather3A_645 : vector<16xf32>
        %add3A_829 = arith.constant 1 : i32
        %add3A_830 = arith.addi %mul3A_638, %add3A_829 : i32
        %swap3A_831 = arith.index_cast %add3A_830 : i32 to index
        %swap3A_832 = arith.constant 64 : index
        %swap3A_833 = tpu.vector_load %arg12[%swap3A_831, %swap3A_832] {strides = array<i32>} : memref<64x128xf32, #tpu.memory_space<vmem>>, vector<16xf32>,
        tpu.vector_store %arg12[%swap3A_831, %swap3A_832], %add3A_828 {strides = array<i32>} : memref<64x128xf32, #tpu.memory_space<vmem>>, vector<16xf32>,
        %add3A_834 = arith.constant 2 : i32
        %add3A_835 = arith.addi %mul3A_638, %add3A_834 : i32
        %broadcast_in_dim3A_836 = vector.broadcast %add3A_835 : i32 to vector<16xi32>
        %gather3A_837 = tpu.vector_load_idx %arg10[%add3A_566, %broadcast_in_dim3A_836] : memref<128x64xf32, #tpu.memory_space<vmem>>[vector<16xi32>, vector<16xi32>], vector<16xf32>,
        %add3A_838 = arith.addf %gather3A_837, %gather3A_649 : vector<16xf32>
        %add3A_839 = arith.constant 2 : i32
        %add3A_840 = arith.addi %mul3A_638, %add3A_839 : i32
        %swap3A_841 = arith.index_cast %add3A_840 : i32 to index
        %swap3A_842 = arith.constant 64 : index
        %swap3A_843 = tpu.vector_load %arg12[%swap3A_841, %swap3A_842] {strides = array<i32>} : memref<64x128xf32, #tpu.memory_space<vmem>>, vector<16xf32>,
        tpu.vector_store %arg12[%swap3A_841, %swap3A_842], %add3A_838 {strides = array<i32>} : memref<64x128xf32, #tpu.memory_space<vmem>>, vector<16xf32>,
        %add3A_844 = arith.constant 3 : i32
        %add3A_845 = arith.addi %mul3A_638, %add3A_844 : i32
        %broadcast_in_dim3A_846 = vector.broadcast %add3A_845 : i32 to vector<16xi32>
        %gather3A_847 = tpu.vector_load_idx %arg10[%add3A_566, %broadcast_in_dim3A_846] : memref<128x64xf32, #tpu.memory_space<vmem>>[vector<16xi32>, vector<16xi32>], vector<16xf32>,
        %add3A_848 = arith.addf %gather3A_847, %gather3A_653 : vector<16xf32>
        %add3A_849 = arith.constant 3 : i32
        %add3A_850 = arith.addi %mul3A_638, %add3A_849 : i32
        %swap3A_851 = arith.index_cast %add3A_850 : i32 to index
        %swap3A_852 = arith.constant 64 : index
        %swap3A_853 = tpu.vector_load %arg12[%swap3A_851, %swap3A_852] {strides = array<i32>} : memref<64x128xf32, #tpu.memory_space<vmem>>, vector<16xf32>,
        tpu.vector_store %arg12[%swap3A_851, %swap3A_852], %add3A_848 {strides = array<i32>} : memref<64x128xf32, #tpu.memory_space<vmem>>, vector<16xf32>,
        %add3A_854 = arith.constant 0 : i32
        %add3A_855 = arith.addi %mul3A_638, %add3A_854 : i32
        %broadcast_in_dim3A_856 = vector.broadcast %add3A_855 : i32 to vector<16xi32>
        %gather3A_857 = tpu.vector_load_idx %arg10[%add3A_570, %broadcast_in_dim3A_856] : memref<128x64xf32, #tpu.memory_space<vmem>>[vector<16xi32>, vector<16xi32>], vector<16xf32>,
        %add3A_858 = arith.addf %gather3A_857, %gather3A : vector<16xf32>
        %add3A_859 = arith.constant 0 : i32
        %add3A_860 = arith.addi %mul3A_638, %add3A_859 : i32
        %swap3A_861 = arith.index_cast %add3A_860 : i32 to index
        %swap3A_862 = arith.constant 80 : index
        %swap3A_863 = tpu.vector_load %arg12[%swap3A_861, %swap3A_862] {strides = array<i32>} : memref<64x128xf32, #tpu.memory_space<vmem>>, vector<16xf32>,
        tpu.vector_store %arg12[%swap3A_861, %swap3A_862], %add3A_858 {strides = array<i32>} : memref<64x128xf32, #tpu.memory_space<vmem>>, vector<16xf32>,
        %add3A_864 = arith.constant 1 : i32
        %add3A_865 = arith.addi %mul3A_638, %add3A_864 : i32
        %broadcast_in_dim3A_866 = vector.broadcast %add3A_865 : i32 to vector<16xi32>
        %gather3A_867 = tpu.vector_load_idx %arg10[%add3A_570, %broadcast_in_dim3A_866] : memref<128x64xf32, #tpu.memory_space<vmem>>[vector<16xi32>, vector<16xi32>], vector<16xf32>,
        %add3A_868 = arith.addf %gather3A_867, %gather3A_645 : vector<16xf32>
        %add3A_869 = arith.constant 1 : i32
        %add3A_870 = arith.addi %mul3A_638, %add3A_869 : i32
        %swap3A_871 = arith.index_cast %add3A_870 : i32 to index
        %swap3A_872 = arith.constant 80 : index
        %swap3A_873 = tpu.vector_load %arg12[%swap3A_871, %swap3A_872] {strides = array<i32>} : memref<64x128xf32, #tpu.memory_space<vmem>>, vector<16xf32>,
        tpu.vector_store %arg12[%swap3A_871, %swap3A_872], %add3A_868 {strides = array<i32>} : memref<64x128xf32, #tpu.memory_space<vmem>>, vector<16xf32>,
        %add3A_874 = arith.constant 2 : i32
        %add3A_875 = arith.addi %mul3A_638, %add3A_874 : i32
        %broadcast_in_dim3A_876 = vector.broadcast %add3A_875 : i32 to vector<16xi32>
        %gather3A_877 = tpu.vector_load_idx %arg10[%add3A_570, %broadcast_in_dim3A_876] : memref<128x64xf32, #tpu.memory_space<vmem>>[vector<16xi32>, vector<16xi32>], vector<16xf32>,
        %add3A_878 = arith.addf %gather3A_877, %gather3A_649 : vector<16xf32>
        %add3A_879 = arith.constant 2 : i32
        %add3A_880 = arith.addi %mul3A_638, %add3A_879 : i32
        %swap3A_881 = arith.index_cast %add3A_880 : i32 to index
        %swap3A_882 = arith.constant 80 : index
        %swap3A_883 = tpu.vector_load %arg12[%swap3A_881, %swap3A_882] {strides = array<i32>} : memref<64x128xf32, #tpu.memory_space<vmem>>, vector<16xf32>,
        tpu.vector_store %arg12[%swap3A_881, %swap3A_882], %add3A_878 {strides = array<i32>} : memref<64x128xf32, #tpu.memory_space<vmem>>, vector<16xf32>,
        %add3A_884 = arith.constant 3 : i32
        %add3A_885 = arith.addi %mul3A_638, %add3A_884 : i32
        %broadcast_in_dim3A_886 = vector.broadcast %add3A_885 : i32 to vector<16xi32>
        %gather3A_887 = tpu.vector_load_idx %arg10[%add3A_570, %broadcast_in_dim3A_886] : memref<128x64xf32, #tpu.memory_space<vmem>>[vector<16xi32>, vector<16xi32>], vector<16xf32>,
        %add3A_888 = arith.addf %gather3A_887, %gather3A_653 : vector<16xf32>
        %add3A_889 = arith.constant 3 : i32
        %add3A_890 = arith.addi %mul3A_638, %add3A_889 : i32
        %swap3A_891 = arith.index_cast %add3A_890 : i32 to index
        %swap3A_892 = arith.constant 80 : index
        %swap3A_893 = tpu.vector_load %arg12[%swap3A_891, %swap3A_892] {strides = array<i32>} : memref<64x128xf32, #tpu.memory_space<vmem>>, vector<16xf32>,
        tpu.vector_store %arg12[%swap3A_891, %swap3A_892], %add3A_888 {strides = array<i32>} : memref<64x128xf32, #tpu.memory_space<vmem>>, vector<16xf32>,
        %add3A_894 = arith.constant 0 : i32
        %add3A_895 = arith.addi %mul3A_638, %add3A_894 : i32
        %broadcast_in_dim3A_896 = vector.broadcast %add3A_895 : i32 to vector<16xi32>
        %gather3A_897 = tpu.vector_load_idx %arg10[%add3A_574, %broadcast_in_dim3A_896] : memref<128x64xf32, #tpu.memory_space<vmem>>[vector<16xi32>, vector<16xi32>], vector<16xf32>,
        %add3A_898 = arith.addf %gather3A_897, %gather3A : vector<16xf32>
        %add3A_899 = arith.constant 0 : i32
        %add3A_900 = arith.addi %mul3A_638, %add3A_899 : i32
        %swap3A_901 = arith.index_cast %add3A_900 : i32 to index
        %swap3A_902 = arith.constant 96 : index
        %swap3A_903 = tpu.vector_load %arg12[%swap3A_901, %swap3A_902] {strides = array<i32>} : memref<64x128xf32, #tpu.memory_space<vmem>>, vector<16xf32>,
        tpu.vector_store %arg12[%swap3A_901, %swap3A_902], %add3A_898 {strides = array<i32>} : memref<64x128xf32, #tpu.memory_space<vmem>>, vector<16xf32>,
        %add3A_904 = arith.constant 1 : i32
        %add3A_905 = arith.addi %mul3A_638, %add3A_904 : i32
        %broadcast_in_dim3A_906 = vector.broadcast %add3A_905 : i32 to vector<16xi32>
        %gather3A_907 = tpu.vector_load_idx %arg10[%add3A_574, %broadcast_in_dim3A_906] : memref<128x64xf32, #tpu.memory_space<vmem>>[vector<16xi32>, vector<16xi32>], vector<16xf32>,
        %add3A_908 = arith.addf %gather3A_907, %gather3A_645 : vector<16xf32>
        %add3A_909 = arith.constant 1 : i32
        %add3A_910 = arith.addi %mul3A_638, %add3A_909 : i32
        %swap3A_911 = arith.index_cast %add3A_910 : i32 to index
        %swap3A_912 = arith.constant 96 : index
        %swap3A_913 = tpu.vector_load %arg12[%swap3A_911, %swap3A_912] {strides = array<i32>} : memref<64x128xf32, #tpu.memory_space<vmem>>, vector<16xf32>,
        tpu.vector_store %arg12[%swap3A_911, %swap3A_912], %add3A_908 {strides = array<i32>} : memref<64x128xf32, #tpu.memory_space<vmem>>, vector<16xf32>,
        %add3A_914 = arith.constant 2 : i32
        %add3A_915 = arith.addi %mul3A_638, %add3A_914 : i32
        %broadcast_in_dim3A_916 = vector.broadcast %add3A_915 : i32 to vector<16xi32>
        %gather3A_917 = tpu.vector_load_idx %arg10[%add3A_574, %broadcast_in_dim3A_916] : memref<128x64xf32, #tpu.memory_space<vmem>>[vector<16xi32>, vector<16xi32>], vector<16xf32>,
        %add3A_918 = arith.addf %gather3A_917, %gather3A_649 : vector<16xf32>
        %add3A_919 = arith.constant 2 : i32
        %add3A_920 = arith.addi %mul3A_638, %add3A_919 : i32
        %swap3A_921 = arith.index_cast %add3A_920 : i32 to index
        %swap3A_922 = arith.constant 96 : index
        %swap3A_923 = tpu.vector_load %arg12[%swap3A_921, %swap3A_922] {strides = array<i32>} : memref<64x128xf32, #tpu.memory_space<vmem>>, vector<16xf32>,
        tpu.vector_store %arg12[%swap3A_921, %swap3A_922], %add3A_918 {strides = array<i32>} : memref<64x128xf32, #tpu.memory_space<vmem>>, vector<16xf32>,
        %add3A_924 = arith.constant 3 : i32
        %add3A_925 = arith.addi %mul3A_638, %add3A_924 : i32
        %broadcast_in_dim3A_926 = vector.broadcast %add3A_925 : i32 to vector<16xi32>
        %gather3A_927 = tpu.vector_load_idx %arg10[%add3A_574, %broadcast_in_dim3A_926] : memref<128x64xf32, #tpu.memory_space<vmem>>[vector<16xi32>, vector<16xi32>], vector<16xf32>,
        %add3A_928 = arith.addf %gather3A_927, %gather3A_653 : vector<16xf32>
        %add3A_929 = arith.constant 3 : i32
        %add3A_930 = arith.addi %mul3A_638, %add3A_929 : i32
        %swap3A_931 = arith.index_cast %add3A_930 : i32 to index
        %swap3A_932 = arith.constant 96 : index
        %swap3A_933 = tpu.vector_load %arg12[%swap3A_931, %swap3A_932] {strides = array<i32>} : memref<64x128xf32, #tpu.memory_space<vmem>>, vector<16xf32>,
        tpu.vector_store %arg12[%swap3A_931, %swap3A_932], %add3A_928 {strides = array<i32>} : memref<64x128xf32, #tpu.memory_space<vmem>>, vector<16xf32>,
        %add3A_934 = arith.constant 0 : i32
        %add3A_935 = arith.addi %mul3A_638, %add3A_934 : i32
        %broadcast_in_dim3A_936 = vector.broadcast %add3A_935 : i32 to vector<16xi32>
        %gather3A_937 = tpu.vector_load_idx %arg10[%add3A_578, %broadcast_in_dim3A_936] : memref<128x64xf32, #tpu.memory_space<vmem>>[vector<16xi32>, vector<16xi32>], vector<16xf32>,
        %add3A_938 = arith.addf %gather3A_937, %gather3A : vector<16xf32>
        %add3A_939 = arith.constant 0 : i32
        %add3A_940 = arith.addi %mul3A_638, %add3A_939 : i32
        %swap3A_941 = arith.index_cast %add3A_940 : i32 to index
        %swap3A_942 = arith.constant 112 : index
        %swap3A_943 = tpu.vector_load %arg12[%swap3A_941, %swap3A_942] {strides = array<i32>} : memref<64x128xf32, #tpu.memory_space<vmem>>, vector<16xf32>,
        tpu.vector_store %arg12[%swap3A_941, %swap3A_942], %add3A_938 {strides = array<i32>} : memref<64x128xf32, #tpu.memory_space<vmem>>, vector<16xf32>,
        %add3A_944 = arith.constant 1 : i32
        %add3A_945 = arith.addi %mul3A_638, %add3A_944 : i32
        %broadcast_in_dim3A_946 = vector.broadcast %add3A_945 : i32 to vector<16xi32>
        %gather3A_947 = tpu.vector_load_idx %arg10[%add3A_578, %broadcast_in_dim3A_946] : memref<128x64xf32, #tpu.memory_space<vmem>>[vector<16xi32>, vector<16xi32>], vector<16xf32>,
        %add3A_948 = arith.addf %gather3A_947, %gather3A_645 : vector<16xf32>
        %add3A_949 = arith.constant 1 : i32
        %add3A_950 = arith.addi %mul3A_638, %add3A_949 : i32
        %swap3A_951 = arith.index_cast %add3A_950 : i32 to index
        %swap3A_952 = arith.constant 112 : index
        %swap3A_953 = tpu.vector_load %arg12[%swap3A_951, %swap3A_952] {strides = array<i32>} : memref<64x128xf32, #tpu.memory_space<vmem>>, vector<16xf32>,
        tpu.vector_store %arg12[%swap3A_951, %swap3A_952], %add3A_948 {strides = array<i32>} : memref<64x128xf32, #tpu.memory_space<vmem>>, vector<16xf32>,
        %add3A_954 = arith.constant 2 : i32
        %add3A_955 = arith.addi %mul3A_638, %add3A_954 : i32
        %broadcast_in_dim3A_956 = vector.broadcast %add3A_955 : i32 to vector<16xi32>
        %gather3A_957 = tpu.vector_load_idx %arg10[%add3A_578, %broadcast_in_dim3A_956] : memref<128x64xf32, #tpu.memory_space<vmem>>[vector<16xi32>, vector<16xi32>], vector<16xf32>,
        %add3A_958 = arith.addf %gather3A_957, %gather3A_649 : vector<16xf32>
        %add3A_959 = arith.constant 2 : i32
        %add3A_960 = arith.addi %mul3A_638, %add3A_959 : i32
        %swap3A_961 = arith.index_cast %add3A_960 : i32 to index
        %swap3A_962 = arith.constant 112 : index
        %swap3A_963 = tpu.vector_load %arg12[%swap3A_961, %swap3A_962] {strides = array<i32>} : memref<64x128xf32, #tpu.memory_space<vmem>>, vector<16xf32>,
        tpu.vector_store %arg12[%swap3A_961, %swap3A_962], %add3A_958 {strides = array<i32>} : memref<64x128xf32, #tpu.memory_space<vmem>>, vector<16xf32>,
        %add3A_964 = arith.constant 3 : i32
        %add3A_965 = arith.addi %mul3A_638, %add3A_964 : i32
        %broadcast_in_dim3A_966 = vector.broadcast %add3A_965 : i32 to vector<16xi32>
        %gather3A_967 = tpu.vector_load_idx %arg10[%add3A_578, %broadcast_in_dim3A_966] : memref<128x64xf32, #tpu.memory_space<vmem>>[vector<16xi32>, vector<16xi32>], vector<16xf32>,
        %add3A_968 = arith.addf %gather3A_967, %gather3A_653 : vector<16xf32>
        %add3A_969 = arith.constant 3 : i32
        %add3A_970 = arith.addi %mul3A_638, %add3A_969 : i32
        %swap3A_971 = arith.index_cast %add3A_970 : i32 to index
        %swap3A_972 = arith.constant 112 : index
        %swap3A_973 = tpu.vector_load %arg12[%swap3A_971, %swap3A_972] {strides = array<i32>} : memref<64x128xf32, #tpu.memory_space<vmem>>, vector<16xf32>,
        tpu.vector_store %arg12[%swap3A_971, %swap3A_972], %add3A_968 {strides = array<i32>} : memref<64x128xf32, #tpu.memory_space<vmem>>, vector<16xf32>,
      }
      %scan3A_584 = arith.constant 16 : i32
      %add3A_585 = arith.constant 2 : i32
      %add3A_586 = arith.addi %add3A_535, %add3A_585 : i32
      %get3A_587 = arith.index_cast %add3A_586 : i32 to index
      %get3A_588 = arith.constant 0 : index
      %get3A_589 = tpu.vector_load %arg6[%get3A_587, %get3A_588] {strides = array<i32>} : memref<200x128xi32, #tpu.memory_space<vmem>>, vector<16xi32>,
      %swap3A_590 = arith.constant 0 : index
      %swap3A_591 = tpu.vector_load %arg8[%swap3A_590] {strides = array<i32>} : memref<128xi32, #tpu.memory_space<vmem>>, vector<16xi32>,
      tpu.vector_store %arg8[%swap3A_590], %get3A_589 {strides = array<i32>} : memref<128xi32, #tpu.memory_space<vmem>>, vector<16xi32>,
      %get3A_592 = arith.index_cast %add3A_586 : i32 to index
      %get3A_593 = arith.constant 16 : index
      %get3A_594 = tpu.vector_load %arg6[%get3A_592, %get3A_593] {strides = array<i32>} : memref<200x128xi32, #tpu.memory_space<vmem>>, vector<16xi32>,
      %swap3A_595 = arith.constant 16 : index
      %swap3A_596 = tpu.vector_load %arg8[%swap3A_595] {strides = array<i32>} : memref<128xi32, #tpu.memory_space<vmem>>, vector<16xi32>,
      tpu.vector_store %arg8[%swap3A_595], %get3A_594 {strides = array<i32>} : memref<128xi32, #tpu.memory_space<vmem>>, vector<16xi32>,
      %get3A_597 = arith.index_cast %add3A_586 : i32 to index
      %get3A_598 = arith.constant 32 : index
      %get3A_599 = tpu.vector_load %arg6[%get3A_597, %get3A_598] {strides = array<i32>} : memref<200x128xi32, #tpu.memory_space<vmem>>, vector<16xi32>,
      %swap3A_600 = arith.constant 32 : index
      %swap3A_601 = tpu.vector_load %arg8[%swap3A_600] {strides = array<i32>} : memref<128xi32, #tpu.memory_space<vmem>>, vector<16xi32>,
      tpu.vector_store %arg8[%swap3A_600], %get3A_599 {strides = array<i32>} : memref<128xi32, #tpu.memory_space<vmem>>, vector<16xi32>,
      %get3A_602 = arith.index_cast %add3A_586 : i32 to index
      %get3A_603 = arith.constant 48 : index
      %get3A_604 = tpu.vector_load %arg6[%get3A_602, %get3A_603] {strides = array<i32>} : memref<200x128xi32, #tpu.memory_space<vmem>>, vector<16xi32>,
      %swap3A_605 = arith.constant 48 : index
      %swap3A_606 = tpu.vector_load %arg8[%swap3A_605] {strides = array<i32>} : memref<128xi32, #tpu.memory_space<vmem>>, vector<16xi32>,
      tpu.vector_store %arg8[%swap3A_605], %get3A_604 {strides = array<i32>} : memref<128xi32, #tpu.memory_space<vmem>>, vector<16xi32>,
      %get3A_607 = arith.index_cast %add3A_586 : i32 to index
      %get3A_608 = arith.constant 64 : index
      %get3A_609 = tpu.vector_load %arg6[%get3A_607, %get3A_608] {strides = array<i32>} : memref<200x128xi32, #tpu.memory_space<vmem>>, vector<16xi32>,
      %swap3A_610 = arith.constant 64 : index
      %swap3A_611 = tpu.vector_load %arg8[%swap3A_610] {strides = array<i32>} : memref<128xi32, #tpu.memory_space<vmem>>, vector<16xi32>,
      tpu.vector_store %arg8[%swap3A_610], %get3A_609 {strides = array<i32>} : memref<128xi32, #tpu.memory_space<vmem>>, vector<16xi32>,
      %get3A_612 = arith.index_cast %add3A_586 : i32 to index
      %get3A_613 = arith.constant 80 : index
      %get3A_614 = tpu.vector_load %arg6[%get3A_612, %get3A_613] {strides = array<i32>} : memref<200x128xi32, #tpu.memory_space<vmem>>, vector<16xi32>,
      %swap3A_615 = arith.constant 80 : index
      %swap3A_616 = tpu.vector_load %arg8[%swap3A_615] {strides = array<i32>} : memref<128xi32, #tpu.memory_space<vmem>>, vector<16xi32>,
      tpu.vector_store %arg8[%swap3A_615], %get3A_614 {strides = array<i32>} : memref<128xi32, #tpu.memory_space<vmem>>, vector<16xi32>,
      %get3A_617 = arith.index_cast %add3A_586 : i32 to index
      %get3A_618 = arith.constant 96 : index
      %get3A_619 = tpu.vector_load %arg6[%get3A_617, %get3A_618] {strides = array<i32>} : memref<200x128xi32, #tpu.memory_space<vmem>>, vector<16xi32>,
      %swap3A_620 = arith.constant 96 : index
      %swap3A_621 = tpu.vector_load %arg8[%swap3A_620] {strides = array<i32>} : memref<128xi32, #tpu.memory_space<vmem>>, vector<16xi32>,
      tpu.vector_store %arg8[%swap3A_620], %get3A_619 {strides = array<i32>} : memref<128xi32, #tpu.memory_space<vmem>>, vector<16xi32>,
      %get3A_622 = arith.index_cast %add3A_586 : i32 to index
      %get3A_623 = arith.constant 112 : index
      %get3A_624 = tpu.vector_load %arg6[%get3A_622, %get3A_623] {strides = array<i32>} : memref<200x128xi32, #tpu.memory_space<vmem>>, vector<16xi32>,
      %swap3A_625 = arith.constant 112 : index
      %swap3A_626 = tpu.vector_load %arg8[%swap3A_625] {strides = array<i32>} : memref<128xi32, #tpu.memory_space<vmem>>, vector<16xi32>,
      tpu.vector_store %arg8[%swap3A_625], %get3A_624 {strides = array<i32>} : memref<128xi32, #tpu.memory_space<vmem>>, vector<16xi32>,
      %dma_start3A_627 = arith.constant 0 : i32
      %dma_start3A_628 = arith.constant 0 : i32
      %dma_start3A_629 = tpu.memref_slice %arg3[%dma_start3A_627, %dma_start3A_628] : memref<1000000x64xf32, #tpu.memory_space<hbm>> -> memref<1000000x64xf32, #tpu.memory_space<hbm>>
      tpu.enqueue_indirect_dma source(%dma_start3A_629 : memref<1000000x64xf32, #tpu.memory_space<hbm>>) target(%arg10 : memref<128x64xf32, #tpu.memory_space<vmem>>) offsets(%arg8 : memref<128xi32, #tpu.memory_space<vmem>>) semaphore(%arg15 : memref<!tpu.dma_semaphore, #tpu.memory_space<semaphore_mem>>)
      %dma_start3A_630 = arith.constant 0 : i32
      %dma_start3A_631 = tpu.memref_slice %arg5[%add3A_535, %dma_start3A_630, %multiple_of3A] : memref<200x64x4096xf32, #tpu.memory_space<hbm>> -> memref<1x64x128xf32, #tpu.memory_space<hbm>>
      %dma_start3A_632 = tpu.memref_squeeze %dma_start3A_631 : memref<1x64x128xf32, #tpu.memory_space<hbm>> -> memref<64x128xf32, #tpu.memory_space<hbm>>
      %dma_start3A_633 = arith.constant 0 : i32
      %dma_start3A_634 = tpu.memref_slice %arg5[%add3A_535, %dma_start3A_633, %multiple_of3A] : memref<200x64x4096xf32, #tpu.memory_space<hbm>> -> memref<1x64x128xf32, #tpu.memory_space<hbm>>
      %dma_start3A_635 = tpu.memref_squeeze %dma_start3A_634 : memref<1x64x128xf32, #tpu.memory_space<hbm>> -> memref<64x128xf32, #tpu.memory_space<hbm>>
      tpu.enqueue_dma source(%arg12 : memref<64x128xf32, #tpu.memory_space<vmem>>) target(%dma_start3A_635 : memref<64x128xf32, #tpu.memory_space<hbm>>) target_semaphore(%arg17 : memref<!tpu.dma_semaphore, #tpu.memory_space<semaphore_mem>>)
    }
    %scan3A_303 = arith.constant 98 : i32
    %dma_wait3A_304 = arith.constant 0 : i32
    %dma_wait3A_305 = arith.constant 0 : i32
    %dma_wait3A_306 = tpu.memref_slice %arg3[%dma_wait3A_304, %dma_wait3A_305] : memref<1000000x64xf32, #tpu.memory_space<hbm>> -> memref<1000000x64xf32, #tpu.memory_space<hbm>>
    tpu.wait_indirect_dma semaphore(%arg14 : memref<!tpu.dma_semaphore, #tpu.memory_space<semaphore_mem>>) src(%dma_wait3A_306 : memref<1000000x64xf32, #tpu.memory_space<hbm>>) dst(%arg9 : memref<128x64xf32, #tpu.memory_space<vmem>>)
    %dma_wait3A_307 = arith.constant 196 : i32
    %dma_wait3A_308 = arith.constant 0 : i32
    %dma_wait3A_309 = tpu.memref_slice %arg5[%dma_wait3A_307, %dma_wait3A_308, %multiple_of3A] : memref<200x64x4096xf32, #tpu.memory_space<hbm>> -> memref<1x64x128xf32, #tpu.memory_space<hbm>>
    %dma_wait3A_310 = tpu.memref_squeeze %dma_wait3A_309 : memref<1x64x128xf32, #tpu.memory_space<hbm>> -> memref<64x128xf32, #tpu.memory_space<hbm>>
    %dma_wait3A_311 = arith.constant 0 : i32
    %dma_wait3A_312 = tpu.memref_slice %arg5[%dma_wait3A_307, %dma_wait3A_311, %multiple_of3A] : memref<200x64x4096xf32, #tpu.memory_space<hbm>> -> memref<1x64x128xf32, #tpu.memory_space<hbm>>
    %dma_wait3A_313 = tpu.memref_squeeze %dma_wait3A_312 : memref<1x64x128xf32, #tpu.memory_space<hbm>> -> memref<64x128xf32, #tpu.memory_space<hbm>>
    tpu.wait_dma2 semaphore(%arg16 : memref<!tpu.dma_semaphore, #tpu.memory_space<semaphore_mem>>) src(%arg11 : memref<64x128xf32, #tpu.memory_space<vmem>>) dst(%dma_wait3A_313 : memref<64x128xf32, #tpu.memory_space<hbm>>)
    %iota3A_314 = tpu.iota {dimensions = array<i32: 0>} : vector<16xi32>
    %add3A_315 = arith.constant 0 : i32
    %add3A_316 = vector.broadcast %add3A_315 : i32 to vector<16xi32>
    %add3A_317 = arith.addi %iota3A_314, %add3A_316 : vector<16xi32>
    %iota3A_318 = tpu.iota {dimensions = array<i32: 0>} : vector<16xi32>
    %add3A_319 = arith.constant 16 : i32
    %add3A_320 = vector.broadcast %add3A_319 : i32 to vector<16xi32>
    %add3A_321 = arith.addi %iota3A_318, %add3A_320 : vector<16xi32>
    %iota3A_322 = tpu.iota {dimensions = array<i32: 0>} : vector<16xi32>
    %add3A_323 = arith.constant 32 : i32
    %add3A_324 = vector.broadcast %add3A_323 : i32 to vector<16xi32>
    %add3A_325 = arith.addi %iota3A_322, %add3A_324 : vector<16xi32>
    %iota3A_326 = tpu.iota {dimensions = array<i32: 0>} : vector<16xi32>
    %add3A_327 = arith.constant 48 : i32
    %add3A_328 = vector.broadcast %add3A_327 : i32 to vector<16xi32>
    %add3A_329 = arith.addi %iota3A_326, %add3A_328 : vector<16xi32>
    %iota3A_330 = tpu.iota {dimensions = array<i32: 0>} : vector<16xi32>
    %add3A_331 = arith.constant 64 : i32
    %add3A_332 = vector.broadcast %add3A_331 : i32 to vector<16xi32>
    %add3A_333 = arith.addi %iota3A_330, %add3A_332 : vector<16xi32>
    %iota3A_334 = tpu.iota {dimensions = array<i32: 0>} : vector<16xi32>
    %add3A_335 = arith.constant 80 : i32
    %add3A_336 = vector.broadcast %add3A_335 : i32 to vector<16xi32>
    %add3A_337 = arith.addi %iota3A_334, %add3A_336 : vector<16xi32>
    %iota3A_338 = tpu.iota {dimensions = array<i32: 0>} : vector<16xi32>
    %add3A_339 = arith.constant 96 : i32
    %add3A_340 = vector.broadcast %add3A_339 : i32 to vector<16xi32>
    %add3A_341 = arith.addi %iota3A_338, %add3A_340 : vector<16xi32>
    %iota3A_342 = tpu.iota {dimensions = array<i32: 0>} : vector<16xi32>
    %add3A_343 = arith.constant 112 : i32
    %add3A_344 = vector.broadcast %add3A_343 : i32 to vector<16xi32>
    %add3A_345 = arith.addi %iota3A_342, %add3A_344 : vector<16xi32>
    %broadcast_in_dim3A_346 = arith.constant 198 : i32
    %broadcast_in_dim3A_347 = vector.broadcast %broadcast_in_dim3A_346 : i32 to vector<16xi32>
    %scan3A_348 = arith.constant 0 : i32
    %scan3A_349 = arith.constant 16 : i32
    %scan3A_350 = arith.addi %scan3A_348, %scan3A_349 : i32
    %scan3A_351 = arith.constant 1 : i32
    scf.for %scan3A_430 = %scan3A_348 to %scan3A_350 step %scan3A_351  : i32 {
      %mul3A_431 = arith.constant 4 : i32
      %mul3A_432 = arith.muli %scan3A_430, %mul3A_431 : i32
      %add3A_433 = arith.constant 0 : i32
      %add3A_434 = arith.addi %mul3A_432, %add3A_433 : i32
      %broadcast_in_dim3A_435 = vector.broadcast %add3A_434 : i32 to vector<16xi32>
      %gather3A = tpu.vector_load_idx %arg13[%broadcast_in_dim3A_347, %broadcast_in_dim3A_435] : memref<200x64xf32, #tpu.memory_space<vmem>>[vector<16xi32>, vector<16xi32>], vector<16xf32>,
      %add3A_436 = arith.constant 1 : i32
      %add3A_437 = arith.addi %mul3A_432, %add3A_436 : i32
      %broadcast_in_dim3A_438 = vector.broadcast %add3A_437 : i32 to vector<16xi32>
      %gather3A_439 = tpu.vector_load_idx %arg13[%broadcast_in_dim3A_347, %broadcast_in_dim3A_438] : memref<200x64xf32, #tpu.memory_space<vmem>>[vector<16xi32>, vector<16xi32>], vector<16xf32>,
      %add3A_440 = arith.constant 2 : i32
      %add3A_441 = arith.addi %mul3A_432, %add3A_440 : i32
      %broadcast_in_dim3A_442 = vector.broadcast %add3A_441 : i32 to vector<16xi32>
      %gather3A_443 = tpu.vector_load_idx %arg13[%broadcast_in_dim3A_347, %broadcast_in_dim3A_442] : memref<200x64xf32, #tpu.memory_space<vmem>>[vector<16xi32>, vector<16xi32>], vector<16xf32>,
      %add3A_444 = arith.constant 3 : i32
      %add3A_445 = arith.addi %mul3A_432, %add3A_444 : i32
      %broadcast_in_dim3A_446 = vector.broadcast %add3A_445 : i32 to vector<16xi32>
      %gather3A_447 = tpu.vector_load_idx %arg13[%broadcast_in_dim3A_347, %broadcast_in_dim3A_446] : memref<200x64xf32, #tpu.memory_space<vmem>>[vector<16xi32>, vector<16xi32>], vector<16xf32>,
      %add3A_448 = arith.constant 0 : i32
      %add3A_449 = arith.addi %mul3A_432, %add3A_448 : i32
      %broadcast_in_dim3A_450 = vector.broadcast %add3A_449 : i32 to vector<16xi32>
      %gather3A_451 = tpu.vector_load_idx %arg9[%add3A_317, %broadcast_in_dim3A_450] : memref<128x64xf32, #tpu.memory_space<vmem>>[vector<16xi32>, vector<16xi32>], vector<16xf32>,
      %add3A_452 = arith.addf %gather3A_451, %gather3A : vector<16xf32>
      %add3A_453 = arith.constant 0 : i32
      %add3A_454 = arith.addi %mul3A_432, %add3A_453 : i32
      %swap3A_455 = arith.index_cast %add3A_454 : i32 to index
      %swap3A_456 = arith.constant 0 : index
      %swap3A_457 = tpu.vector_load %arg11[%swap3A_455, %swap3A_456] {strides = array<i32>} : memref<64x128xf32, #tpu.memory_space<vmem>>, vector<16xf32>,
      tpu.vector_store %arg11[%swap3A_455, %swap3A_456], %add3A_452 {strides = array<i32>} : memref<64x128xf32, #tpu.memory_space<vmem>>, vector<16xf32>,
      %add3A_458 = arith.constant 1 : i32
      %add3A_459 = arith.addi %mul3A_432, %add3A_458 : i32
      %broadcast_in_dim3A_460 = vector.broadcast %add3A_459 : i32 to vector<16xi32>
      %gather3A_461 = tpu.vector_load_idx %arg9[%add3A_317, %broadcast_in_dim3A_460] : memref<128x64xf32, #tpu.memory_space<vmem>>[vector<16xi32>, vector<16xi32>], vector<16xf32>,
      %add3A_462 = arith.addf %gather3A_461, %gather3A_439 : vector<16xf32>
      %add3A_463 = arith.constant 1 : i32
      %add3A_464 = arith.addi %mul3A_432, %add3A_463 : i32
      %swap3A_465 = arith.index_cast %add3A_464 : i32 to index
      %swap3A_466 = arith.constant 0 : index
      %swap3A_467 = tpu.vector_load %arg11[%swap3A_465, %swap3A_466] {strides = array<i32>} : memref<64x128xf32, #tpu.memory_space<vmem>>, vector<16xf32>,
      tpu.vector_store %arg11[%swap3A_465, %swap3A_466], %add3A_462 {strides = array<i32>} : memref<64x128xf32, #tpu.memory_space<vmem>>, vector<16xf32>,
      %add3A_468 = arith.constant 2 : i32
      %add3A_469 = arith.addi %mul3A_432, %add3A_468 : i32
      %broadcast_in_dim3A_470 = vector.broadcast %add3A_469 : i32 to vector<16xi32>
      %gather3A_471 = tpu.vector_load_idx %arg9[%add3A_317, %broadcast_in_dim3A_470] : memref<128x64xf32, #tpu.memory_space<vmem>>[vector<16xi32>, vector<16xi32>], vector<16xf32>,
      %add3A_472 = arith.addf %gather3A_471, %gather3A_443 : vector<16xf32>
      %add3A_473 = arith.constant 2 : i32
      %add3A_474 = arith.addi %mul3A_432, %add3A_473 : i32
      %swap3A_475 = arith.index_cast %add3A_474 : i32 to index
      %swap3A_476 = arith.constant 0 : index
      %swap3A_477 = tpu.vector_load %arg11[%swap3A_475, %swap3A_476] {strides = array<i32>} : memref<64x128xf32, #tpu.memory_space<vmem>>, vector<16xf32>,
      tpu.vector_store %arg11[%swap3A_475, %swap3A_476], %add3A_472 {strides = array<i32>} : memref<64x128xf32, #tpu.memory_space<vmem>>, vector<16xf32>,
      %add3A_478 = arith.constant 3 : i32
      %add3A_479 = arith.addi %mul3A_432, %add3A_478 : i32
      %broadcast_in_dim3A_480 = vector.broadcast %add3A_479 : i32 to vector<16xi32>
      %gather3A_481 = tpu.vector_load_idx %arg9[%add3A_317, %broadcast_in_dim3A_480] : memref<128x64xf32, #tpu.memory_space<vmem>>[vector<16xi32>, vector<16xi32>], vector<16xf32>,
      %add3A_482 = arith.addf %gather3A_481, %gather3A_447 : vector<16xf32>
      %add3A_483 = arith.constant 3 : i32
      %add3A_484 = arith.addi %mul3A_432, %add3A_483 : i32
      %swap3A_485 = arith.index_cast %add3A_484 : i32 to index
      %swap3A_486 = arith.constant 0 : index
      %swap3A_487 = tpu.vector_load %arg11[%swap3A_485, %swap3A_486] {strides = array<i32>} : memref<64x128xf32, #tpu.memory_space<vmem>>, vector<16xf32>,
      tpu.vector_store %arg11[%swap3A_485, %swap3A_486], %add3A_482 {strides = array<i32>} : memref<64x128xf32, #tpu.memory_space<vmem>>, vector<16xf32>,
      %add3A_488 = arith.constant 0 : i32
      %add3A_489 = arith.addi %mul3A_432, %add3A_488 : i32
      %broadcast_in_dim3A_490 = vector.broadcast %add3A_489 : i32 to vector<16xi32>
      %gather3A_491 = tpu.vector_load_idx %arg9[%add3A_321, %broadcast_in_dim3A_490] : memref<128x64xf32, #tpu.memory_space<vmem>>[vector<16xi32>, vector<16xi32>], vector<16xf32>,
      %add3A_492 = arith.addf %gather3A_491, %gather3A : vector<16xf32>
      %add3A_493 = arith.constant 0 : i32
      %add3A_494 = arith.addi %mul3A_432, %add3A_493 : i32
      %swap3A_495 = arith.index_cast %add3A_494 : i32 to index
      %swap3A_496 = arith.constant 16 : index
      %swap3A_497 = tpu.vector_load %arg11[%swap3A_495, %swap3A_496] {strides = array<i32>} : memref<64x128xf32, #tpu.memory_space<vmem>>, vector<16xf32>,
      tpu.vector_store %arg11[%swap3A_495, %swap3A_496], %add3A_492 {strides = array<i32>} : memref<64x128xf32, #tpu.memory_space<vmem>>, vector<16xf32>,
      %add3A_498 = arith.constant 1 : i32
      %add3A_499 = arith.addi %mul3A_432, %add3A_498 : i32
      %broadcast_in_dim3A_500 = vector.broadcast %add3A_499 : i32 to vector<16xi32>
      %gather3A_501 = tpu.vector_load_idx %arg9[%add3A_321, %broadcast_in_dim3A_500] : memref<128x64xf32, #tpu.memory_space<vmem>>[vector<16xi32>, vector<16xi32>], vector<16xf32>,
      %add3A_502 = arith.addf %gather3A_501, %gather3A_439 : vector<16xf32>
      %add3A_503 = arith.constant 1 : i32
      %add3A_504 = arith.addi %mul3A_432, %add3A_503 : i32
      %swap3A_505 = arith.index_cast %add3A_504 : i32 to index
      %swap3A_506 = arith.constant 16 : index
      %swap3A_507 = tpu.vector_load %arg11[%swap3A_505, %swap3A_506] {strides = array<i32>} : memref<64x128xf32, #tpu.memory_space<vmem>>, vector<16xf32>,
      tpu.vector_store %arg11[%swap3A_505, %swap3A_506], %add3A_502 {strides = array<i32>} : memref<64x128xf32, #tpu.memory_space<vmem>>, vector<16xf32>,
      %add3A_508 = arith.constant 2 : i32
      %add3A_509 = arith.addi %mul3A_432, %add3A_508 : i32
      %broadcast_in_dim3A_510 = vector.broadcast %add3A_509 : i32 to vector<16xi32>
      %gather3A_511 = tpu.vector_load_idx %arg9[%add3A_321, %broadcast_in_dim3A_510] : memref<128x64xf32, #tpu.memory_space<vmem>>[vector<16xi32>, vector<16xi32>], vector<16xf32>,
      %add3A_512 = arith.addf %gather3A_511, %gather3A_443 : vector<16xf32>
      %add3A_513 = arith.constant 2 : i32
      %add3A_514 = arith.addi %mul3A_432, %add3A_513 : i32
      %swap3A_515 = arith.index_cast %add3A_514 : i32 to index
      %swap3A_516 = arith.constant 16 : index
      %swap3A_517 = tpu.vector_load %arg11[%swap3A_515, %swap3A_516] {strides = array<i32>} : memref<64x128xf32, #tpu.memory_space<vmem>>, vector<16xf32>,
      tpu.vector_store %arg11[%swap3A_515, %swap3A_516], %add3A_512 {strides = array<i32>} : memref<64x128xf32, #tpu.memory_space<vmem>>, vector<16xf32>,
      %add3A_518 = arith.constant 3 : i32
      %add3A_519 = arith.addi %mul3A_432, %add3A_518 : i32
      %broadcast_in_dim3A_520 = vector.broadcast %add3A_519 : i32 to vector<16xi32>
      %gather3A_521 = tpu.vector_load_idx %arg9[%add3A_321, %broadcast_in_dim3A_520] : memref<128x64xf32, #tpu.memory_space<vmem>>[vector<16xi32>, vector<16xi32>], vector<16xf32>,
      %add3A_522 = arith.addf %gather3A_521, %gather3A_447 : vector<16xf32>
      %add3A_523 = arith.constant 3 : i32
      %add3A_524 = arith.addi %mul3A_432, %add3A_523 : i32
      %swap3A_525 = arith.index_cast %add3A_524 : i32 to index
      %swap3A_526 = arith.constant 16 : index
      %swap3A_527 = tpu.vector_load %arg11[%swap3A_525, %swap3A_526] {strides = array<i32>} : memref<64x128xf32, #tpu.memory_space<vmem>>, vector<16xf32>,
      tpu.vector_store %arg11[%swap3A_525, %swap3A_526], %add3A_522 {strides = array<i32>} : memref<64x128xf32, #tpu.memory_space<vmem>>, vector<16xf32>,
      %add3A_528 = arith.constant 0 : i32
      %add3A_529 = arith.addi %mul3A_432, %add3A_528 : i32
      %broadcast_in_dim3A_530 = vector.broadcast %add3A_529 : i32 to vector<16xi32>
      %gather3A_531 = tpu.vector_load_idx %arg9[%add3A_325, %broadcast_in_dim3A_530] : memref<128x64xf32, #tpu.memory_space<vmem>>[vector<16xi32>, vector<16xi32>], vector<16xf32>,
      %add3A_532 = arith.addf %gather3A_531, %gather3A : vector<16xf32>
      %add3A_533 = arith.constant 0 : i32
      %add3A_534 = arith.addi %mul3A_432, %add3A_533 : i32
      %swap3A_535 = arith.index_cast %add3A_534 : i32 to index
      %swap3A_536 = arith.constant 32 : index
      %swap3A_537 = tpu.vector_load %arg11[%swap3A_535, %swap3A_536] {strides = array<i32>} : memref<64x128xf32, #tpu.memory_space<vmem>>, vector<16xf32>,
      tpu.vector_store %arg11[%swap3A_535, %swap3A_536], %add3A_532 {strides = array<i32>} : memref<64x128xf32, #tpu.memory_space<vmem>>, vector<16xf32>,
      %add3A_538 = arith.constant 1 : i32
      %add3A_539 = arith.addi %mul3A_432, %add3A_538 : i32
      %broadcast_in_dim3A_540 = vector.broadcast %add3A_539 : i32 to vector<16xi32>
      %gather3A_541 = tpu.vector_load_idx %arg9[%add3A_325, %broadcast_in_dim3A_540] : memref<128x64xf32, #tpu.memory_space<vmem>>[vector<16xi32>, vector<16xi32>], vector<16xf32>,
      %add3A_542 = arith.addf %gather3A_541, %gather3A_439 : vector<16xf32>
      %add3A_543 = arith.constant 1 : i32
      %add3A_544 = arith.addi %mul3A_432, %add3A_543 : i32
      %swap3A_545 = arith.index_cast %add3A_544 : i32 to index
      %swap3A_546 = arith.constant 32 : index
      %swap3A_547 = tpu.vector_load %arg11[%swap3A_545, %swap3A_546] {strides = array<i32>} : memref<64x128xf32, #tpu.memory_space<vmem>>, vector<16xf32>,
      tpu.vector_store %arg11[%swap3A_545, %swap3A_546], %add3A_542 {strides = array<i32>} : memref<64x128xf32, #tpu.memory_space<vmem>>, vector<16xf32>,
      %add3A_548 = arith.constant 2 : i32
      %add3A_549 = arith.addi %mul3A_432, %add3A_548 : i32
      %broadcast_in_dim3A_550 = vector.broadcast %add3A_549 : i32 to vector<16xi32>
      %gather3A_551 = tpu.vector_load_idx %arg9[%add3A_325, %broadcast_in_dim3A_550] : memref<128x64xf32, #tpu.memory_space<vmem>>[vector<16xi32>, vector<16xi32>], vector<16xf32>,
      %add3A_552 = arith.addf %gather3A_551, %gather3A_443 : vector<16xf32>
      %add3A_553 = arith.constant 2 : i32
      %add3A_554 = arith.addi %mul3A_432, %add3A_553 : i32
      %swap3A_555 = arith.index_cast %add3A_554 : i32 to index
      %swap3A_556 = arith.constant 32 : index
      %swap3A_557 = tpu.vector_load %arg11[%swap3A_555, %swap3A_556] {strides = array<i32>} : memref<64x128xf32, #tpu.memory_space<vmem>>, vector<16xf32>,
      tpu.vector_store %arg11[%swap3A_555, %swap3A_556], %add3A_552 {strides = array<i32>} : memref<64x128xf32, #tpu.memory_space<vmem>>, vector<16xf32>,
      %add3A_558 = arith.constant 3 : i32
      %add3A_559 = arith.addi %mul3A_432, %add3A_558 : i32
      %broadcast_in_dim3A_560 = vector.broadcast %add3A_559 : i32 to vector<16xi32>
      %gather3A_561 = tpu.vector_load_idx %arg9[%add3A_325, %broadcast_in_dim3A_560] : memref<128x64xf32, #tpu.memory_space<vmem>>[vector<16xi32>, vector<16xi32>], vector<16xf32>,
      %add3A_562 = arith.addf %gather3A_561, %gather3A_447 : vector<16xf32>
      %add3A_563 = arith.constant 3 : i32
      %add3A_564 = arith.addi %mul3A_432, %add3A_563 : i32
      %swap3A_565 = arith.index_cast %add3A_564 : i32 to index
      %swap3A_566 = arith.constant 32 : index
      %swap3A_567 = tpu.vector_load %arg11[%swap3A_565, %swap3A_566] {strides = array<i32>} : memref<64x128xf32, #tpu.memory_space<vmem>>, vector<16xf32>,
      tpu.vector_store %arg11[%swap3A_565, %swap3A_566], %add3A_562 {strides = array<i32>} : memref<64x128xf32, #tpu.memory_space<vmem>>, vector<16xf32>,
      %add3A_568 = arith.constant 0 : i32
      %add3A_569 = arith.addi %mul3A_432, %add3A_568 : i32
      %broadcast_in_dim3A_570 = vector.broadcast %add3A_569 : i32 to vector<16xi32>
      %gather3A_571 = tpu.vector_load_idx %arg9[%add3A_329, %broadcast_in_dim3A_570] : memref<128x64xf32, #tpu.memory_space<vmem>>[vector<16xi32>, vector<16xi32>], vector<16xf32>,
      %add3A_572 = arith.addf %gather3A_571, %gather3A : vector<16xf32>
      %add3A_573 = arith.constant 0 : i32
      %add3A_574 = arith.addi %mul3A_432, %add3A_573 : i32
      %swap3A_575 = arith.index_cast %add3A_574 : i32 to index
      %swap3A_576 = arith.constant 48 : index
      %swap3A_577 = tpu.vector_load %arg11[%swap3A_575, %swap3A_576] {strides = array<i32>} : memref<64x128xf32, #tpu.memory_space<vmem>>, vector<16xf32>,
      tpu.vector_store %arg11[%swap3A_575, %swap3A_576], %add3A_572 {strides = array<i32>} : memref<64x128xf32, #tpu.memory_space<vmem>>, vector<16xf32>,
      %add3A_578 = arith.constant 1 : i32
      %add3A_579 = arith.addi %mul3A_432, %add3A_578 : i32
      %broadcast_in_dim3A_580 = vector.broadcast %add3A_579 : i32 to vector<16xi32>
      %gather3A_581 = tpu.vector_load_idx %arg9[%add3A_329, %broadcast_in_dim3A_580] : memref<128x64xf32, #tpu.memory_space<vmem>>[vector<16xi32>, vector<16xi32>], vector<16xf32>,
      %add3A_582 = arith.addf %gather3A_581, %gather3A_439 : vector<16xf32>
      %add3A_583 = arith.constant 1 : i32
      %add3A_584 = arith.addi %mul3A_432, %add3A_583 : i32
      %swap3A_585 = arith.index_cast %add3A_584 : i32 to index
      %swap3A_586 = arith.constant 48 : index
      %swap3A_587 = tpu.vector_load %arg11[%swap3A_585, %swap3A_586] {strides = array<i32>} : memref<64x128xf32, #tpu.memory_space<vmem>>, vector<16xf32>,
      tpu.vector_store %arg11[%swap3A_585, %swap3A_586], %add3A_582 {strides = array<i32>} : memref<64x128xf32, #tpu.memory_space<vmem>>, vector<16xf32>,
      %add3A_588 = arith.constant 2 : i32
      %add3A_589 = arith.addi %mul3A_432, %add3A_588 : i32
      %broadcast_in_dim3A_590 = vector.broadcast %add3A_589 : i32 to vector<16xi32>
      %gather3A_591 = tpu.vector_load_idx %arg9[%add3A_329, %broadcast_in_dim3A_590] : memref<128x64xf32, #tpu.memory_space<vmem>>[vector<16xi32>, vector<16xi32>], vector<16xf32>,
      %add3A_592 = arith.addf %gather3A_591, %gather3A_443 : vector<16xf32>
      %add3A_593 = arith.constant 2 : i32
      %add3A_594 = arith.addi %mul3A_432, %add3A_593 : i32
      %swap3A_595 = arith.index_cast %add3A_594 : i32 to index
      %swap3A_596 = arith.constant 48 : index
      %swap3A_597 = tpu.vector_load %arg11[%swap3A_595, %swap3A_596] {strides = array<i32>} : memref<64x128xf32, #tpu.memory_space<vmem>>, vector<16xf32>,
      tpu.vector_store %arg11[%swap3A_595, %swap3A_596], %add3A_592 {strides = array<i32>} : memref<64x128xf32, #tpu.memory_space<vmem>>, vector<16xf32>,
      %add3A_598 = arith.constant 3 : i32
      %add3A_599 = arith.addi %mul3A_432, %add3A_598 : i32
      %broadcast_in_dim3A_600 = vector.broadcast %add3A_599 : i32 to vector<16xi32>
      %gather3A_601 = tpu.vector_load_idx %arg9[%add3A_329, %broadcast_in_dim3A_600] : memref<128x64xf32, #tpu.memory_space<vmem>>[vector<16xi32>, vector<16xi32>], vector<16xf32>,
      %add3A_602 = arith.addf %gather3A_601, %gather3A_447 : vector<16xf32>
      %add3A_603 = arith.constant 3 : i32
      %add3A_604 = arith.addi %mul3A_432, %add3A_603 : i32
      %swap3A_605 = arith.index_cast %add3A_604 : i32 to index
      %swap3A_606 = arith.constant 48 : index
      %swap3A_607 = tpu.vector_load %arg11[%swap3A_605, %swap3A_606] {strides = array<i32>} : memref<64x128xf32, #tpu.memory_space<vmem>>, vector<16xf32>,
      tpu.vector_store %arg11[%swap3A_605, %swap3A_606], %add3A_602 {strides = array<i32>} : memref<64x128xf32, #tpu.memory_space<vmem>>, vector<16xf32>,
      %add3A_608 = arith.constant 0 : i32
      %add3A_609 = arith.addi %mul3A_432, %add3A_608 : i32
      %broadcast_in_dim3A_610 = vector.broadcast %add3A_609 : i32 to vector<16xi32>
      %gather3A_611 = tpu.vector_load_idx %arg9[%add3A_333, %broadcast_in_dim3A_610] : memref<128x64xf32, #tpu.memory_space<vmem>>[vector<16xi32>, vector<16xi32>], vector<16xf32>,
      %add3A_612 = arith.addf %gather3A_611, %gather3A : vector<16xf32>
      %add3A_613 = arith.constant 0 : i32
      %add3A_614 = arith.addi %mul3A_432, %add3A_613 : i32
      %swap3A_615 = arith.index_cast %add3A_614 : i32 to index
      %swap3A_616 = arith.constant 64 : index
      %swap3A_617 = tpu.vector_load %arg11[%swap3A_615, %swap3A_616] {strides = array<i32>} : memref<64x128xf32, #tpu.memory_space<vmem>>, vector<16xf32>,
      tpu.vector_store %arg11[%swap3A_615, %swap3A_616], %add3A_612 {strides = array<i32>} : memref<64x128xf32, #tpu.memory_space<vmem>>, vector<16xf32>,
      %add3A_618 = arith.constant 1 : i32
      %add3A_619 = arith.addi %mul3A_432, %add3A_618 : i32
      %broadcast_in_dim3A_620 = vector.broadcast %add3A_619 : i32 to vector<16xi32>
      %gather3A_621 = tpu.vector_load_idx %arg9[%add3A_333, %broadcast_in_dim3A_620] : memref<128x64xf32, #tpu.memory_space<vmem>>[vector<16xi32>, vector<16xi32>], vector<16xf32>,
      %add3A_622 = arith.addf %gather3A_621, %gather3A_439 : vector<16xf32>
      %add3A_623 = arith.constant 1 : i32
      %add3A_624 = arith.addi %mul3A_432, %add3A_623 : i32
      %swap3A_625 = arith.index_cast %add3A_624 : i32 to index
      %swap3A_626 = arith.constant 64 : index
      %swap3A_627 = tpu.vector_load %arg11[%swap3A_625, %swap3A_626] {strides = array<i32>} : memref<64x128xf32, #tpu.memory_space<vmem>>, vector<16xf32>,
      tpu.vector_store %arg11[%swap3A_625, %swap3A_626], %add3A_622 {strides = array<i32>} : memref<64x128xf32, #tpu.memory_space<vmem>>, vector<16xf32>,
      %add3A_628 = arith.constant 2 : i32
      %add3A_629 = arith.addi %mul3A_432, %add3A_628 : i32
      %broadcast_in_dim3A_630 = vector.broadcast %add3A_629 : i32 to vector<16xi32>
      %gather3A_631 = tpu.vector_load_idx %arg9[%add3A_333, %broadcast_in_dim3A_630] : memref<128x64xf32, #tpu.memory_space<vmem>>[vector<16xi32>, vector<16xi32>], vector<16xf32>,
      %add3A_632 = arith.addf %gather3A_631, %gather3A_443 : vector<16xf32>
      %add3A_633 = arith.constant 2 : i32
      %add3A_634 = arith.addi %mul3A_432, %add3A_633 : i32
      %swap3A_635 = arith.index_cast %add3A_634 : i32 to index
      %swap3A_636 = arith.constant 64 : index
      %swap3A_637 = tpu.vector_load %arg11[%swap3A_635, %swap3A_636] {strides = array<i32>} : memref<64x128xf32, #tpu.memory_space<vmem>>, vector<16xf32>,
      tpu.vector_store %arg11[%swap3A_635, %swap3A_636], %add3A_632 {strides = array<i32>} : memref<64x128xf32, #tpu.memory_space<vmem>>, vector<16xf32>,
      %add3A_638 = arith.constant 3 : i32
      %add3A_639 = arith.addi %mul3A_432, %add3A_638 : i32
      %broadcast_in_dim3A_640 = vector.broadcast %add3A_639 : i32 to vector<16xi32>
      %gather3A_641 = tpu.vector_load_idx %arg9[%add3A_333, %broadcast_in_dim3A_640] : memref<128x64xf32, #tpu.memory_space<vmem>>[vector<16xi32>, vector<16xi32>], vector<16xf32>,
      %add3A_642 = arith.addf %gather3A_641, %gather3A_447 : vector<16xf32>
      %add3A_643 = arith.constant 3 : i32
      %add3A_644 = arith.addi %mul3A_432, %add3A_643 : i32
      %swap3A_645 = arith.index_cast %add3A_644 : i32 to index
      %swap3A_646 = arith.constant 64 : index
      %swap3A_647 = tpu.vector_load %arg11[%swap3A_645, %swap3A_646] {strides = array<i32>} : memref<64x128xf32, #tpu.memory_space<vmem>>, vector<16xf32>,
      tpu.vector_store %arg11[%swap3A_645, %swap3A_646], %add3A_642 {strides = array<i32>} : memref<64x128xf32, #tpu.memory_space<vmem>>, vector<16xf32>,
      %add3A_648 = arith.constant 0 : i32
      %add3A_649 = arith.addi %mul3A_432, %add3A_648 : i32
      %broadcast_in_dim3A_650 = vector.broadcast %add3A_649 : i32 to vector<16xi32>
      %gather3A_651 = tpu.vector_load_idx %arg9[%add3A_337, %broadcast_in_dim3A_650] : memref<128x64xf32, #tpu.memory_space<vmem>>[vector<16xi32>, vector<16xi32>], vector<16xf32>,
      %add3A_652 = arith.addf %gather3A_651, %gather3A : vector<16xf32>
      %add3A_653 = arith.constant 0 : i32
      %add3A_654 = arith.addi %mul3A_432, %add3A_653 : i32
      %swap3A_655 = arith.index_cast %add3A_654 : i32 to index
      %swap3A_656 = arith.constant 80 : index
      %swap3A_657 = tpu.vector_load %arg11[%swap3A_655, %swap3A_656] {strides = array<i32>} : memref<64x128xf32, #tpu.memory_space<vmem>>, vector<16xf32>,
      tpu.vector_store %arg11[%swap3A_655, %swap3A_656], %add3A_652 {strides = array<i32>} : memref<64x128xf32, #tpu.memory_space<vmem>>, vector<16xf32>,
      %add3A_658 = arith.constant 1 : i32
      %add3A_659 = arith.addi %mul3A_432, %add3A_658 : i32
      %broadcast_in_dim3A_660 = vector.broadcast %add3A_659 : i32 to vector<16xi32>
      %gather3A_661 = tpu.vector_load_idx %arg9[%add3A_337, %broadcast_in_dim3A_660] : memref<128x64xf32, #tpu.memory_space<vmem>>[vector<16xi32>, vector<16xi32>], vector<16xf32>,
      %add3A_662 = arith.addf %gather3A_661, %gather3A_439 : vector<16xf32>
      %add3A_663 = arith.constant 1 : i32
      %add3A_664 = arith.addi %mul3A_432, %add3A_663 : i32
      %swap3A_665 = arith.index_cast %add3A_664 : i32 to index
      %swap3A_666 = arith.constant 80 : index
      %swap3A_667 = tpu.vector_load %arg11[%swap3A_665, %swap3A_666] {strides = array<i32>} : memref<64x128xf32, #tpu.memory_space<vmem>>, vector<16xf32>,
      tpu.vector_store %arg11[%swap3A_665, %swap3A_666], %add3A_662 {strides = array<i32>} : memref<64x128xf32, #tpu.memory_space<vmem>>, vector<16xf32>,
      %add3A_668 = arith.constant 2 : i32
      %add3A_669 = arith.addi %mul3A_432, %add3A_668 : i32
      %broadcast_in_dim3A_670 = vector.broadcast %add3A_669 : i32 to vector<16xi32>
      %gather3A_671 = tpu.vector_load_idx %arg9[%add3A_337, %broadcast_in_dim3A_670] : memref<128x64xf32, #tpu.memory_space<vmem>>[vector<16xi32>, vector<16xi32>], vector<16xf32>,
      %add3A_672 = arith.addf %gather3A_671, %gather3A_443 : vector<16xf32>
      %add3A_673 = arith.constant 2 : i32
      %add3A_674 = arith.addi %mul3A_432, %add3A_673 : i32
      %swap3A_675 = arith.index_cast %add3A_674 : i32 to index
      %swap3A_676 = arith.constant 80 : index
      %swap3A_677 = tpu.vector_load %arg11[%swap3A_675, %swap3A_676] {strides = array<i32>} : memref<64x128xf32, #tpu.memory_space<vmem>>, vector<16xf32>,
      tpu.vector_store %arg11[%swap3A_675, %swap3A_676], %add3A_672 {strides = array<i32>} : memref<64x128xf32, #tpu.memory_space<vmem>>, vector<16xf32>,
      %add3A_678 = arith.constant 3 : i32
      %add3A_679 = arith.addi %mul3A_432, %add3A_678 : i32
      %broadcast_in_dim3A_680 = vector.broadcast %add3A_679 : i32 to vector<16xi32>
      %gather3A_681 = tpu.vector_load_idx %arg9[%add3A_337, %broadcast_in_dim3A_680] : memref<128x64xf32, #tpu.memory_space<vmem>>[vector<16xi32>, vector<16xi32>], vector<16xf32>,
      %add3A_682 = arith.addf %gather3A_681, %gather3A_447 : vector<16xf32>
      %add3A_683 = arith.constant 3 : i32
      %add3A_684 = arith.addi %mul3A_432, %add3A_683 : i32
      %swap3A_685 = arith.index_cast %add3A_684 : i32 to index
      %swap3A_686 = arith.constant 80 : index
      %swap3A_687 = tpu.vector_load %arg11[%swap3A_685, %swap3A_686] {strides = array<i32>} : memref<64x128xf32, #tpu.memory_space<vmem>>, vector<16xf32>,
      tpu.vector_store %arg11[%swap3A_685, %swap3A_686], %add3A_682 {strides = array<i32>} : memref<64x128xf32, #tpu.memory_space<vmem>>, vector<16xf32>,
      %add3A_688 = arith.constant 0 : i32
      %add3A_689 = arith.addi %mul3A_432, %add3A_688 : i32
      %broadcast_in_dim3A_690 = vector.broadcast %add3A_689 : i32 to vector<16xi32>
      %gather3A_691 = tpu.vector_load_idx %arg9[%add3A_341, %broadcast_in_dim3A_690] : memref<128x64xf32, #tpu.memory_space<vmem>>[vector<16xi32>, vector<16xi32>], vector<16xf32>,
      %add3A_692 = arith.addf %gather3A_691, %gather3A : vector<16xf32>
      %add3A_693 = arith.constant 0 : i32
      %add3A_694 = arith.addi %mul3A_432, %add3A_693 : i32
      %swap3A_695 = arith.index_cast %add3A_694 : i32 to index
      %swap3A_696 = arith.constant 96 : index
      %swap3A_697 = tpu.vector_load %arg11[%swap3A_695, %swap3A_696] {strides = array<i32>} : memref<64x128xf32, #tpu.memory_space<vmem>>, vector<16xf32>,
      tpu.vector_store %arg11[%swap3A_695, %swap3A_696], %add3A_692 {strides = array<i32>} : memref<64x128xf32, #tpu.memory_space<vmem>>, vector<16xf32>,
      %add3A_698 = arith.constant 1 : i32
      %add3A_699 = arith.addi %mul3A_432, %add3A_698 : i32
      %broadcast_in_dim3A_700 = vector.broadcast %add3A_699 : i32 to vector<16xi32>
      %gather3A_701 = tpu.vector_load_idx %arg9[%add3A_341, %broadcast_in_dim3A_700] : memref<128x64xf32, #tpu.memory_space<vmem>>[vector<16xi32>, vector<16xi32>], vector<16xf32>,
      %add3A_702 = arith.addf %gather3A_701, %gather3A_439 : vector<16xf32>
      %add3A_703 = arith.constant 1 : i32
      %add3A_704 = arith.addi %mul3A_432, %add3A_703 : i32
      %swap3A_705 = arith.index_cast %add3A_704 : i32 to index
      %swap3A_706 = arith.constant 96 : index
      %swap3A_707 = tpu.vector_load %arg11[%swap3A_705, %swap3A_706] {strides = array<i32>} : memref<64x128xf32, #tpu.memory_space<vmem>>, vector<16xf32>,
      tpu.vector_store %arg11[%swap3A_705, %swap3A_706], %add3A_702 {strides = array<i32>} : memref<64x128xf32, #tpu.memory_space<vmem>>, vector<16xf32>,
      %add3A_708 = arith.constant 2 : i32
      %add3A_709 = arith.addi %mul3A_432, %add3A_708 : i32
      %broadcast_in_dim3A_710 = vector.broadcast %add3A_709 : i32 to vector<16xi32>
      %gather3A_711 = tpu.vector_load_idx %arg9[%add3A_341, %broadcast_in_dim3A_710] : memref<128x64xf32, #tpu.memory_space<vmem>>[vector<16xi32>, vector<16xi32>], vector<16xf32>,
      %add3A_712 = arith.addf %gather3A_711, %gather3A_443 : vector<16xf32>
      %add3A_713 = arith.constant 2 : i32
      %add3A_714 = arith.addi %mul3A_432, %add3A_713 : i32
      %swap3A_715 = arith.index_cast %add3A_714 : i32 to index
      %swap3A_716 = arith.constant 96 : index
      %swap3A_717 = tpu.vector_load %arg11[%swap3A_715, %swap3A_716] {strides = array<i32>} : memref<64x128xf32, #tpu.memory_space<vmem>>, vector<16xf32>,
      tpu.vector_store %arg11[%swap3A_715, %swap3A_716], %add3A_712 {strides = array<i32>} : memref<64x128xf32, #tpu.memory_space<vmem>>, vector<16xf32>,
      %add3A_718 = arith.constant 3 : i32
      %add3A_719 = arith.addi %mul3A_432, %add3A_718 : i32
      %broadcast_in_dim3A_720 = vector.broadcast %add3A_719 : i32 to vector<16xi32>
      %gather3A_721 = tpu.vector_load_idx %arg9[%add3A_341, %broadcast_in_dim3A_720] : memref<128x64xf32, #tpu.memory_space<vmem>>[vector<16xi32>, vector<16xi32>], vector<16xf32>,
      %add3A_722 = arith.addf %gather3A_721, %gather3A_447 : vector<16xf32>
      %add3A_723 = arith.constant 3 : i32
      %add3A_724 = arith.addi %mul3A_432, %add3A_723 : i32
      %swap3A_725 = arith.index_cast %add3A_724 : i32 to index
      %swap3A_726 = arith.constant 96 : index
      %swap3A_727 = tpu.vector_load %arg11[%swap3A_725, %swap3A_726] {strides = array<i32>} : memref<64x128xf32, #tpu.memory_space<vmem>>, vector<16xf32>,
      tpu.vector_store %arg11[%swap3A_725, %swap3A_726], %add3A_722 {strides = array<i32>} : memref<64x128xf32, #tpu.memory_space<vmem>>, vector<16xf32>,
      %add3A_728 = arith.constant 0 : i32
      %add3A_729 = arith.addi %mul3A_432, %add3A_728 : i32
      %broadcast_in_dim3A_730 = vector.broadcast %add3A_729 : i32 to vector<16xi32>
      %gather3A_731 = tpu.vector_load_idx %arg9[%add3A_345, %broadcast_in_dim3A_730] : memref<128x64xf32, #tpu.memory_space<vmem>>[vector<16xi32>, vector<16xi32>], vector<16xf32>,
      %add3A_732 = arith.addf %gather3A_731, %gather3A : vector<16xf32>
      %add3A_733 = arith.constant 0 : i32
      %add3A_734 = arith.addi %mul3A_432, %add3A_733 : i32
      %swap3A_735 = arith.index_cast %add3A_734 : i32 to index
      %swap3A_736 = arith.constant 112 : index
      %swap3A_737 = tpu.vector_load %arg11[%swap3A_735, %swap3A_736] {strides = array<i32>} : memref<64x128xf32, #tpu.memory_space<vmem>>, vector<16xf32>,
      tpu.vector_store %arg11[%swap3A_735, %swap3A_736], %add3A_732 {strides = array<i32>} : memref<64x128xf32, #tpu.memory_space<vmem>>, vector<16xf32>,
      %add3A_738 = arith.constant 1 : i32
      %add3A_739 = arith.addi %mul3A_432, %add3A_738 : i32
      %broadcast_in_dim3A_740 = vector.broadcast %add3A_739 : i32 to vector<16xi32>
      %gather3A_741 = tpu.vector_load_idx %arg9[%add3A_345, %broadcast_in_dim3A_740] : memref<128x64xf32, #tpu.memory_space<vmem>>[vector<16xi32>, vector<16xi32>], vector<16xf32>,
      %add3A_742 = arith.addf %gather3A_741, %gather3A_439 : vector<16xf32>
      %add3A_743 = arith.constant 1 : i32
      %add3A_744 = arith.addi %mul3A_432, %add3A_743 : i32
      %swap3A_745 = arith.index_cast %add3A_744 : i32 to index
      %swap3A_746 = arith.constant 112 : index
      %swap3A_747 = tpu.vector_load %arg11[%swap3A_745, %swap3A_746] {strides = array<i32>} : memref<64x128xf32, #tpu.memory_space<vmem>>, vector<16xf32>,
      tpu.vector_store %arg11[%swap3A_745, %swap3A_746], %add3A_742 {strides = array<i32>} : memref<64x128xf32, #tpu.memory_space<vmem>>, vector<16xf32>,
      %add3A_748 = arith.constant 2 : i32
      %add3A_749 = arith.addi %mul3A_432, %add3A_748 : i32
      %broadcast_in_dim3A_750 = vector.broadcast %add3A_749 : i32 to vector<16xi32>
      %gather3A_751 = tpu.vector_load_idx %arg9[%add3A_345, %broadcast_in_dim3A_750] : memref<128x64xf32, #tpu.memory_space<vmem>>[vector<16xi32>, vector<16xi32>], vector<16xf32>,
      %add3A_752 = arith.addf %gather3A_751, %gather3A_443 : vector<16xf32>
      %add3A_753 = arith.constant 2 : i32
      %add3A_754 = arith.addi %mul3A_432, %add3A_753 : i32
      %swap3A_755 = arith.index_cast %add3A_754 : i32 to index
      %swap3A_756 = arith.constant 112 : index
      %swap3A_757 = tpu.vector_load %arg11[%swap3A_755, %swap3A_756] {strides = array<i32>} : memref<64x128xf32, #tpu.memory_space<vmem>>, vector<16xf32>,
      tpu.vector_store %arg11[%swap3A_755, %swap3A_756], %add3A_752 {strides = array<i32>} : memref<64x128xf32, #tpu.memory_space<vmem>>, vector<16xf32>,
      %add3A_758 = arith.constant 3 : i32
      %add3A_759 = arith.addi %mul3A_432, %add3A_758 : i32
      %broadcast_in_dim3A_760 = vector.broadcast %add3A_759 : i32 to vector<16xi32>
      %gather3A_761 = tpu.vector_load_idx %arg9[%add3A_345, %broadcast_in_dim3A_760] : memref<128x64xf32, #tpu.memory_space<vmem>>[vector<16xi32>, vector<16xi32>], vector<16xf32>,
      %add3A_762 = arith.addf %gather3A_761, %gather3A_447 : vector<16xf32>
      %add3A_763 = arith.constant 3 : i32
      %add3A_764 = arith.addi %mul3A_432, %add3A_763 : i32
      %swap3A_765 = arith.index_cast %add3A_764 : i32 to index
      %swap3A_766 = arith.constant 112 : index
      %swap3A_767 = tpu.vector_load %arg11[%swap3A_765, %swap3A_766] {strides = array<i32>} : memref<64x128xf32, #tpu.memory_space<vmem>>, vector<16xf32>,
      tpu.vector_store %arg11[%swap3A_765, %swap3A_766], %add3A_762 {strides = array<i32>} : memref<64x128xf32, #tpu.memory_space<vmem>>, vector<16xf32>,
    }
    %scan3A_352 = arith.constant 16 : i32
    %dma_start3A_353 = arith.constant 198 : i32
    %dma_start3A_354 = arith.constant 0 : i32
    %dma_start3A_355 = tpu.memref_slice %arg5[%dma_start3A_353, %dma_start3A_354, %multiple_of3A] : memref<200x64x4096xf32, #tpu.memory_space<hbm>> -> memref<1x64x128xf32, #tpu.memory_space<hbm>>
    %dma_start3A_356 = tpu.memref_squeeze %dma_start3A_355 : memref<1x64x128xf32, #tpu.memory_space<hbm>> -> memref<64x128xf32, #tpu.memory_space<hbm>>
    %dma_start3A_357 = arith.constant 0 : i32
    %dma_start3A_358 = tpu.memref_slice %arg5[%dma_start3A_353, %dma_start3A_357, %multiple_of3A] : memref<200x64x4096xf32, #tpu.memory_space<hbm>> -> memref<1x64x128xf32, #tpu.memory_space<hbm>>
    %dma_start3A_359 = tpu.memref_squeeze %dma_start3A_358 : memref<1x64x128xf32, #tpu.memory_space<hbm>> -> memref<64x128xf32, #tpu.memory_space<hbm>>
    tpu.enqueue_dma source(%arg11 : memref<64x128xf32, #tpu.memory_space<vmem>>) target(%dma_start3A_359 : memref<64x128xf32, #tpu.memory_space<hbm>>) target_semaphore(%arg16 : memref<!tpu.dma_semaphore, #tpu.memory_space<semaphore_mem>>)
    %dma_wait3A_360 = arith.constant 0 : i32
    %dma_wait3A_361 = arith.constant 0 : i32
    %dma_wait3A_362 = tpu.memref_slice %arg3[%dma_wait3A_360, %dma_wait3A_361] : memref<1000000x64xf32, #tpu.memory_space<hbm>> -> memref<1000000x64xf32, #tpu.memory_space<hbm>>
    tpu.wait_indirect_dma semaphore(%arg15 : memref<!tpu.dma_semaphore, #tpu.memory_space<semaphore_mem>>) src(%dma_wait3A_362 : memref<1000000x64xf32, #tpu.memory_space<hbm>>) dst(%arg10 : memref<128x64xf32, #tpu.memory_space<vmem>>)
    %dma_wait3A_363 = arith.constant 197 : i32
    %dma_wait3A_364 = arith.constant 0 : i32
    %dma_wait3A_365 = tpu.memref_slice %arg5[%dma_wait3A_363, %dma_wait3A_364, %multiple_of3A] : memref<200x64x4096xf32, #tpu.memory_space<hbm>> -> memref<1x64x128xf32, #tpu.memory_space<hbm>>
    %dma_wait3A_366 = tpu.memref_squeeze %dma_wait3A_365 : memref<1x64x128xf32, #tpu.memory_space<hbm>> -> memref<64x128xf32, #tpu.memory_space<hbm>>
    %dma_wait3A_367 = arith.constant 0 : i32
    %dma_wait3A_368 = tpu.memref_slice %arg5[%dma_wait3A_363, %dma_wait3A_367, %multiple_of3A] : memref<200x64x4096xf32, #tpu.memory_space<hbm>> -> memref<1x64x128xf32, #tpu.memory_space<hbm>>
    %dma_wait3A_369 = tpu.memref_squeeze %dma_wait3A_368 : memref<1x64x128xf32, #tpu.memory_space<hbm>> -> memref<64x128xf32, #tpu.memory_space<hbm>>
    tpu.wait_dma2 semaphore(%arg17 : memref<!tpu.dma_semaphore, #tpu.memory_space<semaphore_mem>>) src(%arg12 : memref<64x128xf32, #tpu.memory_space<vmem>>) dst(%dma_wait3A_369 : memref<64x128xf32, #tpu.memory_space<hbm>>)
    %iota3A_370 = tpu.iota {dimensions = array<i32: 0>} : vector<16xi32>
    %add3A_371 = arith.constant 0 : i32
    %add3A_372 = vector.broadcast %add3A_371 : i32 to vector<16xi32>
    %add3A_373 = arith.addi %iota3A_370, %add3A_372 : vector<16xi32>
    %iota3A_374 = tpu.iota {dimensions = array<i32: 0>} : vector<16xi32>
    %add3A_375 = arith.constant 16 : i32
    %add3A_376 = vector.broadcast %add3A_375 : i32 to vector<16xi32>
    %add3A_377 = arith.addi %iota3A_374, %add3A_376 : vector<16xi32>
    %iota3A_378 = tpu.iota {dimensions = array<i32: 0>} : vector<16xi32>
    %add3A_379 = arith.constant 32 : i32
    %add3A_380 = vector.broadcast %add3A_379 : i32 to vector<16xi32>
    %add3A_381 = arith.addi %iota3A_378, %add3A_380 : vector<16xi32>
    %iota3A_382 = tpu.iota {dimensions = array<i32: 0>} : vector<16xi32>
    %add3A_383 = arith.constant 48 : i32
    %add3A_384 = vector.broadcast %add3A_383 : i32 to vector<16xi32>
    %add3A_385 = arith.addi %iota3A_382, %add3A_384 : vector<16xi32>
    %iota3A_386 = tpu.iota {dimensions = array<i32: 0>} : vector<16xi32>
    %add3A_387 = arith.constant 64 : i32
    %add3A_388 = vector.broadcast %add3A_387 : i32 to vector<16xi32>
    %add3A_389 = arith.addi %iota3A_386, %add3A_388 : vector<16xi32>
    %iota3A_390 = tpu.iota {dimensions = array<i32: 0>} : vector<16xi32>
    %add3A_391 = arith.constant 80 : i32
    %add3A_392 = vector.broadcast %add3A_391 : i32 to vector<16xi32>
    %add3A_393 = arith.addi %iota3A_390, %add3A_392 : vector<16xi32>
    %iota3A_394 = tpu.iota {dimensions = array<i32: 0>} : vector<16xi32>
    %add3A_395 = arith.constant 96 : i32
    %add3A_396 = vector.broadcast %add3A_395 : i32 to vector<16xi32>
    %add3A_397 = arith.addi %iota3A_394, %add3A_396 : vector<16xi32>
    %iota3A_398 = tpu.iota {dimensions = array<i32: 0>} : vector<16xi32>
    %add3A_399 = arith.constant 112 : i32
    %add3A_400 = vector.broadcast %add3A_399 : i32 to vector<16xi32>
    %add3A_401 = arith.addi %iota3A_398, %add3A_400 : vector<16xi32>
    %broadcast_in_dim3A_402 = arith.constant 199 : i32
    %broadcast_in_dim3A_403 = vector.broadcast %broadcast_in_dim3A_402 : i32 to vector<16xi32>
    %scan3A_404 = arith.constant 0 : i32
    %scan3A_405 = arith.constant 16 : i32
    %scan3A_406 = arith.addi %scan3A_404, %scan3A_405 : i32
    %scan3A_407 = arith.constant 1 : i32
    scf.for %scan3A_430 = %scan3A_404 to %scan3A_406 step %scan3A_407  : i32 {
      %mul3A_431 = arith.constant 4 : i32
      %mul3A_432 = arith.muli %scan3A_430, %mul3A_431 : i32
      %add3A_433 = arith.constant 0 : i32
      %add3A_434 = arith.addi %mul3A_432, %add3A_433 : i32
      %broadcast_in_dim3A_435 = vector.broadcast %add3A_434 : i32 to vector<16xi32>
      %gather3A = tpu.vector_load_idx %arg13[%broadcast_in_dim3A_403, %broadcast_in_dim3A_435] : memref<200x64xf32, #tpu.memory_space<vmem>>[vector<16xi32>, vector<16xi32>], vector<16xf32>,
      %add3A_436 = arith.constant 1 : i32
      %add3A_437 = arith.addi %mul3A_432, %add3A_436 : i32
      %broadcast_in_dim3A_438 = vector.broadcast %add3A_437 : i32 to vector<16xi32>
      %gather3A_439 = tpu.vector_load_idx %arg13[%broadcast_in_dim3A_403, %broadcast_in_dim3A_438] : memref<200x64xf32, #tpu.memory_space<vmem>>[vector<16xi32>, vector<16xi32>], vector<16xf32>,
      %add3A_440 = arith.constant 2 : i32
      %add3A_441 = arith.addi %mul3A_432, %add3A_440 : i32
      %broadcast_in_dim3A_442 = vector.broadcast %add3A_441 : i32 to vector<16xi32>
      %gather3A_443 = tpu.vector_load_idx %arg13[%broadcast_in_dim3A_403, %broadcast_in_dim3A_442] : memref<200x64xf32, #tpu.memory_space<vmem>>[vector<16xi32>, vector<16xi32>], vector<16xf32>,
      %add3A_444 = arith.constant 3 : i32
      %add3A_445 = arith.addi %mul3A_432, %add3A_444 : i32
      %broadcast_in_dim3A_446 = vector.broadcast %add3A_445 : i32 to vector<16xi32>
      %gather3A_447 = tpu.vector_load_idx %arg13[%broadcast_in_dim3A_403, %broadcast_in_dim3A_446] : memref<200x64xf32, #tpu.memory_space<vmem>>[vector<16xi32>, vector<16xi32>], vector<16xf32>,
      %add3A_448 = arith.constant 0 : i32
      %add3A_449 = arith.addi %mul3A_432, %add3A_448 : i32
      %broadcast_in_dim3A_450 = vector.broadcast %add3A_449 : i32 to vector<16xi32>
      %gather3A_451 = tpu.vector_load_idx %arg10[%add3A_373, %broadcast_in_dim3A_450] : memref<128x64xf32, #tpu.memory_space<vmem>>[vector<16xi32>, vector<16xi32>], vector<16xf32>,
      %add3A_452 = arith.addf %gather3A_451, %gather3A : vector<16xf32>
      %add3A_453 = arith.constant 0 : i32
      %add3A_454 = arith.addi %mul3A_432, %add3A_453 : i32
      %swap3A_455 = arith.index_cast %add3A_454 : i32 to index
      %swap3A_456 = arith.constant 0 : index
      %swap3A_457 = tpu.vector_load %arg12[%swap3A_455, %swap3A_456] {strides = array<i32>} : memref<64x128xf32, #tpu.memory_space<vmem>>, vector<16xf32>,
      tpu.vector_store %arg12[%swap3A_455, %swap3A_456], %add3A_452 {strides = array<i32>} : memref<64x128xf32, #tpu.memory_space<vmem>>, vector<16xf32>,
      %add3A_458 = arith.constant 1 : i32
      %add3A_459 = arith.addi %mul3A_432, %add3A_458 : i32
      %broadcast_in_dim3A_460 = vector.broadcast %add3A_459 : i32 to vector<16xi32>
      %gather3A_461 = tpu.vector_load_idx %arg10[%add3A_373, %broadcast_in_dim3A_460] : memref<128x64xf32, #tpu.memory_space<vmem>>[vector<16xi32>, vector<16xi32>], vector<16xf32>,
      %add3A_462 = arith.addf %gather3A_461, %gather3A_439 : vector<16xf32>
      %add3A_463 = arith.constant 1 : i32
      %add3A_464 = arith.addi %mul3A_432, %add3A_463 : i32
      %swap3A_465 = arith.index_cast %add3A_464 : i32 to index
      %swap3A_466 = arith.constant 0 : index
      %swap3A_467 = tpu.vector_load %arg12[%swap3A_465, %swap3A_466] {strides = array<i32>} : memref<64x128xf32, #tpu.memory_space<vmem>>, vector<16xf32>,
      tpu.vector_store %arg12[%swap3A_465, %swap3A_466], %add3A_462 {strides = array<i32>} : memref<64x128xf32, #tpu.memory_space<vmem>>, vector<16xf32>,
      %add3A_468 = arith.constant 2 : i32
      %add3A_469 = arith.addi %mul3A_432, %add3A_468 : i32
      %broadcast_in_dim3A_470 = vector.broadcast %add3A_469 : i32 to vector<16xi32>
      %gather3A_471 = tpu.vector_load_idx %arg10[%add3A_373, %broadcast_in_dim3A_470] : memref<128x64xf32, #tpu.memory_space<vmem>>[vector<16xi32>, vector<16xi32>], vector<16xf32>,
      %add3A_472 = arith.addf %gather3A_471, %gather3A_443 : vector<16xf32>
      %add3A_473 = arith.constant 2 : i32
      %add3A_474 = arith.addi %mul3A_432, %add3A_473 : i32
      %swap3A_475 = arith.index_cast %add3A_474 : i32 to index
      %swap3A_476 = arith.constant 0 : index
      %swap3A_477 = tpu.vector_load %arg12[%swap3A_475, %swap3A_476] {strides = array<i32>} : memref<64x128xf32, #tpu.memory_space<vmem>>, vector<16xf32>,
      tpu.vector_store %arg12[%swap3A_475, %swap3A_476], %add3A_472 {strides = array<i32>} : memref<64x128xf32, #tpu.memory_space<vmem>>, vector<16xf32>,
      %add3A_478 = arith.constant 3 : i32
      %add3A_479 = arith.addi %mul3A_432, %add3A_478 : i32
      %broadcast_in_dim3A_480 = vector.broadcast %add3A_479 : i32 to vector<16xi32>
      %gather3A_481 = tpu.vector_load_idx %arg10[%add3A_373, %broadcast_in_dim3A_480] : memref<128x64xf32, #tpu.memory_space<vmem>>[vector<16xi32>, vector<16xi32>], vector<16xf32>,
      %add3A_482 = arith.addf %gather3A_481, %gather3A_447 : vector<16xf32>
      %add3A_483 = arith.constant 3 : i32
      %add3A_484 = arith.addi %mul3A_432, %add3A_483 : i32
      %swap3A_485 = arith.index_cast %add3A_484 : i32 to index
      %swap3A_486 = arith.constant 0 : index
      %swap3A_487 = tpu.vector_load %arg12[%swap3A_485, %swap3A_486] {strides = array<i32>} : memref<64x128xf32, #tpu.memory_space<vmem>>, vector<16xf32>,
      tpu.vector_store %arg12[%swap3A_485, %swap3A_486], %add3A_482 {strides = array<i32>} : memref<64x128xf32, #tpu.memory_space<vmem>>, vector<16xf32>,
      %add3A_488 = arith.constant 0 : i32
      %add3A_489 = arith.addi %mul3A_432, %add3A_488 : i32
      %broadcast_in_dim3A_490 = vector.broadcast %add3A_489 : i32 to vector<16xi32>
      %gather3A_491 = tpu.vector_load_idx %arg10[%add3A_377, %broadcast_in_dim3A_490] : memref<128x64xf32, #tpu.memory_space<vmem>>[vector<16xi32>, vector<16xi32>], vector<16xf32>,
      %add3A_492 = arith.addf %gather3A_491, %gather3A : vector<16xf32>
      %add3A_493 = arith.constant 0 : i32
      %add3A_494 = arith.addi %mul3A_432, %add3A_493 : i32
      %swap3A_495 = arith.index_cast %add3A_494 : i32 to index
      %swap3A_496 = arith.constant 16 : index
      %swap3A_497 = tpu.vector_load %arg12[%swap3A_495, %swap3A_496] {strides = array<i32>} : memref<64x128xf32, #tpu.memory_space<vmem>>, vector<16xf32>,
      tpu.vector_store %arg12[%swap3A_495, %swap3A_496], %add3A_492 {strides = array<i32>} : memref<64x128xf32, #tpu.memory_space<vmem>>, vector<16xf32>,
      %add3A_498 = arith.constant 1 : i32
      %add3A_499 = arith.addi %mul3A_432, %add3A_498 : i32
      %broadcast_in_dim3A_500 = vector.broadcast %add3A_499 : i32 to vector<16xi32>
      %gather3A_501 = tpu.vector_load_idx %arg10[%add3A_377, %broadcast_in_dim3A_500] : memref<128x64xf32, #tpu.memory_space<vmem>>[vector<16xi32>, vector<16xi32>], vector<16xf32>,
      %add3A_502 = arith.addf %gather3A_501, %gather3A_439 : vector<16xf32>
      %add3A_503 = arith.constant 1 : i32
      %add3A_504 = arith.addi %mul3A_432, %add3A_503 : i32
      %swap3A_505 = arith.index_cast %add3A_504 : i32 to index
      %swap3A_506 = arith.constant 16 : index
      %swap3A_507 = tpu.vector_load %arg12[%swap3A_505, %swap3A_506] {strides = array<i32>} : memref<64x128xf32, #tpu.memory_space<vmem>>, vector<16xf32>,
      tpu.vector_store %arg12[%swap3A_505, %swap3A_506], %add3A_502 {strides = array<i32>} : memref<64x128xf32, #tpu.memory_space<vmem>>, vector<16xf32>,
      %add3A_508 = arith.constant 2 : i32
      %add3A_509 = arith.addi %mul3A_432, %add3A_508 : i32
      %broadcast_in_dim3A_510 = vector.broadcast %add3A_509 : i32 to vector<16xi32>
      %gather3A_511 = tpu.vector_load_idx %arg10[%add3A_377, %broadcast_in_dim3A_510] : memref<128x64xf32, #tpu.memory_space<vmem>>[vector<16xi32>, vector<16xi32>], vector<16xf32>,
      %add3A_512 = arith.addf %gather3A_511, %gather3A_443 : vector<16xf32>
      %add3A_513 = arith.constant 2 : i32
      %add3A_514 = arith.addi %mul3A_432, %add3A_513 : i32
      %swap3A_515 = arith.index_cast %add3A_514 : i32 to index
      %swap3A_516 = arith.constant 16 : index
      %swap3A_517 = tpu.vector_load %arg12[%swap3A_515, %swap3A_516] {strides = array<i32>} : memref<64x128xf32, #tpu.memory_space<vmem>>, vector<16xf32>,
      tpu.vector_store %arg12[%swap3A_515, %swap3A_516], %add3A_512 {strides = array<i32>} : memref<64x128xf32, #tpu.memory_space<vmem>>, vector<16xf32>,
      %add3A_518 = arith.constant 3 : i32
      %add3A_519 = arith.addi %mul3A_432, %add3A_518 : i32
      %broadcast_in_dim3A_520 = vector.broadcast %add3A_519 : i32 to vector<16xi32>
      %gather3A_521 = tpu.vector_load_idx %arg10[%add3A_377, %broadcast_in_dim3A_520] : memref<128x64xf32, #tpu.memory_space<vmem>>[vector<16xi32>, vector<16xi32>], vector<16xf32>,
      %add3A_522 = arith.addf %gather3A_521, %gather3A_447 : vector<16xf32>
      %add3A_523 = arith.constant 3 : i32
      %add3A_524 = arith.addi %mul3A_432, %add3A_523 : i32
      %swap3A_525 = arith.index_cast %add3A_524 : i32 to index
      %swap3A_526 = arith.constant 16 : index
      %swap3A_527 = tpu.vector_load %arg12[%swap3A_525, %swap3A_526] {strides = array<i32>} : memref<64x128xf32, #tpu.memory_space<vmem>>, vector<16xf32>,
      tpu.vector_store %arg12[%swap3A_525, %swap3A_526], %add3A_522 {strides = array<i32>} : memref<64x128xf32, #tpu.memory_space<vmem>>, vector<16xf32>,
      %add3A_528 = arith.constant 0 : i32
      %add3A_529 = arith.addi %mul3A_432, %add3A_528 : i32
      %broadcast_in_dim3A_530 = vector.broadcast %add3A_529 : i32 to vector<16xi32>
      %gather3A_531 = tpu.vector_load_idx %arg10[%add3A_381, %broadcast_in_dim3A_530] : memref<128x64xf32, #tpu.memory_space<vmem>>[vector<16xi32>, vector<16xi32>], vector<16xf32>,
      %add3A_532 = arith.addf %gather3A_531, %gather3A : vector<16xf32>
      %add3A_533 = arith.constant 0 : i32
      %add3A_534 = arith.addi %mul3A_432, %add3A_533 : i32
      %swap3A_535 = arith.index_cast %add3A_534 : i32 to index
      %swap3A_536 = arith.constant 32 : index
      %swap3A_537 = tpu.vector_load %arg12[%swap3A_535, %swap3A_536] {strides = array<i32>} : memref<64x128xf32, #tpu.memory_space<vmem>>, vector<16xf32>,
      tpu.vector_store %arg12[%swap3A_535, %swap3A_536], %add3A_532 {strides = array<i32>} : memref<64x128xf32, #tpu.memory_space<vmem>>, vector<16xf32>,
      %add3A_538 = arith.constant 1 : i32
      %add3A_539 = arith.addi %mul3A_432, %add3A_538 : i32
      %broadcast_in_dim3A_540 = vector.broadcast %add3A_539 : i32 to vector<16xi32>
      %gather3A_541 = tpu.vector_load_idx %arg10[%add3A_381, %broadcast_in_dim3A_540] : memref<128x64xf32, #tpu.memory_space<vmem>>[vector<16xi32>, vector<16xi32>], vector<16xf32>,
      %add3A_542 = arith.addf %gather3A_541, %gather3A_439 : vector<16xf32>
      %add3A_543 = arith.constant 1 : i32
      %add3A_544 = arith.addi %mul3A_432, %add3A_543 : i32
      %swap3A_545 = arith.index_cast %add3A_544 : i32 to index
      %swap3A_546 = arith.constant 32 : index
      %swap3A_547 = tpu.vector_load %arg12[%swap3A_545, %swap3A_546] {strides = array<i32>} : memref<64x128xf32, #tpu.memory_space<vmem>>, vector<16xf32>,
      tpu.vector_store %arg12[%swap3A_545, %swap3A_546], %add3A_542 {strides = array<i32>} : memref<64x128xf32, #tpu.memory_space<vmem>>, vector<16xf32>,
      %add3A_548 = arith.constant 2 : i32
      %add3A_549 = arith.addi %mul3A_432, %add3A_548 : i32
      %broadcast_in_dim3A_550 = vector.broadcast %add3A_549 : i32 to vector<16xi32>
      %gather3A_551 = tpu.vector_load_idx %arg10[%add3A_381, %broadcast_in_dim3A_550] : memref<128x64xf32, #tpu.memory_space<vmem>>[vector<16xi32>, vector<16xi32>], vector<16xf32>,
      %add3A_552 = arith.addf %gather3A_551, %gather3A_443 : vector<16xf32>
      %add3A_553 = arith.constant 2 : i32
      %add3A_554 = arith.addi %mul3A_432, %add3A_553 : i32
      %swap3A_555 = arith.index_cast %add3A_554 : i32 to index
      %swap3A_556 = arith.constant 32 : index
      %swap3A_557 = tpu.vector_load %arg12[%swap3A_555, %swap3A_556] {strides = array<i32>} : memref<64x128xf32, #tpu.memory_space<vmem>>, vector<16xf32>,
      tpu.vector_store %arg12[%swap3A_555, %swap3A_556], %add3A_552 {strides = array<i32>} : memref<64x128xf32, #tpu.memory_space<vmem>>, vector<16xf32>,
      %add3A_558 = arith.constant 3 : i32
      %add3A_559 = arith.addi %mul3A_432, %add3A_558 : i32
      %broadcast_in_dim3A_560 = vector.broadcast %add3A_559 : i32 to vector<16xi32>
      %gather3A_561 = tpu.vector_load_idx %arg10[%add3A_381, %broadcast_in_dim3A_560] : memref<128x64xf32, #tpu.memory_space<vmem>>[vector<16xi32>, vector<16xi32>], vector<16xf32>,
      %add3A_562 = arith.addf %gather3A_561, %gather3A_447 : vector<16xf32>
      %add3A_563 = arith.constant 3 : i32
      %add3A_564 = arith.addi %mul3A_432, %add3A_563 : i32
      %swap3A_565 = arith.index_cast %add3A_564 : i32 to index
      %swap3A_566 = arith.constant 32 : index
      %swap3A_567 = tpu.vector_load %arg12[%swap3A_565, %swap3A_566] {strides = array<i32>} : memref<64x128xf32, #tpu.memory_space<vmem>>, vector<16xf32>,
      tpu.vector_store %arg12[%swap3A_565, %swap3A_566], %add3A_562 {strides = array<i32>} : memref<64x128xf32, #tpu.memory_space<vmem>>, vector<16xf32>,
      %add3A_568 = arith.constant 0 : i32
      %add3A_569 = arith.addi %mul3A_432, %add3A_568 : i32
      %broadcast_in_dim3A_570 = vector.broadcast %add3A_569 : i32 to vector<16xi32>
      %gather3A_571 = tpu.vector_load_idx %arg10[%add3A_385, %broadcast_in_dim3A_570] : memref<128x64xf32, #tpu.memory_space<vmem>>[vector<16xi32>, vector<16xi32>], vector<16xf32>,
      %add3A_572 = arith.addf %gather3A_571, %gather3A : vector<16xf32>
      %add3A_573 = arith.constant 0 : i32
      %add3A_574 = arith.addi %mul3A_432, %add3A_573 : i32
      %swap3A_575 = arith.index_cast %add3A_574 : i32 to index
      %swap3A_576 = arith.constant 48 : index
      %swap3A_577 = tpu.vector_load %arg12[%swap3A_575, %swap3A_576] {strides = array<i32>} : memref<64x128xf32, #tpu.memory_space<vmem>>, vector<16xf32>,
      tpu.vector_store %arg12[%swap3A_575, %swap3A_576], %add3A_572 {strides = array<i32>} : memref<64x128xf32, #tpu.memory_space<vmem>>, vector<16xf32>,
      %add3A_578 = arith.constant 1 : i32
      %add3A_579 = arith.addi %mul3A_432, %add3A_578 : i32
      %broadcast_in_dim3A_580 = vector.broadcast %add3A_579 : i32 to vector<16xi32>
      %gather3A_581 = tpu.vector_load_idx %arg10[%add3A_385, %broadcast_in_dim3A_580] : memref<128x64xf32, #tpu.memory_space<vmem>>[vector<16xi32>, vector<16xi32>], vector<16xf32>,
      %add3A_582 = arith.addf %gather3A_581, %gather3A_439 : vector<16xf32>
      %add3A_583 = arith.constant 1 : i32
      %add3A_584 = arith.addi %mul3A_432, %add3A_583 : i32
      %swap3A_585 = arith.index_cast %add3A_584 : i32 to index
      %swap3A_586 = arith.constant 48 : index
      %swap3A_587 = tpu.vector_load %arg12[%swap3A_585, %swap3A_586] {strides = array<i32>} : memref<64x128xf32, #tpu.memory_space<vmem>>, vector<16xf32>,
      tpu.vector_store %arg12[%swap3A_585, %swap3A_586], %add3A_582 {strides = array<i32>} : memref<64x128xf32, #tpu.memory_space<vmem>>, vector<16xf32>,
      %add3A_588 = arith.constant 2 : i32
      %add3A_589 = arith.addi %mul3A_432, %add3A_588 : i32
      %broadcast_in_dim3A_590 = vector.broadcast %add3A_589 : i32 to vector<16xi32>
      %gather3A_591 = tpu.vector_load_idx %arg10[%add3A_385, %broadcast_in_dim3A_590] : memref<128x64xf32, #tpu.memory_space<vmem>>[vector<16xi32>, vector<16xi32>], vector<16xf32>,
      %add3A_592 = arith.addf %gather3A_591, %gather3A_443 : vector<16xf32>
      %add3A_593 = arith.constant 2 : i32
      %add3A_594 = arith.addi %mul3A_432, %add3A_593 : i32
      %swap3A_595 = arith.index_cast %add3A_594 : i32 to index
      %swap3A_596 = arith.constant 48 : index
      %swap3A_597 = tpu.vector_load %arg12[%swap3A_595, %swap3A_596] {strides = array<i32>} : memref<64x128xf32, #tpu.memory_space<vmem>>, vector<16xf32>,
      tpu.vector_store %arg12[%swap3A_595, %swap3A_596], %add3A_592 {strides = array<i32>} : memref<64x128xf32, #tpu.memory_space<vmem>>, vector<16xf32>,
      %add3A_598 = arith.constant 3 : i32
      %add3A_599 = arith.addi %mul3A_432, %add3A_598 : i32
      %broadcast_in_dim3A_600 = vector.broadcast %add3A_599 : i32 to vector<16xi32>
      %gather3A_601 = tpu.vector_load_idx %arg10[%add3A_385, %broadcast_in_dim3A_600] : memref<128x64xf32, #tpu.memory_space<vmem>>[vector<16xi32>, vector<16xi32>], vector<16xf32>,
      %add3A_602 = arith.addf %gather3A_601, %gather3A_447 : vector<16xf32>
      %add3A_603 = arith.constant 3 : i32
      %add3A_604 = arith.addi %mul3A_432, %add3A_603 : i32
      %swap3A_605 = arith.index_cast %add3A_604 : i32 to index
      %swap3A_606 = arith.constant 48 : index
      %swap3A_607 = tpu.vector_load %arg12[%swap3A_605, %swap3A_606] {strides = array<i32>} : memref<64x128xf32, #tpu.memory_space<vmem>>, vector<16xf32>,
      tpu.vector_store %arg12[%swap3A_605, %swap3A_606], %add3A_602 {strides = array<i32>} : memref<64x128xf32, #tpu.memory_space<vmem>>, vector<16xf32>,
      %add3A_608 = arith.constant 0 : i32
      %add3A_609 = arith.addi %mul3A_432, %add3A_608 : i32
      %broadcast_in_dim3A_610 = vector.broadcast %add3A_609 : i32 to vector<16xi32>
      %gather3A_611 = tpu.vector_load_idx %arg10[%add3A_389, %broadcast_in_dim3A_610] : memref<128x64xf32, #tpu.memory_space<vmem>>[vector<16xi32>, vector<16xi32>], vector<16xf32>,
      %add3A_612 = arith.addf %gather3A_611, %gather3A : vector<16xf32>
      %add3A_613 = arith.constant 0 : i32
      %add3A_614 = arith.addi %mul3A_432, %add3A_613 : i32
      %swap3A_615 = arith.index_cast %add3A_614 : i32 to index
      %swap3A_616 = arith.constant 64 : index
      %swap3A_617 = tpu.vector_load %arg12[%swap3A_615, %swap3A_616] {strides = array<i32>} : memref<64x128xf32, #tpu.memory_space<vmem>>, vector<16xf32>,
      tpu.vector_store %arg12[%swap3A_615, %swap3A_616], %add3A_612 {strides = array<i32>} : memref<64x128xf32, #tpu.memory_space<vmem>>, vector<16xf32>,
      %add3A_618 = arith.constant 1 : i32
      %add3A_619 = arith.addi %mul3A_432, %add3A_618 : i32
      %broadcast_in_dim3A_620 = vector.broadcast %add3A_619 : i32 to vector<16xi32>
      %gather3A_621 = tpu.vector_load_idx %arg10[%add3A_389, %broadcast_in_dim3A_620] : memref<128x64xf32, #tpu.memory_space<vmem>>[vector<16xi32>, vector<16xi32>], vector<16xf32>,
      %add3A_622 = arith.addf %gather3A_621, %gather3A_439 : vector<16xf32>
      %add3A_623 = arith.constant 1 : i32
      %add3A_624 = arith.addi %mul3A_432, %add3A_623 : i32
      %swap3A_625 = arith.index_cast %add3A_624 : i32 to index
      %swap3A_626 = arith.constant 64 : index
      %swap3A_627 = tpu.vector_load %arg12[%swap3A_625, %swap3A_626] {strides = array<i32>} : memref<64x128xf32, #tpu.memory_space<vmem>>, vector<16xf32>,
      tpu.vector_store %arg12[%swap3A_625, %swap3A_626], %add3A_622 {strides = array<i32>} : memref<64x128xf32, #tpu.memory_space<vmem>>, vector<16xf32>,
      %add3A_628 = arith.constant 2 : i32
      %add3A_629 = arith.addi %mul3A_432, %add3A_628 : i32
      %broadcast_in_dim3A_630 = vector.broadcast %add3A_629 : i32 to vector<16xi32>
      %gather3A_631 = tpu.vector_load_idx %arg10[%add3A_389, %broadcast_in_dim3A_630] : memref<128x64xf32, #tpu.memory_space<vmem>>[vector<16xi32>, vector<16xi32>], vector<16xf32>,
      %add3A_632 = arith.addf %gather3A_631, %gather3A_443 : vector<16xf32>
      %add3A_633 = arith.constant 2 : i32
      %add3A_634 = arith.addi %mul3A_432, %add3A_633 : i32
      %swap3A_635 = arith.index_cast %add3A_634 : i32 to index
      %swap3A_636 = arith.constant 64 : index
      %swap3A_637 = tpu.vector_load %arg12[%swap3A_635, %swap3A_636] {strides = array<i32>} : memref<64x128xf32, #tpu.memory_space<vmem>>, vector<16xf32>,
      tpu.vector_store %arg12[%swap3A_635, %swap3A_636], %add3A_632 {strides = array<i32>} : memref<64x128xf32, #tpu.memory_space<vmem>>, vector<16xf32>,
      %add3A_638 = arith.constant 3 : i32
      %add3A_639 = arith.addi %mul3A_432, %add3A_638 : i32
      %broadcast_in_dim3A_640 = vector.broadcast %add3A_639 : i32 to vector<16xi32>
      %gather3A_641 = tpu.vector_load_idx %arg10[%add3A_389, %broadcast_in_dim3A_640] : memref<128x64xf32, #tpu.memory_space<vmem>>[vector<16xi32>, vector<16xi32>], vector<16xf32>,
      %add3A_642 = arith.addf %gather3A_641, %gather3A_447 : vector<16xf32>
      %add3A_643 = arith.constant 3 : i32
      %add3A_644 = arith.addi %mul3A_432, %add3A_643 : i32
      %swap3A_645 = arith.index_cast %add3A_644 : i32 to index
      %swap3A_646 = arith.constant 64 : index
      %swap3A_647 = tpu.vector_load %arg12[%swap3A_645, %swap3A_646] {strides = array<i32>} : memref<64x128xf32, #tpu.memory_space<vmem>>, vector<16xf32>,
      tpu.vector_store %arg12[%swap3A_645, %swap3A_646], %add3A_642 {strides = array<i32>} : memref<64x128xf32, #tpu.memory_space<vmem>>, vector<16xf32>,
      %add3A_648 = arith.constant 0 : i32
      %add3A_649 = arith.addi %mul3A_432, %add3A_648 : i32
      %broadcast_in_dim3A_650 = vector.broadcast %add3A_649 : i32 to vector<16xi32>
      %gather3A_651 = tpu.vector_load_idx %arg10[%add3A_393, %broadcast_in_dim3A_650] : memref<128x64xf32, #tpu.memory_space<vmem>>[vector<16xi32>, vector<16xi32>], vector<16xf32>,
      %add3A_652 = arith.addf %gather3A_651, %gather3A : vector<16xf32>
      %add3A_653 = arith.constant 0 : i32
      %add3A_654 = arith.addi %mul3A_432, %add3A_653 : i32
      %swap3A_655 = arith.index_cast %add3A_654 : i32 to index
      %swap3A_656 = arith.constant 80 : index
      %swap3A_657 = tpu.vector_load %arg12[%swap3A_655, %swap3A_656] {strides = array<i32>} : memref<64x128xf32, #tpu.memory_space<vmem>>, vector<16xf32>,
      tpu.vector_store %arg12[%swap3A_655, %swap3A_656], %add3A_652 {strides = array<i32>} : memref<64x128xf32, #tpu.memory_space<vmem>>, vector<16xf32>,
      %add3A_658 = arith.constant 1 : i32
      %add3A_659 = arith.addi %mul3A_432, %add3A_658 : i32
      %broadcast_in_dim3A_660 = vector.broadcast %add3A_659 : i32 to vector<16xi32>
      %gather3A_661 = tpu.vector_load_idx %arg10[%add3A_393, %broadcast_in_dim3A_660] : memref<128x64xf32, #tpu.memory_space<vmem>>[vector<16xi32>, vector<16xi32>], vector<16xf32>,
      %add3A_662 = arith.addf %gather3A_661, %gather3A_439 : vector<16xf32>
      %add3A_663 = arith.constant 1 : i32
      %add3A_664 = arith.addi %mul3A_432, %add3A_663 : i32
      %swap3A_665 = arith.index_cast %add3A_664 : i32 to index
      %swap3A_666 = arith.constant 80 : index
      %swap3A_667 = tpu.vector_load %arg12[%swap3A_665, %swap3A_666] {strides = array<i32>} : memref<64x128xf32, #tpu.memory_space<vmem>>, vector<16xf32>,
      tpu.vector_store %arg12[%swap3A_665, %swap3A_666], %add3A_662 {strides = array<i32>} : memref<64x128xf32, #tpu.memory_space<vmem>>, vector<16xf32>,
      %add3A_668 = arith.constant 2 : i32
      %add3A_669 = arith.addi %mul3A_432, %add3A_668 : i32
      %broadcast_in_dim3A_670 = vector.broadcast %add3A_669 : i32 to vector<16xi32>
      %gather3A_671 = tpu.vector_load_idx %arg10[%add3A_393, %broadcast_in_dim3A_670] : memref<128x64xf32, #tpu.memory_space<vmem>>[vector<16xi32>, vector<16xi32>], vector<16xf32>,
      %add3A_672 = arith.addf %gather3A_671, %gather3A_443 : vector<16xf32>
      %add3A_673 = arith.constant 2 : i32
      %add3A_674 = arith.addi %mul3A_432, %add3A_673 : i32
      %swap3A_675 = arith.index_cast %add3A_674 : i32 to index
      %swap3A_676 = arith.constant 80 : index
      %swap3A_677 = tpu.vector_load %arg12[%swap3A_675, %swap3A_676] {strides = array<i32>} : memref<64x128xf32, #tpu.memory_space<vmem>>, vector<16xf32>,
      tpu.vector_store %arg12[%swap3A_675, %swap3A_676], %add3A_672 {strides = array<i32>} : memref<64x128xf32, #tpu.memory_space<vmem>>, vector<16xf32>,
      %add3A_678 = arith.constant 3 : i32
      %add3A_679 = arith.addi %mul3A_432, %add3A_678 : i32
      %broadcast_in_dim3A_680 = vector.broadcast %add3A_679 : i32 to vector<16xi32>
      %gather3A_681 = tpu.vector_load_idx %arg10[%add3A_393, %broadcast_in_dim3A_680] : memref<128x64xf32, #tpu.memory_space<vmem>>[vector<16xi32>, vector<16xi32>], vector<16xf32>,
      %add3A_682 = arith.addf %gather3A_681, %gather3A_447 : vector<16xf32>
      %add3A_683 = arith.constant 3 : i32
      %add3A_684 = arith.addi %mul3A_432, %add3A_683 : i32
      %swap3A_685 = arith.index_cast %add3A_684 : i32 to index
      %swap3A_686 = arith.constant 80 : index
      %swap3A_687 = tpu.vector_load %arg12[%swap3A_685, %swap3A_686] {strides = array<i32>} : memref<64x128xf32, #tpu.memory_space<vmem>>, vector<16xf32>,
      tpu.vector_store %arg12[%swap3A_685, %swap3A_686], %add3A_682 {strides = array<i32>} : memref<64x128xf32, #tpu.memory_space<vmem>>, vector<16xf32>,
      %add3A_688 = arith.constant 0 : i32
      %add3A_689 = arith.addi %mul3A_432, %add3A_688 : i32
      %broadcast_in_dim3A_690 = vector.broadcast %add3A_689 : i32 to vector<16xi32>
      %gather3A_691 = tpu.vector_load_idx %arg10[%add3A_397, %broadcast_in_dim3A_690] : memref<128x64xf32, #tpu.memory_space<vmem>>[vector<16xi32>, vector<16xi32>], vector<16xf32>,
      %add3A_692 = arith.addf %gather3A_691, %gather3A : vector<16xf32>
      %add3A_693 = arith.constant 0 : i32
      %add3A_694 = arith.addi %mul3A_432, %add3A_693 : i32
      %swap3A_695 = arith.index_cast %add3A_694 : i32 to index
      %swap3A_696 = arith.constant 96 : index
      %swap3A_697 = tpu.vector_load %arg12[%swap3A_695, %swap3A_696] {strides = array<i32>} : memref<64x128xf32, #tpu.memory_space<vmem>>, vector<16xf32>,
      tpu.vector_store %arg12[%swap3A_695, %swap3A_696], %add3A_692 {strides = array<i32>} : memref<64x128xf32, #tpu.memory_space<vmem>>, vector<16xf32>,
      %add3A_698 = arith.constant 1 : i32
      %add3A_699 = arith.addi %mul3A_432, %add3A_698 : i32
      %broadcast_in_dim3A_700 = vector.broadcast %add3A_699 : i32 to vector<16xi32>
      %gather3A_701 = tpu.vector_load_idx %arg10[%add3A_397, %broadcast_in_dim3A_700] : memref<128x64xf32, #tpu.memory_space<vmem>>[vector<16xi32>, vector<16xi32>], vector<16xf32>,
      %add3A_702 = arith.addf %gather3A_701, %gather3A_439 : vector<16xf32>
      %add3A_703 = arith.constant 1 : i32
      %add3A_704 = arith.addi %mul3A_432, %add3A_703 : i32
      %swap3A_705 = arith.index_cast %add3A_704 : i32 to index
      %swap3A_706 = arith.constant 96 : index
      %swap3A_707 = tpu.vector_load %arg12[%swap3A_705, %swap3A_706] {strides = array<i32>} : memref<64x128xf32, #tpu.memory_space<vmem>>, vector<16xf32>,
      tpu.vector_store %arg12[%swap3A_705, %swap3A_706], %add3A_702 {strides = array<i32>} : memref<64x128xf32, #tpu.memory_space<vmem>>, vector<16xf32>,
      %add3A_708 = arith.constant 2 : i32
      %add3A_709 = arith.addi %mul3A_432, %add3A_708 : i32
      %broadcast_in_dim3A_710 = vector.broadcast %add3A_709 : i32 to vector<16xi32>
      %gather3A_711 = tpu.vector_load_idx %arg10[%add3A_397, %broadcast_in_dim3A_710] : memref<128x64xf32, #tpu.memory_space<vmem>>[vector<16xi32>, vector<16xi32>], vector<16xf32>,
      %add3A_712 = arith.addf %gather3A_711, %gather3A_443 : vector<16xf32>
      %add3A_713 = arith.constant 2 : i32
      %add3A_714 = arith.addi %mul3A_432, %add3A_713 : i32
      %swap3A_715 = arith.index_cast %add3A_714 : i32 to index
      %swap3A_716 = arith.constant 96 : index
      %swap3A_717 = tpu.vector_load %arg12[%swap3A_715, %swap3A_716] {strides = array<i32>} : memref<64x128xf32, #tpu.memory_space<vmem>>, vector<16xf32>,
      tpu.vector_store %arg12[%swap3A_715, %swap3A_716], %add3A_712 {strides = array<i32>} : memref<64x128xf32, #tpu.memory_space<vmem>>, vector<16xf32>,
      %add3A_718 = arith.constant 3 : i32
      %add3A_719 = arith.addi %mul3A_432, %add3A_718 : i32
      %broadcast_in_dim3A_720 = vector.broadcast %add3A_719 : i32 to vector<16xi32>
      %gather3A_721 = tpu.vector_load_idx %arg10[%add3A_397, %broadcast_in_dim3A_720] : memref<128x64xf32, #tpu.memory_space<vmem>>[vector<16xi32>, vector<16xi32>], vector<16xf32>,
      %add3A_722 = arith.addf %gather3A_721, %gather3A_447 : vector<16xf32>
      %add3A_723 = arith.constant 3 : i32
      %add3A_724 = arith.addi %mul3A_432, %add3A_723 : i32
      %swap3A_725 = arith.index_cast %add3A_724 : i32 to index
      %swap3A_726 = arith.constant 96 : index
      %swap3A_727 = tpu.vector_load %arg12[%swap3A_725, %swap3A_726] {strides = array<i32>} : memref<64x128xf32, #tpu.memory_space<vmem>>, vector<16xf32>,
      tpu.vector_store %arg12[%swap3A_725, %swap3A_726], %add3A_722 {strides = array<i32>} : memref<64x128xf32, #tpu.memory_space<vmem>>, vector<16xf32>,
      %add3A_728 = arith.constant 0 : i32
      %add3A_729 = arith.addi %mul3A_432, %add3A_728 : i32
      %broadcast_in_dim3A_730 = vector.broadcast %add3A_729 : i32 to vector<16xi32>
      %gather3A_731 = tpu.vector_load_idx %arg10[%add3A_401, %broadcast_in_dim3A_730] : memref<128x64xf32, #tpu.memory_space<vmem>>[vector<16xi32>, vector<16xi32>], vector<16xf32>,
      %add3A_732 = arith.addf %gather3A_731, %gather3A : vector<16xf32>
      %add3A_733 = arith.constant 0 : i32
      %add3A_734 = arith.addi %mul3A_432, %add3A_733 : i32
      %swap3A_735 = arith.index_cast %add3A_734 : i32 to index
      %swap3A_736 = arith.constant 112 : index
      %swap3A_737 = tpu.vector_load %arg12[%swap3A_735, %swap3A_736] {strides = array<i32>} : memref<64x128xf32, #tpu.memory_space<vmem>>, vector<16xf32>,
      tpu.vector_store %arg12[%swap3A_735, %swap3A_736], %add3A_732 {strides = array<i32>} : memref<64x128xf32, #tpu.memory_space<vmem>>, vector<16xf32>,
      %add3A_738 = arith.constant 1 : i32
      %add3A_739 = arith.addi %mul3A_432, %add3A_738 : i32
      %broadcast_in_dim3A_740 = vector.broadcast %add3A_739 : i32 to vector<16xi32>
      %gather3A_741 = tpu.vector_load_idx %arg10[%add3A_401, %broadcast_in_dim3A_740] : memref<128x64xf32, #tpu.memory_space<vmem>>[vector<16xi32>, vector<16xi32>], vector<16xf32>,
      %add3A_742 = arith.addf %gather3A_741, %gather3A_439 : vector<16xf32>
      %add3A_743 = arith.constant 1 : i32
      %add3A_744 = arith.addi %mul3A_432, %add3A_743 : i32
      %swap3A_745 = arith.index_cast %add3A_744 : i32 to index
      %swap3A_746 = arith.constant 112 : index
      %swap3A_747 = tpu.vector_load %arg12[%swap3A_745, %swap3A_746] {strides = array<i32>} : memref<64x128xf32, #tpu.memory_space<vmem>>, vector<16xf32>,
      tpu.vector_store %arg12[%swap3A_745, %swap3A_746], %add3A_742 {strides = array<i32>} : memref<64x128xf32, #tpu.memory_space<vmem>>, vector<16xf32>,
      %add3A_748 = arith.constant 2 : i32
      %add3A_749 = arith.addi %mul3A_432, %add3A_748 : i32
      %broadcast_in_dim3A_750 = vector.broadcast %add3A_749 : i32 to vector<16xi32>
      %gather3A_751 = tpu.vector_load_idx %arg10[%add3A_401, %broadcast_in_dim3A_750] : memref<128x64xf32, #tpu.memory_space<vmem>>[vector<16xi32>, vector<16xi32>], vector<16xf32>,
      %add3A_752 = arith.addf %gather3A_751, %gather3A_443 : vector<16xf32>
      %add3A_753 = arith.constant 2 : i32
      %add3A_754 = arith.addi %mul3A_432, %add3A_753 : i32
      %swap3A_755 = arith.index_cast %add3A_754 : i32 to index
      %swap3A_756 = arith.constant 112 : index
      %swap3A_757 = tpu.vector_load %arg12[%swap3A_755, %swap3A_756] {strides = array<i32>} : memref<64x128xf32, #tpu.memory_space<vmem>>, vector<16xf32>,
      tpu.vector_store %arg12[%swap3A_755, %swap3A_756], %add3A_752 {strides = array<i32>} : memref<64x128xf32, #tpu.memory_space<vmem>>, vector<16xf32>,
      %add3A_758 = arith.constant 3 : i32
      %add3A_759 = arith.addi %mul3A_432, %add3A_758 : i32
      %broadcast_in_dim3A_760 = vector.broadcast %add3A_759 : i32 to vector<16xi32>
      %gather3A_761 = tpu.vector_load_idx %arg10[%add3A_401, %broadcast_in_dim3A_760] : memref<128x64xf32, #tpu.memory_space<vmem>>[vector<16xi32>, vector<16xi32>], vector<16xf32>,
      %add3A_762 = arith.addf %gather3A_761, %gather3A_447 : vector<16xf32>
      %add3A_763 = arith.constant 3 : i32
      %add3A_764 = arith.addi %mul3A_432, %add3A_763 : i32
      %swap3A_765 = arith.index_cast %add3A_764 : i32 to index
      %swap3A_766 = arith.constant 112 : index
      %swap3A_767 = tpu.vector_load %arg12[%swap3A_765, %swap3A_766] {strides = array<i32>} : memref<64x128xf32, #tpu.memory_space<vmem>>, vector<16xf32>,
      tpu.vector_store %arg12[%swap3A_765, %swap3A_766], %add3A_762 {strides = array<i32>} : memref<64x128xf32, #tpu.memory_space<vmem>>, vector<16xf32>,
    }
    %scan3A_408 = arith.constant 16 : i32
    %dma_start3A_409 = arith.constant 199 : i32
    %dma_start3A_410 = arith.constant 0 : i32
    %dma_start3A_411 = tpu.memref_slice %arg5[%dma_start3A_409, %dma_start3A_410, %multiple_of3A] : memref<200x64x4096xf32, #tpu.memory_space<hbm>> -> memref<1x64x128xf32, #tpu.memory_space<hbm>>
    %dma_start3A_412 = tpu.memref_squeeze %dma_start3A_411 : memref<1x64x128xf32, #tpu.memory_space<hbm>> -> memref<64x128xf32, #tpu.memory_space<hbm>>
    %dma_start3A_413 = arith.constant 0 : i32
    %dma_start3A_414 = tpu.memref_slice %arg5[%dma_start3A_409, %dma_start3A_413, %multiple_of3A] : memref<200x64x4096xf32, #tpu.memory_space<hbm>> -> memref<1x64x128xf32, #tpu.memory_space<hbm>>
    %dma_start3A_415 = tpu.memref_squeeze %dma_start3A_414 : memref<1x64x128xf32, #tpu.memory_space<hbm>> -> memref<64x128xf32, #tpu.memory_space<hbm>>
    tpu.enqueue_dma source(%arg12 : memref<64x128xf32, #tpu.memory_space<vmem>>) target(%dma_start3A_415 : memref<64x128xf32, #tpu.memory_space<hbm>>) target_semaphore(%arg17 : memref<!tpu.dma_semaphore, #tpu.memory_space<semaphore_mem>>)
    %dma_wait3A_416 = arith.constant 198 : i32
    %dma_wait3A_417 = arith.constant 0 : i32
    %dma_wait3A_418 = tpu.memref_slice %arg5[%dma_wait3A_416, %dma_wait3A_417, %multiple_of3A] : memref<200x64x4096xf32, #tpu.memory_space<hbm>> -> memref<1x64x128xf32, #tpu.memory_space<hbm>>
    %dma_wait3A_419 = tpu.memref_squeeze %dma_wait3A_418 : memref<1x64x128xf32, #tpu.memory_space<hbm>> -> memref<64x128xf32, #tpu.memory_space<hbm>>
    %dma_wait3A_420 = arith.constant 0 : i32
    %dma_wait3A_421 = tpu.memref_slice %arg5[%dma_wait3A_416, %dma_wait3A_420, %multiple_of3A] : memref<200x64x4096xf32, #tpu.memory_space<hbm>> -> memref<1x64x128xf32, #tpu.memory_space<hbm>>
    %dma_wait3A_422 = tpu.memref_squeeze %dma_wait3A_421 : memref<1x64x128xf32, #tpu.memory_space<hbm>> -> memref<64x128xf32, #tpu.memory_space<hbm>>
    tpu.wait_dma2 semaphore(%arg16 : memref<!tpu.dma_semaphore, #tpu.memory_space<semaphore_mem>>) src(%arg11 : memref<64x128xf32, #tpu.memory_space<vmem>>) dst(%dma_wait3A_422 : memref<64x128xf32, #tpu.memory_space<hbm>>)
    %dma_wait3A_423 = arith.constant 199 : i32
    %dma_wait3A_424 = arith.constant 0 : i32
    %dma_wait3A_425 = tpu.memref_slice %arg5[%dma_wait3A_423, %dma_wait3A_424, %multiple_of3A] : memref<200x64x4096xf32, #tpu.memory_space<hbm>> -> memref<1x64x128xf32, #tpu.memory_space<hbm>>
    %dma_wait3A_426 = tpu.memref_squeeze %dma_wait3A_425 : memref<1x64x128xf32, #tpu.memory_space<hbm>> -> memref<64x128xf32, #tpu.memory_space<hbm>>
    %dma_wait3A_427 = arith.constant 0 : i32
    %dma_wait3A_428 = tpu.memref_slice %arg5[%dma_wait3A_423, %dma_wait3A_427, %multiple_of3A] : memref<200x64x4096xf32, #tpu.memory_space<hbm>> -> memref<1x64x128xf32, #tpu.memory_space<hbm>>
    %dma_wait3A_429 = tpu.memref_squeeze %dma_wait3A_428 : memref<1x64x128xf32, #tpu.memory_space<hbm>> -> memref<64x128xf32, #tpu.memory_space<hbm>>
    tpu.wait_dma2 semaphore(%arg17 : memref<!tpu.dma_semaphore, #tpu.memory_space<semaphore_mem>>) src(%arg12 : memref<64x128xf32, #tpu.memory_space<vmem>>) dst(%dma_wait3A_429 : memref<64x128xf32, #tpu.memory_space<hbm>>)
    return
  }
}

</mosaic_0001>

<sc_bundles>
// kernel: kernel.3.cloned.1.call-start
scs
__scs_entry_jumppad:
0x0: {  	(pc) =	sbr.rel $0x88, $3  }
0x1: {  	(tag) =	ssettag $0x0;
	lr =	simm.s32 $0x1  }
0x2: {  	[smem:$0x3F9E] =	sst lr;
	_ =	strace $0xD0000000  }
0x3: {  	_ = 	snop  }
0x4: {  	_ = 	snop  }
0x5: {  	_ = 	snop  }
0x6: {  	_ = 	snop  }
0x7: {  	_ = 	snop  }
__scs_overlays_trampoline_lowered:
0x8: {  	[smem:$0x3FAD] =	sst s0  }
0x9: {  	[smem:$0x3FAE] =	sst s1  }
0xa: {  	[smem:$0x3FAF] =	sst s2  }
0xb: {  	[smem:$0x3FB0] =	sst s3  }
0xc: {  	[smem:$0x3FB1] =	sst s4  }
0xd: {  	[smem:$0x3FB2] =	sst s5  }
0xe: {  	[smem:$0x3FB3] =	sst s6  }
0xf: {  	[smem:$0x3FB4] =	sst s7  }
0x10: {  	[smem:$0x3FB5] =	sst s8  }
0x11: {  	[smem:$0x3FB6] =	sst s9;
	s0 =	simm.s32 @!p0 $0x0  }
0x12: {  	s1 =	sld [smem:$0x3F9C];
	s0 =	simm.s32 @p0 $0x1  }
0x13: {  	[smem:$0x3FB7] =	sst s0;
	s0 =	simm.s32 @!p1 $0x0  }
0x14: {  	s2 =	sld [smem:$0x3F9B];
	s0 =	simm.s32 @p1 $0x1  }
0x15: {  	[smem:$0x3FB8] =	sst s0;
	s0 =	simm.s32 @!p2 $0x0  }
0x16: {  	s3 =	sld [smem:$0x3FDB];
	s0 =	simm.s32 @p2 $0x1  }
0x17: {  	s4 =	simm.s32 $0x1BF5;
	[smem:$0x3FBA] =	sst s0  }
0x18: {  	s0 =	sld [smem:$0x3F9D];
	_ =	swait.ge [sflag:s4], $0x0  }
0x19: {  	s7 =	sld [smem:$0x3F9E]  }
0x1a: {  	s8 =	sadd.s32 $0xFFFFE003, lr  }
0x1b: {  	s9 =	sadd.s32 $0xFFFFFEF7, lr;
	s5 =	simm.s32 $0xFFFFFFFF;
	p2 =	slt.u32 s8, $0xFFFFF086  }
0x1c: {  	p1 =	slt.u32 s9, $0xF7A;
	s5 =	simm.s32 @!p2 $0x0  }
0x1d: {  	s5 =	simm.s32 @p1 $0x1;
	p0 =	seq.s32 s7, s2  }
0x1e: {  	s7 =	smul.u32 @!p0 $0xF7A, s2;
	p2 =	seq.s32 @!p0 s5, $0x0  }
0x1f: {  	s9 =	smul.u32 $0xF7A, s1;
	s8 =	simm.s32 @!p0 $0x1BF5;
	p2 =	por !p2, p0  }
0x20: {  	[sflag:s8] =	ssyncset.s32 @!p0 $0xFFFFF086;
	s6 =	sadd.s32 @!p0 s3, s7;
	s7 =	simm.s32 @!p0 $0x108  }
0x21: {  	s3 =	sadd.s32 s3, s9;
	s6 =	sadd.s32 @!p0 $0x88, s6;
	s7 =	simm.s32 @p2 $0x1082  }
0x22: {  	[simem:s7], [sflag:s8] =	dma.local @!p0 [hbm:s6], $0xF7A  }
0x23: {  	s9 =	sor.u32 $0xD0000000, s2;
	s6 =	simm.s32 $0x108;
	_ =	swait.ge @!p0 [sflag:s8], $0x0  }
0x24: {  	s3 =	sadd.s32 $0x88, s3;
	s6 =	simm.s32 @!p1 $0x1082;
	[sflag:s4] =	ssyncset.s32 $0xFFFFF086  }
0x25: {  	[simem:s6], [sflag:s4] =	dma.local [hbm:s3], $0xF7A  }
0x26: {  	[smem:$0x3F9E] =	sst s1;
	(tag) =	ssettag s2;
	_ =	strace s9  }
0x27: {  	s1 =	sld [smem:$0x3FAE]  }
0x28: {  	s2 =	sld [smem:$0x3FAF]  }
0x29: {  	s4 =	sld [smem:$0x3FB1]  }
0x2a: {  	p0 =	seq.s32 s5, $0x0;
	s5 =	sld [smem:$0x3FB2]  }
0x2b: {  	s6 =	sld [smem:$0x3FB3]  }
0x2c: {  	s7 =	sld [smem:$0x3FB4]  }
0x2d: {  	s3 =	simm.s32 $0x108;
	s8 =	sld [smem:$0x3FB5]  }
0x2e: {  	s3 =	simm.s32 @!p0 $0x1082;
	s9 =	sld [smem:$0x3FB6]  }
0x2f: {  	lr =	sadd.s32 s0, s3;
	s0 =	sld [smem:$0x3FAD]  }
0x30: {  	s3 =	sld [smem:$0x3FB0]  }
0x31: {  	[smem:$0x3FB9] =	sst s10  }
0x32: {  	s10 =	sld [smem:$0x3FB7];
	_ =	sdelay $0x3  }
0x33: {  	p0 =	seq.s32 s10, $0x1;
	s10 =	sld [smem:$0x3FB9];
	_ =	sdelay $0x3  }
0x34: {  	[smem:$0x3FB9] =	sst s10  }
0x35: {  	s10 =	sld [smem:$0x3FB8];
	_ =	sdelay $0x3  }
0x36: {  	p1 =	seq.s32 s10, $0x1;
	s10 =	sld [smem:$0x3FB9];
	_ =	sdelay $0x3  }
0x37: {  	[smem:$0x3FB9] =	sst s10  }
0x38: {  	s10 =	sld [smem:$0x3FBA]  }
0x39: {  	_ = 	snop;
	(pc) =	sbr.ind lr, $3  }
0x3a: {  	_ = 	snop  }
0x3b: {  	_ = 	snop  }
0x3c: {  	p2 =	seq.s32 s10, $0x1;
	s10 =	sld [smem:$0x3FB9]  }
0x3d: {  	_ =	shalt  }
0x3e: {  	_ =	shalt  }
0x3f: {  	_ =	shalt  }
0x40: {  	_ =	shalt  }
0x41: {  	_ =	shalt  }
0x42: {  	_ =	shalt  }
0x43: {  	_ =	shalt  }
0x44: {  	_ =	shalt  }
0x45: {  	_ =	shalt  }
0x46: {  	_ =	shalt  }
0x47: {  	_ =	shalt  }
0x48: {  	_ =	shalt  }
0x49: {  	_ =	shalt  }
0x4a: {  	_ =	shalt  }
0x4b: {  	_ =	shalt  }
0x4c: {  	_ =	shalt  }
0x4d: {  	_ =	shalt  }
0x4e: {  	_ =	shalt  }
0x4f: {  	_ =	shalt  }
0x50: {  	_ =	shalt  }
0x51: {  	_ =	shalt  }
0x52: {  	_ =	shalt  }
0x53: {  	_ =	shalt  }
0x54: {  	_ =	shalt  }
0x55: {  	_ =	shalt  }
0x56: {  	_ =	shalt  }
0x57: {  	_ =	shalt  }
0x58: {  	_ =	shalt  }
0x59: {  	_ =	shalt  }
0x5a: {  	_ =	shalt  }
0x5b: {  	_ =	shalt  }
0x5c: {  	_ =	shalt  }
0x5d: {  	_ =	shalt  }
0x5e: {  	_ =	shalt  }
0x5f: {  	_ =	shalt  }
0x60: {  	_ =	shalt  }
0x61: {  	_ =	shalt  }
0x62: {  	_ =	shalt  }
0x63: {  	_ =	shalt  }
0x64: {  	_ =	shalt  }
0x65: {  	_ =	shalt  }
0x66: {  	_ =	shalt  }
0x67: {  	_ =	shalt  }
0x68: {  	_ =	shalt  }
0x69: {  	_ =	shalt  }
0x6a: {  	_ =	shalt  }
0x6b: {  	_ =	shalt  }
0x6c: {  	_ =	shalt  }
0x6d: {  	_ =	shalt  }
0x6e: {  	_ =	shalt  }
0x6f: {  	_ =	shalt  }
0x70: {  	_ =	shalt  }
0x71: {  	_ =	shalt  }
0x72: {  	_ =	shalt  }
0x73: {  	_ =	shalt  }
0x74: {  	_ =	shalt  }
0x75: {  	_ =	shalt  }
0x76: {  	_ =	shalt  }
0x77: {  	_ =	shalt  }
0x78: {  	_ =	shalt  }
0x79: {  	_ =	shalt  }
0x7a: {  	_ =	shalt  }
0x7b: {  	_ =	shalt  }
0x7c: {  	_ =	shalt  }
0x7d: {  	_ =	shalt  }
0x7e: {  	_ =	shalt  }
0x7f: {  	_ =	shalt  }
0x80: {  	_ =	shalt  }
0x81: {  	_ =	shalt  }
0x82: {  	_ =	shalt  }
0x83: {  	_ =	shalt  }
0x84: {  	_ =	shalt  }
0x85: {  	_ =	shalt  }
0x86: {  	_ =	shalt  }
0x87: {  	_ =	shalt  }
.Lfunc_end0:
.L_simem_size_0:
called_computation_lowered:
.L_overlay_start_0:
0x88: {  	s2 =	sld [smem:$0x3FD9]  }
0x89: {  	s3 =	sld [smem:$0x3FFE];
	_ =	sdelay $0x1  }
0x8a: {  	s1 =	srdreg.scid  }
0x8b: {  	s0 =	sand.u32 $0x1, s1  }
0x8c: {  	s17 =	sshll.u32 s0, $0xA;
	s2 =	sadd.s32 s3, s2  }
0x8d: {  	s2 =	sadd.s32 s2, s17  }
0x8e: {  	[smem:$0x3FC5] =	sst s2  }
0x8f: {  	_ = 	snop  }
0x90: {  	s2 =	sld [smem:$0x3FD0];
	(tm) =	ssettm $0x1  }
0x91: {  	s18 =	sld [smem:$0x3FFB];
	_ =	sdelay $0x3  }
0x92: {  	_ =	strace s18  }
0x93: {  	s3 =	sld [smem:$0x3FFC];
	_ =	sdelay $0x3  }
0x94: {  	_ =	strace s3  }
0x95: {  	s3 =	sld [smem:$0x3FFD];
	_ =	sdelay $0x3  }
0x96: {  	_ =	strace s3  }
0x97: {  	_ =	strace $0x8FFFFFFF  }
0x98: {  	s19 =	sld [smem:$0x3FDB];
	_ =	sdelay $0x1  }
0x99: {  	s4 =	simm.s32 $_scs_section_size  }
0x9a: {  	s5 =	simm.s32 $_size__tile_overlayer_lowered;
	s6 =	simm.s32 $_tile_overlayer_lowered  }
0x9b: {  	s22 =	simm.s32 $0x1BFF;
	s21 =	sshll.u32 s6, $0x1;
	s3 =	sadd.s32 s4, s19  }
0x9c: {  	s7 =	simm.s32 $0x0;
	s20 =	sshll.u32 s5, $0x1;
	s5 =	sadd.s32 s21, s3  }
0x9d: {  	[timem:s7], [sflag:s22] =	dma.local [hbm:s5], s20  }
0x9e: {  	_ =	swait.ge [sflag:s22], s20  }
0x9f: {  	s4 =	ssub.s32 $0x0, s20;
	[sflag:s22] =	ssyncset.done $0x0  }
0xa0: {  	[sflag:s22] =	ssyncadd.s32 s4;
	_ =	sdelay $0x1  }
0xa1: {  	s23 =	simm.s32 $0x1B8B  }
0xa2: {  	_ =	swait.ge [sflag:s23], $0x1  }
0xa3: {  	[sflag:s23] =	ssyncset.done $0x0  }
0xa4: {  	s25 =	simm.s32 $0x1B8E;
	s24 =	sld [smem:$0x3FFE];
	[sflag:s23] =	ssyncadd.s32 $0xFFFFFFFF  }
0xa5: {  	s26 =	simm.s32 $execute0_lowered;
	[smem:$0x3FD2] =	sst s25  }
0xa6: {  	s5 =	sshll.u32 s26, $0x1;
	_ =	strace $0x80000046;
	[dreg:$0x1] =	wrdreg $0xFFFFFFFF  }
0xa7: {  	s28 =	simm.s32 $_size_execute0_lowered;
	s3 =	sadd.s32 s3, s5;
	[dreg:$0x0] =	wrdreg $0x0  }
0xa8: {  	s5 =	sshll.u32 s28, $0x1;
	[dreg:$0x2] =	wrdreg s3  }
0xa9: {  	[dreg:$0x3] =	wrdreg s5  }
0xaa: {  	[dreg:$0x4] =	wrdreg $0xC0  }
0xab: {  	_ =	task [dreg:s7], $0x5FFFF  }
0xac: {  	[dreg:$0x1] =	wrdreg $0xFFFFFFFF  }
0xad: {  	[dreg:$0x0] =	wrdreg $0x60  }
0xae: {  	[dreg:$0x2] =	wrdreg s2  }
0xaf: {  	[dreg:$0x3] =	wrdreg s24  }
0xb0: {  	[dreg:$0x4] =	wrdreg $0x9  }
0xb1: {  	_ =	task.clear_ibuf [dreg:s7], $0x5FFFF;
	_ =	strace $0x90000046  }
0xb2: {  	s29 =	simm.s32 $0x9;
	_ =	strace $0x80000048  }
0xb3: {  	_ =	swait.ge [sflag:s29], $0x1  }
0xb4: {  	[sflag:s29] =	ssyncadd.s32 $0xFFFFFFFF  }
0xb5: {  	_ =	strace $0x90000048  }
0xb6: {  	_ =	sfence  }
0xb7: {  	s30 =	sld [smem:$0x0];
	_ =	sdelay $0x2  }
0xb8: {  	s31 =	sshll.u32 s1, $0xD;
	s1 =	sshrl.u32 s1, $0x2  }
0xb9: {  	s3 =	sand.u32 $0x4000, s31;
	s1 =	sadd.s32 s1, s30  }
0xba: {  	s0 =	sor.u32 s3, s0;
	s1 =	sshll.u32 s1, $0x11  }
0xbb: {  	s0 =	sor.u32 s1, s0  }
0xbc: {  	s0 =	sadd.s32 $0x8F2B, s0  }
0xbd: {  	[sflag:s0] =	ssyncadd.remote.s32 $0x1  }
0xbe: {  	_ =	sfence.sel $0xFFFF  }
0xbf: {  	[dreg:$0x0] =	wrdreg $0xFFFFFFFF;
	(pc) =	sbr.abs _section_cstart, $3  }
0xc0: {  	[dreg:$0x1] =	wrdreg $0xFFFFFFFF  }
0xc1: {  	_ =	task.clear_ibuf [dreg:s7], $0x2FFFF;
	_ =	strace $0x9FFFFFFF  }
0xc2: {  	(tm) =	ssettm $0x7FFFFFFF  }
0xc3: {  	_ =	shalt  }
tec
execute0_lowered:
.L_overlay_start_1:
0x0: {  	(tag) =	ssettag $0x1  }
0x1: {  	s0 =	rddreg [dreg:$0x0]  }
0x2: {  	s1 =	rddreg [dreg:$0x1];
	s3 =	srdreg.scid  }
0x3: {  	s2 =	simm.s32 $0x0;
	s4 =	stileid.u32;
	s13 =	simm.s32 $0x80  }
0x4: {  	s14 =	simm.s32 $0x1000;
	s15 =	simm.s32 $0x5;
	s16 =	simm.s32 $0xE500  }
0x5: {  	s17 =	simm.s32 $0x6400;
	s18 =	simm.s32 $0x6500;
	s19 =	simm.s32 $0x6480  }
0x6: {  	s20 =	simm.s32 $0x8500;
	s21 =	simm.s32 $0x1;
	s22 =	simm.s32 $0xA500  }
0x7: {  	s23 =	simm.s32 $0x2;
	s24 =	simm.s32 $0xC500;
	s25 =	simm.s32 $0x3  }
0x8: {  	s26 =	simm.s32 $0x4;
	s28 =	simm.s32 $0x0;
	s6 =	sand.u32 $0x1, s3  }
0x9: {  	[smem:$0x7FF] =	sst s2;
	s4 =	sshll.u32 s4, $0x8;
	s3 =	sadd.s32 $0xF42C00, s1  }
0xa: {  	v0 =	vlaneseq.u32;
	s5 =	sshll.u32 s6, $0x7;
	_ =	strace $0x80000047;
	s6 =	ssub.s32 $0x2, s6  }
0xb: {  	v0 =	vmul.u32 $0x40, v0;
	s4 =	sor.u32 s5, s4;
	s5 =	sadd.s32 $0x1000, s1;
	s1 =	sadd.s32 $0x800, s1  }
0xc: {  	s30 =	sshrl.u32 s6, $0x1;
	s8 =	sshrl.u32 s4, $0x3;
	[dreg:$0x3] =	wrdreg s1  }
0xd: {  	v1 =	vor.u32 $0x400, v0;
	s1 =	ssub.s32 s6, s30;
	s7 =	sadd.s32 s5, s8;
	s0 =	sadd.s32 s0, s8  }
0xe: {  	v2 =	vor.u32 $0x800, v0;
	v3 =	vor.u32 $0xC00, v0;
	v4 =	vor.u32 $0x1000, v0;
	s12 =	smax.u32 s1, $0x1;
	[dreg:$0x4] =	wrdreg s0;
	s31 =	sadd.s32 $0x8000, s7  }
0xf: {  	v5 =	vor.u32 $0x1400, v0;
	v6 =	vor.u32 $0x1800, v0;
	v7 =	vor.u32 $0x1C00, v0;
	s10 =	sadd.s32 $0x630000, s7;
	s11 =	sadd.s32 $0x638000, s7;
	[dreg:$0x5] =	wrdreg s31  }
.LBB2_1:
0x10: {  	s0 =	rddreg [dreg:$0x4]  }
0x11: {  	[tilespmem:s2], [sflag:$0x5] =	stream.strided.gather [hbm4b:s0+s13], $0x6400, s14, s13, $0x38;
	[tilespmem:$0x11700] =	vst v63  }
0x12: {  	_ =	swait.ge [sflag:s15], $0x6400  }
0x13: {  	[sflag:s15] =	ssyncset.done $0x0  }
0x14: {  	s29 =	rddreg [dreg:$0x3];
	[sflag:s15] =	ssyncadd.s32 $0xFFFF9C00  }
0x15: {  	[tilespmem:s16], [sflag:$0x5] =	stream.linear.gather [hbm4b:s29+s2], $0x3200, $0x38;
	[tilespmem:$0x11700] =	vst v63  }
0x16: {  	_ =	swait.ge [sflag:s15], $0x3200  }
0x17: {  	[sflag:s15] =	ssyncset.done $0x0  }
0x18: {  	[sflag:s15] =	ssyncadd.s32 $0xFFFFCE00  }
0x19: {  	v8 =	vld [tilespmem:$0x0]  }
0x1a: {  	v9 =	vld [tilespmem:$0x10]  }
0x1b: {  	v10 =	vld [tilespmem:$0x20]  }
0x1c: {  	v11 =	vld [tilespmem:$0x30]  }
0x1d: {  	v12 =	vld [tilespmem:$0x40]  }
0x1e: {  	[tilespmem:$0x6400] =	vst v8;
	v8 =	vld [tilespmem:$0x50]  }
0x1f: {  	[tilespmem:$0x6410] =	vst v9;
	v9 =	vld [tilespmem:$0x60]  }
0x20: {  	[tilespmem:$0x6420] =	vst v10;
	v10 =	vld [tilespmem:$0x70]  }
0x21: {  	[tilespmem:$0x6430] =	vst v11  }
0x22: {  	[tilespmem:$0x6440] =	vst v12  }
0x23: {  	[tilespmem:$0x6450] =	vst v8  }
0x24: {  	[tilespmem:$0x6460] =	vst v9  }
0x25: {  	[tilespmem:$0x6470] =	vst v10  }
0x26: {  	[tilespmem:s18], [sflag:$0x1] =	stream.indirect.gather [hbm4b:s3+s13], $0x40, s17, s13, $0xb8;
	[tilespmem:$0x11700] =	vst v63  }
0x27: {  	v8 =	vld [tilespmem:$0x80]  }
0x28: {  	v9 =	vld [tilespmem:$0x90]  }
0x29: {  	v10 =	vld [tilespmem:$0xA0]  }
0x2a: {  	v11 =	vld [tilespmem:$0xB0]  }
0x2b: {  	v36 =	vld [tilespmem:$0xC0]  }
0x2c: {  	[tilespmem:$0x6480] =	vst v8;
	v8 =	vld [tilespmem:$0xD0]  }
0x2d: {  	[tilespmem:$0x6490] =	vst v9;
	v9 =	vld [tilespmem:$0xE0]  }
0x2e: {  	[tilespmem:$0x64A0] =	vst v10;
	v10 =	vld [tilespmem:$0xF0]  }
0x2f: {  	[tilespmem:$0x64B0] =	vst v11  }
0x30: {  	[tilespmem:$0x64C0] =	vst v36  }
0x31: {  	[tilespmem:$0x64D0] =	vst v8  }
0x32: {  	[tilespmem:$0x64E0] =	vst v9;
	v8 =	vmov s2  }
0x33: {  	[tilespmem:$0x64F0] =	vst v10;
	v9 =	vand.u32 $0x3C, v8  }
0x34: {  	[tilespmem:s20], [sflag:$0x2] =	stream.indirect.gather [hbm4b:s3+s13], $0x40, s19, s13, $0xb8;
	v10 =	vor.u32 v0, v9;
	[tilespmem:$0x11700] =	vst v63  }
0x35: {  	_ =	swait.ge [sflag:s21], $0x2000  }
0x36: {  	[sflag:s21] =	ssyncset.done $0x0  }
0x37: {  	[sflag:s21] =	ssyncadd.s32 $0xFFFFE000  }
0x38: {  	s30 =	simm.s32 $0x2;
	v11 =	vld.idx.msk [tilespmem:v8+s16+$0x0], $0xffff  }
0x39: {  	s1 =	simm.s32 $0x1;
	v37 =	vmov s30;
	v8 =	vld.idx.msk [tilespmem:v10+s18+$0x0], $0xffff  }
0x3a: {  	s31 =	simm.s32 $0x3;
	v13 =	vmov s1  }
0x3b: {  	v14 =	vand.u32 $0x3D, v13;
	v10 =	vmov s31  }
0x3c: {  	v15 =	vor.u32 v0, v14;
	_ =	sdelay $0x1  }
0x3d: {  	v16 =	vld.idx.msk [tilespmem:v37+s16+$0x0], $0xffff;
	v17 =	vadd.f32 v8, v11  }
0x3e: {  	s0 =	simm.s32 $0xA600;
	v13 =	vld.idx.msk [tilespmem:v13+s16+$0x0], $0xffff  }
0x3f: {  	v8 =	vld.idx.msk [tilespmem:v10+s16+$0x0], $0xffff;
	[tilespmem:s0+$0xFFFFFF00] =	vst v17  }
0x40: {  	v15 =	vld.idx.msk [tilespmem:v15+s18+$0x0], $0xffff;
	_ =	sdelay $0x1  }
0x41: {  	v12 =	vand.u32 $0x3E, v37  }
0x42: {  	v38 =	vor.u32 v0, v12;
	_ =	sdelay $0x1  }
0x43: {  	v15 =	vadd.f32 v15, v13;
	_ =	sdelay $0x1  }
0x44: {  	[tilespmem:s0+$0xFFFFFF80] =	vst v15  }
0x45: {  	v15 =	vld.idx.msk [tilespmem:v38+s18+$0x0], $0xffff;
	_ =	sdelay $0x1  }
0x46: {  	v10 =	vand.u32 $0x3F, v10  }
0x47: {  	v39 =	vor.u32 v0, v10;
	_ =	sdelay $0x1  }
0x48: {  	v15 =	vadd.f32 v15, v16;
	_ =	sdelay $0x1  }
0x49: {  	[tilespmem:s0+$0x0] =	vst v15  }
0x4a: {  	v15 =	vld.idx.msk [tilespmem:v39+s18+$0x0], $0xffff;
	_ =	sdelay $0x2  }
0x4b: {  	v40 =	vor.u32 v1, v9;
	_ =	sdelay $0x1  }
0x4c: {  	v15 =	vadd.f32 v15, v8;
	_ =	sdelay $0x1  }
0x4d: {  	[tilespmem:s0+$0x80] =	vst v15  }
0x4e: {  	v15 =	vld.idx.msk [tilespmem:v40+s18+$0x0], $0xffff;
	_ =	sdelay $0x2  }
0x4f: {  	v41 =	vor.u32 v1, v14;
	_ =	sdelay $0x1  }
0x50: {  	v15 =	vadd.f32 v15, v11;
	_ =	sdelay $0x1  }
0x51: {  	[tilespmem:s0+$0xFFFFFF10] =	vst v15  }
0x52: {  	v15 =	vld.idx.msk [tilespmem:v41+s18+$0x0], $0xffff;
	_ =	sdelay $0x2  }
0x53: {  	v42 =	vor.u32 v1, v12;
	_ =	sdelay $0x1  }
0x54: {  	v15 =	vadd.f32 v15, v13;
	_ =	sdelay $0x1  }
0x55: {  	[tilespmem:s0+$0xFFFFFF90] =	vst v15  }
0x56: {  	v15 =	vld.idx.msk [tilespmem:v42+s18+$0x0], $0xffff;
	_ =	sdelay $0x2  }
0x57: {  	v43 =	vor.u32 v1, v10;
	_ =	sdelay $0x1  }
0x58: {  	v15 =	vadd.f32 v15, v16;
	_ =	sdelay $0x1  }
0x59: {  	[tilespmem:s0+$0x10] =	vst v15  }
0x5a: {  	v15 =	vld.idx.msk [tilespmem:v43+s18+$0x0], $0xffff;
	_ =	sdelay $0x2  }
0x5b: {  	v44 =	vor.u32 v2, v9;
	_ =	sdelay $0x1  }
0x5c: {  	v15 =	vadd.f32 v15, v8;
	_ =	sdelay $0x1  }
0x5d: {  	[tilespmem:s0+$0x90] =	vst v15  }
0x5e: {  	v15 =	vld.idx.msk [tilespmem:v44+s18+$0x0], $0xffff;
	_ =	sdelay $0x2  }
0x5f: {  	v45 =	vor.u32 v2, v14;
	_ =	sdelay $0x1  }
0x60: {  	v15 =	vadd.f32 v15, v11;
	_ =	sdelay $0x1  }
0x61: {  	[tilespmem:s0+$0xFFFFFF20] =	vst v15  }
0x62: {  	v15 =	vld.idx.msk [tilespmem:v45+s18+$0x0], $0xffff;
	_ =	sdelay $0x2  }
0x63: {  	v46 =	vor.u32 v2, v12;
	_ =	sdelay $0x1  }
0x64: {  	v15 =	vadd.f32 v15, v13;
	_ =	sdelay $0x1  }
0x65: {  	[tilespmem:s0+$0xFFFFFFA0] =	vst v15  }
0x66: {  	v15 =	vld.idx.msk [tilespmem:v46+s18+$0x0], $0xffff;
	_ =	sdelay $0x2  }
0x67: {  	v47 =	vor.u32 v2, v10;
	_ =	sdelay $0x1  }
0x68: {  	v15 =	vadd.f32 v15, v16;
	_ =	sdelay $0x1  }
0x69: {  	[tilespmem:s0+$0x20] =	vst v15  }
0x6a: {  	v15 =	vld.idx.msk [tilespmem:v47+s18+$0x0], $0xffff;
	_ =	sdelay $0x2  }
0x6b: {  	v48 =	vor.u32 v3, v9;
	_ =	sdelay $0x1  }
0x6c: {  	v15 =	vadd.f32 v15, v8;
	_ =	sdelay $0x1  }
0x6d: {  	[tilespmem:s0+$0xA0] =	vst v15  }
0x6e: {  	v15 =	vld.idx.msk [tilespmem:v48+s18+$0x0], $0xffff;
	_ =	sdelay $0x2  }
0x6f: {  	v49 =	vor.u32 v3, v14;
	_ =	sdelay $0x1  }
0x70: {  	v15 =	vadd.f32 v15, v11;
	_ =	sdelay $0x1  }
0x71: {  	[tilespmem:s0+$0xFFFFFF30] =	vst v15  }
0x72: {  	v15 =	vld.idx.msk [tilespmem:v49+s18+$0x0], $0xffff;
	_ =	sdelay $0x2  }
0x73: {  	v50 =	vor.u32 v3, v12;
	_ =	sdelay $0x1  }
0x74: {  	v15 =	vadd.f32 v15, v13;
	_ =	sdelay $0x1  }
0x75: {  	[tilespmem:s0+$0xFFFFFFB0] =	vst v15  }
0x76: {  	v15 =	vld.idx.msk [tilespmem:v50+s18+$0x0], $0xffff;
	_ =	sdelay $0x2  }
0x77: {  	v51 =	vor.u32 v3, v10;
	_ =	sdelay $0x1  }
0x78: {  	v15 =	vadd.f32 v15, v16;
	_ =	sdelay $0x1  }
0x79: {  	[tilespmem:s0+$0x30] =	vst v15  }
0x7a: {  	v15 =	vld.idx.msk [tilespmem:v51+s18+$0x0], $0xffff;
	_ =	sdelay $0x2  }
0x7b: {  	v52 =	vor.u32 v4, v9;
	_ =	sdelay $0x1  }
0x7c: {  	v15 =	vadd.f32 v15, v8;
	_ =	sdelay $0x1  }
0x7d: {  	[tilespmem:s0+$0xB0] =	vst v15  }
0x7e: {  	v15 =	vld.idx.msk [tilespmem:v52+s18+$0x0], $0xffff;
	_ =	sdelay $0x2  }
0x7f: {  	v53 =	vor.u32 v4, v14;
	_ =	sdelay $0x1  }
0x80: {  	v15 =	vadd.f32 v15, v11;
	_ =	sdelay $0x1  }
0x81: {  	[tilespmem:s0+$0xFFFFFF40] =	vst v15  }
0x82: {  	v15 =	vld.idx.msk [tilespmem:v53+s18+$0x0], $0xffff;
	_ =	sdelay $0x2  }
0x83: {  	v54 =	vor.u32 v4, v12;
	_ =	sdelay $0x1  }
0x84: {  	v15 =	vadd.f32 v15, v13;
	_ =	sdelay $0x1  }
0x85: {  	[tilespmem:s0+$0xFFFFFFC0] =	vst v15  }
0x86: {  	v15 =	vld.idx.msk [tilespmem:v54+s18+$0x0], $0xffff;
	_ =	sdelay $0x2  }
0x87: {  	v55 =	vor.u32 v4, v10;
	_ =	sdelay $0x1  }
0x88: {  	v15 =	vadd.f32 v15, v16;
	_ =	sdelay $0x1  }
0x89: {  	[tilespmem:s0+$0x40] =	vst v15  }
0x8a: {  	v15 =	vld.idx.msk [tilespmem:v55+s18+$0x0], $0xffff;
	_ =	sdelay $0x2  }
0x8b: {  	v56 =	vor.u32 v5, v9;
	_ =	sdelay $0x1  }
0x8c: {  	v15 =	vadd.f32 v15, v8;
	_ =	sdelay $0x1  }
0x8d: {  	[tilespmem:s0+$0xC0] =	vst v15  }
0x8e: {  	v15 =	vld.idx.msk [tilespmem:v56+s18+$0x0], $0xffff;
	_ =	sdelay $0x2  }
0x8f: {  	v57 =	vor.u32 v5, v14;
	_ =	sdelay $0x1  }
0x90: {  	v15 =	vadd.f32 v15, v11;
	_ =	sdelay $0x1  }
0x91: {  	[tilespmem:s0+$0xFFFFFF50] =	vst v15  }
0x92: {  	v15 =	vld.idx.msk [tilespmem:v57+s18+$0x0], $0xffff;
	_ =	sdelay $0x2  }
0x93: {  	v58 =	vor.u32 v5, v12;
	_ =	sdelay $0x1  }
0x94: {  	v15 =	vadd.f32 v15, v13;
	_ =	sdelay $0x1  }
0x95: {  	[tilespmem:s0+$0xFFFFFFD0] =	vst v15  }
0x96: {  	v15 =	vld.idx.msk [tilespmem:v58+s18+$0x0], $0xffff;
	_ =	sdelay $0x2  }
0x97: {  	v59 =	vor.u32 v5, v10;
	_ =	sdelay $0x1  }
0x98: {  	v15 =	vadd.f32 v15, v16;
	_ =	sdelay $0x1  }
0x99: {  	[tilespmem:s0+$0x50] =	vst v15  }
0x9a: {  	v15 =	vld.idx.msk [tilespmem:v59+s18+$0x0], $0xffff;
	_ =	sdelay $0x2  }
0x9b: {  	v60 =	vor.u32 v6, v9;
	_ =	sdelay $0x1  }
0x9c: {  	v15 =	vadd.f32 v15, v8;
	_ =	sdelay $0x1  }
0x9d: {  	[tilespmem:s0+$0xD0] =	vst v15  }
0x9e: {  	v15 =	vld.idx.msk [tilespmem:v60+s18+$0x0], $0xffff;
	_ =	sdelay $0x2  }
0x9f: {  	v61 =	vor.u32 v6, v14;
	_ =	sdelay $0x1  }
0xa0: {  	v15 =	vadd.f32 v15, v11;
	_ =	sdelay $0x1  }
0xa1: {  	[tilespmem:s0+$0xFFFFFF60] =	vst v15  }
0xa2: {  	v15 =	vld.idx.msk [tilespmem:v61+s18+$0x0], $0xffff;
	_ =	sdelay $0x2  }
0xa3: {  	v62 =	vor.u32 v6, v12;
	_ =	sdelay $0x1  }
0xa4: {  	v15 =	vadd.f32 v15, v13;
	_ =	sdelay $0x1  }
0xa5: {  	[tilespmem:s0+$0xFFFFFFE0] =	vst v15  }
0xa6: {  	v15 =	vld.idx.msk [tilespmem:v62+s18+$0x0], $0xffff;
	_ =	sdelay $0x2  }
0xa7: {  	v63 =	vor.u32 v6, v10;
	_ =	sdelay $0x1  }
0xa8: {  	v15 =	vadd.f32 v15, v16;
	_ =	sdelay $0x1  }
0xa9: {  	[tilespmem:s0+$0x60] =	vst v15  }
0xaa: {  	v15 =	vld.idx.msk [tilespmem:v63+s18+$0x0], $0xffff;
	_ =	sdelay $0x2  }
0xab: {  	v9 =	vor.u32 v7, v9;
	_ =	sdelay $0x1  }
0xac: {  	v15 =	vadd.f32 v15, v8;
	_ =	sdelay $0x1  }
0xad: {  	[tilespmem:s0+$0xE0] =	vst v15  }
0xae: {  	v9 =	vld.idx.msk [tilespmem:v9+s18+$0x0], $0xffff;
	_ =	sdelay $0x2  }
0xaf: {  	v14 =	vor.u32 v7, v14;
	_ =	sdelay $0x1  }
0xb0: {  	v9 =	vadd.f32 v9, v11;
	_ =	sdelay $0x1  }
0xb1: {  	[tilespmem:s0+$0xFFFFFF70] =	vst v9  }
0xb2: {  	v9 =	vld.idx.msk [tilespmem:v14+s18+$0x0], $0xffff;
	_ =	sdelay $0x2  }
0xb3: {  	v11 =	vor.u32 v7, v12;
	_ =	sdelay $0x1  }
0xb4: {  	v9 =	vadd.f32 v9, v13;
	_ =	sdelay $0x1  }
0xb5: {  	[tilespmem:s0+$0xFFFFFFF0] =	vst v9  }
0xb6: {  	v9 =	vld.idx.msk [tilespmem:v11+s18+$0x0], $0xffff;
	_ =	sdelay $0x2  }
0xb7: {  	v10 =	vor.u32 v7, v10;
	_ =	sdelay $0x1  }
0xb8: {  	v9 =	vadd.f32 v9, v16;
	_ =	sdelay $0x1  }
0xb9: {  	[tilespmem:s0+$0x70] =	vst v9  }
0xba: {  	v10 =	vld.idx.msk [tilespmem:v10+s18+$0x0], $0xffff  }
0xbb: {  	s1 =	simm.s32 $0x4  }
0xbc: {  	s6 =	simm.s32 $0x8;
	v9 =	vmov s1  }
.LBB2_2:
0xbd: {  	p0 =	sne.s32 s6, $0x3C;
	v11 =	vand.u32 $0x3C, v9  }
0xbe: {  	v12 =	vor.u32 v0, v11  }
0xbf: {  	v8 =	vadd.f32 v10, v8;
	_ =	sdelay $0x1  }
0xc0: {  	[tilespmem:s0+$0xF0] =	vst v8  }
0xc1: {  	v10 =	vld.idx.msk [tilespmem:v9+s16+$0x0], $0xffff  }
0xc2: {  	s29 =	sadd.s32 $0x2, s1;
	v8 =	vld.idx.msk [tilespmem:v12+s18+$0x0], $0xffff  }
0xc3: {  	s30 =	sadd.s32 $0x1, s1;
	v14 =	vmov s29;
	s29 =	sadd.s32 $0x3, s1;
	s1 =	smov.u32 s6  }
0xc4: {  	v16 =	vmov s29;
	v12 =	vmov s30  }
0xc5: {  	v13 =	vand.u32 $0x3D, v12  }
0xc6: {  	v15 =	vor.u32 v0, v13;
	_ =	sdelay $0x1  }
0xc7: {  	v17 =	vadd.f32 v8, v10;
	v9 =	vld.idx.msk [tilespmem:v14+s16+$0x0], $0xffff  }
0xc8: {  	s0 =	sadd.s32 $0x200, s0;
	v8 =	vld.idx.msk [tilespmem:v16+s16+$0x0], $0xffff  }
0xc9: {  	v12 =	vld.idx.msk [tilespmem:v12+s16+$0x0], $0xffff;
	[tilespmem:s0+$0xFFFFFF00] =	vst v17  }
0xca: {  	v17 =	vld.idx.msk [tilespmem:v15+s18+$0x0], $0xffff;
	_ =	sdelay $0x2  }
0xcb: {  	v15 =	vand.u32 $0x3E, v14  }
0xcc: {  	v14 =	vor.u32 v0, v15;
	_ =	sdelay $0x1  }
0xcd: {  	v17 =	vadd.f32 v17, v12;
	_ =	sdelay $0x1  }
0xce: {  	[tilespmem:s0+$0xFFFFFF80] =	vst v17  }
0xcf: {  	v17 =	vld.idx.msk [tilespmem:v14+s18+$0x0], $0xffff;
	_ =	sdelay $0x2  }
0xd0: {  	v16 =	vand.u32 $0x3F, v16  }
0xd1: {  	v18 =	vor.u32 v0, v16;
	v14 =	vor.u32 v7, v16;
	_ =	sdelay $0x1  }
0xd2: {  	v17 =	vadd.f32 v17, v9;
	_ =	sdelay $0x1  }
0xd3: {  	[tilespmem:s0+$0x0] =	vst v17  }
0xd4: {  	v17 =	vld.idx.msk [tilespmem:v18+s18+$0x0], $0xffff;
	_ =	sdelay $0x3  }
0xd5: {  	v18 =	vor.u32 v1, v11;
	_ =	sdelay $0x1  }
0xd6: {  	v17 =	vadd.f32 v17, v8;
	_ =	sdelay $0x1  }
0xd7: {  	[tilespmem:s0+$0x80] =	vst v17  }
0xd8: {  	v17 =	vld.idx.msk [tilespmem:v18+s18+$0x0], $0xffff;
	_ =	sdelay $0x3  }
0xd9: {  	v18 =	vor.u32 v1, v13;
	_ =	sdelay $0x1  }
0xda: {  	v17 =	vadd.f32 v17, v10;
	_ =	sdelay $0x1  }
0xdb: {  	[tilespmem:s0+$0xFFFFFF10] =	vst v17  }
0xdc: {  	v17 =	vld.idx.msk [tilespmem:v18+s18+$0x0], $0xffff;
	_ =	sdelay $0x3  }
0xdd: {  	v18 =	vor.u32 v1, v15;
	_ =	sdelay $0x1  }
0xde: {  	v17 =	vadd.f32 v17, v12;
	_ =	sdelay $0x1  }
0xdf: {  	[tilespmem:s0+$0xFFFFFF90] =	vst v17  }
0xe0: {  	v17 =	vld.idx.msk [tilespmem:v18+s18+$0x0], $0xffff;
	_ =	sdelay $0x3  }
0xe1: {  	v18 =	vor.u32 v1, v16;
	_ =	sdelay $0x1  }
0xe2: {  	v17 =	vadd.f32 v17, v9;
	_ =	sdelay $0x1  }
0xe3: {  	[tilespmem:s0+$0x10] =	vst v17  }
0xe4: {  	v17 =	vld.idx.msk [tilespmem:v18+s18+$0x0], $0xffff;
	_ =	sdelay $0x3  }
0xe5: {  	v18 =	vor.u32 v2, v11;
	_ =	sdelay $0x1  }
0xe6: {  	v17 =	vadd.f32 v17, v8;
	_ =	sdelay $0x1  }
0xe7: {  	[tilespmem:s0+$0x90] =	vst v17  }
0xe8: {  	v17 =	vld.idx.msk [tilespmem:v18+s18+$0x0], $0xffff;
	_ =	sdelay $0x3  }
0xe9: {  	v18 =	vor.u32 v2, v13;
	_ =	sdelay $0x1  }
0xea: {  	v17 =	vadd.f32 v17, v10;
	_ =	sdelay $0x1  }
0xeb: {  	[tilespmem:s0+$0xFFFFFF20] =	vst v17  }
0xec: {  	v17 =	vld.idx.msk [tilespmem:v18+s18+$0x0], $0xffff;
	_ =	sdelay $0x3  }
0xed: {  	v18 =	vor.u32 v2, v15;
	_ =	sdelay $0x1  }
0xee: {  	v17 =	vadd.f32 v17, v12;
	_ =	sdelay $0x1  }
0xef: {  	[tilespmem:s0+$0xFFFFFFA0] =	vst v17  }
0xf0: {  	v17 =	vld.idx.msk [tilespmem:v18+s18+$0x0], $0xffff;
	_ =	sdelay $0x3  }
0xf1: {  	v18 =	vor.u32 v2, v16;
	_ =	sdelay $0x1  }
0xf2: {  	v17 =	vadd.f32 v17, v9;
	_ =	sdelay $0x1  }
0xf3: {  	[tilespmem:s0+$0x20] =	vst v17  }
0xf4: {  	v17 =	vld.idx.msk [tilespmem:v18+s18+$0x0], $0xffff;
	_ =	sdelay $0x3  }
0xf5: {  	v18 =	vor.u32 v3, v11;
	_ =	sdelay $0x1  }
0xf6: {  	v17 =	vadd.f32 v17, v8;
	_ =	sdelay $0x1  }
0xf7: {  	[tilespmem:s0+$0xA0] =	vst v17  }
0xf8: {  	v17 =	vld.idx.msk [tilespmem:v18+s18+$0x0], $0xffff;
	_ =	sdelay $0x3  }
0xf9: {  	v18 =	vor.u32 v3, v13;
	_ =	sdelay $0x1  }
0xfa: {  	v17 =	vadd.f32 v17, v10;
	_ =	sdelay $0x1  }
0xfb: {  	[tilespmem:s0+$0xFFFFFF30] =	vst v17  }
0xfc: {  	v17 =	vld.idx.msk [tilespmem:v18+s18+$0x0], $0xffff;
	_ =	sdelay $0x3  }
0xfd: {  	v18 =	vor.u32 v3, v15;
	_ =	sdelay $0x1  }
0xfe: {  	v17 =	vadd.f32 v17, v12;
	_ =	sdelay $0x1  }
0xff: {  	[tilespmem:s0+$0xFFFFFFB0] =	vst v17  }
0x100: {  	v17 =	vld.idx.msk [tilespmem:v18+s18+$0x0], $0xffff;
	_ =	sdelay $0x3  }
0x101: {  	v18 =	vor.u32 v3, v16;
	_ =	sdelay $0x1  }
0x102: {  	v17 =	vadd.f32 v17, v9;
	_ =	sdelay $0x1  }
0x103: {  	[tilespmem:s0+$0x30] =	vst v17  }
0x104: {  	v17 =	vld.idx.msk [tilespmem:v18+s18+$0x0], $0xffff;
	_ =	sdelay $0x3  }
0x105: {  	v18 =	vor.u32 v4, v11;
	_ =	sdelay $0x1  }
0x106: {  	v17 =	vadd.f32 v17, v8;
	_ =	sdelay $0x1  }
0x107: {  	[tilespmem:s0+$0xB0] =	vst v17  }
0x108: {  	v17 =	vld.idx.msk [tilespmem:v18+s18+$0x0], $0xffff;
	_ =	sdelay $0x3  }
0x109: {  	v18 =	vor.u32 v4, v13;
	_ =	sdelay $0x1  }
0x10a: {  	v17 =	vadd.f32 v17, v10;
	_ =	sdelay $0x1  }
0x10b: {  	[tilespmem:s0+$0xFFFFFF40] =	vst v17  }
0x10c: {  	v17 =	vld.idx.msk [tilespmem:v18+s18+$0x0], $0xffff;
	_ =	sdelay $0x3  }
0x10d: {  	v18 =	vor.u32 v4, v15;
	_ =	sdelay $0x1  }
0x10e: {  	v17 =	vadd.f32 v17, v12;
	_ =	sdelay $0x1  }
0x10f: {  	[tilespmem:s0+$0xFFFFFFC0] =	vst v17  }
0x110: {  	v17 =	vld.idx.msk [tilespmem:v18+s18+$0x0], $0xffff;
	_ =	sdelay $0x3  }
0x111: {  	v18 =	vor.u32 v4, v16;
	_ =	sdelay $0x1  }
0x112: {  	v17 =	vadd.f32 v17, v9;
	_ =	sdelay $0x1  }
0x113: {  	[tilespmem:s0+$0x40] =	vst v17  }
0x114: {  	v17 =	vld.idx.msk [tilespmem:v18+s18+$0x0], $0xffff;
	_ =	sdelay $0x3  }
0x115: {  	v18 =	vor.u32 v5, v11;
	_ =	sdelay $0x1  }
0x116: {  	v17 =	vadd.f32 v17, v8;
	_ =	sdelay $0x1  }
0x117: {  	[tilespmem:s0+$0xC0] =	vst v17  }
0x118: {  	v17 =	vld.idx.msk [tilespmem:v18+s18+$0x0], $0xffff;
	_ =	sdelay $0x3  }
0x119: {  	v18 =	vor.u32 v5, v13;
	_ =	sdelay $0x1  }
0x11a: {  	v17 =	vadd.f32 v17, v10;
	_ =	sdelay $0x1  }
0x11b: {  	[tilespmem:s0+$0xFFFFFF50] =	vst v17  }
0x11c: {  	v17 =	vld.idx.msk [tilespmem:v18+s18+$0x0], $0xffff;
	_ =	sdelay $0x3  }
0x11d: {  	v18 =	vor.u32 v5, v15;
	_ =	sdelay $0x1  }
0x11e: {  	v17 =	vadd.f32 v17, v12;
	_ =	sdelay $0x1  }
0x11f: {  	[tilespmem:s0+$0xFFFFFFD0] =	vst v17  }
0x120: {  	v17 =	vld.idx.msk [tilespmem:v18+s18+$0x0], $0xffff;
	_ =	sdelay $0x3  }
0x121: {  	v18 =	vor.u32 v5, v16;
	_ =	sdelay $0x1  }
0x122: {  	v17 =	vadd.f32 v17, v9;
	_ =	sdelay $0x1  }
0x123: {  	[tilespmem:s0+$0x50] =	vst v17  }
0x124: {  	v17 =	vld.idx.msk [tilespmem:v18+s18+$0x0], $0xffff;
	_ =	sdelay $0x3  }
0x125: {  	v18 =	vor.u32 v6, v11;
	_ =	sdelay $0x1  }
0x126: {  	v17 =	vadd.f32 v17, v8;
	_ =	sdelay $0x1  }
0x127: {  	[tilespmem:s0+$0xD0] =	vst v17  }
0x128: {  	v17 =	vld.idx.msk [tilespmem:v18+s18+$0x0], $0xffff;
	_ =	sdelay $0x3  }
0x129: {  	v18 =	vor.u32 v6, v13;
	_ =	sdelay $0x1  }
0x12a: {  	v17 =	vadd.f32 v17, v10;
	_ =	sdelay $0x1  }
0x12b: {  	[tilespmem:s0+$0xFFFFFF60] =	vst v17  }
0x12c: {  	v17 =	vld.idx.msk [tilespmem:v18+s18+$0x0], $0xffff;
	_ =	sdelay $0x3  }
0x12d: {  	v18 =	vor.u32 v6, v15;
	_ =	sdelay $0x1  }
0x12e: {  	v17 =	vadd.f32 v17, v12;
	_ =	sdelay $0x1  }
0x12f: {  	[tilespmem:s0+$0xFFFFFFE0] =	vst v17  }
0x130: {  	v17 =	vld.idx.msk [tilespmem:v18+s18+$0x0], $0xffff;
	_ =	sdelay $0x3  }
0x131: {  	v16 =	vor.u32 v6, v16;
	_ =	sdelay $0x1  }
0x132: {  	v17 =	vadd.f32 v17, v9;
	_ =	sdelay $0x1  }
0x133: {  	[tilespmem:s0+$0x60] =	vst v17  }
0x134: {  	v16 =	vld.idx.msk [tilespmem:v16+s18+$0x0], $0xffff;
	_ =	sdelay $0x3  }
0x135: {  	v11 =	vor.u32 v7, v11;
	_ =	sdelay $0x1  }
0x136: {  	v16 =	vadd.f32 v16, v8;
	_ =	sdelay $0x1  }
0x137: {  	[tilespmem:s0+$0xE0] =	vst v16  }
0x138: {  	v11 =	vld.idx.msk [tilespmem:v11+s18+$0x0], $0xffff;
	_ =	sdelay $0x3  }
0x139: {  	v13 =	vor.u32 v7, v13;
	_ =	sdelay $0x1  }
0x13a: {  	v10 =	vadd.f32 v11, v10;
	_ =	sdelay $0x1  }
0x13b: {  	[tilespmem:s0+$0xFFFFFF70] =	vst v10  }
0x13c: {  	v10 =	vld.idx.msk [tilespmem:v13+s18+$0x0], $0xffff;
	_ =	sdelay $0x3  }
0x13d: {  	v11 =	vor.u32 v7, v15;
	_ =	sdelay $0x1  }
0x13e: {  	v10 =	vadd.f32 v10, v12;
	_ =	sdelay $0x1  }
0x13f: {  	[tilespmem:s0+$0xFFFFFFF0] =	vst v10  }
0x140: {  	v10 =	vld.idx.msk [tilespmem:v11+s18+$0x0], $0xffff;
	_ =	sdelay $0x5  }
0x141: {  	v9 =	vadd.f32 v10, v9;
	_ =	sdelay $0x1  }
.Ltmp0:
0x142: {  	[tilespmem:s0+$0x70] =	vst v9;
	(pc) =	sbr.rel @p0 .LBB2_2-.Ltmp0, $2  }
0x143: {  	v10 =	vld.idx.msk [tilespmem:v14+s18+$0x0], $0xffff;
	_ =	sdelay $0x2  }
0x144: {  	s6 =	sadd.s32 $0x4, s6;
	v9 =	vmov s1  }
0x145: {  	v11 =	vand.u32 $0x3C, v9  }
0x146: {  	v12 =	vor.u32 v0, v11  }
0x147: {  	v8 =	vadd.f32 v10, v8;
	_ =	sdelay $0x1  }
0x148: {  	[tilespmem:s0+$0xF0] =	vst v8  }
0x149: {  	s30 =	sadd.s32 $0x3, s1;
	v8 =	vld.idx.msk [tilespmem:v9+s16+$0x0], $0xffff  }
0x14a: {  	s31 =	sadd.s32 $0x1, s1;
	v48 =	vmov s30;
	v10 =	vld.idx.msk [tilespmem:v12+s18+$0x0], $0xffff  }
0x14b: {  	s6 =	sadd.s32 $0x2, s1;
	v13 =	vmov s31  }
0x14c: {  	v14 =	vand.u32 $0x3D, v13;
	v9 =	vmov s6  }
0x14d: {  	v15 =	vor.u32 v0, v14;
	_ =	sdelay $0x1  }
0x14e: {  	v17 =	vld.idx.msk [tilespmem:v48+s16+$0x0], $0xffff;
	v10 =	vadd.f32 v10, v8  }
0x14f: {  	s6 =	sadd.s32 $0x200, s0;
	v13 =	vld.idx.msk [tilespmem:v13+s16+$0x0], $0xffff  }
0x150: {  	v16 =	vld.idx.msk [tilespmem:v9+s16+$0x0], $0xffff;
	[tilespmem:s6+$0xFFFFFF00] =	vst v10  }
0x151: {  	v10 =	vld.idx.msk [tilespmem:v15+s18+$0x0], $0xffff;
	_ =	sdelay $0x1  }
0x152: {  	v9 =	vand.u32 $0x3E, v9  }
0x153: {  	v49 =	vor.u32 v0, v9;
	_ =	sdelay $0x1  }
0x154: {  	v10 =	vadd.f32 v10, v13;
	_ =	sdelay $0x1  }
0x155: {  	[tilespmem:s6+$0xFFFFFF80] =	vst v10  }
0x156: {  	v10 =	vld.idx.msk [tilespmem:v49+s18+$0x0], $0xffff;
	_ =	sdelay $0x1  }
0x157: {  	v12 =	vand.u32 $0x3F, v48  }
0x158: {  	v50 =	vor.u32 v0, v12;
	_ =	sdelay $0x1  }
0x159: {  	v10 =	vadd.f32 v10, v16;
	_ =	sdelay $0x1  }
0x15a: {  	[tilespmem:s6+$0x0] =	vst v10  }
0x15b: {  	v10 =	vld.idx.msk [tilespmem:v50+s18+$0x0], $0xffff;
	_ =	sdelay $0x2  }
0x15c: {  	v51 =	vor.u32 v1, v11;
	_ =	sdelay $0x1  }
0x15d: {  	v10 =	vadd.f32 v10, v17;
	_ =	sdelay $0x1  }
0x15e: {  	[tilespmem:s6+$0x80] =	vst v10  }
0x15f: {  	v10 =	vld.idx.msk [tilespmem:v51+s18+$0x0], $0xffff;
	_ =	sdelay $0x2  }
0x160: {  	v52 =	vor.u32 v1, v14;
	_ =	sdelay $0x1  }
0x161: {  	v10 =	vadd.f32 v10, v8;
	_ =	sdelay $0x1  }
0x162: {  	[tilespmem:s6+$0xFFFFFF10] =	vst v10  }
0x163: {  	v10 =	vld.idx.msk [tilespmem:v52+s18+$0x0], $0xffff;
	_ =	sdelay $0x2  }
0x164: {  	v53 =	vor.u32 v1, v9;
	_ =	sdelay $0x1  }
0x165: {  	v10 =	vadd.f32 v10, v13;
	_ =	sdelay $0x1  }
0x166: {  	[tilespmem:s6+$0xFFFFFF90] =	vst v10  }
0x167: {  	v10 =	vld.idx.msk [tilespmem:v53+s18+$0x0], $0xffff;
	_ =	sdelay $0x2  }
0x168: {  	v54 =	vor.u32 v1, v12;
	_ =	sdelay $0x1  }
0x169: {  	v10 =	vadd.f32 v10, v16;
	_ =	sdelay $0x1  }
0x16a: {  	[tilespmem:s6+$0x10] =	vst v10  }
0x16b: {  	v10 =	vld.idx.msk [tilespmem:v54+s18+$0x0], $0xffff;
	_ =	sdelay $0x2  }
0x16c: {  	v55 =	vor.u32 v2, v11;
	_ =	sdelay $0x1  }
0x16d: {  	v10 =	vadd.f32 v10, v17;
	_ =	sdelay $0x1  }
0x16e: {  	[tilespmem:s6+$0x90] =	vst v10  }
0x16f: {  	v10 =	vld.idx.msk [tilespmem:v55+s18+$0x0], $0xffff;
	_ =	sdelay $0x2  }
0x170: {  	v56 =	vor.u32 v2, v14;
	_ =	sdelay $0x1  }
0x171: {  	v10 =	vadd.f32 v10, v8;
	_ =	sdelay $0x1  }
0x172: {  	[tilespmem:s6+$0xFFFFFF20] =	vst v10  }
0x173: {  	v10 =	vld.idx.msk [tilespmem:v56+s18+$0x0], $0xffff;
	_ =	sdelay $0x2  }
0x174: {  	v57 =	vor.u32 v2, v9;
	_ =	sdelay $0x1  }
0x175: {  	v10 =	vadd.f32 v10, v13;
	_ =	sdelay $0x1  }
0x176: {  	[tilespmem:s6+$0xFFFFFFA0] =	vst v10  }
0x177: {  	v10 =	vld.idx.msk [tilespmem:v57+s18+$0x0], $0xffff;
	_ =	sdelay $0x2  }
0x178: {  	v58 =	vor.u32 v2, v12;
	_ =	sdelay $0x1  }
0x179: {  	v10 =	vadd.f32 v10, v16;
	_ =	sdelay $0x1  }
0x17a: {  	[tilespmem:s6+$0x20] =	vst v10  }
0x17b: {  	v10 =	vld.idx.msk [tilespmem:v58+s18+$0x0], $0xffff;
	_ =	sdelay $0x2  }
0x17c: {  	v59 =	vor.u32 v3, v11;
	_ =	sdelay $0x1  }
0x17d: {  	v10 =	vadd.f32 v10, v17;
	_ =	sdelay $0x1  }
0x17e: {  	[tilespmem:s6+$0xA0] =	vst v10  }
0x17f: {  	v10 =	vld.idx.msk [tilespmem:v59+s18+$0x0], $0xffff;
	_ =	sdelay $0x2  }
0x180: {  	v60 =	vor.u32 v3, v14;
	_ =	sdelay $0x1  }
0x181: {  	v10 =	vadd.f32 v10, v8;
	_ =	sdelay $0x1  }
0x182: {  	[tilespmem:s6+$0xFFFFFF30] =	vst v10  }
0x183: {  	v10 =	vld.idx.msk [tilespmem:v60+s18+$0x0], $0xffff;
	_ =	sdelay $0x2  }
0x184: {  	v61 =	vor.u32 v3, v9;
	_ =	sdelay $0x1  }
0x185: {  	v10 =	vadd.f32 v10, v13;
	_ =	sdelay $0x1  }
0x186: {  	[tilespmem:s6+$0xFFFFFFB0] =	vst v10  }
0x187: {  	v10 =	vld.idx.msk [tilespmem:v61+s18+$0x0], $0xffff;
	_ =	sdelay $0x2  }
0x188: {  	v62 =	vor.u32 v3, v12;
	_ =	sdelay $0x1  }
0x189: {  	v10 =	vadd.f32 v10, v16;
	_ =	sdelay $0x1  }
0x18a: {  	[tilespmem:s6+$0x30] =	vst v10  }
0x18b: {  	v10 =	vld.idx.msk [tilespmem:v62+s18+$0x0], $0xffff;
	_ =	sdelay $0x2  }
0x18c: {  	v63 =	vor.u32 v4, v11;
	_ =	sdelay $0x1  }
0x18d: {  	v10 =	vadd.f32 v10, v17;
	_ =	sdelay $0x1  }
0x18e: {  	[tilespmem:s6+$0xB0] =	vst v10  }
0x18f: {  	v10 =	vld.idx.msk [tilespmem:v63+s18+$0x0], $0xffff;
	_ =	sdelay $0x2  }
0x190: {  	v18 =	vor.u32 v4, v14;
	_ =	sdelay $0x1  }
0x191: {  	v10 =	vadd.f32 v10, v8;
	_ =	sdelay $0x1  }
0x192: {  	[tilespmem:s6+$0xFFFFFF40] =	vst v10  }
0x193: {  	v10 =	vld.idx.msk [tilespmem:v18+s18+$0x0], $0xffff;
	_ =	sdelay $0x2  }
0x194: {  	v19 =	vor.u32 v4, v9;
	_ =	sdelay $0x1  }
0x195: {  	v10 =	vadd.f32 v10, v13;
	_ =	sdelay $0x1  }
0x196: {  	[tilespmem:s6+$0xFFFFFFC0] =	vst v10  }
0x197: {  	v10 =	vld.idx.msk [tilespmem:v19+s18+$0x0], $0xffff;
	_ =	sdelay $0x2  }
0x198: {  	v20 =	vor.u32 v4, v12;
	_ =	sdelay $0x1  }
0x199: {  	v10 =	vadd.f32 v10, v16;
	_ =	sdelay $0x1  }
0x19a: {  	[tilespmem:s6+$0x40] =	vst v10  }
0x19b: {  	v10 =	vld.idx.msk [tilespmem:v20+s18+$0x0], $0xffff;
	_ =	sdelay $0x2  }
0x19c: {  	v21 =	vor.u32 v5, v11;
	_ =	sdelay $0x1  }
0x19d: {  	v10 =	vadd.f32 v10, v17;
	_ =	sdelay $0x1  }
0x19e: {  	[tilespmem:s6+$0xC0] =	vst v10  }
0x19f: {  	v10 =	vld.idx.msk [tilespmem:v21+s18+$0x0], $0xffff;
	_ =	sdelay $0x2  }
0x1a0: {  	v22 =	vor.u32 v5, v14;
	_ =	sdelay $0x1  }
0x1a1: {  	v10 =	vadd.f32 v10, v8;
	_ =	sdelay $0x1  }
0x1a2: {  	[tilespmem:s6+$0xFFFFFF50] =	vst v10  }
0x1a3: {  	v10 =	vld.idx.msk [tilespmem:v22+s18+$0x0], $0xffff;
	_ =	sdelay $0x2  }
0x1a4: {  	v23 =	vor.u32 v5, v9;
	_ =	sdelay $0x1  }
0x1a5: {  	v10 =	vadd.f32 v10, v13;
	_ =	sdelay $0x1  }
0x1a6: {  	[tilespmem:s6+$0xFFFFFFD0] =	vst v10  }
0x1a7: {  	v10 =	vld.idx.msk [tilespmem:v23+s18+$0x0], $0xffff;
	_ =	sdelay $0x2  }
0x1a8: {  	v24 =	vor.u32 v5, v12;
	_ =	sdelay $0x1  }
0x1a9: {  	v10 =	vadd.f32 v10, v16;
	_ =	sdelay $0x1  }
0x1aa: {  	[tilespmem:s6+$0x50] =	vst v10  }
0x1ab: {  	v10 =	vld.idx.msk [tilespmem:v24+s18+$0x0], $0xffff;
	_ =	sdelay $0x2  }
0x1ac: {  	v25 =	vor.u32 v6, v11;
	_ =	sdelay $0x1  }
0x1ad: {  	v10 =	vadd.f32 v10, v17;
	_ =	sdelay $0x1  }
0x1ae: {  	[tilespmem:s6+$0xD0] =	vst v10  }
0x1af: {  	v10 =	vld.idx.msk [tilespmem:v25+s18+$0x0], $0xffff;
	_ =	sdelay $0x2  }
0x1b0: {  	v26 =	vor.u32 v6, v14;
	_ =	sdelay $0x1  }
0x1b1: {  	v10 =	vadd.f32 v10, v8;
	_ =	sdelay $0x1  }
0x1b2: {  	[tilespmem:s6+$0xFFFFFF60] =	vst v10  }
0x1b3: {  	v10 =	vld.idx.msk [tilespmem:v26+s18+$0x0], $0xffff;
	_ =	sdelay $0x2  }
0x1b4: {  	v27 =	vor.u32 v6, v9;
	_ =	sdelay $0x1  }
0x1b5: {  	v10 =	vadd.f32 v10, v13;
	_ =	sdelay $0x1  }
0x1b6: {  	[tilespmem:s6+$0xFFFFFFE0] =	vst v10  }
0x1b7: {  	v10 =	vld.idx.msk [tilespmem:v27+s18+$0x0], $0xffff;
	_ =	sdelay $0x2  }
0x1b8: {  	v28 =	vor.u32 v6, v12;
	_ =	sdelay $0x1  }
0x1b9: {  	v10 =	vadd.f32 v10, v16;
	_ =	sdelay $0x1  }
0x1ba: {  	[tilespmem:s6+$0x60] =	vst v10  }
0x1bb: {  	v10 =	vld.idx.msk [tilespmem:v28+s18+$0x0], $0xffff;
	_ =	sdelay $0x2  }
0x1bc: {  	v11 =	vor.u32 v7, v11;
	_ =	sdelay $0x1  }
0x1bd: {  	v10 =	vadd.f32 v10, v17;
	_ =	sdelay $0x1  }
0x1be: {  	[tilespmem:s6+$0xE0] =	vst v10  }
0x1bf: {  	v10 =	vld.idx.msk [tilespmem:v11+s18+$0x0], $0xffff;
	_ =	sdelay $0x2  }
0x1c0: {  	v11 =	vor.u32 v7, v14;
	_ =	sdelay $0x1  }
0x1c1: {  	v8 =	vadd.f32 v10, v8;
	_ =	sdelay $0x1  }
0x1c2: {  	[tilespmem:s6+$0xFFFFFF70] =	vst v8  }
0x1c3: {  	v8 =	vld.idx.msk [tilespmem:v11+s18+$0x0], $0xffff;
	_ =	sdelay $0x2  }
0x1c4: {  	v9 =	vor.u32 v7, v9;
	_ =	sdelay $0x1  }
0x1c5: {  	v8 =	vadd.f32 v8, v13;
	_ =	sdelay $0x1  }
0x1c6: {  	[tilespmem:s6+$0xFFFFFFF0] =	vst v8  }
0x1c7: {  	v8 =	vld.idx.msk [tilespmem:v9+s18+$0x0], $0xffff;
	_ =	sdelay $0x2  }
0x1c8: {  	v9 =	vor.u32 v7, v12;
	_ =	sdelay $0x1  }
0x1c9: {  	v8 =	vadd.f32 v8, v16;
	_ =	sdelay $0x1  }
0x1ca: {  	[tilespmem:s6+$0x70] =	vst v8  }
0x1cb: {  	v8 =	vld.idx.msk [tilespmem:v9+s18+$0x0], $0xffff;
	_ =	sdelay $0x4  }
0x1cc: {  	v8 =	vadd.f32 v8, v17;
	_ =	sdelay $0x1  }
0x1cd: {  	[tilespmem:s6+$0xF0] =	vst v8  }
0x1ce: {  	v8 =	vld [tilespmem:$0x100]  }
0x1cf: {  	v9 =	vld [tilespmem:$0x110]  }
0x1d0: {  	v10 =	vld [tilespmem:$0x120]  }
0x1d1: {  	v11 =	vld [tilespmem:$0x130]  }
0x1d2: {  	v29 =	vld [tilespmem:$0x140]  }
0x1d3: {  	[tilespmem:$0x6400] =	vst v8;
	v8 =	vld [tilespmem:$0x150]  }
0x1d4: {  	[tilespmem:$0x6410] =	vst v9;
	v9 =	vld [tilespmem:$0x160]  }
0x1d5: {  	[tilespmem:$0x6420] =	vst v10;
	v10 =	vld [tilespmem:$0x170]  }
0x1d6: {  	[tilespmem:$0x6430] =	vst v11  }
0x1d7: {  	s8 =	simm.s32 $0x0;
	[tilespmem:$0x6440] =	vst v29  }
0x1d8: {  	[tilespmem:$0x6450] =	vst v8;
	v8 =	vmov s8  }
0x1d9: {  	[tilespmem:$0x6460] =	vst v9;
	v8 =	vand.u32 $0x3C, v8  }
0x1da: {  	[tilespmem:$0x6470] =	vst v10;
	v9 =	vbroadcast v8, $0x0  }
0x1db: {  	[tilespmem:s18], [sflag:$0x1] =	stream.indirect.gather [hbm4b:s3+s13], $0x40, s17, s13, $0xb8;
	[tilespmem:$0x11700] =	vst v63  }
0x1dc: {  	s31 =	simm.s32 $0x1;
	v8 =	vor.u32 $0x40, v9  }
0x1dd: {  	[hbm4b:s7+s13] =	stream.strided.scatter [tilespmem:s22], [sflag:$0x3], $0x2000, s14, s13, $0x38;
	v30 =	vor.u32 v0, v9;
	[tilespmem:$0x11700] =	vst v63  }
0x1de: {  	s9 =	simm.s32 $0x2;
	v31 =	vmov s31;
	_ =	swait.ge [sflag:s23], $0x2000  }
0x1df: {  	s30 =	simm.s32 $0x3;
	v13 =	vand.u32 $0x3D, v31;
	v10 =	vmov s9;
	[sflag:s23] =	ssyncset.done $0x0  }
0x1e0: {  	v13 =	vbroadcast v13, $0x0;
	v11 =	vmov s30;
	v10 =	vand.u32 $0x3E, v10;
	[sflag:s23] =	ssyncadd.s32 $0xFFFFE000  }
0x1e1: {  	v11 =	vand.u32 $0x3F, v11;
	v10 =	vbroadcast v10, $0x0;
	v32 =	vld.idx.msk [tilespmem:v8+s16+$0x0], $0xffff  }
0x1e2: {  	v34 =	vor.u32 $0x40, v13;
	v11 =	vbroadcast v11, $0x0;
	v12 =	vld.idx.msk [tilespmem:v30+s20+$0x0], $0xffff  }
0x1e3: {  	v8 =	vor.u32 $0x40, v10  }
0x1e4: {  	v33 =	vor.u32 $0x40, v11  }
0x1e5: {  	v35 =	vor.u32 v0, v13;
	_ =	sdelay $0x1  }
0x1e6: {  	v36 =	vld.idx.msk [tilespmem:v34+s16+$0x0], $0xffff;
	v12 =	vadd.f32 v12, v32  }
0x1e7: {  	s29 =	simm.s32 $0xC600;
	v18 =	vld.idx.msk [tilespmem:v8+s16+$0x0], $0xffff  }
0x1e8: {  	v8 =	vld.idx.msk [tilespmem:v33+s16+$0x0], $0xffff;
	[tilespmem:s29+$0xFFFFFF00] =	vst v12  }
0x1e9: {  	v12 =	vld.idx.msk [tilespmem:v35+s20+$0x0], $0xffff;
	_ =	sdelay $0x2  }
0x1ea: {  	v37 =	vor.u32 v0, v10;
	_ =	sdelay $0x1  }
0x1eb: {  	v12 =	vadd.f32 v12, v36;
	_ =	sdelay $0x1  }
0x1ec: {  	[tilespmem:s29+$0xFFFFFF80] =	vst v12  }
0x1ed: {  	v12 =	vld.idx.msk [tilespmem:v37+s20+$0x0], $0xffff;
	_ =	sdelay $0x2  }
0x1ee: {  	v38 =	vor.u32 v0, v11;
	_ =	sdelay $0x1  }
0x1ef: {  	v12 =	vadd.f32 v12, v18;
	_ =	sdelay $0x1  }
0x1f0: {  	[tilespmem:s29+$0x0] =	vst v12  }
0x1f1: {  	v12 =	vld.idx.msk [tilespmem:v38+s20+$0x0], $0xffff;
	_ =	sdelay $0x2  }
0x1f2: {  	v39 =	vor.u32 v1, v9;
	_ =	sdelay $0x1  }
0x1f3: {  	v12 =	vadd.f32 v12, v8;
	_ =	sdelay $0x1  }
0x1f4: {  	[tilespmem:s29+$0x80] =	vst v12  }
0x1f5: {  	v12 =	vld.idx.msk [tilespmem:v39+s20+$0x0], $0xffff;
	_ =	sdelay $0x2  }
0x1f6: {  	v40 =	vor.u32 v1, v13;
	_ =	sdelay $0x1  }
0x1f7: {  	v12 =	vadd.f32 v12, v32;
	_ =	sdelay $0x1  }
0x1f8: {  	[tilespmem:s29+$0xFFFFFF10] =	vst v12  }
0x1f9: {  	v12 =	vld.idx.msk [tilespmem:v40+s20+$0x0], $0xffff;
	_ =	sdelay $0x2  }
0x1fa: {  	v41 =	vor.u32 v1, v10;
	_ =	sdelay $0x1  }
0x1fb: {  	v12 =	vadd.f32 v12, v36;
	_ =	sdelay $0x1  }
0x1fc: {  	[tilespmem:s29+$0xFFFFFF90] =	vst v12  }
0x1fd: {  	v12 =	vld.idx.msk [tilespmem:v41+s20+$0x0], $0xffff;
	_ =	sdelay $0x2  }
0x1fe: {  	v42 =	vor.u32 v1, v11;
	_ =	sdelay $0x1  }
0x1ff: {  	v12 =	vadd.f32 v12, v18;
	_ =	sdelay $0x1  }
0x200: {  	[tilespmem:s29+$0x10] =	vst v12  }
0x201: {  	v12 =	vld.idx.msk [tilespmem:v42+s20+$0x0], $0xffff;
	_ =	sdelay $0x2  }
0x202: {  	v43 =	vor.u32 v2, v9;
	_ =	sdelay $0x1  }
0x203: {  	v12 =	vadd.f32 v12, v8;
	_ =	sdelay $0x1  }
0x204: {  	[tilespmem:s29+$0x90] =	vst v12  }
0x205: {  	v12 =	vld.idx.msk [tilespmem:v43+s20+$0x0], $0xffff;
	_ =	sdelay $0x2  }
0x206: {  	v44 =	vor.u32 v2, v13;
	_ =	sdelay $0x1  }
0x207: {  	v12 =	vadd.f32 v12, v32;
	_ =	sdelay $0x1  }
0x208: {  	[tilespmem:s29+$0xFFFFFF20] =	vst v12  }
0x209: {  	v12 =	vld.idx.msk [tilespmem:v44+s20+$0x0], $0xffff;
	_ =	sdelay $0x2  }
0x20a: {  	v45 =	vor.u32 v2, v10;
	_ =	sdelay $0x1  }
0x20b: {  	v12 =	vadd.f32 v12, v36;
	_ =	sdelay $0x1  }
0x20c: {  	[tilespmem:s29+$0xFFFFFFA0] =	vst v12  }
0x20d: {  	v12 =	vld.idx.msk [tilespmem:v45+s20+$0x0], $0xffff;
	_ =	sdelay $0x2  }
0x20e: {  	v46 =	vor.u32 v2, v11;
	_ =	sdelay $0x1  }
0x20f: {  	v12 =	vadd.f32 v12, v18;
	_ =	sdelay $0x1  }
0x210: {  	[tilespmem:s29+$0x20] =	vst v12  }
0x211: {  	v12 =	vld.idx.msk [tilespmem:v46+s20+$0x0], $0xffff;
	_ =	sdelay $0x2  }
0x212: {  	v47 =	vor.u32 v3, v9;
	_ =	sdelay $0x1  }
0x213: {  	v12 =	vadd.f32 v12, v8;
	_ =	sdelay $0x1  }
0x214: {  	[tilespmem:s29+$0xA0] =	vst v12  }
0x215: {  	v12 =	vld.idx.msk [tilespmem:v47+s20+$0x0], $0xffff;
	_ =	sdelay $0x2  }
0x216: {  	v48 =	vor.u32 v3, v13;
	_ =	sdelay $0x1  }
0x217: {  	v12 =	vadd.f32 v12, v32;
	_ =	sdelay $0x1  }
0x218: {  	[tilespmem:s29+$0xFFFFFF30] =	vst v12  }
0x219: {  	v12 =	vld.idx.msk [tilespmem:v48+s20+$0x0], $0xffff;
	_ =	sdelay $0x2  }
0x21a: {  	v49 =	vor.u32 v3, v10;
	_ =	sdelay $0x1  }
0x21b: {  	v12 =	vadd.f32 v12, v36;
	_ =	sdelay $0x1  }
0x21c: {  	[tilespmem:s29+$0xFFFFFFB0] =	vst v12  }
0x21d: {  	v12 =	vld.idx.msk [tilespmem:v49+s20+$0x0], $0xffff;
	_ =	sdelay $0x2  }
0x21e: {  	v50 =	vor.u32 v3, v11;
	_ =	sdelay $0x1  }
0x21f: {  	v12 =	vadd.f32 v12, v18;
	_ =	sdelay $0x1  }
0x220: {  	[tilespmem:s29+$0x30] =	vst v12  }
0x221: {  	v12 =	vld.idx.msk [tilespmem:v50+s20+$0x0], $0xffff;
	_ =	sdelay $0x2  }
0x222: {  	v51 =	vor.u32 v4, v9;
	_ =	sdelay $0x1  }
0x223: {  	v12 =	vadd.f32 v12, v8;
	_ =	sdelay $0x1  }
0x224: {  	[tilespmem:s29+$0xB0] =	vst v12  }
0x225: {  	v12 =	vld.idx.msk [tilespmem:v51+s20+$0x0], $0xffff;
	_ =	sdelay $0x2  }
0x226: {  	v52 =	vor.u32 v4, v13;
	_ =	sdelay $0x1  }
0x227: {  	v12 =	vadd.f32 v12, v32;
	_ =	sdelay $0x1  }
0x228: {  	[tilespmem:s29+$0xFFFFFF40] =	vst v12  }
0x229: {  	v12 =	vld.idx.msk [tilespmem:v52+s20+$0x0], $0xffff;
	_ =	sdelay $0x2  }
0x22a: {  	v53 =	vor.u32 v4, v10;
	_ =	sdelay $0x1  }
0x22b: {  	v12 =	vadd.f32 v12, v36;
	_ =	sdelay $0x1  }
0x22c: {  	[tilespmem:s29+$0xFFFFFFC0] =	vst v12  }
0x22d: {  	v12 =	vld.idx.msk [tilespmem:v53+s20+$0x0], $0xffff;
	_ =	sdelay $0x2  }
0x22e: {  	v54 =	vor.u32 v4, v11;
	_ =	sdelay $0x1  }
0x22f: {  	v12 =	vadd.f32 v12, v18;
	_ =	sdelay $0x1  }
0x230: {  	[tilespmem:s29+$0x40] =	vst v12  }
0x231: {  	v12 =	vld.idx.msk [tilespmem:v54+s20+$0x0], $0xffff;
	_ =	sdelay $0x2  }
0x232: {  	v55 =	vor.u32 v5, v9;
	_ =	sdelay $0x1  }
0x233: {  	v12 =	vadd.f32 v12, v8;
	_ =	sdelay $0x1  }
0x234: {  	[tilespmem:s29+$0xC0] =	vst v12  }
0x235: {  	v12 =	vld.idx.msk [tilespmem:v55+s20+$0x0], $0xffff;
	_ =	sdelay $0x2  }
0x236: {  	v56 =	vor.u32 v5, v13;
	_ =	sdelay $0x1  }
0x237: {  	v12 =	vadd.f32 v12, v32;
	_ =	sdelay $0x1  }
0x238: {  	[tilespmem:s29+$0xFFFFFF50] =	vst v12  }
0x239: {  	v12 =	vld.idx.msk [tilespmem:v56+s20+$0x0], $0xffff;
	_ =	sdelay $0x2  }
0x23a: {  	v57 =	vor.u32 v5, v10;
	_ =	sdelay $0x1  }
0x23b: {  	v12 =	vadd.f32 v12, v36;
	_ =	sdelay $0x1  }
0x23c: {  	[tilespmem:s29+$0xFFFFFFD0] =	vst v12  }
0x23d: {  	v12 =	vld.idx.msk [tilespmem:v57+s20+$0x0], $0xffff;
	_ =	sdelay $0x2  }
0x23e: {  	v58 =	vor.u32 v5, v11;
	_ =	sdelay $0x1  }
0x23f: {  	v12 =	vadd.f32 v12, v18;
	_ =	sdelay $0x1  }
0x240: {  	[tilespmem:s29+$0x50] =	vst v12  }
0x241: {  	v12 =	vld.idx.msk [tilespmem:v58+s20+$0x0], $0xffff;
	_ =	sdelay $0x2  }
0x242: {  	v59 =	vor.u32 v6, v9;
	_ =	sdelay $0x1  }
0x243: {  	v12 =	vadd.f32 v12, v8;
	_ =	sdelay $0x1  }
0x244: {  	[tilespmem:s29+$0xD0] =	vst v12  }
0x245: {  	v12 =	vld.idx.msk [tilespmem:v59+s20+$0x0], $0xffff;
	_ =	sdelay $0x2  }
0x246: {  	v60 =	vor.u32 v6, v13;
	_ =	sdelay $0x1  }
0x247: {  	v12 =	vadd.f32 v12, v32;
	_ =	sdelay $0x1  }
0x248: {  	[tilespmem:s29+$0xFFFFFF60] =	vst v12  }
0x249: {  	v12 =	vld.idx.msk [tilespmem:v60+s20+$0x0], $0xffff;
	_ =	sdelay $0x2  }
0x24a: {  	v61 =	vor.u32 v6, v10;
	_ =	sdelay $0x1  }
0x24b: {  	v12 =	vadd.f32 v12, v36;
	_ =	sdelay $0x1  }
0x24c: {  	[tilespmem:s29+$0xFFFFFFE0] =	vst v12  }
0x24d: {  	v12 =	vld.idx.msk [tilespmem:v61+s20+$0x0], $0xffff;
	_ =	sdelay $0x2  }
0x24e: {  	v62 =	vor.u32 v6, v11;
	_ =	sdelay $0x1  }
0x24f: {  	v12 =	vadd.f32 v12, v18;
	_ =	sdelay $0x1  }
0x250: {  	[tilespmem:s29+$0x60] =	vst v12  }
0x251: {  	v12 =	vld.idx.msk [tilespmem:v62+s20+$0x0], $0xffff;
	_ =	sdelay $0x2  }
0x252: {  	v9 =	vor.u32 v7, v9;
	_ =	sdelay $0x1  }
0x253: {  	v12 =	vadd.f32 v12, v8;
	_ =	sdelay $0x1  }
0x254: {  	[tilespmem:s29+$0xE0] =	vst v12  }
0x255: {  	v9 =	vld.idx.msk [tilespmem:v9+s20+$0x0], $0xffff;
	_ =	sdelay $0x2  }
0x256: {  	v63 =	vor.u32 v7, v13;
	_ =	sdelay $0x1  }
0x257: {  	v9 =	vadd.f32 v9, v32;
	_ =	sdelay $0x1  }
0x258: {  	[tilespmem:s29+$0xFFFFFF70] =	vst v9  }
0x259: {  	v9 =	vld.idx.msk [tilespmem:v63+s20+$0x0], $0xffff;
	_ =	sdelay $0x2  }
0x25a: {  	v10 =	vor.u32 v7, v10;
	_ =	sdelay $0x1  }
0x25b: {  	v9 =	vadd.f32 v9, v36;
	_ =	sdelay $0x1  }
0x25c: {  	[tilespmem:s29+$0xFFFFFFF0] =	vst v9  }
0x25d: {  	v9 =	vld.idx.msk [tilespmem:v10+s20+$0x0], $0xffff;
	_ =	sdelay $0x2  }
0x25e: {  	v10 =	vor.u32 v7, v11;
	_ =	sdelay $0x1  }
0x25f: {  	v9 =	vadd.f32 v9, v18  }
0x260: {  	s0 =	simm.s32 $0x4  }
0x261: {  	[tilespmem:s29+$0x70] =	vst v9;
	v9 =	vmov s0  }
0x262: {  	s1 =	simm.s32 $0x8;
	v10 =	vld.idx.msk [tilespmem:v10+s20+$0x0], $0xffff;
	v9 =	vand.u32 $0x3C, v9  }
.LBB2_4:
0x263: {  	p0 =	sne.s32 s1, $0x3C;
	v12 =	vbroadcast v9, $0x0;
	_ =	sdelay $0x1  }
0x264: {  	v9 =	vor.u32 $0x40, v12  }
0x265: {  	v11 =	vor.u32 v0, v12  }
0x266: {  	s6 =	sadd.s32 $0x2, s0;
	v8 =	vadd.f32 v10, v8  }
0x267: {  	v10 =	vmov s6;
	s6 =	sadd.s32 $0x3, s0  }
0x268: {  	s30 =	sadd.s32 $0x1, s0;
	s0 =	smov.u32 s1;
	v10 =	vand.u32 $0x3E, v10;
	v14 =	vmov s6;
	[tilespmem:s29+$0xF0] =	vst v8  }
0x269: {  	v10 =	vbroadcast v10, $0x0;
	v8 =	vmov s30;
	v13 =	vld.idx.msk [tilespmem:v9+s16+$0x0], $0xffff;
	v9 =	vand.u32 $0x3F, v14  }
0x26a: {  	v8 =	vand.u32 $0x3D, v8;
	v16 =	vbroadcast v9, $0x0;
	v15 =	vld.idx.msk [tilespmem:v11+s20+$0x0], $0xffff  }
0x26b: {  	v14 =	vbroadcast v8, $0x0;
	v8 =	vor.u32 $0x40, v10  }
0x26c: {  	v17 =	vor.u32 $0x40, v16;
	v9 =	vor.u32 v7, v16  }
0x26d: {  	v18 =	vor.u32 $0x40, v14  }
0x26e: {  	v19 =	vor.u32 v0, v14;
	_ =	sdelay $0x1  }
0x26f: {  	v20 =	vadd.f32 v15, v13;
	v11 =	vld.idx.msk [tilespmem:v8+s16+$0x0], $0xffff  }
0x270: {  	s29 =	sadd.s32 $0x200, s29;
	v8 =	vld.idx.msk [tilespmem:v17+s16+$0x0], $0xffff  }
0x271: {  	v15 =	vld.idx.msk [tilespmem:v18+s16+$0x0], $0xffff;
	[tilespmem:s29+$0xFFFFFF00] =	vst v20  }
0x272: {  	v17 =	vld.idx.msk [tilespmem:v19+s20+$0x0], $0xffff;
	_ =	sdelay $0x3  }
0x273: {  	v18 =	vor.u32 v0, v10;
	_ =	sdelay $0x1  }
0x274: {  	v17 =	vadd.f32 v17, v15;
	_ =	sdelay $0x1  }
0x275: {  	[tilespmem:s29+$0xFFFFFF80] =	vst v17  }
0x276: {  	v17 =	vld.idx.msk [tilespmem:v18+s20+$0x0], $0xffff;
	_ =	sdelay $0x3  }
0x277: {  	v18 =	vor.u32 v0, v16;
	_ =	sdelay $0x1  }
0x278: {  	v17 =	vadd.f32 v17, v11;
	_ =	sdelay $0x1  }
0x279: {  	[tilespmem:s29+$0x0] =	vst v17  }
0x27a: {  	v17 =	vld.idx.msk [tilespmem:v18+s20+$0x0], $0xffff;
	_ =	sdelay $0x3  }
0x27b: {  	v18 =	vor.u32 v1, v12;
	_ =	sdelay $0x1  }
0x27c: {  	v17 =	vadd.f32 v17, v8;
	_ =	sdelay $0x1  }
0x27d: {  	[tilespmem:s29+$0x80] =	vst v17  }
0x27e: {  	v17 =	vld.idx.msk [tilespmem:v18+s20+$0x0], $0xffff;
	_ =	sdelay $0x3  }
0x27f: {  	v18 =	vor.u32 v1, v14;
	_ =	sdelay $0x1  }
0x280: {  	v17 =	vadd.f32 v17, v13;
	_ =	sdelay $0x1  }
0x281: {  	[tilespmem:s29+$0xFFFFFF10] =	vst v17  }
0x282: {  	v17 =	vld.idx.msk [tilespmem:v18+s20+$0x0], $0xffff;
	_ =	sdelay $0x3  }
0x283: {  	v18 =	vor.u32 v1, v10;
	_ =	sdelay $0x1  }
0x284: {  	v17 =	vadd.f32 v17, v15;
	_ =	sdelay $0x1  }
0x285: {  	[tilespmem:s29+$0xFFFFFF90] =	vst v17  }
0x286: {  	v17 =	vld.idx.msk [tilespmem:v18+s20+$0x0], $0xffff;
	_ =	sdelay $0x3  }
0x287: {  	v18 =	vor.u32 v1, v16;
	_ =	sdelay $0x1  }
0x288: {  	v17 =	vadd.f32 v17, v11;
	_ =	sdelay $0x1  }
0x289: {  	[tilespmem:s29+$0x10] =	vst v17  }
0x28a: {  	v17 =	vld.idx.msk [tilespmem:v18+s20+$0x0], $0xffff;
	_ =	sdelay $0x3  }
0x28b: {  	v18 =	vor.u32 v2, v12;
	_ =	sdelay $0x1  }
0x28c: {  	v17 =	vadd.f32 v17, v8;
	_ =	sdelay $0x1  }
0x28d: {  	[tilespmem:s29+$0x90] =	vst v17  }
0x28e: {  	v17 =	vld.idx.msk [tilespmem:v18+s20+$0x0], $0xffff;
	_ =	sdelay $0x3  }
0x28f: {  	v18 =	vor.u32 v2, v14;
	_ =	sdelay $0x1  }
0x290: {  	v17 =	vadd.f32 v17, v13;
	_ =	sdelay $0x1  }
0x291: {  	[tilespmem:s29+$0xFFFFFF20] =	vst v17  }
0x292: {  	v17 =	vld.idx.msk [tilespmem:v18+s20+$0x0], $0xffff;
	_ =	sdelay $0x3  }
0x293: {  	v18 =	vor.u32 v2, v10;
	_ =	sdelay $0x1  }
0x294: {  	v17 =	vadd.f32 v17, v15;
	_ =	sdelay $0x1  }
0x295: {  	[tilespmem:s29+$0xFFFFFFA0] =	vst v17  }
0x296: {  	v17 =	vld.idx.msk [tilespmem:v18+s20+$0x0], $0xffff;
	_ =	sdelay $0x3  }
0x297: {  	v18 =	vor.u32 v2, v16;
	_ =	sdelay $0x1  }
0x298: {  	v17 =	vadd.f32 v17, v11;
	_ =	sdelay $0x1  }
0x299: {  	[tilespmem:s29+$0x20] =	vst v17  }
0x29a: {  	v17 =	vld.idx.msk [tilespmem:v18+s20+$0x0], $0xffff;
	_ =	sdelay $0x3  }
0x29b: {  	v18 =	vor.u32 v3, v12;
	_ =	sdelay $0x1  }
0x29c: {  	v17 =	vadd.f32 v17, v8;
	_ =	sdelay $0x1  }
0x29d: {  	[tilespmem:s29+$0xA0] =	vst v17  }
0x29e: {  	v17 =	vld.idx.msk [tilespmem:v18+s20+$0x0], $0xffff;
	_ =	sdelay $0x3  }
0x29f: {  	v18 =	vor.u32 v3, v14;
	_ =	sdelay $0x1  }
0x2a0: {  	v17 =	vadd.f32 v17, v13;
	_ =	sdelay $0x1  }
0x2a1: {  	[tilespmem:s29+$0xFFFFFF30] =	vst v17  }
0x2a2: {  	v17 =	vld.idx.msk [tilespmem:v18+s20+$0x0], $0xffff;
	_ =	sdelay $0x3  }
0x2a3: {  	v18 =	vor.u32 v3, v10;
	_ =	sdelay $0x1  }
0x2a4: {  	v17 =	vadd.f32 v17, v15;
	_ =	sdelay $0x1  }
0x2a5: {  	[tilespmem:s29+$0xFFFFFFB0] =	vst v17  }
0x2a6: {  	v17 =	vld.idx.msk [tilespmem:v18+s20+$0x0], $0xffff;
	_ =	sdelay $0x3  }
0x2a7: {  	v18 =	vor.u32 v3, v16;
	_ =	sdelay $0x1  }
0x2a8: {  	v17 =	vadd.f32 v17, v11;
	_ =	sdelay $0x1  }
0x2a9: {  	[tilespmem:s29+$0x30] =	vst v17  }
0x2aa: {  	v17 =	vld.idx.msk [tilespmem:v18+s20+$0x0], $0xffff;
	_ =	sdelay $0x3  }
0x2ab: {  	v18 =	vor.u32 v4, v12;
	_ =	sdelay $0x1  }
0x2ac: {  	v17 =	vadd.f32 v17, v8;
	_ =	sdelay $0x1  }
0x2ad: {  	[tilespmem:s29+$0xB0] =	vst v17  }
0x2ae: {  	v17 =	vld.idx.msk [tilespmem:v18+s20+$0x0], $0xffff;
	_ =	sdelay $0x3  }
0x2af: {  	v18 =	vor.u32 v4, v14;
	_ =	sdelay $0x1  }
0x2b0: {  	v17 =	vadd.f32 v17, v13;
	_ =	sdelay $0x1  }
0x2b1: {  	[tilespmem:s29+$0xFFFFFF40] =	vst v17  }
0x2b2: {  	v17 =	vld.idx.msk [tilespmem:v18+s20+$0x0], $0xffff;
	_ =	sdelay $0x3  }
0x2b3: {  	v18 =	vor.u32 v4, v10;
	_ =	sdelay $0x1  }
0x2b4: {  	v17 =	vadd.f32 v17, v15;
	_ =	sdelay $0x1  }
0x2b5: {  	[tilespmem:s29+$0xFFFFFFC0] =	vst v17  }
0x2b6: {  	v17 =	vld.idx.msk [tilespmem:v18+s20+$0x0], $0xffff;
	_ =	sdelay $0x3  }
0x2b7: {  	v18 =	vor.u32 v4, v16;
	_ =	sdelay $0x1  }
0x2b8: {  	v17 =	vadd.f32 v17, v11;
	_ =	sdelay $0x1  }
0x2b9: {  	[tilespmem:s29+$0x40] =	vst v17  }
0x2ba: {  	v17 =	vld.idx.msk [tilespmem:v18+s20+$0x0], $0xffff;
	_ =	sdelay $0x3  }
0x2bb: {  	v18 =	vor.u32 v5, v12;
	_ =	sdelay $0x1  }
0x2bc: {  	v17 =	vadd.f32 v17, v8;
	_ =	sdelay $0x1  }
0x2bd: {  	[tilespmem:s29+$0xC0] =	vst v17  }
0x2be: {  	v17 =	vld.idx.msk [tilespmem:v18+s20+$0x0], $0xffff;
	_ =	sdelay $0x3  }
0x2bf: {  	v18 =	vor.u32 v5, v14;
	_ =	sdelay $0x1  }
0x2c0: {  	v17 =	vadd.f32 v17, v13;
	_ =	sdelay $0x1  }
0x2c1: {  	[tilespmem:s29+$0xFFFFFF50] =	vst v17  }
0x2c2: {  	v17 =	vld.idx.msk [tilespmem:v18+s20+$0x0], $0xffff;
	_ =	sdelay $0x3  }
0x2c3: {  	v18 =	vor.u32 v5, v10;
	_ =	sdelay $0x1  }
0x2c4: {  	v17 =	vadd.f32 v17, v15;
	_ =	sdelay $0x1  }
0x2c5: {  	[tilespmem:s29+$0xFFFFFFD0] =	vst v17  }
0x2c6: {  	v17 =	vld.idx.msk [tilespmem:v18+s20+$0x0], $0xffff;
	_ =	sdelay $0x3  }
0x2c7: {  	v18 =	vor.u32 v5, v16;
	_ =	sdelay $0x1  }
0x2c8: {  	v17 =	vadd.f32 v17, v11;
	_ =	sdelay $0x1  }
0x2c9: {  	[tilespmem:s29+$0x50] =	vst v17  }
0x2ca: {  	v17 =	vld.idx.msk [tilespmem:v18+s20+$0x0], $0xffff;
	_ =	sdelay $0x3  }
0x2cb: {  	v18 =	vor.u32 v6, v12;
	_ =	sdelay $0x1  }
0x2cc: {  	v17 =	vadd.f32 v17, v8;
	_ =	sdelay $0x1  }
0x2cd: {  	[tilespmem:s29+$0xD0] =	vst v17  }
0x2ce: {  	v17 =	vld.idx.msk [tilespmem:v18+s20+$0x0], $0xffff;
	_ =	sdelay $0x3  }
0x2cf: {  	v18 =	vor.u32 v6, v14;
	_ =	sdelay $0x1  }
0x2d0: {  	v17 =	vadd.f32 v17, v13;
	_ =	sdelay $0x1  }
0x2d1: {  	[tilespmem:s29+$0xFFFFFF60] =	vst v17  }
0x2d2: {  	v17 =	vld.idx.msk [tilespmem:v18+s20+$0x0], $0xffff;
	_ =	sdelay $0x3  }
0x2d3: {  	v18 =	vor.u32 v6, v10;
	_ =	sdelay $0x1  }
0x2d4: {  	v17 =	vadd.f32 v17, v15;
	_ =	sdelay $0x1  }
0x2d5: {  	[tilespmem:s29+$0xFFFFFFE0] =	vst v17  }
0x2d6: {  	v17 =	vld.idx.msk [tilespmem:v18+s20+$0x0], $0xffff;
	_ =	sdelay $0x3  }
0x2d7: {  	v16 =	vor.u32 v6, v16;
	_ =	sdelay $0x1  }
0x2d8: {  	v17 =	vadd.f32 v17, v11;
	_ =	sdelay $0x1  }
0x2d9: {  	[tilespmem:s29+$0x60] =	vst v17  }
0x2da: {  	v16 =	vld.idx.msk [tilespmem:v16+s20+$0x0], $0xffff;
	_ =	sdelay $0x3  }
0x2db: {  	v12 =	vor.u32 v7, v12;
	_ =	sdelay $0x1  }
0x2dc: {  	v16 =	vadd.f32 v16, v8;
	_ =	sdelay $0x1  }
0x2dd: {  	[tilespmem:s29+$0xE0] =	vst v16  }
0x2de: {  	v12 =	vld.idx.msk [tilespmem:v12+s20+$0x0], $0xffff;
	_ =	sdelay $0x3  }
0x2df: {  	v14 =	vor.u32 v7, v14;
	_ =	sdelay $0x1  }
0x2e0: {  	v12 =	vadd.f32 v12, v13;
	_ =	sdelay $0x1  }
0x2e1: {  	[tilespmem:s29+$0xFFFFFF70] =	vst v12  }
0x2e2: {  	v12 =	vld.idx.msk [tilespmem:v14+s20+$0x0], $0xffff;
	_ =	sdelay $0x3  }
0x2e3: {  	v10 =	vor.u32 v7, v10;
	_ =	sdelay $0x1  }
0x2e4: {  	v12 =	vadd.f32 v12, v15;
	_ =	sdelay $0x1  }
0x2e5: {  	[tilespmem:s29+$0xFFFFFFF0] =	vst v12  }
0x2e6: {  	v10 =	vld.idx.msk [tilespmem:v10+s20+$0x0], $0xffff;
	_ =	sdelay $0x5  }
.Ltmp1:
0x2e7: {  	v10 =	vadd.f32 v10, v11;
	(pc) =	sbr.rel @p0 .LBB2_4-.Ltmp1, $4  }
0x2e8: {  	_ = 	snop  }
0x2e9: {  	[tilespmem:s29+$0x70] =	vst v10  }
0x2ea: {  	v11 =	vmov s1;
	v10 =	vld.idx.msk [tilespmem:v9+s20+$0x0], $0xffff  }
0x2eb: {  	s1 =	sadd.s32 $0x4, s1;
	v9 =	vand.u32 $0x3C, v11  }
0x2ec: {  	v9 =	vbroadcast v9, $0x0;
	_ =	sdelay $0x1  }
0x2ed: {  	v11 =	vor.u32 $0x40, v9  }
0x2ee: {  	s9 =	sadd.s32 $0x1, s0;
	v12 =	vor.u32 v0, v9  }
0x2ef: {  	s1 =	sadd.s32 $0x2, s0;
	v14 =	vmov s9;
	v10 =	vadd.f32 v10, v8  }
0x2f0: {  	s8 =	sadd.s32 $0x3, s0;
	v13 =	vmov s1;
	v14 =	vand.u32 $0x3D, v14  }
0x2f1: {  	v26 =	vmov s8;
	v8 =	vand.u32 $0x3E, v13;
	v28 =	vbroadcast v14, $0x0;
	[tilespmem:s29+$0xF0] =	vst v10  }
0x2f2: {  	v13 =	vand.u32 $0x3F, v26;
	v8 =	vbroadcast v8, $0x0;
	v11 =	vld.idx.msk [tilespmem:v11+s16+$0x0], $0xffff  }
0x2f3: {  	v27 =	vbroadcast v13, $0x0;
	v16 =	vor.u32 $0x40, v28;
	v12 =	vld.idx.msk [tilespmem:v12+s20+$0x0], $0xffff  }
0x2f4: {  	v29 =	vor.u32 $0x40, v8  }
0x2f5: {  	v15 =	vor.u32 $0x40, v27  }
0x2f6: {  	v17 =	vor.u32 v0, v28;
	_ =	sdelay $0x1  }
0x2f7: {  	v16 =	vld.idx.msk [tilespmem:v16+s16+$0x0], $0xffff;
	v12 =	vadd.f32 v12, v11  }
0x2f8: {  	s30 =	sadd.s32 $0x200, s29;
	v14 =	vld.idx.msk [tilespmem:v29+s16+$0x0], $0xffff  }
0x2f9: {  	v15 =	vld.idx.msk [tilespmem:v15+s16+$0x0], $0xffff;
	[tilespmem:s30+$0xFFFFFF00] =	vst v12  }
0x2fa: {  	v12 =	vld.idx.msk [tilespmem:v17+s20+$0x0], $0xffff;
	_ =	sdelay $0x2  }
0x2fb: {  	v30 =	vor.u32 v0, v8;
	_ =	sdelay $0x1  }
0x2fc: {  	v12 =	vadd.f32 v12, v16;
	_ =	sdelay $0x1  }
0x2fd: {  	[tilespmem:s30+$0xFFFFFF80] =	vst v12  }
0x2fe: {  	v12 =	vld.idx.msk [tilespmem:v30+s20+$0x0], $0xffff;
	_ =	sdelay $0x2  }
0x2ff: {  	v31 =	vor.u32 v0, v27;
	_ =	sdelay $0x1  }
0x300: {  	v12 =	vadd.f32 v12, v14;
	_ =	sdelay $0x1  }
0x301: {  	[tilespmem:s30+$0x0] =	vst v12  }
0x302: {  	v12 =	vld.idx.msk [tilespmem:v31+s20+$0x0], $0xffff;
	_ =	sdelay $0x2  }
0x303: {  	v32 =	vor.u32 v1, v9;
	_ =	sdelay $0x1  }
0x304: {  	v12 =	vadd.f32 v12, v15;
	_ =	sdelay $0x1  }
0x305: {  	[tilespmem:s30+$0x80] =	vst v12  }
0x306: {  	v12 =	vld.idx.msk [tilespmem:v32+s20+$0x0], $0xffff;
	_ =	sdelay $0x2  }
0x307: {  	v33 =	vor.u32 v1, v28;
	_ =	sdelay $0x1  }
0x308: {  	v12 =	vadd.f32 v12, v11;
	_ =	sdelay $0x1  }
0x309: {  	[tilespmem:s30+$0xFFFFFF10] =	vst v12  }
0x30a: {  	v12 =	vld.idx.msk [tilespmem:v33+s20+$0x0], $0xffff;
	_ =	sdelay $0x2  }
0x30b: {  	v34 =	vor.u32 v1, v8;
	_ =	sdelay $0x1  }
0x30c: {  	v12 =	vadd.f32 v12, v16;
	_ =	sdelay $0x1  }
0x30d: {  	[tilespmem:s30+$0xFFFFFF90] =	vst v12  }
0x30e: {  	v12 =	vld.idx.msk [tilespmem:v34+s20+$0x0], $0xffff;
	_ =	sdelay $0x2  }
0x30f: {  	v35 =	vor.u32 v1, v27;
	_ =	sdelay $0x1  }
0x310: {  	v12 =	vadd.f32 v12, v14;
	_ =	sdelay $0x1  }
0x311: {  	[tilespmem:s30+$0x10] =	vst v12  }
0x312: {  	v12 =	vld.idx.msk [tilespmem:v35+s20+$0x0], $0xffff;
	_ =	sdelay $0x2  }
0x313: {  	v36 =	vor.u32 v2, v9;
	_ =	sdelay $0x1  }
0x314: {  	v12 =	vadd.f32 v12, v15;
	_ =	sdelay $0x1  }
0x315: {  	[tilespmem:s30+$0x90] =	vst v12  }
0x316: {  	v12 =	vld.idx.msk [tilespmem:v36+s20+$0x0], $0xffff;
	_ =	sdelay $0x2  }
0x317: {  	v37 =	vor.u32 v2, v28;
	_ =	sdelay $0x1  }
0x318: {  	v12 =	vadd.f32 v12, v11;
	_ =	sdelay $0x1  }
0x319: {  	[tilespmem:s30+$0xFFFFFF20] =	vst v12  }
0x31a: {  	v12 =	vld.idx.msk [tilespmem:v37+s20+$0x0], $0xffff;
	_ =	sdelay $0x2  }
0x31b: {  	v38 =	vor.u32 v2, v8;
	_ =	sdelay $0x1  }
0x31c: {  	v12 =	vadd.f32 v12, v16;
	_ =	sdelay $0x1  }
0x31d: {  	[tilespmem:s30+$0xFFFFFFA0] =	vst v12  }
0x31e: {  	v12 =	vld.idx.msk [tilespmem:v38+s20+$0x0], $0xffff;
	_ =	sdelay $0x2  }
0x31f: {  	v39 =	vor.u32 v2, v27;
	_ =	sdelay $0x1  }
0x320: {  	v12 =	vadd.f32 v12, v14;
	_ =	sdelay $0x1  }
0x321: {  	[tilespmem:s30+$0x20] =	vst v12  }
0x322: {  	v12 =	vld.idx.msk [tilespmem:v39+s20+$0x0], $0xffff;
	_ =	sdelay $0x2  }
0x323: {  	v40 =	vor.u32 v3, v9;
	_ =	sdelay $0x1  }
0x324: {  	v12 =	vadd.f32 v12, v15;
	_ =	sdelay $0x1  }
0x325: {  	[tilespmem:s30+$0xA0] =	vst v12  }
0x326: {  	v12 =	vld.idx.msk [tilespmem:v40+s20+$0x0], $0xffff;
	_ =	sdelay $0x2  }
0x327: {  	v41 =	vor.u32 v3, v28;
	_ =	sdelay $0x1  }
0x328: {  	v12 =	vadd.f32 v12, v11;
	_ =	sdelay $0x1  }
0x329: {  	[tilespmem:s30+$0xFFFFFF30] =	vst v12  }
0x32a: {  	v12 =	vld.idx.msk [tilespmem:v41+s20+$0x0], $0xffff;
	_ =	sdelay $0x2  }
0x32b: {  	v42 =	vor.u32 v3, v8;
	_ =	sdelay $0x1  }
0x32c: {  	v12 =	vadd.f32 v12, v16;
	_ =	sdelay $0x1  }
0x32d: {  	[tilespmem:s30+$0xFFFFFFB0] =	vst v12  }
0x32e: {  	v12 =	vld.idx.msk [tilespmem:v42+s20+$0x0], $0xffff;
	_ =	sdelay $0x2  }
0x32f: {  	v43 =	vor.u32 v3, v27;
	_ =	sdelay $0x1  }
0x330: {  	v12 =	vadd.f32 v12, v14;
	_ =	sdelay $0x1  }
0x331: {  	[tilespmem:s30+$0x30] =	vst v12  }
0x332: {  	v12 =	vld.idx.msk [tilespmem:v43+s20+$0x0], $0xffff;
	_ =	sdelay $0x2  }
0x333: {  	v44 =	vor.u32 v4, v9;
	_ =	sdelay $0x1  }
0x334: {  	v12 =	vadd.f32 v12, v15;
	_ =	sdelay $0x1  }
0x335: {  	[tilespmem:s30+$0xB0] =	vst v12  }
0x336: {  	v12 =	vld.idx.msk [tilespmem:v44+s20+$0x0], $0xffff;
	_ =	sdelay $0x2  }
0x337: {  	v45 =	vor.u32 v4, v28;
	_ =	sdelay $0x1  }
0x338: {  	v12 =	vadd.f32 v12, v11;
	_ =	sdelay $0x1  }
0x339: {  	[tilespmem:s30+$0xFFFFFF40] =	vst v12  }
0x33a: {  	v12 =	vld.idx.msk [tilespmem:v45+s20+$0x0], $0xffff;
	_ =	sdelay $0x2  }
0x33b: {  	v46 =	vor.u32 v4, v8;
	_ =	sdelay $0x1  }
0x33c: {  	v12 =	vadd.f32 v12, v16;
	_ =	sdelay $0x1  }
0x33d: {  	[tilespmem:s30+$0xFFFFFFC0] =	vst v12  }
0x33e: {  	v12 =	vld.idx.msk [tilespmem:v46+s20+$0x0], $0xffff;
	_ =	sdelay $0x2  }
0x33f: {  	v47 =	vor.u32 v4, v27;
	_ =	sdelay $0x1  }
0x340: {  	v12 =	vadd.f32 v12, v14;
	_ =	sdelay $0x1  }
0x341: {  	[tilespmem:s30+$0x40] =	vst v12  }
0x342: {  	v12 =	vld.idx.msk [tilespmem:v47+s20+$0x0], $0xffff;
	_ =	sdelay $0x2  }
0x343: {  	v48 =	vor.u32 v5, v9;
	_ =	sdelay $0x1  }
0x344: {  	v12 =	vadd.f32 v12, v15;
	_ =	sdelay $0x1  }
0x345: {  	[tilespmem:s30+$0xC0] =	vst v12  }
0x346: {  	v12 =	vld.idx.msk [tilespmem:v48+s20+$0x0], $0xffff;
	_ =	sdelay $0x2  }
0x347: {  	v49 =	vor.u32 v5, v28;
	_ =	sdelay $0x1  }
0x348: {  	v12 =	vadd.f32 v12, v11;
	_ =	sdelay $0x1  }
0x349: {  	[tilespmem:s30+$0xFFFFFF50] =	vst v12  }
0x34a: {  	v12 =	vld.idx.msk [tilespmem:v49+s20+$0x0], $0xffff;
	_ =	sdelay $0x2  }
0x34b: {  	v50 =	vor.u32 v5, v8;
	_ =	sdelay $0x1  }
0x34c: {  	v12 =	vadd.f32 v12, v16;
	_ =	sdelay $0x1  }
0x34d: {  	[tilespmem:s30+$0xFFFFFFD0] =	vst v12  }
0x34e: {  	v12 =	vld.idx.msk [tilespmem:v50+s20+$0x0], $0xffff;
	_ =	sdelay $0x2  }
0x34f: {  	v51 =	vor.u32 v5, v27;
	_ =	sdelay $0x1  }
0x350: {  	v12 =	vadd.f32 v12, v14;
	_ =	sdelay $0x1  }
0x351: {  	[tilespmem:s30+$0x50] =	vst v12  }
0x352: {  	v12 =	vld.idx.msk [tilespmem:v51+s20+$0x0], $0xffff;
	_ =	sdelay $0x2  }
0x353: {  	v52 =	vor.u32 v6, v9;
	_ =	sdelay $0x1  }
0x354: {  	v12 =	vadd.f32 v12, v15;
	_ =	sdelay $0x1  }
0x355: {  	[tilespmem:s30+$0xD0] =	vst v12  }
0x356: {  	v12 =	vld.idx.msk [tilespmem:v52+s20+$0x0], $0xffff;
	_ =	sdelay $0x2  }
0x357: {  	v53 =	vor.u32 v6, v28;
	_ =	sdelay $0x1  }
0x358: {  	v12 =	vadd.f32 v12, v11;
	_ =	sdelay $0x1  }
0x359: {  	[tilespmem:s30+$0xFFFFFF60] =	vst v12  }
0x35a: {  	v12 =	vld.idx.msk [tilespmem:v53+s20+$0x0], $0xffff;
	_ =	sdelay $0x2  }
0x35b: {  	v54 =	vor.u32 v6, v8;
	_ =	sdelay $0x1  }
0x35c: {  	v12 =	vadd.f32 v12, v16;
	_ =	sdelay $0x1  }
0x35d: {  	[tilespmem:s30+$0xFFFFFFE0] =	vst v12  }
0x35e: {  	v12 =	vld.idx.msk [tilespmem:v54+s20+$0x0], $0xffff;
	_ =	sdelay $0x2  }
0x35f: {  	v55 =	vor.u32 v6, v27;
	_ =	sdelay $0x1  }
0x360: {  	v12 =	vadd.f32 v12, v14;
	_ =	sdelay $0x1  }
0x361: {  	[tilespmem:s30+$0x60] =	vst v12  }
0x362: {  	v12 =	vld.idx.msk [tilespmem:v55+s20+$0x0], $0xffff;
	_ =	sdelay $0x2  }
0x363: {  	v9 =	vor.u32 v7, v9;
	_ =	sdelay $0x1  }
0x364: {  	v12 =	vadd.f32 v12, v15;
	_ =	sdelay $0x1  }
0x365: {  	[tilespmem:s30+$0xE0] =	vst v12  }
0x366: {  	v9 =	vld.idx.msk [tilespmem:v9+s20+$0x0], $0xffff;
	_ =	sdelay $0x2  }
0x367: {  	v56 =	vor.u32 v7, v28;
	_ =	sdelay $0x1  }
0x368: {  	v9 =	vadd.f32 v9, v11;
	_ =	sdelay $0x1  }
0x369: {  	[tilespmem:s30+$0xFFFFFF70] =	vst v9  }
0x36a: {  	v9 =	vld.idx.msk [tilespmem:v56+s20+$0x0], $0xffff;
	_ =	sdelay $0x2  }
0x36b: {  	v8 =	vor.u32 v7, v8;
	_ =	sdelay $0x1  }
0x36c: {  	v9 =	vadd.f32 v9, v16;
	_ =	sdelay $0x1  }
0x36d: {  	[tilespmem:s30+$0xFFFFFFF0] =	vst v9  }
0x36e: {  	v8 =	vld.idx.msk [tilespmem:v8+s20+$0x0], $0xffff;
	_ =	sdelay $0x2  }
0x36f: {  	v57 =	vor.u32 v7, v27;
	_ =	sdelay $0x1  }
0x370: {  	v8 =	vadd.f32 v8, v14;
	_ =	sdelay $0x1  }
0x371: {  	[tilespmem:s30+$0x70] =	vst v8  }
0x372: {  	v8 =	vld.idx.msk [tilespmem:v57+s20+$0x0], $0xffff;
	_ =	sdelay $0x4  }
0x373: {  	v8 =	vadd.f32 v8, v15;
	_ =	sdelay $0x1  }
0x374: {  	[tilespmem:s30+$0xF0] =	vst v8  }
0x375: {  	v8 =	vld [tilespmem:$0x180]  }
0x376: {  	v58 =	vld [tilespmem:$0x190]  }
0x377: {  	v59 =	vld [tilespmem:$0x1A0]  }
0x378: {  	v60 =	vld [tilespmem:$0x1B0]  }
0x379: {  	v61 =	vld [tilespmem:$0x1C0]  }
0x37a: {  	v62 =	vld [tilespmem:$0x1E0];
	[tilespmem:$0x6480] =	vst v8  }
0x37b: {  	v63 =	vld [tilespmem:$0x1F0];
	[tilespmem:$0x6490] =	vst v58  }
0x37c: {  	v8 =	vld [tilespmem:$0x1D0];
	[tilespmem:$0x64A0] =	vst v59  }
0x37d: {  	[tilespmem:$0x64B0] =	vst v60  }
0x37e: {  	[tilespmem:$0x64C0] =	vst v61  }
0x37f: {  	[tilespmem:$0x64E0] =	vst v62  }
0x380: {  	[tilespmem:$0x64F0] =	vst v63  }
0x381: {  	[tilespmem:$0x64D0] =	vst v8  }
0x382: {  	[tilespmem:s20], [sflag:$0x2] =	stream.indirect.gather [hbm4b:s3+s13], $0x40, s19, s13, $0xb8;
	[tilespmem:$0x11700] =	vst v63  }
0x383: {  	s31 =	rddreg [dreg:$0x5];
	s29 =	simm.s32 $0x1  }
0x384: {  	[hbm4b:s31+s13] =	stream.strided.scatter [tilespmem:s24], [sflag:$0x4], $0x2000, s14, s13, $0x38;
	[tilespmem:$0x11700] =	vst v63  }
.LBB2_6:
0x385: {  	s0 =	simm.s32 $0x0  }
0x386: {  	v8 =	vmov s0  }
0x387: {  	v8 =	vand.u32 $0x3C, v8  }
0x388: {  	s6 =	sshll.u32 s29, $0x7;
	v10 =	vbroadcast v8, $0x0  }
0x389: {  	_ =	swait.ge [sflag:s21], $0x2000;
	v8 =	vmov s6  }
0x38a: {  	[sflag:s21] =	ssyncset.done $0x0;
	v9 =	vor.u32 v8, v10  }
0x38b: {  	s1 =	simm.s32 $0x1;
	[sflag:s21] =	ssyncadd.s32 $0xFFFFE000;
	v13 =	vor.u32 v0, v10  }
0x38c: {  	s8 =	simm.s32 $0x2;
	v14 =	vmov s1;
	_ =	swait.ge [sflag:s25], $0x2000  }
0x38d: {  	s9 =	simm.s32 $0x3;
	v11 =	vmov s8;
	v14 =	vand.u32 $0x3D, v14;
	[sflag:s25] =	ssyncset.done $0x0  }
0x38e: {  	v12 =	vmov s9;
	v11 =	vand.u32 $0x3E, v11;
	v14 =	vbroadcast v14, $0x0;
	[sflag:s25] =	ssyncadd.s32 $0xFFFFE000  }
0x38f: {  	v12 =	vand.u32 $0x3F, v12;
	v11 =	vbroadcast v11, $0x0;
	v15 =	vld.idx.msk [tilespmem:v9+s16+$0x0], $0xffff  }
0x390: {  	v12 =	vbroadcast v12, $0x0;
	v17 =	vor.u32 v8, v14;
	v13 =	vld.idx.msk [tilespmem:v13+s18+$0x0], $0xffff  }
0x391: {  	v9 =	vor.u32 v8, v11  }
0x392: {  	v16 =	vor.u32 v8, v12  }
0x393: {  	v18 =	vor.u32 v0, v14;
	_ =	sdelay $0x1  }
0x394: {  	v36 =	vld.idx.msk [tilespmem:v17+s16+$0x0], $0xffff;
	v13 =	vadd.f32 v13, v15  }
0x395: {  	s30 =	simm.s32 $0xA600;
	v19 =	vld.idx.msk [tilespmem:v9+s16+$0x0], $0xffff  }
0x396: {  	v9 =	vld.idx.msk [tilespmem:v16+s16+$0x0], $0xffff;
	[tilespmem:s30+$0xFFFFFF00] =	vst v13  }
0x397: {  	v13 =	vld.idx.msk [tilespmem:v18+s18+$0x0], $0xffff;
	_ =	sdelay $0x2  }
0x398: {  	v37 =	vor.u32 v0, v11;
	_ =	sdelay $0x1  }
0x399: {  	v13 =	vadd.f32 v13, v36;
	_ =	sdelay $0x1  }
0x39a: {  	[tilespmem:s30+$0xFFFFFF80] =	vst v13  }
0x39b: {  	v13 =	vld.idx.msk [tilespmem:v37+s18+$0x0], $0xffff;
	_ =	sdelay $0x2  }
0x39c: {  	v38 =	vor.u32 v0, v12;
	_ =	sdelay $0x1  }
0x39d: {  	v13 =	vadd.f32 v13, v19;
	_ =	sdelay $0x1  }
0x39e: {  	[tilespmem:s30+$0x0] =	vst v13  }
0x39f: {  	v13 =	vld.idx.msk [tilespmem:v38+s18+$0x0], $0xffff;
	_ =	sdelay $0x2  }
0x3a0: {  	v39 =	vor.u32 v1, v10;
	_ =	sdelay $0x1  }
0x3a1: {  	v13 =	vadd.f32 v13, v9;
	_ =	sdelay $0x1  }
0x3a2: {  	[tilespmem:s30+$0x80] =	vst v13  }
0x3a3: {  	v13 =	vld.idx.msk [tilespmem:v39+s18+$0x0], $0xffff;
	_ =	sdelay $0x2  }
0x3a4: {  	v40 =	vor.u32 v1, v14;
	_ =	sdelay $0x1  }
0x3a5: {  	v13 =	vadd.f32 v13, v15;
	_ =	sdelay $0x1  }
0x3a6: {  	[tilespmem:s30+$0xFFFFFF10] =	vst v13  }
0x3a7: {  	v13 =	vld.idx.msk [tilespmem:v40+s18+$0x0], $0xffff;
	_ =	sdelay $0x2  }
0x3a8: {  	v41 =	vor.u32 v1, v11;
	_ =	sdelay $0x1  }
0x3a9: {  	v13 =	vadd.f32 v13, v36;
	_ =	sdelay $0x1  }
0x3aa: {  	[tilespmem:s30+$0xFFFFFF90] =	vst v13  }
0x3ab: {  	v13 =	vld.idx.msk [tilespmem:v41+s18+$0x0], $0xffff;
	_ =	sdelay $0x2  }
0x3ac: {  	v42 =	vor.u32 v1, v12;
	_ =	sdelay $0x1  }
0x3ad: {  	v13 =	vadd.f32 v13, v19;
	_ =	sdelay $0x1  }
0x3ae: {  	[tilespmem:s30+$0x10] =	vst v13  }
0x3af: {  	v13 =	vld.idx.msk [tilespmem:v42+s18+$0x0], $0xffff;
	_ =	sdelay $0x2  }
0x3b0: {  	v43 =	vor.u32 v2, v10;
	_ =	sdelay $0x1  }
0x3b1: {  	v13 =	vadd.f32 v13, v9;
	_ =	sdelay $0x1  }
0x3b2: {  	[tilespmem:s30+$0x90] =	vst v13  }
0x3b3: {  	v13 =	vld.idx.msk [tilespmem:v43+s18+$0x0], $0xffff;
	_ =	sdelay $0x2  }
0x3b4: {  	v44 =	vor.u32 v2, v14;
	_ =	sdelay $0x1  }
0x3b5: {  	v13 =	vadd.f32 v13, v15;
	_ =	sdelay $0x1  }
0x3b6: {  	[tilespmem:s30+$0xFFFFFF20] =	vst v13  }
0x3b7: {  	v13 =	vld.idx.msk [tilespmem:v44+s18+$0x0], $0xffff;
	_ =	sdelay $0x2  }
0x3b8: {  	v45 =	vor.u32 v2, v11;
	_ =	sdelay $0x1  }
0x3b9: {  	v13 =	vadd.f32 v13, v36;
	_ =	sdelay $0x1  }
0x3ba: {  	[tilespmem:s30+$0xFFFFFFA0] =	vst v13  }
0x3bb: {  	v13 =	vld.idx.msk [tilespmem:v45+s18+$0x0], $0xffff;
	_ =	sdelay $0x2  }
0x3bc: {  	v46 =	vor.u32 v2, v12;
	_ =	sdelay $0x1  }
0x3bd: {  	v13 =	vadd.f32 v13, v19;
	_ =	sdelay $0x1  }
0x3be: {  	[tilespmem:s30+$0x20] =	vst v13  }
0x3bf: {  	v13 =	vld.idx.msk [tilespmem:v46+s18+$0x0], $0xffff;
	_ =	sdelay $0x2  }
0x3c0: {  	v47 =	vor.u32 v3, v10;
	_ =	sdelay $0x1  }
0x3c1: {  	v13 =	vadd.f32 v13, v9;
	_ =	sdelay $0x1  }
0x3c2: {  	[tilespmem:s30+$0xA0] =	vst v13  }
0x3c3: {  	v13 =	vld.idx.msk [tilespmem:v47+s18+$0x0], $0xffff;
	_ =	sdelay $0x2  }
0x3c4: {  	v48 =	vor.u32 v3, v14;
	_ =	sdelay $0x1  }
0x3c5: {  	v13 =	vadd.f32 v13, v15;
	_ =	sdelay $0x1  }
0x3c6: {  	[tilespmem:s30+$0xFFFFFF30] =	vst v13  }
0x3c7: {  	v13 =	vld.idx.msk [tilespmem:v48+s18+$0x0], $0xffff;
	_ =	sdelay $0x2  }
0x3c8: {  	v49 =	vor.u32 v3, v11;
	_ =	sdelay $0x1  }
0x3c9: {  	v13 =	vadd.f32 v13, v36;
	_ =	sdelay $0x1  }
0x3ca: {  	[tilespmem:s30+$0xFFFFFFB0] =	vst v13  }
0x3cb: {  	v13 =	vld.idx.msk [tilespmem:v49+s18+$0x0], $0xffff;
	_ =	sdelay $0x2  }
0x3cc: {  	v50 =	vor.u32 v3, v12;
	_ =	sdelay $0x1  }
0x3cd: {  	v13 =	vadd.f32 v13, v19;
	_ =	sdelay $0x1  }
0x3ce: {  	[tilespmem:s30+$0x30] =	vst v13  }
0x3cf: {  	v13 =	vld.idx.msk [tilespmem:v50+s18+$0x0], $0xffff;
	_ =	sdelay $0x2  }
0x3d0: {  	v51 =	vor.u32 v4, v10;
	_ =	sdelay $0x1  }
0x3d1: {  	v13 =	vadd.f32 v13, v9;
	_ =	sdelay $0x1  }
0x3d2: {  	[tilespmem:s30+$0xB0] =	vst v13  }
0x3d3: {  	v13 =	vld.idx.msk [tilespmem:v51+s18+$0x0], $0xffff;
	_ =	sdelay $0x2  }
0x3d4: {  	v52 =	vor.u32 v4, v14;
	_ =	sdelay $0x1  }
0x3d5: {  	v13 =	vadd.f32 v13, v15;
	_ =	sdelay $0x1  }
0x3d6: {  	[tilespmem:s30+$0xFFFFFF40] =	vst v13  }
0x3d7: {  	v13 =	vld.idx.msk [tilespmem:v52+s18+$0x0], $0xffff;
	_ =	sdelay $0x2  }
0x3d8: {  	v53 =	vor.u32 v4, v11;
	_ =	sdelay $0x1  }
0x3d9: {  	v13 =	vadd.f32 v13, v36;
	_ =	sdelay $0x1  }
0x3da: {  	[tilespmem:s30+$0xFFFFFFC0] =	vst v13  }
0x3db: {  	v13 =	vld.idx.msk [tilespmem:v53+s18+$0x0], $0xffff;
	_ =	sdelay $0x2  }
0x3dc: {  	v54 =	vor.u32 v4, v12;
	_ =	sdelay $0x1  }
0x3dd: {  	v13 =	vadd.f32 v13, v19;
	_ =	sdelay $0x1  }
0x3de: {  	[tilespmem:s30+$0x40] =	vst v13  }
0x3df: {  	v13 =	vld.idx.msk [tilespmem:v54+s18+$0x0], $0xffff;
	_ =	sdelay $0x2  }
0x3e0: {  	v55 =	vor.u32 v5, v10;
	_ =	sdelay $0x1  }
0x3e1: {  	v13 =	vadd.f32 v13, v9;
	_ =	sdelay $0x1  }
0x3e2: {  	[tilespmem:s30+$0xC0] =	vst v13  }
0x3e3: {  	v13 =	vld.idx.msk [tilespmem:v55+s18+$0x0], $0xffff;
	_ =	sdelay $0x2  }
0x3e4: {  	v56 =	vor.u32 v5, v14;
	_ =	sdelay $0x1  }
0x3e5: {  	v13 =	vadd.f32 v13, v15;
	_ =	sdelay $0x1  }
0x3e6: {  	[tilespmem:s30+$0xFFFFFF50] =	vst v13  }
0x3e7: {  	v13 =	vld.idx.msk [tilespmem:v56+s18+$0x0], $0xffff;
	_ =	sdelay $0x2  }
0x3e8: {  	v57 =	vor.u32 v5, v11;
	_ =	sdelay $0x1  }
0x3e9: {  	v13 =	vadd.f32 v13, v36;
	_ =	sdelay $0x1  }
0x3ea: {  	[tilespmem:s30+$0xFFFFFFD0] =	vst v13  }
0x3eb: {  	v13 =	vld.idx.msk [tilespmem:v57+s18+$0x0], $0xffff;
	_ =	sdelay $0x2  }
0x3ec: {  	v58 =	vor.u32 v5, v12;
	_ =	sdelay $0x1  }
0x3ed: {  	v13 =	vadd.f32 v13, v19;
	_ =	sdelay $0x1  }
0x3ee: {  	[tilespmem:s30+$0x50] =	vst v13  }
0x3ef: {  	v13 =	vld.idx.msk [tilespmem:v58+s18+$0x0], $0xffff;
	_ =	sdelay $0x2  }
0x3f0: {  	v59 =	vor.u32 v6, v10;
	_ =	sdelay $0x1  }
0x3f1: {  	v13 =	vadd.f32 v13, v9;
	_ =	sdelay $0x1  }
0x3f2: {  	[tilespmem:s30+$0xD0] =	vst v13  }
0x3f3: {  	v13 =	vld.idx.msk [tilespmem:v59+s18+$0x0], $0xffff;
	_ =	sdelay $0x2  }
0x3f4: {  	v60 =	vor.u32 v6, v14;
	_ =	sdelay $0x1  }
0x3f5: {  	v13 =	vadd.f32 v13, v15;
	_ =	sdelay $0x1  }
0x3f6: {  	[tilespmem:s30+$0xFFFFFF60] =	vst v13  }
0x3f7: {  	v13 =	vld.idx.msk [tilespmem:v60+s18+$0x0], $0xffff;
	_ =	sdelay $0x2  }
0x3f8: {  	v61 =	vor.u32 v6, v11;
	_ =	sdelay $0x1  }
0x3f9: {  	v13 =	vadd.f32 v13, v36;
	_ =	sdelay $0x1  }
0x3fa: {  	[tilespmem:s30+$0xFFFFFFE0] =	vst v13  }
0x3fb: {  	v13 =	vld.idx.msk [tilespmem:v61+s18+$0x0], $0xffff;
	_ =	sdelay $0x2  }
0x3fc: {  	v62 =	vor.u32 v6, v12;
	_ =	sdelay $0x1  }
0x3fd: {  	v13 =	vadd.f32 v13, v19;
	_ =	sdelay $0x1  }
0x3fe: {  	[tilespmem:s30+$0x60] =	vst v13  }
0x3ff: {  	v13 =	vld.idx.msk [tilespmem:v62+s18+$0x0], $0xffff;
	_ =	sdelay $0x2  }
0x400: {  	v10 =	vor.u32 v7, v10;
	_ =	sdelay $0x1  }
0x401: {  	v13 =	vadd.f32 v13, v9;
	_ =	sdelay $0x1  }
0x402: {  	[tilespmem:s30+$0xE0] =	vst v13  }
0x403: {  	v10 =	vld.idx.msk [tilespmem:v10+s18+$0x0], $0xffff;
	_ =	sdelay $0x2  }
0x404: {  	v63 =	vor.u32 v7, v14;
	_ =	sdelay $0x1  }
0x405: {  	v10 =	vadd.f32 v10, v15;
	_ =	sdelay $0x1  }
0x406: {  	[tilespmem:s30+$0xFFFFFF70] =	vst v10  }
0x407: {  	v10 =	vld.idx.msk [tilespmem:v63+s18+$0x0], $0xffff;
	_ =	sdelay $0x2  }
0x408: {  	v11 =	vor.u32 v7, v11;
	_ =	sdelay $0x1  }
0x409: {  	v10 =	vadd.f32 v10, v36;
	_ =	sdelay $0x1  }
0x40a: {  	[tilespmem:s30+$0xFFFFFFF0] =	vst v10  }
0x40b: {  	v10 =	vld.idx.msk [tilespmem:v11+s18+$0x0], $0xffff;
	_ =	sdelay $0x2  }
0x40c: {  	v11 =	vor.u32 v7, v12;
	_ =	sdelay $0x1  }
0x40d: {  	v10 =	vadd.f32 v10, v19  }
0x40e: {  	s0 =	simm.s32 $0x4  }
0x40f: {  	[tilespmem:s30+$0x70] =	vst v10;
	v10 =	vmov s0  }
0x410: {  	s31 =	sshll.u32 s29, $0x1;
	s1 =	simm.s32 $0x8;
	v11 =	vld.idx.msk [tilespmem:v11+s18+$0x0], $0xffff;
	v10 =	vand.u32 $0x3C, v10  }
.LBB2_7:
0x411: {  	p0 =	sne.s32 s1, $0x3C;
	v13 =	vbroadcast v10, $0x0;
	_ =	sdelay $0x1  }
0x412: {  	v10 =	vor.u32 v8, v13  }
0x413: {  	v12 =	vor.u32 v0, v13  }
0x414: {  	s6 =	sadd.s32 $0x2, s0;
	v9 =	vadd.f32 v11, v9  }
0x415: {  	v11 =	vmov s6;
	s6 =	sadd.s32 $0x3, s0  }
0x416: {  	s8 =	sadd.s32 $0x1, s0;
	s0 =	smov.u32 s1;
	v11 =	vand.u32 $0x3E, v11;
	v15 =	vmov s6;
	[tilespmem:s30+$0xF0] =	vst v9  }
0x417: {  	v11 =	vbroadcast v11, $0x0;
	v9 =	vmov s8;
	v14 =	vld.idx.msk [tilespmem:v10+s16+$0x0], $0xffff;
	v10 =	vand.u32 $0x3F, v15  }
0x418: {  	v9 =	vand.u32 $0x3D, v9;
	v17 =	vbroadcast v10, $0x0;
	v16 =	vld.idx.msk [tilespmem:v12+s18+$0x0], $0xffff  }
0x419: {  	v15 =	vbroadcast v9, $0x0;
	v9 =	vor.u32 v8, v11  }
0x41a: {  	v18 =	vor.u32 v8, v17;
	v10 =	vor.u32 v7, v17  }
0x41b: {  	v19 =	vor.u32 v8, v15  }
0x41c: {  	v20 =	vor.u32 v0, v15;
	_ =	sdelay $0x1  }
0x41d: {  	v21 =	vadd.f32 v16, v14;
	v12 =	vld.idx.msk [tilespmem:v9+s16+$0x0], $0xffff  }
0x41e: {  	s30 =	sadd.s32 $0x200, s30;
	v9 =	vld.idx.msk [tilespmem:v18+s16+$0x0], $0xffff  }
0x41f: {  	v16 =	vld.idx.msk [tilespmem:v19+s16+$0x0], $0xffff;
	[tilespmem:s30+$0xFFFFFF00] =	vst v21  }
0x420: {  	v18 =	vld.idx.msk [tilespmem:v20+s18+$0x0], $0xffff;
	_ =	sdelay $0x3  }
0x421: {  	v19 =	vor.u32 v0, v11;
	_ =	sdelay $0x1  }
0x422: {  	v18 =	vadd.f32 v18, v16;
	_ =	sdelay $0x1  }
0x423: {  	[tilespmem:s30+$0xFFFFFF80] =	vst v18  }
0x424: {  	v18 =	vld.idx.msk [tilespmem:v19+s18+$0x0], $0xffff;
	_ =	sdelay $0x3  }
0x425: {  	v19 =	vor.u32 v0, v17;
	_ =	sdelay $0x1  }
0x426: {  	v18 =	vadd.f32 v18, v12;
	_ =	sdelay $0x1  }
0x427: {  	[tilespmem:s30+$0x0] =	vst v18  }
0x428: {  	v18 =	vld.idx.msk [tilespmem:v19+s18+$0x0], $0xffff;
	_ =	sdelay $0x3  }
0x429: {  	v19 =	vor.u32 v1, v13;
	_ =	sdelay $0x1  }
0x42a: {  	v18 =	vadd.f32 v18, v9;
	_ =	sdelay $0x1  }
0x42b: {  	[tilespmem:s30+$0x80] =	vst v18  }
0x42c: {  	v18 =	vld.idx.msk [tilespmem:v19+s18+$0x0], $0xffff;
	_ =	sdelay $0x3  }
0x42d: {  	v19 =	vor.u32 v1, v15;
	_ =	sdelay $0x1  }
0x42e: {  	v18 =	vadd.f32 v18, v14;
	_ =	sdelay $0x1  }
0x42f: {  	[tilespmem:s30+$0xFFFFFF10] =	vst v18  }
0x430: {  	v18 =	vld.idx.msk [tilespmem:v19+s18+$0x0], $0xffff;
	_ =	sdelay $0x3  }
0x431: {  	v19 =	vor.u32 v1, v11;
	_ =	sdelay $0x1  }
0x432: {  	v18 =	vadd.f32 v18, v16;
	_ =	sdelay $0x1  }
0x433: {  	[tilespmem:s30+$0xFFFFFF90] =	vst v18  }
0x434: {  	v18 =	vld.idx.msk [tilespmem:v19+s18+$0x0], $0xffff;
	_ =	sdelay $0x3  }
0x435: {  	v19 =	vor.u32 v1, v17;
	_ =	sdelay $0x1  }
0x436: {  	v18 =	vadd.f32 v18, v12;
	_ =	sdelay $0x1  }
0x437: {  	[tilespmem:s30+$0x10] =	vst v18  }
0x438: {  	v18 =	vld.idx.msk [tilespmem:v19+s18+$0x0], $0xffff;
	_ =	sdelay $0x3  }
0x439: {  	v19 =	vor.u32 v2, v13;
	_ =	sdelay $0x1  }
0x43a: {  	v18 =	vadd.f32 v18, v9;
	_ =	sdelay $0x1  }
0x43b: {  	[tilespmem:s30+$0x90] =	vst v18  }
0x43c: {  	v18 =	vld.idx.msk [tilespmem:v19+s18+$0x0], $0xffff;
	_ =	sdelay $0x3  }
0x43d: {  	v19 =	vor.u32 v2, v15;
	_ =	sdelay $0x1  }
0x43e: {  	v18 =	vadd.f32 v18, v14;
	_ =	sdelay $0x1  }
0x43f: {  	[tilespmem:s30+$0xFFFFFF20] =	vst v18  }
0x440: {  	v18 =	vld.idx.msk [tilespmem:v19+s18+$0x0], $0xffff;
	_ =	sdelay $0x3  }
0x441: {  	v19 =	vor.u32 v2, v11;
	_ =	sdelay $0x1  }
0x442: {  	v18 =	vadd.f32 v18, v16;
	_ =	sdelay $0x1  }
0x443: {  	[tilespmem:s30+$0xFFFFFFA0] =	vst v18  }
0x444: {  	v18 =	vld.idx.msk [tilespmem:v19+s18+$0x0], $0xffff;
	_ =	sdelay $0x3  }
0x445: {  	v19 =	vor.u32 v2, v17;
	_ =	sdelay $0x1  }
0x446: {  	v18 =	vadd.f32 v18, v12;
	_ =	sdelay $0x1  }
0x447: {  	[tilespmem:s30+$0x20] =	vst v18  }
0x448: {  	v18 =	vld.idx.msk [tilespmem:v19+s18+$0x0], $0xffff;
	_ =	sdelay $0x3  }
0x449: {  	v19 =	vor.u32 v3, v13;
	_ =	sdelay $0x1  }
0x44a: {  	v18 =	vadd.f32 v18, v9;
	_ =	sdelay $0x1  }
0x44b: {  	[tilespmem:s30+$0xA0] =	vst v18  }
0x44c: {  	v18 =	vld.idx.msk [tilespmem:v19+s18+$0x0], $0xffff;
	_ =	sdelay $0x3  }
0x44d: {  	v19 =	vor.u32 v3, v15;
	_ =	sdelay $0x1  }
0x44e: {  	v18 =	vadd.f32 v18, v14;
	_ =	sdelay $0x1  }
0x44f: {  	[tilespmem:s30+$0xFFFFFF30] =	vst v18  }
0x450: {  	v18 =	vld.idx.msk [tilespmem:v19+s18+$0x0], $0xffff;
	_ =	sdelay $0x3  }
0x451: {  	v19 =	vor.u32 v3, v11;
	_ =	sdelay $0x1  }
0x452: {  	v18 =	vadd.f32 v18, v16;
	_ =	sdelay $0x1  }
0x453: {  	[tilespmem:s30+$0xFFFFFFB0] =	vst v18  }
0x454: {  	v18 =	vld.idx.msk [tilespmem:v19+s18+$0x0], $0xffff;
	_ =	sdelay $0x3  }
0x455: {  	v19 =	vor.u32 v3, v17;
	_ =	sdelay $0x1  }
0x456: {  	v18 =	vadd.f32 v18, v12;
	_ =	sdelay $0x1  }
0x457: {  	[tilespmem:s30+$0x30] =	vst v18  }
0x458: {  	v18 =	vld.idx.msk [tilespmem:v19+s18+$0x0], $0xffff;
	_ =	sdelay $0x3  }
0x459: {  	v19 =	vor.u32 v4, v13;
	_ =	sdelay $0x1  }
0x45a: {  	v18 =	vadd.f32 v18, v9;
	_ =	sdelay $0x1  }
0x45b: {  	[tilespmem:s30+$0xB0] =	vst v18  }
0x45c: {  	v18 =	vld.idx.msk [tilespmem:v19+s18+$0x0], $0xffff;
	_ =	sdelay $0x3  }
0x45d: {  	v19 =	vor.u32 v4, v15;
	_ =	sdelay $0x1  }
0x45e: {  	v18 =	vadd.f32 v18, v14;
	_ =	sdelay $0x1  }
0x45f: {  	[tilespmem:s30+$0xFFFFFF40] =	vst v18  }
0x460: {  	v18 =	vld.idx.msk [tilespmem:v19+s18+$0x0], $0xffff;
	_ =	sdelay $0x3  }
0x461: {  	v19 =	vor.u32 v4, v11;
	_ =	sdelay $0x1  }
0x462: {  	v18 =	vadd.f32 v18, v16;
	_ =	sdelay $0x1  }
0x463: {  	[tilespmem:s30+$0xFFFFFFC0] =	vst v18  }
0x464: {  	v18 =	vld.idx.msk [tilespmem:v19+s18+$0x0], $0xffff;
	_ =	sdelay $0x3  }
0x465: {  	v19 =	vor.u32 v4, v17;
	_ =	sdelay $0x1  }
0x466: {  	v18 =	vadd.f32 v18, v12;
	_ =	sdelay $0x1  }
0x467: {  	[tilespmem:s30+$0x40] =	vst v18  }
0x468: {  	v18 =	vld.idx.msk [tilespmem:v19+s18+$0x0], $0xffff;
	_ =	sdelay $0x3  }
0x469: {  	v19 =	vor.u32 v5, v13;
	_ =	sdelay $0x1  }
0x46a: {  	v18 =	vadd.f32 v18, v9;
	_ =	sdelay $0x1  }
0x46b: {  	[tilespmem:s30+$0xC0] =	vst v18  }
0x46c: {  	v18 =	vld.idx.msk [tilespmem:v19+s18+$0x0], $0xffff;
	_ =	sdelay $0x3  }
0x46d: {  	v19 =	vor.u32 v5, v15;
	_ =	sdelay $0x1  }
0x46e: {  	v18 =	vadd.f32 v18, v14;
	_ =	sdelay $0x1  }
0x46f: {  	[tilespmem:s30+$0xFFFFFF50] =	vst v18  }
0x470: {  	v18 =	vld.idx.msk [tilespmem:v19+s18+$0x0], $0xffff;
	_ =	sdelay $0x3  }
0x471: {  	v19 =	vor.u32 v5, v11;
	_ =	sdelay $0x1  }
0x472: {  	v18 =	vadd.f32 v18, v16;
	_ =	sdelay $0x1  }
0x473: {  	[tilespmem:s30+$0xFFFFFFD0] =	vst v18  }
0x474: {  	v18 =	vld.idx.msk [tilespmem:v19+s18+$0x0], $0xffff;
	_ =	sdelay $0x3  }
0x475: {  	v19 =	vor.u32 v5, v17;
	_ =	sdelay $0x1  }
0x476: {  	v18 =	vadd.f32 v18, v12;
	_ =	sdelay $0x1  }
0x477: {  	[tilespmem:s30+$0x50] =	vst v18  }
0x478: {  	v18 =	vld.idx.msk [tilespmem:v19+s18+$0x0], $0xffff;
	_ =	sdelay $0x3  }
0x479: {  	v19 =	vor.u32 v6, v13;
	_ =	sdelay $0x1  }
0x47a: {  	v18 =	vadd.f32 v18, v9;
	_ =	sdelay $0x1  }
0x47b: {  	[tilespmem:s30+$0xD0] =	vst v18  }
0x47c: {  	v18 =	vld.idx.msk [tilespmem:v19+s18+$0x0], $0xffff;
	_ =	sdelay $0x3  }
0x47d: {  	v19 =	vor.u32 v6, v15;
	_ =	sdelay $0x1  }
0x47e: {  	v18 =	vadd.f32 v18, v14;
	_ =	sdelay $0x1  }
0x47f: {  	[tilespmem:s30+$0xFFFFFF60] =	vst v18  }
0x480: {  	v18 =	vld.idx.msk [tilespmem:v19+s18+$0x0], $0xffff;
	_ =	sdelay $0x3  }
0x481: {  	v19 =	vor.u32 v6, v11;
	_ =	sdelay $0x1  }
0x482: {  	v18 =	vadd.f32 v18, v16;
	_ =	sdelay $0x1  }
0x483: {  	[tilespmem:s30+$0xFFFFFFE0] =	vst v18  }
0x484: {  	v18 =	vld.idx.msk [tilespmem:v19+s18+$0x0], $0xffff;
	_ =	sdelay $0x3  }
0x485: {  	v17 =	vor.u32 v6, v17;
	_ =	sdelay $0x1  }
0x486: {  	v18 =	vadd.f32 v18, v12;
	_ =	sdelay $0x1  }
0x487: {  	[tilespmem:s30+$0x60] =	vst v18  }
0x488: {  	v17 =	vld.idx.msk [tilespmem:v17+s18+$0x0], $0xffff;
	_ =	sdelay $0x3  }
0x489: {  	v13 =	vor.u32 v7, v13;
	_ =	sdelay $0x1  }
0x48a: {  	v17 =	vadd.f32 v17, v9;
	_ =	sdelay $0x1  }
0x48b: {  	[tilespmem:s30+$0xE0] =	vst v17  }
0x48c: {  	v13 =	vld.idx.msk [tilespmem:v13+s18+$0x0], $0xffff;
	_ =	sdelay $0x3  }
0x48d: {  	v15 =	vor.u32 v7, v15;
	_ =	sdelay $0x1  }
0x48e: {  	v13 =	vadd.f32 v13, v14;
	_ =	sdelay $0x1  }
0x48f: {  	[tilespmem:s30+$0xFFFFFF70] =	vst v13  }
0x490: {  	v13 =	vld.idx.msk [tilespmem:v15+s18+$0x0], $0xffff;
	_ =	sdelay $0x3  }
0x491: {  	v11 =	vor.u32 v7, v11;
	_ =	sdelay $0x1  }
0x492: {  	v13 =	vadd.f32 v13, v16;
	_ =	sdelay $0x1  }
0x493: {  	[tilespmem:s30+$0xFFFFFFF0] =	vst v13  }
0x494: {  	v11 =	vld.idx.msk [tilespmem:v11+s18+$0x0], $0xffff;
	_ =	sdelay $0x5  }
.Ltmp2:
0x495: {  	v11 =	vadd.f32 v11, v12;
	(pc) =	sbr.rel @p0 .LBB2_7-.Ltmp2, $4  }
0x496: {  	_ = 	snop  }
0x497: {  	[tilespmem:s30+$0x70] =	vst v11  }
0x498: {  	v12 =	vmov s1;
	v11 =	vld.idx.msk [tilespmem:v10+s18+$0x0], $0xffff  }
0x499: {  	s1 =	sadd.s32 $0x4, s1;
	v10 =	vand.u32 $0x3C, v12  }
0x49a: {  	v10 =	vbroadcast v10, $0x0;
	_ =	sdelay $0x1  }
0x49b: {  	v12 =	vor.u32 v8, v10  }
0x49c: {  	s1 =	sadd.s32 $0x2, s0;
	v13 =	vor.u32 v0, v10  }
0x49d: {  	s8 =	sadd.s32 $0x3, s0;
	v14 =	vmov s1;
	v11 =	vadd.f32 v11, v9  }
0x49e: {  	s9 =	sadd.s32 $0x1, s0;
	v44 =	vmov s8;
	v9 =	vand.u32 $0x3E, v14  }
0x49f: {  	v15 =	vmov s9;
	v14 =	vand.u32 $0x3F, v44;
	v9 =	vbroadcast v9, $0x0;
	[tilespmem:s30+$0xF0] =	vst v11  }
0x4a0: {  	v15 =	vand.u32 $0x3D, v15;
	v11 =	vbroadcast v14, $0x0;
	v12 =	vld.idx.msk [tilespmem:v12+s16+$0x0], $0xffff  }
0x4a1: {  	v45 =	vbroadcast v15, $0x0;
	v46 =	vor.u32 v8, v9;
	v13 =	vld.idx.msk [tilespmem:v13+s18+$0x0], $0xffff  }
0x4a2: {  	v16 =	vor.u32 v8, v11  }
0x4a3: {  	v8 =	vor.u32 v8, v45  }
0x4a4: {  	v17 =	vor.u32 v0, v45;
	_ =	sdelay $0x1  }
0x4a5: {  	v15 =	vld.idx.msk [tilespmem:v46+s16+$0x0], $0xffff;
	v13 =	vadd.f32 v13, v12  }
0x4a6: {  	s1 =	sadd.s32 $0x200, s30;
	v16 =	vld.idx.msk [tilespmem:v16+s16+$0x0], $0xffff  }
0x4a7: {  	v8 =	vld.idx.msk [tilespmem:v8+s16+$0x0], $0xffff;
	[tilespmem:s1+$0xFFFFFF00] =	vst v13  }
0x4a8: {  	v13 =	vld.idx.msk [tilespmem:v17+s18+$0x0], $0xffff;
	_ =	sdelay $0x2  }
0x4a9: {  	v47 =	vor.u32 v0, v9;
	_ =	sdelay $0x1  }
0x4aa: {  	v13 =	vadd.f32 v13, v8;
	_ =	sdelay $0x1  }
0x4ab: {  	[tilespmem:s1+$0xFFFFFF80] =	vst v13  }
0x4ac: {  	v13 =	vld.idx.msk [tilespmem:v47+s18+$0x0], $0xffff;
	_ =	sdelay $0x2  }
0x4ad: {  	v48 =	vor.u32 v0, v11;
	_ =	sdelay $0x1  }
0x4ae: {  	v13 =	vadd.f32 v13, v15;
	_ =	sdelay $0x1  }
0x4af: {  	[tilespmem:s1+$0x0] =	vst v13  }
0x4b0: {  	v13 =	vld.idx.msk [tilespmem:v48+s18+$0x0], $0xffff;
	_ =	sdelay $0x2  }
0x4b1: {  	v49 =	vor.u32 v1, v10;
	_ =	sdelay $0x1  }
0x4b2: {  	v13 =	vadd.f32 v13, v16;
	_ =	sdelay $0x1  }
0x4b3: {  	[tilespmem:s1+$0x80] =	vst v13  }
0x4b4: {  	v13 =	vld.idx.msk [tilespmem:v49+s18+$0x0], $0xffff;
	_ =	sdelay $0x2  }
0x4b5: {  	v50 =	vor.u32 v1, v45;
	_ =	sdelay $0x1  }
0x4b6: {  	v13 =	vadd.f32 v13, v12;
	_ =	sdelay $0x1  }
0x4b7: {  	[tilespmem:s1+$0xFFFFFF10] =	vst v13  }
0x4b8: {  	v13 =	vld.idx.msk [tilespmem:v50+s18+$0x0], $0xffff;
	_ =	sdelay $0x2  }
0x4b9: {  	v51 =	vor.u32 v1, v9;
	_ =	sdelay $0x1  }
0x4ba: {  	v13 =	vadd.f32 v13, v8;
	_ =	sdelay $0x1  }
0x4bb: {  	[tilespmem:s1+$0xFFFFFF90] =	vst v13  }
0x4bc: {  	v13 =	vld.idx.msk [tilespmem:v51+s18+$0x0], $0xffff;
	_ =	sdelay $0x2  }
0x4bd: {  	v52 =	vor.u32 v1, v11;
	_ =	sdelay $0x1  }
0x4be: {  	v13 =	vadd.f32 v13, v15;
	_ =	sdelay $0x1  }
0x4bf: {  	[tilespmem:s1+$0x10] =	vst v13  }
0x4c0: {  	v13 =	vld.idx.msk [tilespmem:v52+s18+$0x0], $0xffff;
	_ =	sdelay $0x2  }
0x4c1: {  	v53 =	vor.u32 v2, v10;
	_ =	sdelay $0x1  }
0x4c2: {  	v13 =	vadd.f32 v13, v16;
	_ =	sdelay $0x1  }
0x4c3: {  	[tilespmem:s1+$0x90] =	vst v13  }
0x4c4: {  	v13 =	vld.idx.msk [tilespmem:v53+s18+$0x0], $0xffff;
	_ =	sdelay $0x2  }
0x4c5: {  	v54 =	vor.u32 v2, v45;
	_ =	sdelay $0x1  }
0x4c6: {  	v13 =	vadd.f32 v13, v12;
	_ =	sdelay $0x1  }
0x4c7: {  	[tilespmem:s1+$0xFFFFFF20] =	vst v13  }
0x4c8: {  	v13 =	vld.idx.msk [tilespmem:v54+s18+$0x0], $0xffff;
	_ =	sdelay $0x2  }
0x4c9: {  	v55 =	vor.u32 v2, v9;
	_ =	sdelay $0x1  }
0x4ca: {  	v13 =	vadd.f32 v13, v8;
	_ =	sdelay $0x1  }
0x4cb: {  	[tilespmem:s1+$0xFFFFFFA0] =	vst v13  }
0x4cc: {  	v13 =	vld.idx.msk [tilespmem:v55+s18+$0x0], $0xffff;
	_ =	sdelay $0x2  }
0x4cd: {  	v56 =	vor.u32 v2, v11;
	_ =	sdelay $0x1  }
0x4ce: {  	v13 =	vadd.f32 v13, v15;
	_ =	sdelay $0x1  }
0x4cf: {  	[tilespmem:s1+$0x20] =	vst v13  }
0x4d0: {  	v13 =	vld.idx.msk [tilespmem:v56+s18+$0x0], $0xffff;
	_ =	sdelay $0x2  }
0x4d1: {  	v57 =	vor.u32 v3, v10;
	_ =	sdelay $0x1  }
0x4d2: {  	v13 =	vadd.f32 v13, v16;
	_ =	sdelay $0x1  }
0x4d3: {  	[tilespmem:s1+$0xA0] =	vst v13  }
0x4d4: {  	v13 =	vld.idx.msk [tilespmem:v57+s18+$0x0], $0xffff;
	_ =	sdelay $0x2  }
0x4d5: {  	v58 =	vor.u32 v3, v45;
	_ =	sdelay $0x1  }
0x4d6: {  	v13 =	vadd.f32 v13, v12;
	_ =	sdelay $0x1  }
0x4d7: {  	[tilespmem:s1+$0xFFFFFF30] =	vst v13  }
0x4d8: {  	v13 =	vld.idx.msk [tilespmem:v58+s18+$0x0], $0xffff;
	_ =	sdelay $0x2  }
0x4d9: {  	v59 =	vor.u32 v3, v9;
	_ =	sdelay $0x1  }
0x4da: {  	v13 =	vadd.f32 v13, v8;
	_ =	sdelay $0x1  }
0x4db: {  	[tilespmem:s1+$0xFFFFFFB0] =	vst v13  }
0x4dc: {  	v13 =	vld.idx.msk [tilespmem:v59+s18+$0x0], $0xffff;
	_ =	sdelay $0x2  }
0x4dd: {  	v60 =	vor.u32 v3, v11;
	_ =	sdelay $0x1  }
0x4de: {  	v13 =	vadd.f32 v13, v15;
	_ =	sdelay $0x1  }
0x4df: {  	[tilespmem:s1+$0x30] =	vst v13  }
0x4e0: {  	v13 =	vld.idx.msk [tilespmem:v60+s18+$0x0], $0xffff;
	_ =	sdelay $0x2  }
0x4e1: {  	v61 =	vor.u32 v4, v10;
	_ =	sdelay $0x1  }
0x4e2: {  	v13 =	vadd.f32 v13, v16;
	_ =	sdelay $0x1  }
0x4e3: {  	[tilespmem:s1+$0xB0] =	vst v13  }
0x4e4: {  	v13 =	vld.idx.msk [tilespmem:v61+s18+$0x0], $0xffff;
	_ =	sdelay $0x2  }
0x4e5: {  	v62 =	vor.u32 v4, v45;
	_ =	sdelay $0x1  }
0x4e6: {  	v13 =	vadd.f32 v13, v12;
	_ =	sdelay $0x1  }
0x4e7: {  	[tilespmem:s1+$0xFFFFFF40] =	vst v13  }
0x4e8: {  	v13 =	vld.idx.msk [tilespmem:v62+s18+$0x0], $0xffff;
	_ =	sdelay $0x2  }
0x4e9: {  	v63 =	vor.u32 v4, v9;
	_ =	sdelay $0x1  }
0x4ea: {  	v13 =	vadd.f32 v13, v8;
	_ =	sdelay $0x1  }
0x4eb: {  	[tilespmem:s1+$0xFFFFFFC0] =	vst v13  }
0x4ec: {  	v13 =	vld.idx.msk [tilespmem:v63+s18+$0x0], $0xffff;
	_ =	sdelay $0x2  }
0x4ed: {  	v20 =	vor.u32 v4, v11;
	_ =	sdelay $0x1  }
0x4ee: {  	v13 =	vadd.f32 v13, v15;
	_ =	sdelay $0x1  }
0x4ef: {  	[tilespmem:s1+$0x40] =	vst v13  }
0x4f0: {  	v13 =	vld.idx.msk [tilespmem:v20+s18+$0x0], $0xffff;
	_ =	sdelay $0x2  }
0x4f1: {  	v21 =	vor.u32 v5, v10;
	_ =	sdelay $0x1  }
0x4f2: {  	v13 =	vadd.f32 v13, v16;
	_ =	sdelay $0x1  }
0x4f3: {  	[tilespmem:s1+$0xC0] =	vst v13  }
0x4f4: {  	v13 =	vld.idx.msk [tilespmem:v21+s18+$0x0], $0xffff;
	_ =	sdelay $0x2  }
0x4f5: {  	v22 =	vor.u32 v5, v45;
	_ =	sdelay $0x1  }
0x4f6: {  	v13 =	vadd.f32 v13, v12;
	_ =	sdelay $0x1  }
0x4f7: {  	[tilespmem:s1+$0xFFFFFF50] =	vst v13  }
0x4f8: {  	v13 =	vld.idx.msk [tilespmem:v22+s18+$0x0], $0xffff;
	_ =	sdelay $0x2  }
0x4f9: {  	v23 =	vor.u32 v5, v9;
	_ =	sdelay $0x1  }
0x4fa: {  	v13 =	vadd.f32 v13, v8;
	_ =	sdelay $0x1  }
0x4fb: {  	[tilespmem:s1+$0xFFFFFFD0] =	vst v13  }
0x4fc: {  	v13 =	vld.idx.msk [tilespmem:v23+s18+$0x0], $0xffff;
	_ =	sdelay $0x2  }
0x4fd: {  	v24 =	vor.u32 v5, v11;
	_ =	sdelay $0x1  }
0x4fe: {  	v13 =	vadd.f32 v13, v15;
	_ =	sdelay $0x1  }
0x4ff: {  	[tilespmem:s1+$0x50] =	vst v13  }
0x500: {  	v13 =	vld.idx.msk [tilespmem:v24+s18+$0x0], $0xffff;
	_ =	sdelay $0x2  }
0x501: {  	v25 =	vor.u32 v6, v10;
	_ =	sdelay $0x1  }
0x502: {  	v13 =	vadd.f32 v13, v16;
	_ =	sdelay $0x1  }
0x503: {  	[tilespmem:s1+$0xD0] =	vst v13  }
0x504: {  	v13 =	vld.idx.msk [tilespmem:v25+s18+$0x0], $0xffff;
	_ =	sdelay $0x2  }
0x505: {  	v26 =	vor.u32 v6, v45;
	_ =	sdelay $0x1  }
0x506: {  	v13 =	vadd.f32 v13, v12;
	_ =	sdelay $0x1  }
0x507: {  	[tilespmem:s1+$0xFFFFFF60] =	vst v13  }
0x508: {  	v13 =	vld.idx.msk [tilespmem:v26+s18+$0x0], $0xffff;
	_ =	sdelay $0x2  }
0x509: {  	v27 =	vor.u32 v6, v9;
	_ =	sdelay $0x1  }
0x50a: {  	v13 =	vadd.f32 v13, v8;
	_ =	sdelay $0x1  }
0x50b: {  	[tilespmem:s1+$0xFFFFFFE0] =	vst v13  }
0x50c: {  	v13 =	vld.idx.msk [tilespmem:v27+s18+$0x0], $0xffff;
	_ =	sdelay $0x2  }
0x50d: {  	v28 =	vor.u32 v6, v11;
	_ =	sdelay $0x1  }
0x50e: {  	v13 =	vadd.f32 v13, v15;
	_ =	sdelay $0x1  }
0x50f: {  	[tilespmem:s1+$0x60] =	vst v13  }
0x510: {  	v13 =	vld.idx.msk [tilespmem:v28+s18+$0x0], $0xffff;
	_ =	sdelay $0x2  }
0x511: {  	v10 =	vor.u32 v7, v10;
	_ =	sdelay $0x1  }
0x512: {  	v13 =	vadd.f32 v13, v16;
	_ =	sdelay $0x1  }
0x513: {  	[tilespmem:s1+$0xE0] =	vst v13  }
0x514: {  	v10 =	vld.idx.msk [tilespmem:v10+s18+$0x0], $0xffff;
	_ =	sdelay $0x2  }
0x515: {  	v29 =	vor.u32 v7, v45;
	_ =	sdelay $0x1  }
0x516: {  	v10 =	vadd.f32 v10, v12;
	_ =	sdelay $0x1  }
0x517: {  	[tilespmem:s1+$0xFFFFFF70] =	vst v10  }
0x518: {  	v10 =	vld.idx.msk [tilespmem:v29+s18+$0x0], $0xffff;
	_ =	sdelay $0x2  }
0x519: {  	v9 =	vor.u32 v7, v9;
	_ =	sdelay $0x1  }
0x51a: {  	v8 =	vadd.f32 v10, v8;
	_ =	sdelay $0x1  }
0x51b: {  	[tilespmem:s1+$0xFFFFFFF0] =	vst v8  }
0x51c: {  	v8 =	vld.idx.msk [tilespmem:v9+s18+$0x0], $0xffff;
	_ =	sdelay $0x2  }
0x51d: {  	v9 =	vor.u32 v7, v11;
	_ =	sdelay $0x1  }
0x51e: {  	v8 =	vadd.f32 v8, v15;
	_ =	sdelay $0x1  }
0x51f: {  	[tilespmem:s1+$0x70] =	vst v8  }
0x520: {  	v8 =	vld.idx.msk [tilespmem:v9+s18+$0x0], $0xffff;
	_ =	sdelay $0x4  }
0x521: {  	v8 =	vadd.f32 v8, v16  }
0x522: {  	s6 =	sshll.u32 s29, $0x8  }
0x523: {  	s30 =	sand.u32 $0x3FFFFF00, s6;
	[tilespmem:s1+$0xF0] =	vst v8  }
0x524: {  	v8 =	vld [tilespmem:s30+$0x100];
	_ =	sdelay $0x4  }
0x525: {  	[tilespmem:$0x6400] =	vst v8  }
0x526: {  	v8 =	vld [tilespmem:s30+$0x110];
	_ =	sdelay $0x4  }
0x527: {  	[tilespmem:$0x6410] =	vst v8  }
0x528: {  	v8 =	vld [tilespmem:s30+$0x120];
	_ =	sdelay $0x4  }
0x529: {  	[tilespmem:$0x6420] =	vst v8  }
0x52a: {  	v8 =	vld [tilespmem:s30+$0x130];
	_ =	sdelay $0x4  }
0x52b: {  	[tilespmem:$0x6430] =	vst v8  }
0x52c: {  	v8 =	vld [tilespmem:s30+$0x140];
	_ =	sdelay $0x4  }
0x52d: {  	[tilespmem:$0x6440] =	vst v8  }
0x52e: {  	v8 =	vld [tilespmem:s30+$0x150];
	_ =	sdelay $0x4  }
0x52f: {  	[tilespmem:$0x6450] =	vst v8  }
0x530: {  	v8 =	vld [tilespmem:s30+$0x160];
	_ =	sdelay $0x4  }
0x531: {  	[tilespmem:$0x6460] =	vst v8  }
0x532: {  	v8 =	vld [tilespmem:s30+$0x170];
	_ =	sdelay $0x2  }
0x533: {  	s8 =	sshll.u32 s29, $0x13  }
0x534: {  	s0 =	sor.u32 s4, s8  }
0x535: {  	s31 =	sor.u32 $0x1, s31;
	s9 =	simm.s32 $0x0;
	s0 =	sshrl.u32 s0, $0x3;
	[tilespmem:$0x6470] =	vst v8  }
0x536: {  	v8 =	vmov s9;
	[tilespmem:s18], [sflag:$0x1] =	stream.indirect.gather [hbm4b:s3+s13], $0x40, s17, s13, $0xb8;
	[tilespmem:$0x11700] =	vst v63  }
0x537: {  	s0 =	sadd.s32 s5, s0;
	s1 =	sshll.u32 s31, $0x6;
	v8 =	vand.u32 $0x3C, v8  }
0x538: {  	v10 =	vbroadcast v8, $0x0;
	[hbm4b:s0+s13] =	stream.strided.scatter [tilespmem:s22], [sflag:$0x3], $0x2000, s14, s13, $0x38;
	[tilespmem:$0x11700] =	vst v63  }
0x539: {  	v8 =	vmov s1;
	_ =	swait.ge [sflag:s23], $0x2000  }
0x53a: {  	v9 =	vor.u32 v8, v10;
	[sflag:s23] =	ssyncset.done $0x0  }
0x53b: {  	s9 =	simm.s32 $0x1;
	v30 =	vor.u32 v0, v10;
	[sflag:s23] =	ssyncadd.s32 $0xFFFFE000  }
0x53c: {  	s6 =	simm.s32 $0x2;
	v32 =	vmov s9;
	_ =	swait.ge [sflag:s26], $0x2000  }
0x53d: {  	s8 =	simm.s32 $0x3;
	v11 =	vmov s6;
	v14 =	vand.u32 $0x3D, v32;
	[sflag:s26] =	ssyncset.done $0x0  }
0x53e: {  	v31 =	vmov s8;
	v11 =	vand.u32 $0x3E, v11;
	v14 =	vbroadcast v14, $0x0;
	[sflag:s26] =	ssyncadd.s32 $0xFFFFE000  }
0x53f: {  	v12 =	vand.u32 $0x3F, v31;
	v11 =	vbroadcast v11, $0x0;
	v33 =	vld.idx.msk [tilespmem:v9+s16+$0x0], $0xffff  }
0x540: {  	v12 =	vbroadcast v12, $0x0;
	v35 =	vor.u32 v8, v14;
	v13 =	vld.idx.msk [tilespmem:v30+s20+$0x0], $0xffff  }
0x541: {  	v9 =	vor.u32 v8, v11  }
0x542: {  	v34 =	vor.u32 v8, v12  }
0x543: {  	v18 =	vor.u32 v0, v14;
	_ =	sdelay $0x1  }
0x544: {  	v36 =	vld.idx.msk [tilespmem:v35+s16+$0x0], $0xffff;
	v13 =	vadd.f32 v13, v33  }
0x545: {  	s0 =	simm.s32 $0xC600;
	v19 =	vld.idx.msk [tilespmem:v9+s16+$0x0], $0xffff  }
0x546: {  	v9 =	vld.idx.msk [tilespmem:v34+s16+$0x0], $0xffff;
	[tilespmem:s0+$0xFFFFFF00] =	vst v13  }
0x547: {  	v13 =	vld.idx.msk [tilespmem:v18+s20+$0x0], $0xffff;
	_ =	sdelay $0x2  }
0x548: {  	v37 =	vor.u32 v0, v11;
	_ =	sdelay $0x1  }
0x549: {  	v13 =	vadd.f32 v13, v36;
	_ =	sdelay $0x1  }
0x54a: {  	[tilespmem:s0+$0xFFFFFF80] =	vst v13  }
0x54b: {  	v13 =	vld.idx.msk [tilespmem:v37+s20+$0x0], $0xffff;
	_ =	sdelay $0x2  }
0x54c: {  	v38 =	vor.u32 v0, v12;
	_ =	sdelay $0x1  }
0x54d: {  	v13 =	vadd.f32 v13, v19;
	_ =	sdelay $0x1  }
0x54e: {  	[tilespmem:s0+$0x0] =	vst v13  }
0x54f: {  	v13 =	vld.idx.msk [tilespmem:v38+s20+$0x0], $0xffff;
	_ =	sdelay $0x2  }
0x550: {  	v39 =	vor.u32 v1, v10;
	_ =	sdelay $0x1  }
0x551: {  	v13 =	vadd.f32 v13, v9;
	_ =	sdelay $0x1  }
0x552: {  	[tilespmem:s0+$0x80] =	vst v13  }
0x553: {  	v13 =	vld.idx.msk [tilespmem:v39+s20+$0x0], $0xffff;
	_ =	sdelay $0x2  }
0x554: {  	v40 =	vor.u32 v1, v14;
	_ =	sdelay $0x1  }
0x555: {  	v13 =	vadd.f32 v13, v33;
	_ =	sdelay $0x1  }
0x556: {  	[tilespmem:s0+$0xFFFFFF10] =	vst v13  }
0x557: {  	v13 =	vld.idx.msk [tilespmem:v40+s20+$0x0], $0xffff;
	_ =	sdelay $0x2  }
0x558: {  	v41 =	vor.u32 v1, v11;
	_ =	sdelay $0x1  }
0x559: {  	v13 =	vadd.f32 v13, v36;
	_ =	sdelay $0x1  }
0x55a: {  	[tilespmem:s0+$0xFFFFFF90] =	vst v13  }
0x55b: {  	v13 =	vld.idx.msk [tilespmem:v41+s20+$0x0], $0xffff;
	_ =	sdelay $0x2  }
0x55c: {  	v42 =	vor.u32 v1, v12;
	_ =	sdelay $0x1  }
0x55d: {  	v13 =	vadd.f32 v13, v19;
	_ =	sdelay $0x1  }
0x55e: {  	[tilespmem:s0+$0x10] =	vst v13  }
0x55f: {  	v13 =	vld.idx.msk [tilespmem:v42+s20+$0x0], $0xffff;
	_ =	sdelay $0x2  }
0x560: {  	v43 =	vor.u32 v2, v10;
	_ =	sdelay $0x1  }
0x561: {  	v13 =	vadd.f32 v13, v9;
	_ =	sdelay $0x1  }
0x562: {  	[tilespmem:s0+$0x90] =	vst v13  }
0x563: {  	v13 =	vld.idx.msk [tilespmem:v43+s20+$0x0], $0xffff;
	_ =	sdelay $0x2  }
0x564: {  	v44 =	vor.u32 v2, v14;
	_ =	sdelay $0x1  }
0x565: {  	v13 =	vadd.f32 v13, v33;
	_ =	sdelay $0x1  }
0x566: {  	[tilespmem:s0+$0xFFFFFF20] =	vst v13  }
0x567: {  	v13 =	vld.idx.msk [tilespmem:v44+s20+$0x0], $0xffff;
	_ =	sdelay $0x2  }
0x568: {  	v45 =	vor.u32 v2, v11;
	_ =	sdelay $0x1  }
0x569: {  	v13 =	vadd.f32 v13, v36;
	_ =	sdelay $0x1  }
0x56a: {  	[tilespmem:s0+$0xFFFFFFA0] =	vst v13  }
0x56b: {  	v13 =	vld.idx.msk [tilespmem:v45+s20+$0x0], $0xffff;
	_ =	sdelay $0x2  }
0x56c: {  	v46 =	vor.u32 v2, v12;
	_ =	sdelay $0x1  }
0x56d: {  	v13 =	vadd.f32 v13, v19;
	_ =	sdelay $0x1  }
0x56e: {  	[tilespmem:s0+$0x20] =	vst v13  }
0x56f: {  	v13 =	vld.idx.msk [tilespmem:v46+s20+$0x0], $0xffff;
	_ =	sdelay $0x2  }
0x570: {  	v47 =	vor.u32 v3, v10;
	_ =	sdelay $0x1  }
0x571: {  	v13 =	vadd.f32 v13, v9;
	_ =	sdelay $0x1  }
0x572: {  	[tilespmem:s0+$0xA0] =	vst v13  }
0x573: {  	v13 =	vld.idx.msk [tilespmem:v47+s20+$0x0], $0xffff;
	_ =	sdelay $0x2  }
0x574: {  	v48 =	vor.u32 v3, v14;
	_ =	sdelay $0x1  }
0x575: {  	v13 =	vadd.f32 v13, v33;
	_ =	sdelay $0x1  }
0x576: {  	[tilespmem:s0+$0xFFFFFF30] =	vst v13  }
0x577: {  	v13 =	vld.idx.msk [tilespmem:v48+s20+$0x0], $0xffff;
	_ =	sdelay $0x2  }
0x578: {  	v49 =	vor.u32 v3, v11;
	_ =	sdelay $0x1  }
0x579: {  	v13 =	vadd.f32 v13, v36;
	_ =	sdelay $0x1  }
0x57a: {  	[tilespmem:s0+$0xFFFFFFB0] =	vst v13  }
0x57b: {  	v13 =	vld.idx.msk [tilespmem:v49+s20+$0x0], $0xffff;
	_ =	sdelay $0x2  }
0x57c: {  	v50 =	vor.u32 v3, v12;
	_ =	sdelay $0x1  }
0x57d: {  	v13 =	vadd.f32 v13, v19;
	_ =	sdelay $0x1  }
0x57e: {  	[tilespmem:s0+$0x30] =	vst v13  }
0x57f: {  	v13 =	vld.idx.msk [tilespmem:v50+s20+$0x0], $0xffff;
	_ =	sdelay $0x2  }
0x580: {  	v51 =	vor.u32 v4, v10;
	_ =	sdelay $0x1  }
0x581: {  	v13 =	vadd.f32 v13, v9;
	_ =	sdelay $0x1  }
0x582: {  	[tilespmem:s0+$0xB0] =	vst v13  }
0x583: {  	v13 =	vld.idx.msk [tilespmem:v51+s20+$0x0], $0xffff;
	_ =	sdelay $0x2  }
0x584: {  	v52 =	vor.u32 v4, v14;
	_ =	sdelay $0x1  }
0x585: {  	v13 =	vadd.f32 v13, v33;
	_ =	sdelay $0x1  }
0x586: {  	[tilespmem:s0+$0xFFFFFF40] =	vst v13  }
0x587: {  	v13 =	vld.idx.msk [tilespmem:v52+s20+$0x0], $0xffff;
	_ =	sdelay $0x2  }
0x588: {  	v53 =	vor.u32 v4, v11;
	_ =	sdelay $0x1  }
0x589: {  	v13 =	vadd.f32 v13, v36;
	_ =	sdelay $0x1  }
0x58a: {  	[tilespmem:s0+$0xFFFFFFC0] =	vst v13  }
0x58b: {  	v13 =	vld.idx.msk [tilespmem:v53+s20+$0x0], $0xffff;
	_ =	sdelay $0x2  }
0x58c: {  	v54 =	vor.u32 v4, v12;
	_ =	sdelay $0x1  }
0x58d: {  	v13 =	vadd.f32 v13, v19;
	_ =	sdelay $0x1  }
0x58e: {  	[tilespmem:s0+$0x40] =	vst v13  }
0x58f: {  	v13 =	vld.idx.msk [tilespmem:v54+s20+$0x0], $0xffff;
	_ =	sdelay $0x2  }
0x590: {  	v55 =	vor.u32 v5, v10;
	_ =	sdelay $0x1  }
0x591: {  	v13 =	vadd.f32 v13, v9;
	_ =	sdelay $0x1  }
0x592: {  	[tilespmem:s0+$0xC0] =	vst v13  }
0x593: {  	v13 =	vld.idx.msk [tilespmem:v55+s20+$0x0], $0xffff;
	_ =	sdelay $0x2  }
0x594: {  	v56 =	vor.u32 v5, v14;
	_ =	sdelay $0x1  }
0x595: {  	v13 =	vadd.f32 v13, v33;
	_ =	sdelay $0x1  }
0x596: {  	[tilespmem:s0+$0xFFFFFF50] =	vst v13  }
0x597: {  	v13 =	vld.idx.msk [tilespmem:v56+s20+$0x0], $0xffff;
	_ =	sdelay $0x2  }
0x598: {  	v57 =	vor.u32 v5, v11;
	_ =	sdelay $0x1  }
0x599: {  	v13 =	vadd.f32 v13, v36;
	_ =	sdelay $0x1  }
0x59a: {  	[tilespmem:s0+$0xFFFFFFD0] =	vst v13  }
0x59b: {  	v13 =	vld.idx.msk [tilespmem:v57+s20+$0x0], $0xffff;
	_ =	sdelay $0x2  }
0x59c: {  	v58 =	vor.u32 v5, v12;
	_ =	sdelay $0x1  }
0x59d: {  	v13 =	vadd.f32 v13, v19;
	_ =	sdelay $0x1  }
0x59e: {  	[tilespmem:s0+$0x50] =	vst v13  }
0x59f: {  	v13 =	vld.idx.msk [tilespmem:v58+s20+$0x0], $0xffff;
	_ =	sdelay $0x2  }
0x5a0: {  	v59 =	vor.u32 v6, v10;
	_ =	sdelay $0x1  }
0x5a1: {  	v13 =	vadd.f32 v13, v9;
	_ =	sdelay $0x1  }
0x5a2: {  	[tilespmem:s0+$0xD0] =	vst v13  }
0x5a3: {  	v13 =	vld.idx.msk [tilespmem:v59+s20+$0x0], $0xffff;
	_ =	sdelay $0x2  }
0x5a4: {  	v60 =	vor.u32 v6, v14;
	_ =	sdelay $0x1  }
0x5a5: {  	v13 =	vadd.f32 v13, v33;
	_ =	sdelay $0x1  }
0x5a6: {  	[tilespmem:s0+$0xFFFFFF60] =	vst v13  }
0x5a7: {  	v13 =	vld.idx.msk [tilespmem:v60+s20+$0x0], $0xffff;
	_ =	sdelay $0x2  }
0x5a8: {  	v61 =	vor.u32 v6, v11;
	_ =	sdelay $0x1  }
0x5a9: {  	v13 =	vadd.f32 v13, v36;
	_ =	sdelay $0x1  }
0x5aa: {  	[tilespmem:s0+$0xFFFFFFE0] =	vst v13  }
0x5ab: {  	v13 =	vld.idx.msk [tilespmem:v61+s20+$0x0], $0xffff;
	_ =	sdelay $0x2  }
0x5ac: {  	v62 =	vor.u32 v6, v12;
	_ =	sdelay $0x1  }
0x5ad: {  	v13 =	vadd.f32 v13, v19;
	_ =	sdelay $0x1  }
0x5ae: {  	[tilespmem:s0+$0x60] =	vst v13  }
0x5af: {  	v13 =	vld.idx.msk [tilespmem:v62+s20+$0x0], $0xffff;
	_ =	sdelay $0x2  }
0x5b0: {  	v10 =	vor.u32 v7, v10;
	_ =	sdelay $0x1  }
0x5b1: {  	v13 =	vadd.f32 v13, v9;
	_ =	sdelay $0x1  }
0x5b2: {  	[tilespmem:s0+$0xE0] =	vst v13  }
0x5b3: {  	v10 =	vld.idx.msk [tilespmem:v10+s20+$0x0], $0xffff;
	_ =	sdelay $0x2  }
0x5b4: {  	v63 =	vor.u32 v7, v14;
	_ =	sdelay $0x1  }
0x5b5: {  	v10 =	vadd.f32 v10, v33;
	_ =	sdelay $0x1  }
0x5b6: {  	[tilespmem:s0+$0xFFFFFF70] =	vst v10  }
0x5b7: {  	v10 =	vld.idx.msk [tilespmem:v63+s20+$0x0], $0xffff;
	_ =	sdelay $0x2  }
0x5b8: {  	v11 =	vor.u32 v7, v11;
	_ =	sdelay $0x1  }
0x5b9: {  	v10 =	vadd.f32 v10, v36;
	_ =	sdelay $0x1  }
0x5ba: {  	[tilespmem:s0+$0xFFFFFFF0] =	vst v10  }
0x5bb: {  	v10 =	vld.idx.msk [tilespmem:v11+s20+$0x0], $0xffff;
	_ =	sdelay $0x2  }
0x5bc: {  	v11 =	vor.u32 v7, v12;
	_ =	sdelay $0x1  }
0x5bd: {  	v10 =	vadd.f32 v10, v19  }
0x5be: {  	s1 =	simm.s32 $0x4  }
0x5bf: {  	[tilespmem:s0+$0x70] =	vst v10;
	v10 =	vmov s1  }
0x5c0: {  	s6 =	simm.s32 $0x8;
	v11 =	vld.idx.msk [tilespmem:v11+s20+$0x0], $0xffff;
	v10 =	vand.u32 $0x3C, v10  }
.LBB2_9:
0x5c1: {  	p0 =	sne.s32 s6, $0x3C;
	v13 =	vbroadcast v10, $0x0;
	_ =	sdelay $0x1  }
0x5c2: {  	v10 =	vor.u32 v8, v13  }
0x5c3: {  	v12 =	vor.u32 v0, v13  }
0x5c4: {  	s8 =	sadd.s32 $0x2, s1;
	v9 =	vadd.f32 v11, v9  }
0x5c5: {  	v11 =	vmov s8;
	s8 =	sadd.s32 $0x3, s1  }
0x5c6: {  	s9 =	sadd.s32 $0x1, s1;
	s1 =	smov.u32 s6;
	v11 =	vand.u32 $0x3E, v11;
	v15 =	vmov s8;
	[tilespmem:s0+$0xF0] =	vst v9  }
0x5c7: {  	v11 =	vbroadcast v11, $0x0;
	v9 =	vmov s9;
	v14 =	vld.idx.msk [tilespmem:v10+s16+$0x0], $0xffff;
	v10 =	vand.u32 $0x3F, v15  }
0x5c8: {  	v9 =	vand.u32 $0x3D, v9;
	v17 =	vbroadcast v10, $0x0;
	v16 =	vld.idx.msk [tilespmem:v12+s20+$0x0], $0xffff  }
0x5c9: {  	v15 =	vbroadcast v9, $0x0;
	v9 =	vor.u32 v8, v11  }
0x5ca: {  	v18 =	vor.u32 v8, v17;
	v10 =	vor.u32 v7, v17  }
0x5cb: {  	v19 =	vor.u32 v8, v15  }
0x5cc: {  	v20 =	vor.u32 v0, v15;
	_ =	sdelay $0x1  }
0x5cd: {  	v21 =	vadd.f32 v16, v14;
	v12 =	vld.idx.msk [tilespmem:v9+s16+$0x0], $0xffff  }
0x5ce: {  	s0 =	sadd.s32 $0x200, s0;
	v9 =	vld.idx.msk [tilespmem:v18+s16+$0x0], $0xffff  }
0x5cf: {  	v16 =	vld.idx.msk [tilespmem:v19+s16+$0x0], $0xffff;
	[tilespmem:s0+$0xFFFFFF00] =	vst v21  }
0x5d0: {  	v18 =	vld.idx.msk [tilespmem:v20+s20+$0x0], $0xffff;
	_ =	sdelay $0x3  }
0x5d1: {  	v19 =	vor.u32 v0, v11;
	_ =	sdelay $0x1  }
0x5d2: {  	v18 =	vadd.f32 v18, v16;
	_ =	sdelay $0x1  }
0x5d3: {  	[tilespmem:s0+$0xFFFFFF80] =	vst v18  }
0x5d4: {  	v18 =	vld.idx.msk [tilespmem:v19+s20+$0x0], $0xffff;
	_ =	sdelay $0x3  }
0x5d5: {  	v19 =	vor.u32 v0, v17;
	_ =	sdelay $0x1  }
0x5d6: {  	v18 =	vadd.f32 v18, v12;
	_ =	sdelay $0x1  }
0x5d7: {  	[tilespmem:s0+$0x0] =	vst v18  }
0x5d8: {  	v18 =	vld.idx.msk [tilespmem:v19+s20+$0x0], $0xffff;
	_ =	sdelay $0x3  }
0x5d9: {  	v19 =	vor.u32 v1, v13;
	_ =	sdelay $0x1  }
0x5da: {  	v18 =	vadd.f32 v18, v9;
	_ =	sdelay $0x1  }
0x5db: {  	[tilespmem:s0+$0x80] =	vst v18  }
0x5dc: {  	v18 =	vld.idx.msk [tilespmem:v19+s20+$0x0], $0xffff;
	_ =	sdelay $0x3  }
0x5dd: {  	v19 =	vor.u32 v1, v15;
	_ =	sdelay $0x1  }
0x5de: {  	v18 =	vadd.f32 v18, v14;
	_ =	sdelay $0x1  }
0x5df: {  	[tilespmem:s0+$0xFFFFFF10] =	vst v18  }
0x5e0: {  	v18 =	vld.idx.msk [tilespmem:v19+s20+$0x0], $0xffff;
	_ =	sdelay $0x3  }
0x5e1: {  	v19 =	vor.u32 v1, v11;
	_ =	sdelay $0x1  }
0x5e2: {  	v18 =	vadd.f32 v18, v16;
	_ =	sdelay $0x1  }
0x5e3: {  	[tilespmem:s0+$0xFFFFFF90] =	vst v18  }
0x5e4: {  	v18 =	vld.idx.msk [tilespmem:v19+s20+$0x0], $0xffff;
	_ =	sdelay $0x3  }
0x5e5: {  	v19 =	vor.u32 v1, v17;
	_ =	sdelay $0x1  }
0x5e6: {  	v18 =	vadd.f32 v18, v12;
	_ =	sdelay $0x1  }
0x5e7: {  	[tilespmem:s0+$0x10] =	vst v18  }
0x5e8: {  	v18 =	vld.idx.msk [tilespmem:v19+s20+$0x0], $0xffff;
	_ =	sdelay $0x3  }
0x5e9: {  	v19 =	vor.u32 v2, v13;
	_ =	sdelay $0x1  }
0x5ea: {  	v18 =	vadd.f32 v18, v9;
	_ =	sdelay $0x1  }
0x5eb: {  	[tilespmem:s0+$0x90] =	vst v18  }
0x5ec: {  	v18 =	vld.idx.msk [tilespmem:v19+s20+$0x0], $0xffff;
	_ =	sdelay $0x3  }
0x5ed: {  	v19 =	vor.u32 v2, v15;
	_ =	sdelay $0x1  }
0x5ee: {  	v18 =	vadd.f32 v18, v14;
	_ =	sdelay $0x1  }
0x5ef: {  	[tilespmem:s0+$0xFFFFFF20] =	vst v18  }
0x5f0: {  	v18 =	vld.idx.msk [tilespmem:v19+s20+$0x0], $0xffff;
	_ =	sdelay $0x3  }
0x5f1: {  	v19 =	vor.u32 v2, v11;
	_ =	sdelay $0x1  }
0x5f2: {  	v18 =	vadd.f32 v18, v16;
	_ =	sdelay $0x1  }
0x5f3: {  	[tilespmem:s0+$0xFFFFFFA0] =	vst v18  }
0x5f4: {  	v18 =	vld.idx.msk [tilespmem:v19+s20+$0x0], $0xffff;
	_ =	sdelay $0x3  }
0x5f5: {  	v19 =	vor.u32 v2, v17;
	_ =	sdelay $0x1  }
0x5f6: {  	v18 =	vadd.f32 v18, v12;
	_ =	sdelay $0x1  }
0x5f7: {  	[tilespmem:s0+$0x20] =	vst v18  }
0x5f8: {  	v18 =	vld.idx.msk [tilespmem:v19+s20+$0x0], $0xffff;
	_ =	sdelay $0x3  }
0x5f9: {  	v19 =	vor.u32 v3, v13;
	_ =	sdelay $0x1  }
0x5fa: {  	v18 =	vadd.f32 v18, v9;
	_ =	sdelay $0x1  }
0x5fb: {  	[tilespmem:s0+$0xA0] =	vst v18  }
0x5fc: {  	v18 =	vld.idx.msk [tilespmem:v19+s20+$0x0], $0xffff;
	_ =	sdelay $0x3  }
0x5fd: {  	v19 =	vor.u32 v3, v15;
	_ =	sdelay $0x1  }
0x5fe: {  	v18 =	vadd.f32 v18, v14;
	_ =	sdelay $0x1  }
0x5ff: {  	[tilespmem:s0+$0xFFFFFF30] =	vst v18  }
0x600: {  	v18 =	vld.idx.msk [tilespmem:v19+s20+$0x0], $0xffff;
	_ =	sdelay $0x3  }
0x601: {  	v19 =	vor.u32 v3, v11;
	_ =	sdelay $0x1  }
0x602: {  	v18 =	vadd.f32 v18, v16;
	_ =	sdelay $0x1  }
0x603: {  	[tilespmem:s0+$0xFFFFFFB0] =	vst v18  }
0x604: {  	v18 =	vld.idx.msk [tilespmem:v19+s20+$0x0], $0xffff;
	_ =	sdelay $0x3  }
0x605: {  	v19 =	vor.u32 v3, v17;
	_ =	sdelay $0x1  }
0x606: {  	v18 =	vadd.f32 v18, v12;
	_ =	sdelay $0x1  }
0x607: {  	[tilespmem:s0+$0x30] =	vst v18  }
0x608: {  	v18 =	vld.idx.msk [tilespmem:v19+s20+$0x0], $0xffff;
	_ =	sdelay $0x3  }
0x609: {  	v19 =	vor.u32 v4, v13;
	_ =	sdelay $0x1  }
0x60a: {  	v18 =	vadd.f32 v18, v9;
	_ =	sdelay $0x1  }
0x60b: {  	[tilespmem:s0+$0xB0] =	vst v18  }
0x60c: {  	v18 =	vld.idx.msk [tilespmem:v19+s20+$0x0], $0xffff;
	_ =	sdelay $0x3  }
0x60d: {  	v19 =	vor.u32 v4, v15;
	_ =	sdelay $0x1  }
0x60e: {  	v18 =	vadd.f32 v18, v14;
	_ =	sdelay $0x1  }
0x60f: {  	[tilespmem:s0+$0xFFFFFF40] =	vst v18  }
0x610: {  	v18 =	vld.idx.msk [tilespmem:v19+s20+$0x0], $0xffff;
	_ =	sdelay $0x3  }
0x611: {  	v19 =	vor.u32 v4, v11;
	_ =	sdelay $0x1  }
0x612: {  	v18 =	vadd.f32 v18, v16;
	_ =	sdelay $0x1  }
0x613: {  	[tilespmem:s0+$0xFFFFFFC0] =	vst v18  }
0x614: {  	v18 =	vld.idx.msk [tilespmem:v19+s20+$0x0], $0xffff;
	_ =	sdelay $0x3  }
0x615: {  	v19 =	vor.u32 v4, v17;
	_ =	sdelay $0x1  }
0x616: {  	v18 =	vadd.f32 v18, v12;
	_ =	sdelay $0x1  }
0x617: {  	[tilespmem:s0+$0x40] =	vst v18  }
0x618: {  	v18 =	vld.idx.msk [tilespmem:v19+s20+$0x0], $0xffff;
	_ =	sdelay $0x3  }
0x619: {  	v19 =	vor.u32 v5, v13;
	_ =	sdelay $0x1  }
0x61a: {  	v18 =	vadd.f32 v18, v9;
	_ =	sdelay $0x1  }
0x61b: {  	[tilespmem:s0+$0xC0] =	vst v18  }
0x61c: {  	v18 =	vld.idx.msk [tilespmem:v19+s20+$0x0], $0xffff;
	_ =	sdelay $0x3  }
0x61d: {  	v19 =	vor.u32 v5, v15;
	_ =	sdelay $0x1  }
0x61e: {  	v18 =	vadd.f32 v18, v14;
	_ =	sdelay $0x1  }
0x61f: {  	[tilespmem:s0+$0xFFFFFF50] =	vst v18  }
0x620: {  	v18 =	vld.idx.msk [tilespmem:v19+s20+$0x0], $0xffff;
	_ =	sdelay $0x3  }
0x621: {  	v19 =	vor.u32 v5, v11;
	_ =	sdelay $0x1  }
0x622: {  	v18 =	vadd.f32 v18, v16;
	_ =	sdelay $0x1  }
0x623: {  	[tilespmem:s0+$0xFFFFFFD0] =	vst v18  }
0x624: {  	v18 =	vld.idx.msk [tilespmem:v19+s20+$0x0], $0xffff;
	_ =	sdelay $0x3  }
0x625: {  	v19 =	vor.u32 v5, v17;
	_ =	sdelay $0x1  }
0x626: {  	v18 =	vadd.f32 v18, v12;
	_ =	sdelay $0x1  }
0x627: {  	[tilespmem:s0+$0x50] =	vst v18  }
0x628: {  	v18 =	vld.idx.msk [tilespmem:v19+s20+$0x0], $0xffff;
	_ =	sdelay $0x3  }
0x629: {  	v19 =	vor.u32 v6, v13;
	_ =	sdelay $0x1  }
0x62a: {  	v18 =	vadd.f32 v18, v9;
	_ =	sdelay $0x1  }
0x62b: {  	[tilespmem:s0+$0xD0] =	vst v18  }
0x62c: {  	v18 =	vld.idx.msk [tilespmem:v19+s20+$0x0], $0xffff;
	_ =	sdelay $0x3  }
0x62d: {  	v19 =	vor.u32 v6, v15;
	_ =	sdelay $0x1  }
0x62e: {  	v18 =	vadd.f32 v18, v14;
	_ =	sdelay $0x1  }
0x62f: {  	[tilespmem:s0+$0xFFFFFF60] =	vst v18  }
0x630: {  	v18 =	vld.idx.msk [tilespmem:v19+s20+$0x0], $0xffff;
	_ =	sdelay $0x3  }
0x631: {  	v19 =	vor.u32 v6, v11;
	_ =	sdelay $0x1  }
0x632: {  	v18 =	vadd.f32 v18, v16;
	_ =	sdelay $0x1  }
0x633: {  	[tilespmem:s0+$0xFFFFFFE0] =	vst v18  }
0x634: {  	v18 =	vld.idx.msk [tilespmem:v19+s20+$0x0], $0xffff;
	_ =	sdelay $0x3  }
0x635: {  	v17 =	vor.u32 v6, v17;
	_ =	sdelay $0x1  }
0x636: {  	v18 =	vadd.f32 v18, v12;
	_ =	sdelay $0x1  }
0x637: {  	[tilespmem:s0+$0x60] =	vst v18  }
0x638: {  	v17 =	vld.idx.msk [tilespmem:v17+s20+$0x0], $0xffff;
	_ =	sdelay $0x3  }
0x639: {  	v13 =	vor.u32 v7, v13;
	_ =	sdelay $0x1  }
0x63a: {  	v17 =	vadd.f32 v17, v9;
	_ =	sdelay $0x1  }
0x63b: {  	[tilespmem:s0+$0xE0] =	vst v17  }
0x63c: {  	v13 =	vld.idx.msk [tilespmem:v13+s20+$0x0], $0xffff;
	_ =	sdelay $0x3  }
0x63d: {  	v15 =	vor.u32 v7, v15;
	_ =	sdelay $0x1  }
0x63e: {  	v13 =	vadd.f32 v13, v14;
	_ =	sdelay $0x1  }
0x63f: {  	[tilespmem:s0+$0xFFFFFF70] =	vst v13  }
0x640: {  	v13 =	vld.idx.msk [tilespmem:v15+s20+$0x0], $0xffff;
	_ =	sdelay $0x3  }
0x641: {  	v11 =	vor.u32 v7, v11;
	_ =	sdelay $0x1  }
0x642: {  	v13 =	vadd.f32 v13, v16;
	_ =	sdelay $0x1  }
0x643: {  	[tilespmem:s0+$0xFFFFFFF0] =	vst v13  }
0x644: {  	v11 =	vld.idx.msk [tilespmem:v11+s20+$0x0], $0xffff;
	_ =	sdelay $0x5  }
.Ltmp3:
0x645: {  	v11 =	vadd.f32 v11, v12;
	(pc) =	sbr.rel @p0 .LBB2_9-.Ltmp3, $4  }
0x646: {  	_ = 	snop  }
0x647: {  	[tilespmem:s0+$0x70] =	vst v11  }
0x648: {  	v12 =	vmov s6;
	v11 =	vld.idx.msk [tilespmem:v10+s20+$0x0], $0xffff  }
0x649: {  	s6 =	sadd.s32 $0x4, s6;
	v10 =	vand.u32 $0x3C, v12  }
0x64a: {  	v10 =	vbroadcast v10, $0x0;
	_ =	sdelay $0x1  }
0x64b: {  	v12 =	vor.u32 v8, v10  }
0x64c: {  	s6 =	sadd.s32 $0x2, s1;
	v13 =	vor.u32 v0, v10  }
0x64d: {  	s9 =	sadd.s32 $0x3, s1;
	v14 =	vmov s6;
	v11 =	vadd.f32 v11, v9  }
0x64e: {  	s8 =	sadd.s32 $0x1, s1;
	v32 =	vmov s9;
	v31 =	vand.u32 $0x3E, v14  }
0x64f: {  	v15 =	vmov s8;
	v14 =	vand.u32 $0x3F, v32;
	v9 =	vbroadcast v31, $0x0;
	[tilespmem:s0+$0xF0] =	vst v11  }
0x650: {  	v15 =	vand.u32 $0x3D, v15;
	v33 =	vbroadcast v14, $0x0;
	v12 =	vld.idx.msk [tilespmem:v12+s16+$0x0], $0xffff  }
0x651: {  	v34 =	vbroadcast v15, $0x0;
	v35 =	vor.u32 v8, v9;
	v13 =	vld.idx.msk [tilespmem:v13+s20+$0x0], $0xffff  }
0x652: {  	v16 =	vor.u32 v8, v33  }
0x653: {  	v8 =	vor.u32 v8, v34  }
0x654: {  	v17 =	vor.u32 v0, v34;
	_ =	sdelay $0x1  }
0x655: {  	v15 =	vld.idx.msk [tilespmem:v35+s16+$0x0], $0xffff;
	v13 =	vadd.f32 v13, v12  }
0x656: {  	s9 =	sadd.s32 $0x200, s0;
	v16 =	vld.idx.msk [tilespmem:v16+s16+$0x0], $0xffff  }
0x657: {  	v8 =	vld.idx.msk [tilespmem:v8+s16+$0x0], $0xffff;
	[tilespmem:s9+$0xFFFFFF00] =	vst v13  }
0x658: {  	v13 =	vld.idx.msk [tilespmem:v17+s20+$0x0], $0xffff;
	_ =	sdelay $0x2  }
0x659: {  	v36 =	vor.u32 v0, v9;
	_ =	sdelay $0x1  }
0x65a: {  	v13 =	vadd.f32 v13, v8;
	_ =	sdelay $0x1  }
0x65b: {  	[tilespmem:s9+$0xFFFFFF80] =	vst v13  }
0x65c: {  	v13 =	vld.idx.msk [tilespmem:v36+s20+$0x0], $0xffff;
	_ =	sdelay $0x2  }
0x65d: {  	v37 =	vor.u32 v0, v33;
	_ =	sdelay $0x1  }
0x65e: {  	v13 =	vadd.f32 v13, v15;
	_ =	sdelay $0x1  }
0x65f: {  	[tilespmem:s9+$0x0] =	vst v13  }
0x660: {  	v13 =	vld.idx.msk [tilespmem:v37+s20+$0x0], $0xffff;
	_ =	sdelay $0x2  }
0x661: {  	v38 =	vor.u32 v1, v10;
	_ =	sdelay $0x1  }
0x662: {  	v13 =	vadd.f32 v13, v16;
	_ =	sdelay $0x1  }
0x663: {  	[tilespmem:s9+$0x80] =	vst v13  }
0x664: {  	v13 =	vld.idx.msk [tilespmem:v38+s20+$0x0], $0xffff;
	_ =	sdelay $0x2  }
0x665: {  	v39 =	vor.u32 v1, v34;
	_ =	sdelay $0x1  }
0x666: {  	v13 =	vadd.f32 v13, v12;
	_ =	sdelay $0x1  }
0x667: {  	[tilespmem:s9+$0xFFFFFF10] =	vst v13  }
0x668: {  	v13 =	vld.idx.msk [tilespmem:v39+s20+$0x0], $0xffff;
	_ =	sdelay $0x2  }
0x669: {  	v40 =	vor.u32 v1, v9;
	_ =	sdelay $0x1  }
0x66a: {  	v13 =	vadd.f32 v13, v8;
	_ =	sdelay $0x1  }
0x66b: {  	[tilespmem:s9+$0xFFFFFF90] =	vst v13  }
0x66c: {  	v13 =	vld.idx.msk [tilespmem:v40+s20+$0x0], $0xffff;
	_ =	sdelay $0x2  }
0x66d: {  	v41 =	vor.u32 v1, v33;
	_ =	sdelay $0x1  }
0x66e: {  	v13 =	vadd.f32 v13, v15;
	_ =	sdelay $0x1  }
0x66f: {  	[tilespmem:s9+$0x10] =	vst v13  }
0x670: {  	v13 =	vld.idx.msk [tilespmem:v41+s20+$0x0], $0xffff;
	_ =	sdelay $0x2  }
0x671: {  	v42 =	vor.u32 v2, v10;
	_ =	sdelay $0x1  }
0x672: {  	v13 =	vadd.f32 v13, v16;
	_ =	sdelay $0x1  }
0x673: {  	[tilespmem:s9+$0x90] =	vst v13  }
0x674: {  	v13 =	vld.idx.msk [tilespmem:v42+s20+$0x0], $0xffff;
	_ =	sdelay $0x2  }
0x675: {  	v43 =	vor.u32 v2, v34;
	_ =	sdelay $0x1  }
0x676: {  	v13 =	vadd.f32 v13, v12;
	_ =	sdelay $0x1  }
0x677: {  	[tilespmem:s9+$0xFFFFFF20] =	vst v13  }
0x678: {  	v13 =	vld.idx.msk [tilespmem:v43+s20+$0x0], $0xffff;
	_ =	sdelay $0x2  }
0x679: {  	v44 =	vor.u32 v2, v9;
	_ =	sdelay $0x1  }
0x67a: {  	v13 =	vadd.f32 v13, v8;
	_ =	sdelay $0x1  }
0x67b: {  	[tilespmem:s9+$0xFFFFFFA0] =	vst v13  }
0x67c: {  	v13 =	vld.idx.msk [tilespmem:v44+s20+$0x0], $0xffff;
	_ =	sdelay $0x2  }
0x67d: {  	v45 =	vor.u32 v2, v33;
	_ =	sdelay $0x1  }
0x67e: {  	v13 =	vadd.f32 v13, v15;
	_ =	sdelay $0x1  }
0x67f: {  	[tilespmem:s9+$0x20] =	vst v13  }
0x680: {  	v13 =	vld.idx.msk [tilespmem:v45+s20+$0x0], $0xffff;
	_ =	sdelay $0x2  }
0x681: {  	v46 =	vor.u32 v3, v10;
	_ =	sdelay $0x1  }
0x682: {  	v13 =	vadd.f32 v13, v16;
	_ =	sdelay $0x1  }
0x683: {  	[tilespmem:s9+$0xA0] =	vst v13  }
0x684: {  	v13 =	vld.idx.msk [tilespmem:v46+s20+$0x0], $0xffff;
	_ =	sdelay $0x2  }
0x685: {  	v47 =	vor.u32 v3, v34;
	_ =	sdelay $0x1  }
0x686: {  	v13 =	vadd.f32 v13, v12;
	_ =	sdelay $0x1  }
0x687: {  	[tilespmem:s9+$0xFFFFFF30] =	vst v13  }
0x688: {  	v13 =	vld.idx.msk [tilespmem:v47+s20+$0x0], $0xffff;
	_ =	sdelay $0x2  }
0x689: {  	v48 =	vor.u32 v3, v9;
	_ =	sdelay $0x1  }
0x68a: {  	v13 =	vadd.f32 v13, v8;
	_ =	sdelay $0x1  }
0x68b: {  	[tilespmem:s9+$0xFFFFFFB0] =	vst v13  }
0x68c: {  	v13 =	vld.idx.msk [tilespmem:v48+s20+$0x0], $0xffff;
	_ =	sdelay $0x2  }
0x68d: {  	v49 =	vor.u32 v3, v33;
	_ =	sdelay $0x1  }
0x68e: {  	v13 =	vadd.f32 v13, v15;
	_ =	sdelay $0x1  }
0x68f: {  	[tilespmem:s9+$0x30] =	vst v13  }
0x690: {  	v13 =	vld.idx.msk [tilespmem:v49+s20+$0x0], $0xffff;
	_ =	sdelay $0x2  }
0x691: {  	v50 =	vor.u32 v4, v10;
	_ =	sdelay $0x1  }
0x692: {  	v13 =	vadd.f32 v13, v16;
	_ =	sdelay $0x1  }
0x693: {  	[tilespmem:s9+$0xB0] =	vst v13  }
0x694: {  	v13 =	vld.idx.msk [tilespmem:v50+s20+$0x0], $0xffff;
	_ =	sdelay $0x2  }
0x695: {  	v51 =	vor.u32 v4, v34;
	_ =	sdelay $0x1  }
0x696: {  	v13 =	vadd.f32 v13, v12;
	_ =	sdelay $0x1  }
0x697: {  	[tilespmem:s9+$0xFFFFFF40] =	vst v13  }
0x698: {  	v13 =	vld.idx.msk [tilespmem:v51+s20+$0x0], $0xffff;
	_ =	sdelay $0x2  }
0x699: {  	v52 =	vor.u32 v4, v9;
	_ =	sdelay $0x1  }
0x69a: {  	v13 =	vadd.f32 v13, v8;
	_ =	sdelay $0x1  }
0x69b: {  	[tilespmem:s9+$0xFFFFFFC0] =	vst v13  }
0x69c: {  	v13 =	vld.idx.msk [tilespmem:v52+s20+$0x0], $0xffff;
	_ =	sdelay $0x2  }
0x69d: {  	v53 =	vor.u32 v4, v33;
	_ =	sdelay $0x1  }
0x69e: {  	v13 =	vadd.f32 v13, v15;
	_ =	sdelay $0x1  }
0x69f: {  	[tilespmem:s9+$0x40] =	vst v13  }
0x6a0: {  	v13 =	vld.idx.msk [tilespmem:v53+s20+$0x0], $0xffff;
	_ =	sdelay $0x2  }
0x6a1: {  	v54 =	vor.u32 v5, v10;
	_ =	sdelay $0x1  }
0x6a2: {  	v13 =	vadd.f32 v13, v16;
	_ =	sdelay $0x1  }
0x6a3: {  	[tilespmem:s9+$0xC0] =	vst v13  }
0x6a4: {  	v13 =	vld.idx.msk [tilespmem:v54+s20+$0x0], $0xffff;
	_ =	sdelay $0x2  }
0x6a5: {  	v55 =	vor.u32 v5, v34;
	_ =	sdelay $0x1  }
0x6a6: {  	v13 =	vadd.f32 v13, v12;
	_ =	sdelay $0x1  }
0x6a7: {  	[tilespmem:s9+$0xFFFFFF50] =	vst v13  }
0x6a8: {  	v13 =	vld.idx.msk [tilespmem:v55+s20+$0x0], $0xffff;
	_ =	sdelay $0x2  }
0x6a9: {  	v56 =	vor.u32 v5, v9;
	_ =	sdelay $0x1  }
0x6aa: {  	v13 =	vadd.f32 v13, v8;
	_ =	sdelay $0x1  }
0x6ab: {  	[tilespmem:s9+$0xFFFFFFD0] =	vst v13  }
0x6ac: {  	v13 =	vld.idx.msk [tilespmem:v56+s20+$0x0], $0xffff;
	_ =	sdelay $0x2  }
0x6ad: {  	v57 =	vor.u32 v5, v33;
	_ =	sdelay $0x1  }
0x6ae: {  	v13 =	vadd.f32 v13, v15;
	_ =	sdelay $0x1  }
0x6af: {  	[tilespmem:s9+$0x50] =	vst v13  }
0x6b0: {  	v13 =	vld.idx.msk [tilespmem:v57+s20+$0x0], $0xffff;
	_ =	sdelay $0x2  }
0x6b1: {  	v58 =	vor.u32 v6, v10;
	_ =	sdelay $0x1  }
0x6b2: {  	v13 =	vadd.f32 v13, v16;
	_ =	sdelay $0x1  }
0x6b3: {  	[tilespmem:s9+$0xD0] =	vst v13  }
0x6b4: {  	v13 =	vld.idx.msk [tilespmem:v58+s20+$0x0], $0xffff;
	_ =	sdelay $0x2  }
0x6b5: {  	v59 =	vor.u32 v6, v34;
	_ =	sdelay $0x1  }
0x6b6: {  	v13 =	vadd.f32 v13, v12;
	_ =	sdelay $0x1  }
0x6b7: {  	[tilespmem:s9+$0xFFFFFF60] =	vst v13  }
0x6b8: {  	v13 =	vld.idx.msk [tilespmem:v59+s20+$0x0], $0xffff;
	_ =	sdelay $0x2  }
0x6b9: {  	v60 =	vor.u32 v6, v9;
	_ =	sdelay $0x1  }
0x6ba: {  	v13 =	vadd.f32 v13, v8;
	_ =	sdelay $0x1  }
0x6bb: {  	[tilespmem:s9+$0xFFFFFFE0] =	vst v13  }
0x6bc: {  	v13 =	vld.idx.msk [tilespmem:v60+s20+$0x0], $0xffff;
	_ =	sdelay $0x2  }
0x6bd: {  	v61 =	vor.u32 v6, v33;
	_ =	sdelay $0x1  }
0x6be: {  	v13 =	vadd.f32 v13, v15;
	_ =	sdelay $0x1  }
0x6bf: {  	[tilespmem:s9+$0x60] =	vst v13  }
0x6c0: {  	v13 =	vld.idx.msk [tilespmem:v61+s20+$0x0], $0xffff;
	_ =	sdelay $0x2  }
0x6c1: {  	v10 =	vor.u32 v7, v10;
	_ =	sdelay $0x1  }
0x6c2: {  	v13 =	vadd.f32 v13, v16;
	_ =	sdelay $0x1  }
0x6c3: {  	[tilespmem:s9+$0xE0] =	vst v13  }
0x6c4: {  	v10 =	vld.idx.msk [tilespmem:v10+s20+$0x0], $0xffff;
	_ =	sdelay $0x2  }
0x6c5: {  	v62 =	vor.u32 v7, v34;
	_ =	sdelay $0x1  }
0x6c6: {  	v10 =	vadd.f32 v10, v12;
	_ =	sdelay $0x1  }
0x6c7: {  	[tilespmem:s9+$0xFFFFFF70] =	vst v10  }
0x6c8: {  	v10 =	vld.idx.msk [tilespmem:v62+s20+$0x0], $0xffff;
	_ =	sdelay $0x2  }
0x6c9: {  	v9 =	vor.u32 v7, v9;
	_ =	sdelay $0x1  }
0x6ca: {  	v8 =	vadd.f32 v10, v8;
	_ =	sdelay $0x1  }
0x6cb: {  	[tilespmem:s9+$0xFFFFFFF0] =	vst v8  }
0x6cc: {  	v8 =	vld.idx.msk [tilespmem:v9+s20+$0x0], $0xffff;
	_ =	sdelay $0x2  }
0x6cd: {  	v63 =	vor.u32 v7, v33;
	_ =	sdelay $0x1  }
0x6ce: {  	v8 =	vadd.f32 v8, v15;
	_ =	sdelay $0x1  }
0x6cf: {  	[tilespmem:s9+$0x70] =	vst v8  }
0x6d0: {  	v8 =	vld.idx.msk [tilespmem:v63+s20+$0x0], $0xffff;
	_ =	sdelay $0x4  }
0x6d1: {  	v8 =	vadd.f32 v8, v16;
	_ =	sdelay $0x1  }
0x6d2: {  	[tilespmem:s9+$0xF0] =	vst v8  }
0x6d3: {  	v8 =	vld [tilespmem:s30+$0x180];
	_ =	sdelay $0x4  }
0x6d4: {  	[tilespmem:$0x6480] =	vst v8  }
0x6d5: {  	v8 =	vld [tilespmem:s30+$0x190];
	_ =	sdelay $0x4  }
0x6d6: {  	[tilespmem:$0x6490] =	vst v8  }
0x6d7: {  	v8 =	vld [tilespmem:s30+$0x1A0];
	_ =	sdelay $0x4  }
0x6d8: {  	[tilespmem:$0x64A0] =	vst v8  }
0x6d9: {  	v8 =	vld [tilespmem:s30+$0x1B0];
	_ =	sdelay $0x4  }
0x6da: {  	[tilespmem:$0x64B0] =	vst v8  }
0x6db: {  	v8 =	vld [tilespmem:s30+$0x1C0];
	_ =	sdelay $0x4  }
0x6dc: {  	[tilespmem:$0x64C0] =	vst v8  }
0x6dd: {  	v8 =	vld [tilespmem:s30+$0x1D0];
	_ =	sdelay $0x4  }
0x6de: {  	[tilespmem:$0x64D0] =	vst v8  }
0x6df: {  	v8 =	vld [tilespmem:s30+$0x1E0];
	_ =	sdelay $0x4  }
0x6e0: {  	[tilespmem:$0x64E0] =	vst v8  }
0x6e1: {  	v8 =	vld [tilespmem:s30+$0x1F0];
	_ =	sdelay $0x1  }
0x6e2: {  	s29 =	sadd.s32 $0x1, s29  }
0x6e3: {  	s31 =	sshll.u32 s31, $0x12;
	p0 =	sne.s32 s29, $0x63  }
.Ltmp4:
0x6e4: {  	s0 =	sor.u32 s4, s31;
	(pc) =	sbr.rel @p0 .LBB2_6-.Ltmp4, $4  }
0x6e5: {  	s0 =	sshrl.u32 s0, $0x3;
	[tilespmem:$0x64F0] =	vst v8  }
0x6e6: {  	[tilespmem:s20], [sflag:$0x2] =	stream.indirect.gather [hbm4b:s3+s13], $0x40, s19, s13, $0xb8;
	[tilespmem:$0x11700] =	vst v63  }
0x6e7: {  	s0 =	sadd.s32 s5, s0  }
0x6e8: {  	[hbm4b:s0+s13] =	stream.strided.scatter [tilespmem:s24], [sflag:$0x4], $0x2000, s14, s13, $0x38;
	[tilespmem:$0x11700] =	vst v63  }
0x6e9: {  	s0 =	simm.s32 $0x0  }
0x6ea: {  	v8 =	vmov s0  }
0x6eb: {  	v8 =	vand.u32 $0x3C, v8  }
0x6ec: {  	v9 =	vbroadcast v8, $0x0  }
0x6ed: {  	_ =	swait.ge [sflag:s21], $0x2000  }
0x6ee: {  	[sflag:s21] =	ssyncset.done $0x0;
	v8 =	vor.u32 $0x3180, v9  }
0x6ef: {  	s1 =	simm.s32 $0x1;
	[sflag:s21] =	ssyncadd.s32 $0xFFFFE000;
	v12 =	vor.u32 v0, v9  }
0x6f0: {  	s30 =	simm.s32 $0x2;
	v13 =	vmov s1;
	_ =	swait.ge [sflag:s25], $0x2000  }
0x6f1: {  	s31 =	simm.s32 $0x3;
	v10 =	vmov s30;
	v13 =	vand.u32 $0x3D, v13;
	[sflag:s25] =	ssyncset.done $0x0  }
0x6f2: {  	v11 =	vmov s31;
	v10 =	vand.u32 $0x3E, v10;
	v13 =	vbroadcast v13, $0x0;
	[sflag:s25] =	ssyncadd.s32 $0xFFFFE000  }
0x6f3: {  	v11 =	vand.u32 $0x3F, v11;
	v10 =	vbroadcast v10, $0x0;
	v14 =	vld.idx.msk [tilespmem:v8+s16+$0x0], $0xffff  }
0x6f4: {  	v11 =	vbroadcast v11, $0x0;
	v16 =	vor.u32 $0x3180, v13;
	v12 =	vld.idx.msk [tilespmem:v12+s18+$0x0], $0xffff  }
0x6f5: {  	v8 =	vor.u32 $0x3180, v10  }
0x6f6: {  	v15 =	vor.u32 $0x3180, v11  }
0x6f7: {  	v17 =	vor.u32 v0, v13;
	_ =	sdelay $0x1  }
0x6f8: {  	v36 =	vld.idx.msk [tilespmem:v16+s16+$0x0], $0xffff;
	v12 =	vadd.f32 v12, v14  }
0x6f9: {  	s0 =	simm.s32 $0xA600;
	v18 =	vld.idx.msk [tilespmem:v8+s16+$0x0], $0xffff  }
0x6fa: {  	v8 =	vld.idx.msk [tilespmem:v15+s16+$0x0], $0xffff;
	[tilespmem:s0+$0xFFFFFF00] =	vst v12  }
0x6fb: {  	v12 =	vld.idx.msk [tilespmem:v17+s18+$0x0], $0xffff;
	_ =	sdelay $0x2  }
0x6fc: {  	v37 =	vor.u32 v0, v10;
	_ =	sdelay $0x1  }
0x6fd: {  	v12 =	vadd.f32 v12, v36;
	_ =	sdelay $0x1  }
0x6fe: {  	[tilespmem:s0+$0xFFFFFF80] =	vst v12  }
0x6ff: {  	v12 =	vld.idx.msk [tilespmem:v37+s18+$0x0], $0xffff;
	_ =	sdelay $0x2  }
0x700: {  	v38 =	vor.u32 v0, v11;
	_ =	sdelay $0x1  }
0x701: {  	v12 =	vadd.f32 v12, v18;
	_ =	sdelay $0x1  }
0x702: {  	[tilespmem:s0+$0x0] =	vst v12  }
0x703: {  	v12 =	vld.idx.msk [tilespmem:v38+s18+$0x0], $0xffff;
	_ =	sdelay $0x2  }
0x704: {  	v39 =	vor.u32 v1, v9;
	_ =	sdelay $0x1  }
0x705: {  	v12 =	vadd.f32 v12, v8;
	_ =	sdelay $0x1  }
0x706: {  	[tilespmem:s0+$0x80] =	vst v12  }
0x707: {  	v12 =	vld.idx.msk [tilespmem:v39+s18+$0x0], $0xffff;
	_ =	sdelay $0x2  }
0x708: {  	v40 =	vor.u32 v1, v13;
	_ =	sdelay $0x1  }
0x709: {  	v12 =	vadd.f32 v12, v14;
	_ =	sdelay $0x1  }
0x70a: {  	[tilespmem:s0+$0xFFFFFF10] =	vst v12  }
0x70b: {  	v12 =	vld.idx.msk [tilespmem:v40+s18+$0x0], $0xffff;
	_ =	sdelay $0x2  }
0x70c: {  	v41 =	vor.u32 v1, v10;
	_ =	sdelay $0x1  }
0x70d: {  	v12 =	vadd.f32 v12, v36;
	_ =	sdelay $0x1  }
0x70e: {  	[tilespmem:s0+$0xFFFFFF90] =	vst v12  }
0x70f: {  	v12 =	vld.idx.msk [tilespmem:v41+s18+$0x0], $0xffff;
	_ =	sdelay $0x2  }
0x710: {  	v42 =	vor.u32 v1, v11;
	_ =	sdelay $0x1  }
0x711: {  	v12 =	vadd.f32 v12, v18;
	_ =	sdelay $0x1  }
0x712: {  	[tilespmem:s0+$0x10] =	vst v12  }
0x713: {  	v12 =	vld.idx.msk [tilespmem:v42+s18+$0x0], $0xffff;
	_ =	sdelay $0x2  }
0x714: {  	v43 =	vor.u32 v2, v9;
	_ =	sdelay $0x1  }
0x715: {  	v12 =	vadd.f32 v12, v8;
	_ =	sdelay $0x1  }
0x716: {  	[tilespmem:s0+$0x90] =	vst v12  }
0x717: {  	v12 =	vld.idx.msk [tilespmem:v43+s18+$0x0], $0xffff;
	_ =	sdelay $0x2  }
0x718: {  	v44 =	vor.u32 v2, v13;
	_ =	sdelay $0x1  }
0x719: {  	v12 =	vadd.f32 v12, v14;
	_ =	sdelay $0x1  }
0x71a: {  	[tilespmem:s0+$0xFFFFFF20] =	vst v12  }
0x71b: {  	v12 =	vld.idx.msk [tilespmem:v44+s18+$0x0], $0xffff;
	_ =	sdelay $0x2  }
0x71c: {  	v45 =	vor.u32 v2, v10;
	_ =	sdelay $0x1  }
0x71d: {  	v12 =	vadd.f32 v12, v36;
	_ =	sdelay $0x1  }
0x71e: {  	[tilespmem:s0+$0xFFFFFFA0] =	vst v12  }
0x71f: {  	v12 =	vld.idx.msk [tilespmem:v45+s18+$0x0], $0xffff;
	_ =	sdelay $0x2  }
0x720: {  	v46 =	vor.u32 v2, v11;
	_ =	sdelay $0x1  }
0x721: {  	v12 =	vadd.f32 v12, v18;
	_ =	sdelay $0x1  }
0x722: {  	[tilespmem:s0+$0x20] =	vst v12  }
0x723: {  	v12 =	vld.idx.msk [tilespmem:v46+s18+$0x0], $0xffff;
	_ =	sdelay $0x2  }
0x724: {  	v47 =	vor.u32 v3, v9;
	_ =	sdelay $0x1  }
0x725: {  	v12 =	vadd.f32 v12, v8;
	_ =	sdelay $0x1  }
0x726: {  	[tilespmem:s0+$0xA0] =	vst v12  }
0x727: {  	v12 =	vld.idx.msk [tilespmem:v47+s18+$0x0], $0xffff;
	_ =	sdelay $0x2  }
0x728: {  	v48 =	vor.u32 v3, v13;
	_ =	sdelay $0x1  }
0x729: {  	v12 =	vadd.f32 v12, v14;
	_ =	sdelay $0x1  }
0x72a: {  	[tilespmem:s0+$0xFFFFFF30] =	vst v12  }
0x72b: {  	v12 =	vld.idx.msk [tilespmem:v48+s18+$0x0], $0xffff;
	_ =	sdelay $0x2  }
0x72c: {  	v49 =	vor.u32 v3, v10;
	_ =	sdelay $0x1  }
0x72d: {  	v12 =	vadd.f32 v12, v36;
	_ =	sdelay $0x1  }
0x72e: {  	[tilespmem:s0+$0xFFFFFFB0] =	vst v12  }
0x72f: {  	v12 =	vld.idx.msk [tilespmem:v49+s18+$0x0], $0xffff;
	_ =	sdelay $0x2  }
0x730: {  	v50 =	vor.u32 v3, v11;
	_ =	sdelay $0x1  }
0x731: {  	v12 =	vadd.f32 v12, v18;
	_ =	sdelay $0x1  }
0x732: {  	[tilespmem:s0+$0x30] =	vst v12  }
0x733: {  	v12 =	vld.idx.msk [tilespmem:v50+s18+$0x0], $0xffff;
	_ =	sdelay $0x2  }
0x734: {  	v51 =	vor.u32 v4, v9;
	_ =	sdelay $0x1  }
0x735: {  	v12 =	vadd.f32 v12, v8;
	_ =	sdelay $0x1  }
0x736: {  	[tilespmem:s0+$0xB0] =	vst v12  }
0x737: {  	v12 =	vld.idx.msk [tilespmem:v51+s18+$0x0], $0xffff;
	_ =	sdelay $0x2  }
0x738: {  	v52 =	vor.u32 v4, v13;
	_ =	sdelay $0x1  }
0x739: {  	v12 =	vadd.f32 v12, v14;
	_ =	sdelay $0x1  }
0x73a: {  	[tilespmem:s0+$0xFFFFFF40] =	vst v12  }
0x73b: {  	v12 =	vld.idx.msk [tilespmem:v52+s18+$0x0], $0xffff;
	_ =	sdelay $0x2  }
0x73c: {  	v53 =	vor.u32 v4, v10;
	_ =	sdelay $0x1  }
0x73d: {  	v12 =	vadd.f32 v12, v36;
	_ =	sdelay $0x1  }
0x73e: {  	[tilespmem:s0+$0xFFFFFFC0] =	vst v12  }
0x73f: {  	v12 =	vld.idx.msk [tilespmem:v53+s18+$0x0], $0xffff;
	_ =	sdelay $0x2  }
0x740: {  	v54 =	vor.u32 v4, v11;
	_ =	sdelay $0x1  }
0x741: {  	v12 =	vadd.f32 v12, v18;
	_ =	sdelay $0x1  }
0x742: {  	[tilespmem:s0+$0x40] =	vst v12  }
0x743: {  	v12 =	vld.idx.msk [tilespmem:v54+s18+$0x0], $0xffff;
	_ =	sdelay $0x2  }
0x744: {  	v55 =	vor.u32 v5, v9;
	_ =	sdelay $0x1  }
0x745: {  	v12 =	vadd.f32 v12, v8;
	_ =	sdelay $0x1  }
0x746: {  	[tilespmem:s0+$0xC0] =	vst v12  }
0x747: {  	v12 =	vld.idx.msk [tilespmem:v55+s18+$0x0], $0xffff;
	_ =	sdelay $0x2  }
0x748: {  	v56 =	vor.u32 v5, v13;
	_ =	sdelay $0x1  }
0x749: {  	v12 =	vadd.f32 v12, v14;
	_ =	sdelay $0x1  }
0x74a: {  	[tilespmem:s0+$0xFFFFFF50] =	vst v12  }
0x74b: {  	v12 =	vld.idx.msk [tilespmem:v56+s18+$0x0], $0xffff;
	_ =	sdelay $0x2  }
0x74c: {  	v57 =	vor.u32 v5, v10;
	_ =	sdelay $0x1  }
0x74d: {  	v12 =	vadd.f32 v12, v36;
	_ =	sdelay $0x1  }
0x74e: {  	[tilespmem:s0+$0xFFFFFFD0] =	vst v12  }
0x74f: {  	v12 =	vld.idx.msk [tilespmem:v57+s18+$0x0], $0xffff;
	_ =	sdelay $0x2  }
0x750: {  	v58 =	vor.u32 v5, v11;
	_ =	sdelay $0x1  }
0x751: {  	v12 =	vadd.f32 v12, v18;
	_ =	sdelay $0x1  }
0x752: {  	[tilespmem:s0+$0x50] =	vst v12  }
0x753: {  	v12 =	vld.idx.msk [tilespmem:v58+s18+$0x0], $0xffff;
	_ =	sdelay $0x2  }
0x754: {  	v59 =	vor.u32 v6, v9;
	_ =	sdelay $0x1  }
0x755: {  	v12 =	vadd.f32 v12, v8;
	_ =	sdelay $0x1  }
0x756: {  	[tilespmem:s0+$0xD0] =	vst v12  }
0x757: {  	v12 =	vld.idx.msk [tilespmem:v59+s18+$0x0], $0xffff;
	_ =	sdelay $0x2  }
0x758: {  	v60 =	vor.u32 v6, v13;
	_ =	sdelay $0x1  }
0x759: {  	v12 =	vadd.f32 v12, v14;
	_ =	sdelay $0x1  }
0x75a: {  	[tilespmem:s0+$0xFFFFFF60] =	vst v12  }
0x75b: {  	v12 =	vld.idx.msk [tilespmem:v60+s18+$0x0], $0xffff;
	_ =	sdelay $0x2  }
0x75c: {  	v61 =	vor.u32 v6, v10;
	_ =	sdelay $0x1  }
0x75d: {  	v12 =	vadd.f32 v12, v36;
	_ =	sdelay $0x1  }
0x75e: {  	[tilespmem:s0+$0xFFFFFFE0] =	vst v12  }
0x75f: {  	v12 =	vld.idx.msk [tilespmem:v61+s18+$0x0], $0xffff;
	_ =	sdelay $0x2  }
0x760: {  	v62 =	vor.u32 v6, v11;
	_ =	sdelay $0x1  }
0x761: {  	v12 =	vadd.f32 v12, v18;
	_ =	sdelay $0x1  }
0x762: {  	[tilespmem:s0+$0x60] =	vst v12  }
0x763: {  	v12 =	vld.idx.msk [tilespmem:v62+s18+$0x0], $0xffff;
	_ =	sdelay $0x2  }
0x764: {  	v9 =	vor.u32 v7, v9;
	_ =	sdelay $0x1  }
0x765: {  	v12 =	vadd.f32 v12, v8;
	_ =	sdelay $0x1  }
0x766: {  	[tilespmem:s0+$0xE0] =	vst v12  }
0x767: {  	v9 =	vld.idx.msk [tilespmem:v9+s18+$0x0], $0xffff;
	_ =	sdelay $0x2  }
0x768: {  	v63 =	vor.u32 v7, v13;
	_ =	sdelay $0x1  }
0x769: {  	v9 =	vadd.f32 v9, v14;
	_ =	sdelay $0x1  }
0x76a: {  	[tilespmem:s0+$0xFFFFFF70] =	vst v9  }
0x76b: {  	v9 =	vld.idx.msk [tilespmem:v63+s18+$0x0], $0xffff;
	_ =	sdelay $0x2  }
0x76c: {  	v10 =	vor.u32 v7, v10;
	_ =	sdelay $0x1  }
0x76d: {  	v9 =	vadd.f32 v9, v36;
	_ =	sdelay $0x1  }
0x76e: {  	[tilespmem:s0+$0xFFFFFFF0] =	vst v9  }
0x76f: {  	v9 =	vld.idx.msk [tilespmem:v10+s18+$0x0], $0xffff;
	_ =	sdelay $0x2  }
0x770: {  	v10 =	vor.u32 v7, v11;
	_ =	sdelay $0x1  }
0x771: {  	v9 =	vadd.f32 v9, v18  }
0x772: {  	s1 =	simm.s32 $0x4  }
0x773: {  	[tilespmem:s0+$0x70] =	vst v9;
	v9 =	vmov s1  }
0x774: {  	s6 =	simm.s32 $0x8;
	v10 =	vld.idx.msk [tilespmem:v10+s18+$0x0], $0xffff;
	v9 =	vand.u32 $0x3C, v9  }
.LBB2_12:
0x775: {  	p0 =	sne.s32 s6, $0x3C;
	v12 =	vbroadcast v9, $0x0;
	_ =	sdelay $0x1  }
0x776: {  	v9 =	vor.u32 $0x3180, v12  }
0x777: {  	v11 =	vor.u32 v0, v12  }
0x778: {  	s8 =	sadd.s32 $0x2, s1;
	v8 =	vadd.f32 v10, v8  }
0x779: {  	v10 =	vmov s8;
	s8 =	sadd.s32 $0x3, s1  }
0x77a: {  	s9 =	sadd.s32 $0x1, s1;
	s1 =	smov.u32 s6;
	v10 =	vand.u32 $0x3E, v10;
	v14 =	vmov s8;
	[tilespmem:s0+$0xF0] =	vst v8  }
0x77b: {  	v10 =	vbroadcast v10, $0x0;
	v8 =	vmov s9;
	v13 =	vld.idx.msk [tilespmem:v9+s16+$0x0], $0xffff;
	v9 =	vand.u32 $0x3F, v14  }
0x77c: {  	v8 =	vand.u32 $0x3D, v8;
	v16 =	vbroadcast v9, $0x0;
	v15 =	vld.idx.msk [tilespmem:v11+s18+$0x0], $0xffff  }
0x77d: {  	v14 =	vbroadcast v8, $0x0;
	v8 =	vor.u32 $0x3180, v10  }
0x77e: {  	v17 =	vor.u32 $0x3180, v16;
	v9 =	vor.u32 v7, v16  }
0x77f: {  	v18 =	vor.u32 $0x3180, v14  }
0x780: {  	v19 =	vor.u32 v0, v14;
	_ =	sdelay $0x1  }
0x781: {  	v20 =	vadd.f32 v15, v13;
	v11 =	vld.idx.msk [tilespmem:v8+s16+$0x0], $0xffff  }
0x782: {  	s0 =	sadd.s32 $0x200, s0;
	v8 =	vld.idx.msk [tilespmem:v17+s16+$0x0], $0xffff  }
0x783: {  	v15 =	vld.idx.msk [tilespmem:v18+s16+$0x0], $0xffff;
	[tilespmem:s0+$0xFFFFFF00] =	vst v20  }
0x784: {  	v17 =	vld.idx.msk [tilespmem:v19+s18+$0x0], $0xffff;
	_ =	sdelay $0x3  }
0x785: {  	v18 =	vor.u32 v0, v10;
	_ =	sdelay $0x1  }
0x786: {  	v17 =	vadd.f32 v17, v15;
	_ =	sdelay $0x1  }
0x787: {  	[tilespmem:s0+$0xFFFFFF80] =	vst v17  }
0x788: {  	v17 =	vld.idx.msk [tilespmem:v18+s18+$0x0], $0xffff;
	_ =	sdelay $0x3  }
0x789: {  	v18 =	vor.u32 v0, v16;
	_ =	sdelay $0x1  }
0x78a: {  	v17 =	vadd.f32 v17, v11;
	_ =	sdelay $0x1  }
0x78b: {  	[tilespmem:s0+$0x0] =	vst v17  }
0x78c: {  	v17 =	vld.idx.msk [tilespmem:v18+s18+$0x0], $0xffff;
	_ =	sdelay $0x3  }
0x78d: {  	v18 =	vor.u32 v1, v12;
	_ =	sdelay $0x1  }
0x78e: {  	v17 =	vadd.f32 v17, v8;
	_ =	sdelay $0x1  }
0x78f: {  	[tilespmem:s0+$0x80] =	vst v17  }
0x790: {  	v17 =	vld.idx.msk [tilespmem:v18+s18+$0x0], $0xffff;
	_ =	sdelay $0x3  }
0x791: {  	v18 =	vor.u32 v1, v14;
	_ =	sdelay $0x1  }
0x792: {  	v17 =	vadd.f32 v17, v13;
	_ =	sdelay $0x1  }
0x793: {  	[tilespmem:s0+$0xFFFFFF10] =	vst v17  }
0x794: {  	v17 =	vld.idx.msk [tilespmem:v18+s18+$0x0], $0xffff;
	_ =	sdelay $0x3  }
0x795: {  	v18 =	vor.u32 v1, v10;
	_ =	sdelay $0x1  }
0x796: {  	v17 =	vadd.f32 v17, v15;
	_ =	sdelay $0x1  }
0x797: {  	[tilespmem:s0+$0xFFFFFF90] =	vst v17  }
0x798: {  	v17 =	vld.idx.msk [tilespmem:v18+s18+$0x0], $0xffff;
	_ =	sdelay $0x3  }
0x799: {  	v18 =	vor.u32 v1, v16;
	_ =	sdelay $0x1  }
0x79a: {  	v17 =	vadd.f32 v17, v11;
	_ =	sdelay $0x1  }
0x79b: {  	[tilespmem:s0+$0x10] =	vst v17  }
0x79c: {  	v17 =	vld.idx.msk [tilespmem:v18+s18+$0x0], $0xffff;
	_ =	sdelay $0x3  }
0x79d: {  	v18 =	vor.u32 v2, v12;
	_ =	sdelay $0x1  }
0x79e: {  	v17 =	vadd.f32 v17, v8;
	_ =	sdelay $0x1  }
0x79f: {  	[tilespmem:s0+$0x90] =	vst v17  }
0x7a0: {  	v17 =	vld.idx.msk [tilespmem:v18+s18+$0x0], $0xffff;
	_ =	sdelay $0x3  }
0x7a1: {  	v18 =	vor.u32 v2, v14;
	_ =	sdelay $0x1  }
0x7a2: {  	v17 =	vadd.f32 v17, v13;
	_ =	sdelay $0x1  }
0x7a3: {  	[tilespmem:s0+$0xFFFFFF20] =	vst v17  }
0x7a4: {  	v17 =	vld.idx.msk [tilespmem:v18+s18+$0x0], $0xffff;
	_ =	sdelay $0x3  }
0x7a5: {  	v18 =	vor.u32 v2, v10;
	_ =	sdelay $0x1  }
0x7a6: {  	v17 =	vadd.f32 v17, v15;
	_ =	sdelay $0x1  }
0x7a7: {  	[tilespmem:s0+$0xFFFFFFA0] =	vst v17  }
0x7a8: {  	v17 =	vld.idx.msk [tilespmem:v18+s18+$0x0], $0xffff;
	_ =	sdelay $0x3  }
0x7a9: {  	v18 =	vor.u32 v2, v16;
	_ =	sdelay $0x1  }
0x7aa: {  	v17 =	vadd.f32 v17, v11;
	_ =	sdelay $0x1  }
0x7ab: {  	[tilespmem:s0+$0x20] =	vst v17  }
0x7ac: {  	v17 =	vld.idx.msk [tilespmem:v18+s18+$0x0], $0xffff;
	_ =	sdelay $0x3  }
0x7ad: {  	v18 =	vor.u32 v3, v12;
	_ =	sdelay $0x1  }
0x7ae: {  	v17 =	vadd.f32 v17, v8;
	_ =	sdelay $0x1  }
0x7af: {  	[tilespmem:s0+$0xA0] =	vst v17  }
0x7b0: {  	v17 =	vld.idx.msk [tilespmem:v18+s18+$0x0], $0xffff;
	_ =	sdelay $0x3  }
0x7b1: {  	v18 =	vor.u32 v3, v14;
	_ =	sdelay $0x1  }
0x7b2: {  	v17 =	vadd.f32 v17, v13;
	_ =	sdelay $0x1  }
0x7b3: {  	[tilespmem:s0+$0xFFFFFF30] =	vst v17  }
0x7b4: {  	v17 =	vld.idx.msk [tilespmem:v18+s18+$0x0], $0xffff;
	_ =	sdelay $0x3  }
0x7b5: {  	v18 =	vor.u32 v3, v10;
	_ =	sdelay $0x1  }
0x7b6: {  	v17 =	vadd.f32 v17, v15;
	_ =	sdelay $0x1  }
0x7b7: {  	[tilespmem:s0+$0xFFFFFFB0] =	vst v17  }
0x7b8: {  	v17 =	vld.idx.msk [tilespmem:v18+s18+$0x0], $0xffff;
	_ =	sdelay $0x3  }
0x7b9: {  	v18 =	vor.u32 v3, v16;
	_ =	sdelay $0x1  }
0x7ba: {  	v17 =	vadd.f32 v17, v11;
	_ =	sdelay $0x1  }
0x7bb: {  	[tilespmem:s0+$0x30] =	vst v17  }
0x7bc: {  	v17 =	vld.idx.msk [tilespmem:v18+s18+$0x0], $0xffff;
	_ =	sdelay $0x3  }
0x7bd: {  	v18 =	vor.u32 v4, v12;
	_ =	sdelay $0x1  }
0x7be: {  	v17 =	vadd.f32 v17, v8;
	_ =	sdelay $0x1  }
0x7bf: {  	[tilespmem:s0+$0xB0] =	vst v17  }
0x7c0: {  	v17 =	vld.idx.msk [tilespmem:v18+s18+$0x0], $0xffff;
	_ =	sdelay $0x3  }
0x7c1: {  	v18 =	vor.u32 v4, v14;
	_ =	sdelay $0x1  }
0x7c2: {  	v17 =	vadd.f32 v17, v13;
	_ =	sdelay $0x1  }
0x7c3: {  	[tilespmem:s0+$0xFFFFFF40] =	vst v17  }
0x7c4: {  	v17 =	vld.idx.msk [tilespmem:v18+s18+$0x0], $0xffff;
	_ =	sdelay $0x3  }
0x7c5: {  	v18 =	vor.u32 v4, v10;
	_ =	sdelay $0x1  }
0x7c6: {  	v17 =	vadd.f32 v17, v15;
	_ =	sdelay $0x1  }
0x7c7: {  	[tilespmem:s0+$0xFFFFFFC0] =	vst v17  }
0x7c8: {  	v17 =	vld.idx.msk [tilespmem:v18+s18+$0x0], $0xffff;
	_ =	sdelay $0x3  }
0x7c9: {  	v18 =	vor.u32 v4, v16;
	_ =	sdelay $0x1  }
0x7ca: {  	v17 =	vadd.f32 v17, v11;
	_ =	sdelay $0x1  }
0x7cb: {  	[tilespmem:s0+$0x40] =	vst v17  }
0x7cc: {  	v17 =	vld.idx.msk [tilespmem:v18+s18+$0x0], $0xffff;
	_ =	sdelay $0x3  }
0x7cd: {  	v18 =	vor.u32 v5, v12;
	_ =	sdelay $0x1  }
0x7ce: {  	v17 =	vadd.f32 v17, v8;
	_ =	sdelay $0x1  }
0x7cf: {  	[tilespmem:s0+$0xC0] =	vst v17  }
0x7d0: {  	v17 =	vld.idx.msk [tilespmem:v18+s18+$0x0], $0xffff;
	_ =	sdelay $0x3  }
0x7d1: {  	v18 =	vor.u32 v5, v14;
	_ =	sdelay $0x1  }
0x7d2: {  	v17 =	vadd.f32 v17, v13;
	_ =	sdelay $0x1  }
0x7d3: {  	[tilespmem:s0+$0xFFFFFF50] =	vst v17  }
0x7d4: {  	v17 =	vld.idx.msk [tilespmem:v18+s18+$0x0], $0xffff;
	_ =	sdelay $0x3  }
0x7d5: {  	v18 =	vor.u32 v5, v10;
	_ =	sdelay $0x1  }
0x7d6: {  	v17 =	vadd.f32 v17, v15;
	_ =	sdelay $0x1  }
0x7d7: {  	[tilespmem:s0+$0xFFFFFFD0] =	vst v17  }
0x7d8: {  	v17 =	vld.idx.msk [tilespmem:v18+s18+$0x0], $0xffff;
	_ =	sdelay $0x3  }
0x7d9: {  	v18 =	vor.u32 v5, v16;
	_ =	sdelay $0x1  }
0x7da: {  	v17 =	vadd.f32 v17, v11;
	_ =	sdelay $0x1  }
0x7db: {  	[tilespmem:s0+$0x50] =	vst v17  }
0x7dc: {  	v17 =	vld.idx.msk [tilespmem:v18+s18+$0x0], $0xffff;
	_ =	sdelay $0x3  }
0x7dd: {  	v18 =	vor.u32 v6, v12;
	_ =	sdelay $0x1  }
0x7de: {  	v17 =	vadd.f32 v17, v8;
	_ =	sdelay $0x1  }
0x7df: {  	[tilespmem:s0+$0xD0] =	vst v17  }
0x7e0: {  	v17 =	vld.idx.msk [tilespmem:v18+s18+$0x0], $0xffff;
	_ =	sdelay $0x3  }
0x7e1: {  	v18 =	vor.u32 v6, v14;
	_ =	sdelay $0x1  }
0x7e2: {  	v17 =	vadd.f32 v17, v13;
	_ =	sdelay $0x1  }
0x7e3: {  	[tilespmem:s0+$0xFFFFFF60] =	vst v17  }
0x7e4: {  	v17 =	vld.idx.msk [tilespmem:v18+s18+$0x0], $0xffff;
	_ =	sdelay $0x3  }
0x7e5: {  	v18 =	vor.u32 v6, v10;
	_ =	sdelay $0x1  }
0x7e6: {  	v17 =	vadd.f32 v17, v15;
	_ =	sdelay $0x1  }
0x7e7: {  	[tilespmem:s0+$0xFFFFFFE0] =	vst v17  }
0x7e8: {  	v17 =	vld.idx.msk [tilespmem:v18+s18+$0x0], $0xffff;
	_ =	sdelay $0x3  }
0x7e9: {  	v16 =	vor.u32 v6, v16;
	_ =	sdelay $0x1  }
0x7ea: {  	v17 =	vadd.f32 v17, v11;
	_ =	sdelay $0x1  }
0x7eb: {  	[tilespmem:s0+$0x60] =	vst v17  }
0x7ec: {  	v16 =	vld.idx.msk [tilespmem:v16+s18+$0x0], $0xffff;
	_ =	sdelay $0x3  }
0x7ed: {  	v12 =	vor.u32 v7, v12;
	_ =	sdelay $0x1  }
0x7ee: {  	v16 =	vadd.f32 v16, v8;
	_ =	sdelay $0x1  }
0x7ef: {  	[tilespmem:s0+$0xE0] =	vst v16  }
0x7f0: {  	v12 =	vld.idx.msk [tilespmem:v12+s18+$0x0], $0xffff;
	_ =	sdelay $0x3  }
0x7f1: {  	v14 =	vor.u32 v7, v14;
	_ =	sdelay $0x1  }
0x7f2: {  	v12 =	vadd.f32 v12, v13;
	_ =	sdelay $0x1  }
0x7f3: {  	[tilespmem:s0+$0xFFFFFF70] =	vst v12  }
0x7f4: {  	v12 =	vld.idx.msk [tilespmem:v14+s18+$0x0], $0xffff;
	_ =	sdelay $0x3  }
0x7f5: {  	v10 =	vor.u32 v7, v10;
	_ =	sdelay $0x1  }
0x7f6: {  	v12 =	vadd.f32 v12, v15;
	_ =	sdelay $0x1  }
0x7f7: {  	[tilespmem:s0+$0xFFFFFFF0] =	vst v12  }
0x7f8: {  	v10 =	vld.idx.msk [tilespmem:v10+s18+$0x0], $0xffff;
	_ =	sdelay $0x5  }
.Ltmp5:
0x7f9: {  	v10 =	vadd.f32 v10, v11;
	(pc) =	sbr.rel @p0 .LBB2_12-.Ltmp5, $4  }
0x7fa: {  	_ = 	snop  }
0x7fb: {  	[tilespmem:s0+$0x70] =	vst v10  }
0x7fc: {  	v11 =	vmov s6;
	v10 =	vld.idx.msk [tilespmem:v9+s18+$0x0], $0xffff  }
0x7fd: {  	s6 =	sadd.s32 $0x4, s6;
	v9 =	vand.u32 $0x3C, v11  }
0x7fe: {  	v9 =	vbroadcast v9, $0x0;
	_ =	sdelay $0x1  }
0x7ff: {  	v11 =	vor.u32 $0x3180, v9  }
0x800: {  	s31 =	sadd.s32 $0x1, s1;
	v12 =	vor.u32 v0, v9  }
0x801: {  	s6 =	sadd.s32 $0x2, s1;
	v14 =	vmov s31;
	v10 =	vadd.f32 v10, v8  }
0x802: {  	s30 =	sadd.s32 $0x3, s1;
	v13 =	vmov s6;
	v14 =	vand.u32 $0x3D, v14  }
0x803: {  	v44 =	vmov s30;
	v8 =	vand.u32 $0x3E, v13;
	v45 =	vbroadcast v14, $0x0;
	[tilespmem:s0+$0xF0] =	vst v10  }
0x804: {  	v13 =	vand.u32 $0x3F, v44;
	v8 =	vbroadcast v8, $0x0;
	v11 =	vld.idx.msk [tilespmem:v11+s16+$0x0], $0xffff  }
0x805: {  	v10 =	vbroadcast v13, $0x0;
	v16 =	vor.u32 $0x3180, v45;
	v12 =	vld.idx.msk [tilespmem:v12+s18+$0x0], $0xffff  }
0x806: {  	v46 =	vor.u32 $0x3180, v8  }
0x807: {  	v15 =	vor.u32 $0x3180, v10  }
0x808: {  	v17 =	vor.u32 v0, v45;
	_ =	sdelay $0x1  }
0x809: {  	v16 =	vld.idx.msk [tilespmem:v16+s16+$0x0], $0xffff;
	v12 =	vadd.f32 v12, v11  }
0x80a: {  	s8 =	sadd.s32 $0x200, s0;
	v14 =	vld.idx.msk [tilespmem:v46+s16+$0x0], $0xffff  }
0x80b: {  	v15 =	vld.idx.msk [tilespmem:v15+s16+$0x0], $0xffff;
	[tilespmem:s8+$0xFFFFFF00] =	vst v12  }
0x80c: {  	v12 =	vld.idx.msk [tilespmem:v17+s18+$0x0], $0xffff;
	_ =	sdelay $0x2  }
0x80d: {  	v47 =	vor.u32 v0, v8;
	_ =	sdelay $0x1  }
0x80e: {  	v12 =	vadd.f32 v12, v16;
	_ =	sdelay $0x1  }
0x80f: {  	[tilespmem:s8+$0xFFFFFF80] =	vst v12  }
0x810: {  	v12 =	vld.idx.msk [tilespmem:v47+s18+$0x0], $0xffff;
	_ =	sdelay $0x2  }
0x811: {  	v48 =	vor.u32 v0, v10;
	_ =	sdelay $0x1  }
0x812: {  	v12 =	vadd.f32 v12, v14;
	_ =	sdelay $0x1  }
0x813: {  	[tilespmem:s8+$0x0] =	vst v12  }
0x814: {  	v12 =	vld.idx.msk [tilespmem:v48+s18+$0x0], $0xffff;
	_ =	sdelay $0x2  }
0x815: {  	v49 =	vor.u32 v1, v9;
	_ =	sdelay $0x1  }
0x816: {  	v12 =	vadd.f32 v12, v15;
	_ =	sdelay $0x1  }
0x817: {  	[tilespmem:s8+$0x80] =	vst v12  }
0x818: {  	v12 =	vld.idx.msk [tilespmem:v49+s18+$0x0], $0xffff;
	_ =	sdelay $0x2  }
0x819: {  	v50 =	vor.u32 v1, v45;
	_ =	sdelay $0x1  }
0x81a: {  	v12 =	vadd.f32 v12, v11;
	_ =	sdelay $0x1  }
0x81b: {  	[tilespmem:s8+$0xFFFFFF10] =	vst v12  }
0x81c: {  	v12 =	vld.idx.msk [tilespmem:v50+s18+$0x0], $0xffff;
	_ =	sdelay $0x2  }
0x81d: {  	v51 =	vor.u32 v1, v8;
	_ =	sdelay $0x1  }
0x81e: {  	v12 =	vadd.f32 v12, v16;
	_ =	sdelay $0x1  }
0x81f: {  	[tilespmem:s8+$0xFFFFFF90] =	vst v12  }
0x820: {  	v12 =	vld.idx.msk [tilespmem:v51+s18+$0x0], $0xffff;
	_ =	sdelay $0x2  }
0x821: {  	v52 =	vor.u32 v1, v10;
	_ =	sdelay $0x1  }
0x822: {  	v12 =	vadd.f32 v12, v14;
	_ =	sdelay $0x1  }
0x823: {  	[tilespmem:s8+$0x10] =	vst v12  }
0x824: {  	v12 =	vld.idx.msk [tilespmem:v52+s18+$0x0], $0xffff;
	_ =	sdelay $0x2  }
0x825: {  	v53 =	vor.u32 v2, v9;
	_ =	sdelay $0x1  }
0x826: {  	v12 =	vadd.f32 v12, v15;
	_ =	sdelay $0x1  }
0x827: {  	[tilespmem:s8+$0x90] =	vst v12  }
0x828: {  	v12 =	vld.idx.msk [tilespmem:v53+s18+$0x0], $0xffff;
	_ =	sdelay $0x2  }
0x829: {  	v54 =	vor.u32 v2, v45;
	_ =	sdelay $0x1  }
0x82a: {  	v12 =	vadd.f32 v12, v11;
	_ =	sdelay $0x1  }
0x82b: {  	[tilespmem:s8+$0xFFFFFF20] =	vst v12  }
0x82c: {  	v12 =	vld.idx.msk [tilespmem:v54+s18+$0x0], $0xffff;
	_ =	sdelay $0x2  }
0x82d: {  	v55 =	vor.u32 v2, v8;
	_ =	sdelay $0x1  }
0x82e: {  	v12 =	vadd.f32 v12, v16;
	_ =	sdelay $0x1  }
0x82f: {  	[tilespmem:s8+$0xFFFFFFA0] =	vst v12  }
0x830: {  	v12 =	vld.idx.msk [tilespmem:v55+s18+$0x0], $0xffff;
	_ =	sdelay $0x2  }
0x831: {  	v56 =	vor.u32 v2, v10;
	_ =	sdelay $0x1  }
0x832: {  	v12 =	vadd.f32 v12, v14;
	_ =	sdelay $0x1  }
0x833: {  	[tilespmem:s8+$0x20] =	vst v12  }
0x834: {  	v12 =	vld.idx.msk [tilespmem:v56+s18+$0x0], $0xffff;
	_ =	sdelay $0x2  }
0x835: {  	v57 =	vor.u32 v3, v9;
	_ =	sdelay $0x1  }
0x836: {  	v12 =	vadd.f32 v12, v15;
	_ =	sdelay $0x1  }
0x837: {  	[tilespmem:s8+$0xA0] =	vst v12  }
0x838: {  	v12 =	vld.idx.msk [tilespmem:v57+s18+$0x0], $0xffff;
	_ =	sdelay $0x2  }
0x839: {  	v58 =	vor.u32 v3, v45;
	_ =	sdelay $0x1  }
0x83a: {  	v12 =	vadd.f32 v12, v11;
	_ =	sdelay $0x1  }
0x83b: {  	[tilespmem:s8+$0xFFFFFF30] =	vst v12  }
0x83c: {  	v12 =	vld.idx.msk [tilespmem:v58+s18+$0x0], $0xffff;
	_ =	sdelay $0x2  }
0x83d: {  	v59 =	vor.u32 v3, v8;
	_ =	sdelay $0x1  }
0x83e: {  	v12 =	vadd.f32 v12, v16;
	_ =	sdelay $0x1  }
0x83f: {  	[tilespmem:s8+$0xFFFFFFB0] =	vst v12  }
0x840: {  	v12 =	vld.idx.msk [tilespmem:v59+s18+$0x0], $0xffff;
	_ =	sdelay $0x2  }
0x841: {  	v60 =	vor.u32 v3, v10;
	_ =	sdelay $0x1  }
0x842: {  	v12 =	vadd.f32 v12, v14;
	_ =	sdelay $0x1  }
0x843: {  	[tilespmem:s8+$0x30] =	vst v12  }
0x844: {  	v12 =	vld.idx.msk [tilespmem:v60+s18+$0x0], $0xffff;
	_ =	sdelay $0x2  }
0x845: {  	v61 =	vor.u32 v4, v9;
	_ =	sdelay $0x1  }
0x846: {  	v12 =	vadd.f32 v12, v15;
	_ =	sdelay $0x1  }
0x847: {  	[tilespmem:s8+$0xB0] =	vst v12  }
0x848: {  	v12 =	vld.idx.msk [tilespmem:v61+s18+$0x0], $0xffff;
	_ =	sdelay $0x2  }
0x849: {  	v62 =	vor.u32 v4, v45;
	_ =	sdelay $0x1  }
0x84a: {  	v12 =	vadd.f32 v12, v11;
	_ =	sdelay $0x1  }
0x84b: {  	[tilespmem:s8+$0xFFFFFF40] =	vst v12  }
0x84c: {  	v12 =	vld.idx.msk [tilespmem:v62+s18+$0x0], $0xffff;
	_ =	sdelay $0x2  }
0x84d: {  	v63 =	vor.u32 v4, v8;
	_ =	sdelay $0x1  }
0x84e: {  	v12 =	vadd.f32 v12, v16;
	_ =	sdelay $0x1  }
0x84f: {  	[tilespmem:s8+$0xFFFFFFC0] =	vst v12  }
0x850: {  	v12 =	vld.idx.msk [tilespmem:v63+s18+$0x0], $0xffff;
	_ =	sdelay $0x2  }
0x851: {  	v20 =	vor.u32 v4, v10;
	_ =	sdelay $0x1  }
0x852: {  	v12 =	vadd.f32 v12, v14;
	_ =	sdelay $0x1  }
0x853: {  	[tilespmem:s8+$0x40] =	vst v12  }
0x854: {  	v12 =	vld.idx.msk [tilespmem:v20+s18+$0x0], $0xffff;
	_ =	sdelay $0x2  }
0x855: {  	v21 =	vor.u32 v5, v9;
	_ =	sdelay $0x1  }
0x856: {  	v12 =	vadd.f32 v12, v15;
	_ =	sdelay $0x1  }
0x857: {  	[tilespmem:s8+$0xC0] =	vst v12  }
0x858: {  	v12 =	vld.idx.msk [tilespmem:v21+s18+$0x0], $0xffff;
	_ =	sdelay $0x2  }
0x859: {  	v22 =	vor.u32 v5, v45;
	_ =	sdelay $0x1  }
0x85a: {  	v12 =	vadd.f32 v12, v11;
	_ =	sdelay $0x1  }
0x85b: {  	[tilespmem:s8+$0xFFFFFF50] =	vst v12  }
0x85c: {  	v12 =	vld.idx.msk [tilespmem:v22+s18+$0x0], $0xffff;
	_ =	sdelay $0x2  }
0x85d: {  	v23 =	vor.u32 v5, v8;
	_ =	sdelay $0x1  }
0x85e: {  	v12 =	vadd.f32 v12, v16;
	_ =	sdelay $0x1  }
0x85f: {  	[tilespmem:s8+$0xFFFFFFD0] =	vst v12  }
0x860: {  	v12 =	vld.idx.msk [tilespmem:v23+s18+$0x0], $0xffff;
	_ =	sdelay $0x2  }
0x861: {  	v24 =	vor.u32 v5, v10;
	_ =	sdelay $0x1  }
0x862: {  	v12 =	vadd.f32 v12, v14;
	_ =	sdelay $0x1  }
0x863: {  	[tilespmem:s8+$0x50] =	vst v12  }
0x864: {  	v12 =	vld.idx.msk [tilespmem:v24+s18+$0x0], $0xffff;
	_ =	sdelay $0x2  }
0x865: {  	v25 =	vor.u32 v6, v9;
	_ =	sdelay $0x1  }
0x866: {  	v12 =	vadd.f32 v12, v15;
	_ =	sdelay $0x1  }
0x867: {  	[tilespmem:s8+$0xD0] =	vst v12  }
0x868: {  	v12 =	vld.idx.msk [tilespmem:v25+s18+$0x0], $0xffff;
	_ =	sdelay $0x2  }
0x869: {  	v26 =	vor.u32 v6, v45;
	_ =	sdelay $0x1  }
0x86a: {  	v12 =	vadd.f32 v12, v11;
	_ =	sdelay $0x1  }
0x86b: {  	[tilespmem:s8+$0xFFFFFF60] =	vst v12  }
0x86c: {  	v12 =	vld.idx.msk [tilespmem:v26+s18+$0x0], $0xffff;
	_ =	sdelay $0x2  }
0x86d: {  	v27 =	vor.u32 v6, v8;
	_ =	sdelay $0x1  }
0x86e: {  	v12 =	vadd.f32 v12, v16;
	_ =	sdelay $0x1  }
0x86f: {  	[tilespmem:s8+$0xFFFFFFE0] =	vst v12  }
0x870: {  	v12 =	vld.idx.msk [tilespmem:v27+s18+$0x0], $0xffff;
	_ =	sdelay $0x2  }
0x871: {  	v28 =	vor.u32 v6, v10;
	_ =	sdelay $0x1  }
0x872: {  	v12 =	vadd.f32 v12, v14;
	_ =	sdelay $0x1  }
0x873: {  	[tilespmem:s8+$0x60] =	vst v12  }
0x874: {  	v12 =	vld.idx.msk [tilespmem:v28+s18+$0x0], $0xffff;
	_ =	sdelay $0x2  }
0x875: {  	v9 =	vor.u32 v7, v9;
	_ =	sdelay $0x1  }
0x876: {  	v12 =	vadd.f32 v12, v15;
	_ =	sdelay $0x1  }
0x877: {  	[tilespmem:s8+$0xE0] =	vst v12  }
0x878: {  	v9 =	vld.idx.msk [tilespmem:v9+s18+$0x0], $0xffff;
	_ =	sdelay $0x2  }
0x879: {  	v29 =	vor.u32 v7, v45;
	_ =	sdelay $0x1  }
0x87a: {  	v9 =	vadd.f32 v9, v11;
	_ =	sdelay $0x1  }
0x87b: {  	[tilespmem:s8+$0xFFFFFF70] =	vst v9  }
0x87c: {  	v9 =	vld.idx.msk [tilespmem:v29+s18+$0x0], $0xffff;
	_ =	sdelay $0x2  }
0x87d: {  	v8 =	vor.u32 v7, v8;
	_ =	sdelay $0x1  }
0x87e: {  	v9 =	vadd.f32 v9, v16;
	_ =	sdelay $0x1  }
0x87f: {  	[tilespmem:s8+$0xFFFFFFF0] =	vst v9  }
0x880: {  	v8 =	vld.idx.msk [tilespmem:v8+s18+$0x0], $0xffff;
	_ =	sdelay $0x2  }
0x881: {  	v9 =	vor.u32 v7, v10;
	_ =	sdelay $0x1  }
0x882: {  	v8 =	vadd.f32 v8, v14;
	_ =	sdelay $0x1  }
0x883: {  	[tilespmem:s8+$0x70] =	vst v8  }
0x884: {  	v8 =	vld.idx.msk [tilespmem:v9+s18+$0x0], $0xffff;
	_ =	sdelay $0x4  }
0x885: {  	s9 =	simm.s32 $0x0;
	v8 =	vadd.f32 v8, v15  }
0x886: {  	v9 =	vmov s9  }
0x887: {  	[tilespmem:s8+$0xF0] =	vst v8;
	v8 =	vand.u32 $0x3C, v9  }
0x888: {  	[hbm4b:s10+s13] =	stream.strided.scatter [tilespmem:s22], [sflag:$0x3], $0x2000, s14, s13, $0x38;
	v9 =	vbroadcast v8, $0x0;
	[tilespmem:$0x11700] =	vst v63  }
0x889: {  	_ =	swait.ge [sflag:s23], $0x2000  }
0x88a: {  	[sflag:s23] =	ssyncset.done $0x0;
	v8 =	vor.u32 $0x31C0, v9  }
0x88b: {  	s31 =	simm.s32 $0x1;
	v30 =	vor.u32 v0, v9;
	[sflag:s23] =	ssyncadd.s32 $0xFFFFE000  }
0x88c: {  	s29 =	simm.s32 $0x2;
	v31 =	vmov s31;
	_ =	swait.ge [sflag:s26], $0x2000  }
0x88d: {  	s30 =	simm.s32 $0x3;
	v13 =	vand.u32 $0x3D, v31;
	v10 =	vmov s29;
	[sflag:s26] =	ssyncset.done $0x0  }
0x88e: {  	v13 =	vbroadcast v13, $0x0;
	v11 =	vmov s30;
	v10 =	vand.u32 $0x3E, v10;
	[sflag:s26] =	ssyncadd.s32 $0xFFFFE000  }
0x88f: {  	v11 =	vand.u32 $0x3F, v11;
	v10 =	vbroadcast v10, $0x0;
	v32 =	vld.idx.msk [tilespmem:v8+s16+$0x0], $0xffff  }
0x890: {  	v34 =	vor.u32 $0x31C0, v13;
	v11 =	vbroadcast v11, $0x0;
	v12 =	vld.idx.msk [tilespmem:v30+s20+$0x0], $0xffff  }
0x891: {  	v8 =	vor.u32 $0x31C0, v10  }
0x892: {  	v33 =	vor.u32 $0x31C0, v11  }
0x893: {  	v35 =	vor.u32 v0, v13;
	_ =	sdelay $0x1  }
0x894: {  	v36 =	vld.idx.msk [tilespmem:v34+s16+$0x0], $0xffff;
	v12 =	vadd.f32 v12, v32  }
0x895: {  	s0 =	simm.s32 $0xC600;
	v18 =	vld.idx.msk [tilespmem:v8+s16+$0x0], $0xffff  }
0x896: {  	v8 =	vld.idx.msk [tilespmem:v33+s16+$0x0], $0xffff;
	[tilespmem:s0+$0xFFFFFF00] =	vst v12  }
0x897: {  	v12 =	vld.idx.msk [tilespmem:v35+s20+$0x0], $0xffff;
	_ =	sdelay $0x2  }
0x898: {  	v37 =	vor.u32 v0, v10;
	_ =	sdelay $0x1  }
0x899: {  	v12 =	vadd.f32 v12, v36;
	_ =	sdelay $0x1  }
0x89a: {  	[tilespmem:s0+$0xFFFFFF80] =	vst v12  }
0x89b: {  	v12 =	vld.idx.msk [tilespmem:v37+s20+$0x0], $0xffff;
	_ =	sdelay $0x2  }
0x89c: {  	v38 =	vor.u32 v0, v11;
	_ =	sdelay $0x1  }
0x89d: {  	v12 =	vadd.f32 v12, v18;
	_ =	sdelay $0x1  }
0x89e: {  	[tilespmem:s0+$0x0] =	vst v12  }
0x89f: {  	v12 =	vld.idx.msk [tilespmem:v38+s20+$0x0], $0xffff;
	_ =	sdelay $0x2  }
0x8a0: {  	v39 =	vor.u32 v1, v9;
	_ =	sdelay $0x1  }
0x8a1: {  	v12 =	vadd.f32 v12, v8;
	_ =	sdelay $0x1  }
0x8a2: {  	[tilespmem:s0+$0x80] =	vst v12  }
0x8a3: {  	v12 =	vld.idx.msk [tilespmem:v39+s20+$0x0], $0xffff;
	_ =	sdelay $0x2  }
0x8a4: {  	v40 =	vor.u32 v1, v13;
	_ =	sdelay $0x1  }
0x8a5: {  	v12 =	vadd.f32 v12, v32;
	_ =	sdelay $0x1  }
0x8a6: {  	[tilespmem:s0+$0xFFFFFF10] =	vst v12  }
0x8a7: {  	v12 =	vld.idx.msk [tilespmem:v40+s20+$0x0], $0xffff;
	_ =	sdelay $0x2  }
0x8a8: {  	v41 =	vor.u32 v1, v10;
	_ =	sdelay $0x1  }
0x8a9: {  	v12 =	vadd.f32 v12, v36;
	_ =	sdelay $0x1  }
0x8aa: {  	[tilespmem:s0+$0xFFFFFF90] =	vst v12  }
0x8ab: {  	v12 =	vld.idx.msk [tilespmem:v41+s20+$0x0], $0xffff;
	_ =	sdelay $0x2  }
0x8ac: {  	v42 =	vor.u32 v1, v11;
	_ =	sdelay $0x1  }
0x8ad: {  	v12 =	vadd.f32 v12, v18;
	_ =	sdelay $0x1  }
0x8ae: {  	[tilespmem:s0+$0x10] =	vst v12  }
0x8af: {  	v12 =	vld.idx.msk [tilespmem:v42+s20+$0x0], $0xffff;
	_ =	sdelay $0x2  }
0x8b0: {  	v43 =	vor.u32 v2, v9;
	_ =	sdelay $0x1  }
0x8b1: {  	v12 =	vadd.f32 v12, v8;
	_ =	sdelay $0x1  }
0x8b2: {  	[tilespmem:s0+$0x90] =	vst v12  }
0x8b3: {  	v12 =	vld.idx.msk [tilespmem:v43+s20+$0x0], $0xffff;
	_ =	sdelay $0x2  }
0x8b4: {  	v44 =	vor.u32 v2, v13;
	_ =	sdelay $0x1  }
0x8b5: {  	v12 =	vadd.f32 v12, v32;
	_ =	sdelay $0x1  }
0x8b6: {  	[tilespmem:s0+$0xFFFFFF20] =	vst v12  }
0x8b7: {  	v12 =	vld.idx.msk [tilespmem:v44+s20+$0x0], $0xffff;
	_ =	sdelay $0x2  }
0x8b8: {  	v45 =	vor.u32 v2, v10;
	_ =	sdelay $0x1  }
0x8b9: {  	v12 =	vadd.f32 v12, v36;
	_ =	sdelay $0x1  }
0x8ba: {  	[tilespmem:s0+$0xFFFFFFA0] =	vst v12  }
0x8bb: {  	v12 =	vld.idx.msk [tilespmem:v45+s20+$0x0], $0xffff;
	_ =	sdelay $0x2  }
0x8bc: {  	v46 =	vor.u32 v2, v11;
	_ =	sdelay $0x1  }
0x8bd: {  	v12 =	vadd.f32 v12, v18;
	_ =	sdelay $0x1  }
0x8be: {  	[tilespmem:s0+$0x20] =	vst v12  }
0x8bf: {  	v12 =	vld.idx.msk [tilespmem:v46+s20+$0x0], $0xffff;
	_ =	sdelay $0x2  }
0x8c0: {  	v47 =	vor.u32 v3, v9;
	_ =	sdelay $0x1  }
0x8c1: {  	v12 =	vadd.f32 v12, v8;
	_ =	sdelay $0x1  }
0x8c2: {  	[tilespmem:s0+$0xA0] =	vst v12  }
0x8c3: {  	v12 =	vld.idx.msk [tilespmem:v47+s20+$0x0], $0xffff;
	_ =	sdelay $0x2  }
0x8c4: {  	v48 =	vor.u32 v3, v13;
	_ =	sdelay $0x1  }
0x8c5: {  	v12 =	vadd.f32 v12, v32;
	_ =	sdelay $0x1  }
0x8c6: {  	[tilespmem:s0+$0xFFFFFF30] =	vst v12  }
0x8c7: {  	v12 =	vld.idx.msk [tilespmem:v48+s20+$0x0], $0xffff;
	_ =	sdelay $0x2  }
0x8c8: {  	v49 =	vor.u32 v3, v10;
	_ =	sdelay $0x1  }
0x8c9: {  	v12 =	vadd.f32 v12, v36;
	_ =	sdelay $0x1  }
0x8ca: {  	[tilespmem:s0+$0xFFFFFFB0] =	vst v12  }
0x8cb: {  	v12 =	vld.idx.msk [tilespmem:v49+s20+$0x0], $0xffff;
	_ =	sdelay $0x2  }
0x8cc: {  	v50 =	vor.u32 v3, v11;
	_ =	sdelay $0x1  }
0x8cd: {  	v12 =	vadd.f32 v12, v18;
	_ =	sdelay $0x1  }
0x8ce: {  	[tilespmem:s0+$0x30] =	vst v12  }
0x8cf: {  	v12 =	vld.idx.msk [tilespmem:v50+s20+$0x0], $0xffff;
	_ =	sdelay $0x2  }
0x8d0: {  	v51 =	vor.u32 v4, v9;
	_ =	sdelay $0x1  }
0x8d1: {  	v12 =	vadd.f32 v12, v8;
	_ =	sdelay $0x1  }
0x8d2: {  	[tilespmem:s0+$0xB0] =	vst v12  }
0x8d3: {  	v12 =	vld.idx.msk [tilespmem:v51+s20+$0x0], $0xffff;
	_ =	sdelay $0x2  }
0x8d4: {  	v52 =	vor.u32 v4, v13;
	_ =	sdelay $0x1  }
0x8d5: {  	v12 =	vadd.f32 v12, v32;
	_ =	sdelay $0x1  }
0x8d6: {  	[tilespmem:s0+$0xFFFFFF40] =	vst v12  }
0x8d7: {  	v12 =	vld.idx.msk [tilespmem:v52+s20+$0x0], $0xffff;
	_ =	sdelay $0x2  }
0x8d8: {  	v53 =	vor.u32 v4, v10;
	_ =	sdelay $0x1  }
0x8d9: {  	v12 =	vadd.f32 v12, v36;
	_ =	sdelay $0x1  }
0x8da: {  	[tilespmem:s0+$0xFFFFFFC0] =	vst v12  }
0x8db: {  	v12 =	vld.idx.msk [tilespmem:v53+s20+$0x0], $0xffff;
	_ =	sdelay $0x2  }
0x8dc: {  	v54 =	vor.u32 v4, v11;
	_ =	sdelay $0x1  }
0x8dd: {  	v12 =	vadd.f32 v12, v18;
	_ =	sdelay $0x1  }
0x8de: {  	[tilespmem:s0+$0x40] =	vst v12  }
0x8df: {  	v12 =	vld.idx.msk [tilespmem:v54+s20+$0x0], $0xffff;
	_ =	sdelay $0x2  }
0x8e0: {  	v55 =	vor.u32 v5, v9;
	_ =	sdelay $0x1  }
0x8e1: {  	v12 =	vadd.f32 v12, v8;
	_ =	sdelay $0x1  }
0x8e2: {  	[tilespmem:s0+$0xC0] =	vst v12  }
0x8e3: {  	v12 =	vld.idx.msk [tilespmem:v55+s20+$0x0], $0xffff;
	_ =	sdelay $0x2  }
0x8e4: {  	v56 =	vor.u32 v5, v13;
	_ =	sdelay $0x1  }
0x8e5: {  	v12 =	vadd.f32 v12, v32;
	_ =	sdelay $0x1  }
0x8e6: {  	[tilespmem:s0+$0xFFFFFF50] =	vst v12  }
0x8e7: {  	v12 =	vld.idx.msk [tilespmem:v56+s20+$0x0], $0xffff;
	_ =	sdelay $0x2  }
0x8e8: {  	v57 =	vor.u32 v5, v10;
	_ =	sdelay $0x1  }
0x8e9: {  	v12 =	vadd.f32 v12, v36;
	_ =	sdelay $0x1  }
0x8ea: {  	[tilespmem:s0+$0xFFFFFFD0] =	vst v12  }
0x8eb: {  	v12 =	vld.idx.msk [tilespmem:v57+s20+$0x0], $0xffff;
	_ =	sdelay $0x2  }
0x8ec: {  	v58 =	vor.u32 v5, v11;
	_ =	sdelay $0x1  }
0x8ed: {  	v12 =	vadd.f32 v12, v18;
	_ =	sdelay $0x1  }
0x8ee: {  	[tilespmem:s0+$0x50] =	vst v12  }
0x8ef: {  	v12 =	vld.idx.msk [tilespmem:v58+s20+$0x0], $0xffff;
	_ =	sdelay $0x2  }
0x8f0: {  	v59 =	vor.u32 v6, v9;
	_ =	sdelay $0x1  }
0x8f1: {  	v12 =	vadd.f32 v12, v8;
	_ =	sdelay $0x1  }
0x8f2: {  	[tilespmem:s0+$0xD0] =	vst v12  }
0x8f3: {  	v12 =	vld.idx.msk [tilespmem:v59+s20+$0x0], $0xffff;
	_ =	sdelay $0x2  }
0x8f4: {  	v60 =	vor.u32 v6, v13;
	_ =	sdelay $0x1  }
0x8f5: {  	v12 =	vadd.f32 v12, v32;
	_ =	sdelay $0x1  }
0x8f6: {  	[tilespmem:s0+$0xFFFFFF60] =	vst v12  }
0x8f7: {  	v12 =	vld.idx.msk [tilespmem:v60+s20+$0x0], $0xffff;
	_ =	sdelay $0x2  }
0x8f8: {  	v61 =	vor.u32 v6, v10;
	_ =	sdelay $0x1  }
0x8f9: {  	v12 =	vadd.f32 v12, v36;
	_ =	sdelay $0x1  }
0x8fa: {  	[tilespmem:s0+$0xFFFFFFE0] =	vst v12  }
0x8fb: {  	v12 =	vld.idx.msk [tilespmem:v61+s20+$0x0], $0xffff;
	_ =	sdelay $0x2  }
0x8fc: {  	v62 =	vor.u32 v6, v11;
	_ =	sdelay $0x1  }
0x8fd: {  	v12 =	vadd.f32 v12, v18;
	_ =	sdelay $0x1  }
0x8fe: {  	[tilespmem:s0+$0x60] =	vst v12  }
0x8ff: {  	v12 =	vld.idx.msk [tilespmem:v62+s20+$0x0], $0xffff;
	_ =	sdelay $0x2  }
0x900: {  	v9 =	vor.u32 v7, v9;
	_ =	sdelay $0x1  }
0x901: {  	v12 =	vadd.f32 v12, v8;
	_ =	sdelay $0x1  }
0x902: {  	[tilespmem:s0+$0xE0] =	vst v12  }
0x903: {  	v9 =	vld.idx.msk [tilespmem:v9+s20+$0x0], $0xffff;
	_ =	sdelay $0x2  }
0x904: {  	v63 =	vor.u32 v7, v13;
	_ =	sdelay $0x1  }
0x905: {  	v9 =	vadd.f32 v9, v32;
	_ =	sdelay $0x1  }
0x906: {  	[tilespmem:s0+$0xFFFFFF70] =	vst v9  }
0x907: {  	v9 =	vld.idx.msk [tilespmem:v63+s20+$0x0], $0xffff;
	_ =	sdelay $0x2  }
0x908: {  	v10 =	vor.u32 v7, v10;
	_ =	sdelay $0x1  }
0x909: {  	v9 =	vadd.f32 v9, v36;
	_ =	sdelay $0x1  }
0x90a: {  	[tilespmem:s0+$0xFFFFFFF0] =	vst v9  }
0x90b: {  	v9 =	vld.idx.msk [tilespmem:v10+s20+$0x0], $0xffff;
	_ =	sdelay $0x2  }
0x90c: {  	v10 =	vor.u32 v7, v11;
	_ =	sdelay $0x1  }
0x90d: {  	v9 =	vadd.f32 v9, v18  }
0x90e: {  	s1 =	simm.s32 $0x4  }
0x90f: {  	[tilespmem:s0+$0x70] =	vst v9;
	v9 =	vmov s1  }
0x910: {  	s6 =	simm.s32 $0x8;
	v10 =	vld.idx.msk [tilespmem:v10+s20+$0x0], $0xffff;
	v9 =	vand.u32 $0x3C, v9  }
.LBB2_14:
0x911: {  	p0 =	sne.s32 s6, $0x3C;
	v12 =	vbroadcast v9, $0x0;
	_ =	sdelay $0x1  }
0x912: {  	v9 =	vor.u32 $0x31C0, v12  }
0x913: {  	v11 =	vor.u32 v0, v12  }
0x914: {  	s8 =	sadd.s32 $0x2, s1;
	v8 =	vadd.f32 v10, v8  }
0x915: {  	v10 =	vmov s8;
	s8 =	sadd.s32 $0x3, s1  }
0x916: {  	s9 =	sadd.s32 $0x1, s1;
	s1 =	smov.u32 s6;
	v10 =	vand.u32 $0x3E, v10;
	v14 =	vmov s8;
	[tilespmem:s0+$0xF0] =	vst v8  }
0x917: {  	v10 =	vbroadcast v10, $0x0;
	v8 =	vmov s9;
	v13 =	vld.idx.msk [tilespmem:v9+s16+$0x0], $0xffff;
	v9 =	vand.u32 $0x3F, v14  }
0x918: {  	v8 =	vand.u32 $0x3D, v8;
	v16 =	vbroadcast v9, $0x0;
	v15 =	vld.idx.msk [tilespmem:v11+s20+$0x0], $0xffff  }
0x919: {  	v14 =	vbroadcast v8, $0x0;
	v8 =	vor.u32 $0x31C0, v10  }
0x91a: {  	v17 =	vor.u32 $0x31C0, v16;
	v9 =	vor.u32 v7, v16  }
0x91b: {  	v18 =	vor.u32 $0x31C0, v14  }
0x91c: {  	v19 =	vor.u32 v0, v14;
	_ =	sdelay $0x1  }
0x91d: {  	v20 =	vadd.f32 v15, v13;
	v11 =	vld.idx.msk [tilespmem:v8+s16+$0x0], $0xffff  }
0x91e: {  	s0 =	sadd.s32 $0x200, s0;
	v8 =	vld.idx.msk [tilespmem:v17+s16+$0x0], $0xffff  }
0x91f: {  	v15 =	vld.idx.msk [tilespmem:v18+s16+$0x0], $0xffff;
	[tilespmem:s0+$0xFFFFFF00] =	vst v20  }
0x920: {  	v17 =	vld.idx.msk [tilespmem:v19+s20+$0x0], $0xffff;
	_ =	sdelay $0x3  }
0x921: {  	v18 =	vor.u32 v0, v10;
	_ =	sdelay $0x1  }
0x922: {  	v17 =	vadd.f32 v17, v15;
	_ =	sdelay $0x1  }
0x923: {  	[tilespmem:s0+$0xFFFFFF80] =	vst v17  }
0x924: {  	v17 =	vld.idx.msk [tilespmem:v18+s20+$0x0], $0xffff;
	_ =	sdelay $0x3  }
0x925: {  	v18 =	vor.u32 v0, v16;
	_ =	sdelay $0x1  }
0x926: {  	v17 =	vadd.f32 v17, v11;
	_ =	sdelay $0x1  }
0x927: {  	[tilespmem:s0+$0x0] =	vst v17  }
0x928: {  	v17 =	vld.idx.msk [tilespmem:v18+s20+$0x0], $0xffff;
	_ =	sdelay $0x3  }
0x929: {  	v18 =	vor.u32 v1, v12;
	_ =	sdelay $0x1  }
0x92a: {  	v17 =	vadd.f32 v17, v8;
	_ =	sdelay $0x1  }
0x92b: {  	[tilespmem:s0+$0x80] =	vst v17  }
0x92c: {  	v17 =	vld.idx.msk [tilespmem:v18+s20+$0x0], $0xffff;
	_ =	sdelay $0x3  }
0x92d: {  	v18 =	vor.u32 v1, v14;
	_ =	sdelay $0x1  }
0x92e: {  	v17 =	vadd.f32 v17, v13;
	_ =	sdelay $0x1  }
0x92f: {  	[tilespmem:s0+$0xFFFFFF10] =	vst v17  }
0x930: {  	v17 =	vld.idx.msk [tilespmem:v18+s20+$0x0], $0xffff;
	_ =	sdelay $0x3  }
0x931: {  	v18 =	vor.u32 v1, v10;
	_ =	sdelay $0x1  }
0x932: {  	v17 =	vadd.f32 v17, v15;
	_ =	sdelay $0x1  }
0x933: {  	[tilespmem:s0+$0xFFFFFF90] =	vst v17  }
0x934: {  	v17 =	vld.idx.msk [tilespmem:v18+s20+$0x0], $0xffff;
	_ =	sdelay $0x3  }
0x935: {  	v18 =	vor.u32 v1, v16;
	_ =	sdelay $0x1  }
0x936: {  	v17 =	vadd.f32 v17, v11;
	_ =	sdelay $0x1  }
0x937: {  	[tilespmem:s0+$0x10] =	vst v17  }
0x938: {  	v17 =	vld.idx.msk [tilespmem:v18+s20+$0x0], $0xffff;
	_ =	sdelay $0x3  }
0x939: {  	v18 =	vor.u32 v2, v12;
	_ =	sdelay $0x1  }
0x93a: {  	v17 =	vadd.f32 v17, v8;
	_ =	sdelay $0x1  }
0x93b: {  	[tilespmem:s0+$0x90] =	vst v17  }
0x93c: {  	v17 =	vld.idx.msk [tilespmem:v18+s20+$0x0], $0xffff;
	_ =	sdelay $0x3  }
0x93d: {  	v18 =	vor.u32 v2, v14;
	_ =	sdelay $0x1  }
0x93e: {  	v17 =	vadd.f32 v17, v13;
	_ =	sdelay $0x1  }
0x93f: {  	[tilespmem:s0+$0xFFFFFF20] =	vst v17  }
0x940: {  	v17 =	vld.idx.msk [tilespmem:v18+s20+$0x0], $0xffff;
	_ =	sdelay $0x3  }
0x941: {  	v18 =	vor.u32 v2, v10;
	_ =	sdelay $0x1  }
0x942: {  	v17 =	vadd.f32 v17, v15;
	_ =	sdelay $0x1  }
0x943: {  	[tilespmem:s0+$0xFFFFFFA0] =	vst v17  }
0x944: {  	v17 =	vld.idx.msk [tilespmem:v18+s20+$0x0], $0xffff;
	_ =	sdelay $0x3  }
0x945: {  	v18 =	vor.u32 v2, v16;
	_ =	sdelay $0x1  }
0x946: {  	v17 =	vadd.f32 v17, v11;
	_ =	sdelay $0x1  }
0x947: {  	[tilespmem:s0+$0x20] =	vst v17  }
0x948: {  	v17 =	vld.idx.msk [tilespmem:v18+s20+$0x0], $0xffff;
	_ =	sdelay $0x3  }
0x949: {  	v18 =	vor.u32 v3, v12;
	_ =	sdelay $0x1  }
0x94a: {  	v17 =	vadd.f32 v17, v8;
	_ =	sdelay $0x1  }
0x94b: {  	[tilespmem:s0+$0xA0] =	vst v17  }
0x94c: {  	v17 =	vld.idx.msk [tilespmem:v18+s20+$0x0], $0xffff;
	_ =	sdelay $0x3  }
0x94d: {  	v18 =	vor.u32 v3, v14;
	_ =	sdelay $0x1  }
0x94e: {  	v17 =	vadd.f32 v17, v13;
	_ =	sdelay $0x1  }
0x94f: {  	[tilespmem:s0+$0xFFFFFF30] =	vst v17  }
0x950: {  	v17 =	vld.idx.msk [tilespmem:v18+s20+$0x0], $0xffff;
	_ =	sdelay $0x3  }
0x951: {  	v18 =	vor.u32 v3, v10;
	_ =	sdelay $0x1  }
0x952: {  	v17 =	vadd.f32 v17, v15;
	_ =	sdelay $0x1  }
0x953: {  	[tilespmem:s0+$0xFFFFFFB0] =	vst v17  }
0x954: {  	v17 =	vld.idx.msk [tilespmem:v18+s20+$0x0], $0xffff;
	_ =	sdelay $0x3  }
0x955: {  	v18 =	vor.u32 v3, v16;
	_ =	sdelay $0x1  }
0x956: {  	v17 =	vadd.f32 v17, v11;
	_ =	sdelay $0x1  }
0x957: {  	[tilespmem:s0+$0x30] =	vst v17  }
0x958: {  	v17 =	vld.idx.msk [tilespmem:v18+s20+$0x0], $0xffff;
	_ =	sdelay $0x3  }
0x959: {  	v18 =	vor.u32 v4, v12;
	_ =	sdelay $0x1  }
0x95a: {  	v17 =	vadd.f32 v17, v8;
	_ =	sdelay $0x1  }
0x95b: {  	[tilespmem:s0+$0xB0] =	vst v17  }
0x95c: {  	v17 =	vld.idx.msk [tilespmem:v18+s20+$0x0], $0xffff;
	_ =	sdelay $0x3  }
0x95d: {  	v18 =	vor.u32 v4, v14;
	_ =	sdelay $0x1  }
0x95e: {  	v17 =	vadd.f32 v17, v13;
	_ =	sdelay $0x1  }
0x95f: {  	[tilespmem:s0+$0xFFFFFF40] =	vst v17  }
0x960: {  	v17 =	vld.idx.msk [tilespmem:v18+s20+$0x0], $0xffff;
	_ =	sdelay $0x3  }
0x961: {  	v18 =	vor.u32 v4, v10;
	_ =	sdelay $0x1  }
0x962: {  	v17 =	vadd.f32 v17, v15;
	_ =	sdelay $0x1  }
0x963: {  	[tilespmem:s0+$0xFFFFFFC0] =	vst v17  }
0x964: {  	v17 =	vld.idx.msk [tilespmem:v18+s20+$0x0], $0xffff;
	_ =	sdelay $0x3  }
0x965: {  	v18 =	vor.u32 v4, v16;
	_ =	sdelay $0x1  }
0x966: {  	v17 =	vadd.f32 v17, v11;
	_ =	sdelay $0x1  }
0x967: {  	[tilespmem:s0+$0x40] =	vst v17  }
0x968: {  	v17 =	vld.idx.msk [tilespmem:v18+s20+$0x0], $0xffff;
	_ =	sdelay $0x3  }
0x969: {  	v18 =	vor.u32 v5, v12;
	_ =	sdelay $0x1  }
0x96a: {  	v17 =	vadd.f32 v17, v8;
	_ =	sdelay $0x1  }
0x96b: {  	[tilespmem:s0+$0xC0] =	vst v17  }
0x96c: {  	v17 =	vld.idx.msk [tilespmem:v18+s20+$0x0], $0xffff;
	_ =	sdelay $0x3  }
0x96d: {  	v18 =	vor.u32 v5, v14;
	_ =	sdelay $0x1  }
0x96e: {  	v17 =	vadd.f32 v17, v13;
	_ =	sdelay $0x1  }
0x96f: {  	[tilespmem:s0+$0xFFFFFF50] =	vst v17  }
0x970: {  	v17 =	vld.idx.msk [tilespmem:v18+s20+$0x0], $0xffff;
	_ =	sdelay $0x3  }
0x971: {  	v18 =	vor.u32 v5, v10;
	_ =	sdelay $0x1  }
0x972: {  	v17 =	vadd.f32 v17, v15;
	_ =	sdelay $0x1  }
0x973: {  	[tilespmem:s0+$0xFFFFFFD0] =	vst v17  }
0x974: {  	v17 =	vld.idx.msk [tilespmem:v18+s20+$0x0], $0xffff;
	_ =	sdelay $0x3  }
0x975: {  	v18 =	vor.u32 v5, v16;
	_ =	sdelay $0x1  }
0x976: {  	v17 =	vadd.f32 v17, v11;
	_ =	sdelay $0x1  }
0x977: {  	[tilespmem:s0+$0x50] =	vst v17  }
0x978: {  	v17 =	vld.idx.msk [tilespmem:v18+s20+$0x0], $0xffff;
	_ =	sdelay $0x3  }
0x979: {  	v18 =	vor.u32 v6, v12;
	_ =	sdelay $0x1  }
0x97a: {  	v17 =	vadd.f32 v17, v8;
	_ =	sdelay $0x1  }
0x97b: {  	[tilespmem:s0+$0xD0] =	vst v17  }
0x97c: {  	v17 =	vld.idx.msk [tilespmem:v18+s20+$0x0], $0xffff;
	_ =	sdelay $0x3  }
0x97d: {  	v18 =	vor.u32 v6, v14;
	_ =	sdelay $0x1  }
0x97e: {  	v17 =	vadd.f32 v17, v13;
	_ =	sdelay $0x1  }
0x97f: {  	[tilespmem:s0+$0xFFFFFF60] =	vst v17  }
0x980: {  	v17 =	vld.idx.msk [tilespmem:v18+s20+$0x0], $0xffff;
	_ =	sdelay $0x3  }
0x981: {  	v18 =	vor.u32 v6, v10;
	_ =	sdelay $0x1  }
0x982: {  	v17 =	vadd.f32 v17, v15;
	_ =	sdelay $0x1  }
0x983: {  	[tilespmem:s0+$0xFFFFFFE0] =	vst v17  }
0x984: {  	v17 =	vld.idx.msk [tilespmem:v18+s20+$0x0], $0xffff;
	_ =	sdelay $0x3  }
0x985: {  	v16 =	vor.u32 v6, v16;
	_ =	sdelay $0x1  }
0x986: {  	v17 =	vadd.f32 v17, v11;
	_ =	sdelay $0x1  }
0x987: {  	[tilespmem:s0+$0x60] =	vst v17  }
0x988: {  	v16 =	vld.idx.msk [tilespmem:v16+s20+$0x0], $0xffff;
	_ =	sdelay $0x3  }
0x989: {  	v12 =	vor.u32 v7, v12;
	_ =	sdelay $0x1  }
0x98a: {  	v16 =	vadd.f32 v16, v8;
	_ =	sdelay $0x1  }
0x98b: {  	[tilespmem:s0+$0xE0] =	vst v16  }
0x98c: {  	v12 =	vld.idx.msk [tilespmem:v12+s20+$0x0], $0xffff;
	_ =	sdelay $0x3  }
0x98d: {  	v14 =	vor.u32 v7, v14;
	_ =	sdelay $0x1  }
0x98e: {  	v12 =	vadd.f32 v12, v13;
	_ =	sdelay $0x1  }
0x98f: {  	[tilespmem:s0+$0xFFFFFF70] =	vst v12  }
0x990: {  	v12 =	vld.idx.msk [tilespmem:v14+s20+$0x0], $0xffff;
	_ =	sdelay $0x3  }
0x991: {  	v10 =	vor.u32 v7, v10;
	_ =	sdelay $0x1  }
0x992: {  	v12 =	vadd.f32 v12, v15;
	_ =	sdelay $0x1  }
0x993: {  	[tilespmem:s0+$0xFFFFFFF0] =	vst v12  }
0x994: {  	v10 =	vld.idx.msk [tilespmem:v10+s20+$0x0], $0xffff;
	_ =	sdelay $0x5  }
.Ltmp6:
0x995: {  	v10 =	vadd.f32 v10, v11;
	(pc) =	sbr.rel @p0 .LBB2_14-.Ltmp6, $4  }
0x996: {  	_ = 	snop  }
0x997: {  	[tilespmem:s0+$0x70] =	vst v10  }
0x998: {  	v11 =	vmov s6;
	v10 =	vld.idx.msk [tilespmem:v9+s20+$0x0], $0xffff  }
0x999: {  	s6 =	sadd.s32 $0x4, s6;
	v9 =	vand.u32 $0x3C, v11  }
0x99a: {  	v9 =	vbroadcast v9, $0x0;
	_ =	sdelay $0x1  }
0x99b: {  	v11 =	vor.u32 $0x31C0, v9  }
0x99c: {  	s30 =	sadd.s32 $0x1, s1;
	v12 =	vor.u32 v0, v9  }
0x99d: {  	s6 =	sadd.s32 $0x2, s1;
	v14 =	vmov s30;
	v10 =	vadd.f32 v10, v8  }
0x99e: {  	s29 =	sadd.s32 $0x3, s1;
	v13 =	vmov s6;
	v14 =	vand.u32 $0x3D, v14  }
0x99f: {  	v32 =	vmov s29;
	v8 =	vand.u32 $0x3E, v13;
	v34 =	vbroadcast v14, $0x0;
	[tilespmem:s0+$0xF0] =	vst v10  }
0x9a0: {  	v13 =	vand.u32 $0x3F, v32;
	v8 =	vbroadcast v8, $0x0;
	v11 =	vld.idx.msk [tilespmem:v11+s16+$0x0], $0xffff  }
0x9a1: {  	v33 =	vbroadcast v13, $0x0;
	v16 =	vor.u32 $0x31C0, v34;
	v12 =	vld.idx.msk [tilespmem:v12+s20+$0x0], $0xffff  }
0x9a2: {  	v35 =	vor.u32 $0x31C0, v8  }
0x9a3: {  	v15 =	vor.u32 $0x31C0, v33  }
0x9a4: {  	v17 =	vor.u32 v0, v34;
	_ =	sdelay $0x1  }
0x9a5: {  	v16 =	vld.idx.msk [tilespmem:v16+s16+$0x0], $0xffff;
	v12 =	vadd.f32 v12, v11  }
0x9a6: {  	s31 =	sadd.s32 $0x200, s0;
	v14 =	vld.idx.msk [tilespmem:v35+s16+$0x0], $0xffff  }
0x9a7: {  	v15 =	vld.idx.msk [tilespmem:v15+s16+$0x0], $0xffff;
	[tilespmem:s31+$0xFFFFFF00] =	vst v12  }
0x9a8: {  	v12 =	vld.idx.msk [tilespmem:v17+s20+$0x0], $0xffff;
	_ =	sdelay $0x2  }
0x9a9: {  	v36 =	vor.u32 v0, v8;
	_ =	sdelay $0x1  }
0x9aa: {  	v12 =	vadd.f32 v12, v16;
	_ =	sdelay $0x1  }
0x9ab: {  	[tilespmem:s31+$0xFFFFFF80] =	vst v12  }
0x9ac: {  	v12 =	vld.idx.msk [tilespmem:v36+s20+$0x0], $0xffff;
	_ =	sdelay $0x2  }
0x9ad: {  	v37 =	vor.u32 v0, v33;
	_ =	sdelay $0x1  }
0x9ae: {  	v12 =	vadd.f32 v12, v14;
	_ =	sdelay $0x1  }
0x9af: {  	[tilespmem:s31+$0x0] =	vst v12  }
0x9b0: {  	v12 =	vld.idx.msk [tilespmem:v37+s20+$0x0], $0xffff;
	_ =	sdelay $0x2  }
0x9b1: {  	v38 =	vor.u32 v1, v9;
	_ =	sdelay $0x1  }
0x9b2: {  	v12 =	vadd.f32 v12, v15;
	_ =	sdelay $0x1  }
0x9b3: {  	[tilespmem:s31+$0x80] =	vst v12  }
0x9b4: {  	v12 =	vld.idx.msk [tilespmem:v38+s20+$0x0], $0xffff;
	_ =	sdelay $0x2  }
0x9b5: {  	v39 =	vor.u32 v1, v34;
	_ =	sdelay $0x1  }
0x9b6: {  	v12 =	vadd.f32 v12, v11;
	_ =	sdelay $0x1  }
0x9b7: {  	[tilespmem:s31+$0xFFFFFF10] =	vst v12  }
0x9b8: {  	v12 =	vld.idx.msk [tilespmem:v39+s20+$0x0], $0xffff;
	_ =	sdelay $0x2  }
0x9b9: {  	v40 =	vor.u32 v1, v8;
	_ =	sdelay $0x1  }
0x9ba: {  	v12 =	vadd.f32 v12, v16;
	_ =	sdelay $0x1  }
0x9bb: {  	[tilespmem:s31+$0xFFFFFF90] =	vst v12  }
0x9bc: {  	v12 =	vld.idx.msk [tilespmem:v40+s20+$0x0], $0xffff;
	_ =	sdelay $0x2  }
0x9bd: {  	v41 =	vor.u32 v1, v33;
	_ =	sdelay $0x1  }
0x9be: {  	v12 =	vadd.f32 v12, v14;
	_ =	sdelay $0x1  }
0x9bf: {  	[tilespmem:s31+$0x10] =	vst v12  }
0x9c0: {  	v12 =	vld.idx.msk [tilespmem:v41+s20+$0x0], $0xffff;
	_ =	sdelay $0x2  }
0x9c1: {  	v42 =	vor.u32 v2, v9;
	_ =	sdelay $0x1  }
0x9c2: {  	v12 =	vadd.f32 v12, v15;
	_ =	sdelay $0x1  }
0x9c3: {  	[tilespmem:s31+$0x90] =	vst v12  }
0x9c4: {  	v12 =	vld.idx.msk [tilespmem:v42+s20+$0x0], $0xffff;
	_ =	sdelay $0x2  }
0x9c5: {  	v43 =	vor.u32 v2, v34;
	_ =	sdelay $0x1  }
0x9c6: {  	v12 =	vadd.f32 v12, v11;
	_ =	sdelay $0x1  }
0x9c7: {  	[tilespmem:s31+$0xFFFFFF20] =	vst v12  }
0x9c8: {  	v12 =	vld.idx.msk [tilespmem:v43+s20+$0x0], $0xffff;
	_ =	sdelay $0x2  }
0x9c9: {  	v44 =	vor.u32 v2, v8;
	_ =	sdelay $0x1  }
0x9ca: {  	v12 =	vadd.f32 v12, v16;
	_ =	sdelay $0x1  }
0x9cb: {  	[tilespmem:s31+$0xFFFFFFA0] =	vst v12  }
0x9cc: {  	v12 =	vld.idx.msk [tilespmem:v44+s20+$0x0], $0xffff;
	_ =	sdelay $0x2  }
0x9cd: {  	v45 =	vor.u32 v2, v33;
	_ =	sdelay $0x1  }
0x9ce: {  	v12 =	vadd.f32 v12, v14;
	_ =	sdelay $0x1  }
0x9cf: {  	[tilespmem:s31+$0x20] =	vst v12  }
0x9d0: {  	v12 =	vld.idx.msk [tilespmem:v45+s20+$0x0], $0xffff;
	_ =	sdelay $0x2  }
0x9d1: {  	v46 =	vor.u32 v3, v9;
	_ =	sdelay $0x1  }
0x9d2: {  	v12 =	vadd.f32 v12, v15;
	_ =	sdelay $0x1  }
0x9d3: {  	[tilespmem:s31+$0xA0] =	vst v12  }
0x9d4: {  	v12 =	vld.idx.msk [tilespmem:v46+s20+$0x0], $0xffff;
	_ =	sdelay $0x2  }
0x9d5: {  	v47 =	vor.u32 v3, v34;
	_ =	sdelay $0x1  }
0x9d6: {  	v12 =	vadd.f32 v12, v11;
	_ =	sdelay $0x1  }
0x9d7: {  	[tilespmem:s31+$0xFFFFFF30] =	vst v12  }
0x9d8: {  	v12 =	vld.idx.msk [tilespmem:v47+s20+$0x0], $0xffff;
	_ =	sdelay $0x2  }
0x9d9: {  	v48 =	vor.u32 v3, v8;
	_ =	sdelay $0x1  }
0x9da: {  	v12 =	vadd.f32 v12, v16;
	_ =	sdelay $0x1  }
0x9db: {  	[tilespmem:s31+$0xFFFFFFB0] =	vst v12  }
0x9dc: {  	v12 =	vld.idx.msk [tilespmem:v48+s20+$0x0], $0xffff;
	_ =	sdelay $0x2  }
0x9dd: {  	v49 =	vor.u32 v3, v33;
	_ =	sdelay $0x1  }
0x9de: {  	v12 =	vadd.f32 v12, v14;
	_ =	sdelay $0x1  }
0x9df: {  	[tilespmem:s31+$0x30] =	vst v12  }
0x9e0: {  	v12 =	vld.idx.msk [tilespmem:v49+s20+$0x0], $0xffff;
	_ =	sdelay $0x2  }
0x9e1: {  	v50 =	vor.u32 v4, v9;
	_ =	sdelay $0x1  }
0x9e2: {  	v12 =	vadd.f32 v12, v15;
	_ =	sdelay $0x1  }
0x9e3: {  	[tilespmem:s31+$0xB0] =	vst v12  }
0x9e4: {  	v12 =	vld.idx.msk [tilespmem:v50+s20+$0x0], $0xffff;
	_ =	sdelay $0x2  }
0x9e5: {  	v51 =	vor.u32 v4, v34;
	_ =	sdelay $0x1  }
0x9e6: {  	v12 =	vadd.f32 v12, v11;
	_ =	sdelay $0x1  }
0x9e7: {  	[tilespmem:s31+$0xFFFFFF40] =	vst v12  }
0x9e8: {  	v12 =	vld.idx.msk [tilespmem:v51+s20+$0x0], $0xffff;
	_ =	sdelay $0x2  }
0x9e9: {  	v52 =	vor.u32 v4, v8;
	_ =	sdelay $0x1  }
0x9ea: {  	v12 =	vadd.f32 v12, v16;
	_ =	sdelay $0x1  }
0x9eb: {  	[tilespmem:s31+$0xFFFFFFC0] =	vst v12  }
0x9ec: {  	v12 =	vld.idx.msk [tilespmem:v52+s20+$0x0], $0xffff;
	_ =	sdelay $0x2  }
0x9ed: {  	v53 =	vor.u32 v4, v33;
	_ =	sdelay $0x1  }
0x9ee: {  	v12 =	vadd.f32 v12, v14;
	_ =	sdelay $0x1  }
0x9ef: {  	[tilespmem:s31+$0x40] =	vst v12  }
0x9f0: {  	v12 =	vld.idx.msk [tilespmem:v53+s20+$0x0], $0xffff;
	_ =	sdelay $0x2  }
0x9f1: {  	v54 =	vor.u32 v5, v9;
	_ =	sdelay $0x1  }
0x9f2: {  	v12 =	vadd.f32 v12, v15;
	_ =	sdelay $0x1  }
0x9f3: {  	[tilespmem:s31+$0xC0] =	vst v12  }
0x9f4: {  	v12 =	vld.idx.msk [tilespmem:v54+s20+$0x0], $0xffff;
	_ =	sdelay $0x2  }
0x9f5: {  	v55 =	vor.u32 v5, v34;
	_ =	sdelay $0x1  }
0x9f6: {  	v12 =	vadd.f32 v12, v11;
	_ =	sdelay $0x1  }
0x9f7: {  	[tilespmem:s31+$0xFFFFFF50] =	vst v12  }
0x9f8: {  	v12 =	vld.idx.msk [tilespmem:v55+s20+$0x0], $0xffff;
	_ =	sdelay $0x2  }
0x9f9: {  	v56 =	vor.u32 v5, v8;
	_ =	sdelay $0x1  }
0x9fa: {  	v12 =	vadd.f32 v12, v16;
	_ =	sdelay $0x1  }
0x9fb: {  	[tilespmem:s31+$0xFFFFFFD0] =	vst v12  }
0x9fc: {  	v12 =	vld.idx.msk [tilespmem:v56+s20+$0x0], $0xffff;
	_ =	sdelay $0x2  }
0x9fd: {  	v57 =	vor.u32 v5, v33;
	_ =	sdelay $0x1  }
0x9fe: {  	v12 =	vadd.f32 v12, v14;
	_ =	sdelay $0x1  }
0x9ff: {  	[tilespmem:s31+$0x50] =	vst v12  }
0xa00: {  	v12 =	vld.idx.msk [tilespmem:v57+s20+$0x0], $0xffff;
	_ =	sdelay $0x2  }
0xa01: {  	v58 =	vor.u32 v6, v9;
	_ =	sdelay $0x1  }
0xa02: {  	v12 =	vadd.f32 v12, v15;
	_ =	sdelay $0x1  }
0xa03: {  	[tilespmem:s31+$0xD0] =	vst v12  }
0xa04: {  	v12 =	vld.idx.msk [tilespmem:v58+s20+$0x0], $0xffff;
	_ =	sdelay $0x2  }
0xa05: {  	v59 =	vor.u32 v6, v34;
	_ =	sdelay $0x1  }
0xa06: {  	v12 =	vadd.f32 v12, v11;
	_ =	sdelay $0x1  }
0xa07: {  	[tilespmem:s31+$0xFFFFFF60] =	vst v12  }
0xa08: {  	v12 =	vld.idx.msk [tilespmem:v59+s20+$0x0], $0xffff;
	_ =	sdelay $0x2  }
0xa09: {  	v60 =	vor.u32 v6, v8;
	_ =	sdelay $0x1  }
0xa0a: {  	v12 =	vadd.f32 v12, v16;
	_ =	sdelay $0x1  }
0xa0b: {  	[tilespmem:s31+$0xFFFFFFE0] =	vst v12  }
0xa0c: {  	v12 =	vld.idx.msk [tilespmem:v60+s20+$0x0], $0xffff;
	_ =	sdelay $0x2  }
0xa0d: {  	v61 =	vor.u32 v6, v33;
	_ =	sdelay $0x1  }
0xa0e: {  	v12 =	vadd.f32 v12, v14;
	_ =	sdelay $0x1  }
0xa0f: {  	[tilespmem:s31+$0x60] =	vst v12  }
0xa10: {  	v12 =	vld.idx.msk [tilespmem:v61+s20+$0x0], $0xffff;
	_ =	sdelay $0x2  }
0xa11: {  	v9 =	vor.u32 v7, v9;
	_ =	sdelay $0x1  }
0xa12: {  	v12 =	vadd.f32 v12, v15;
	_ =	sdelay $0x1  }
0xa13: {  	[tilespmem:s31+$0xE0] =	vst v12  }
0xa14: {  	v9 =	vld.idx.msk [tilespmem:v9+s20+$0x0], $0xffff;
	_ =	sdelay $0x2  }
0xa15: {  	v62 =	vor.u32 v7, v34;
	_ =	sdelay $0x1  }
0xa16: {  	v9 =	vadd.f32 v9, v11;
	_ =	sdelay $0x1  }
0xa17: {  	[tilespmem:s31+$0xFFFFFF70] =	vst v9  }
0xa18: {  	v9 =	vld.idx.msk [tilespmem:v62+s20+$0x0], $0xffff;
	_ =	sdelay $0x2  }
0xa19: {  	v8 =	vor.u32 v7, v8;
	_ =	sdelay $0x1  }
0xa1a: {  	v9 =	vadd.f32 v9, v16;
	_ =	sdelay $0x1  }
0xa1b: {  	[tilespmem:s31+$0xFFFFFFF0] =	vst v9  }
0xa1c: {  	v8 =	vld.idx.msk [tilespmem:v8+s20+$0x0], $0xffff;
	_ =	sdelay $0x2  }
0xa1d: {  	v63 =	vor.u32 v7, v33;
	_ =	sdelay $0x1  }
0xa1e: {  	v8 =	vadd.f32 v8, v14;
	_ =	sdelay $0x1  }
0xa1f: {  	[tilespmem:s31+$0x70] =	vst v8  }
0xa20: {  	v8 =	vld.idx.msk [tilespmem:v63+s20+$0x0], $0xffff;
	_ =	sdelay $0x4  }
0xa21: {  	v8 =	vadd.f32 v8, v15;
	_ =	sdelay $0x1  }
0xa22: {  	s28 =	sadd.s32 $0x1, s28;
	[tilespmem:s31+$0xF0] =	vst v8  }
0xa23: {  	[hbm4b:s11+s13] =	stream.strided.scatter [tilespmem:s24], [sflag:$0x4], $0x2000, s14, s13, $0x38;
	[tilespmem:$0x11700] =	vst v63  }
0xa24: {  	p0 =	sne.s32 s28, s12;
	_ =	swait.ge [sflag:s25], $0x2000  }
.Ltmp7:
0xa25: {  	[sflag:s25] =	ssyncset.done $0x0;
	(pc) =	sbr.rel @p0 .LBB2_1-.Ltmp7, $4  }
0xa26: {  	[sflag:s25] =	ssyncadd.s32 $0xFFFFE000  }
0xa27: {  	_ =	swait.ge [sflag:s26], $0x2000  }
0xa28: {  	[sflag:s26] =	ssyncset.done $0x0  }
0xa29: {  	[sflag:s26] =	ssyncadd.s32 $0xFFFFE000  }
0xa2a: {  	_ =	sfence.sel $0x180000  }
0xa2b: {  	[bflag:$0x0] =	sbarrier.arrive $0xFFFF  }
0xa2c: {  	_ =	strace $0x90000047  }
0xa2d: {  	s0 =	stileid.u32;
	[bflag:$0x2] =	sbarrier.arrive $0xFFFF  }
0xa2e: {  	p0 =	sne.s32 s0, $0x0;
	s0 =	rddreg [dreg:$0x2]  }
0xa2f: {  	s0 =	sadd.s32 @!p0 $0x100000, s0  }
0xa30: {  	[sflag:s0] =	ssyncadd.tile.s32 @!p0 $0x1;
	_ =	shalt  }
.Lfunc_end2:
_tile_overlayer_lowered:
.L_overlay_start_2:
0xa31: {  	(tag) =	ssettag $0x2  }
0xa32: {  	s0 =	rddreg [dreg:$0x0];
	s2 =	stileid.u32  }
0xa33: {  	s1 =	rddreg [dreg:$0x1];
	p0 =	sne.s32 s2, $0x0  }
0xa34: {  	s3 =	rddreg [dreg:$0x2];
	[bflag:$0x3] =	sbarrier.arrive $0xFFFF;
	s2 =	simm.s32 @!p0 $0x1C05  }
0xa35: {  	[timem:s3], [sflag:s2] =	dma.local @!p0 [hbm:s0], s1  }
0xa36: {  	s0 =	simm.s32 @!p0 $0x5  }
0xa37: {  	_ =	swait.ge @!p0 [sflag:s0], s1  }
0xa38: {  	s1 =	ssub.s32 @!p0 $0x0, s1;
	[sflag:s0] =	ssyncset.done @!p0 $0x0  }
0xa39: {  	[sflag:s0] =	ssyncadd.s32 @!p0 s1  }
0xa3a: {  	[bflag:$0x3] =	sbarrier.arrive $0xFFFF  }
0xa3b: {  	_ =	shalt  }

</sc_bundles>
